<compile_context>
chip_gen: v7x
topology: tpu7x:2x2x1
jax: 0.10.2.dev20260603
libtpu: 0.0.44.dev20260713+nightly
codegen_flags: <defaults>
</compile_context>

<pallas_src>
import functools

import jax
import jax.numpy as jnp
from jax import lax
from jax.experimental import pallas as pl
from jax.experimental.pallas import tpu as pltpu
from jax.experimental.pallas import tpu_sc as plsc

E = 320000
D = 128
W = D // 2
NCORES = 2
NSUB = 16
NW = NCORES * NSUB
EPW = E // NW
C = 80
NCHUNK = EPW // C
NG = C // 16
JW = 8
NBUF = 5
FULL_ROUNDS = NCHUNK // NBUF - 1
assert C % 16 == 0 and C % 8 == 0 and EPW % C == 0 and W % JW == 0

_mesh = plsc.VectorSubcoreMesh(core_axis_name="c", subcore_axis_name="s")


@functools.partial(
    pl.kernel,
    out_type=jax.ShapeDtypeStruct((E,), jnp.float32),
    mesh=_mesh,
    scratch_types=(
        [pltpu.VMEM((EPW,), jnp.int32)] * 2
        + [pltpu.VMEM((C, W), jnp.int32)] * (2 * NBUF)
        + [pltpu.VMEM((EPW,), jnp.float32)]
        + [pltpu.SemaphoreType.DMA] * (2 * NBUF)
    ),
    compiler_params=pltpu.CompilerParams(
        needs_layout_passes=False, use_tc_tiling_on_sc=False),
)
def _decode(zw_hbm, src_hbm, dst_hbm, out_hbm, src_v, dst_v, *rest):
    rows = rest[:2 * NBUF]
    out_v = rest[2 * NBUF]
    sems = rest[2 * NBUF + 1:]
    bufs = tuple(
        (rows[2 * b], rows[2 * b + 1], sems[2 * b], sems[2 * b + 1])
        for b in range(NBUF))

    wid = lax.axis_index("s") * NCORES + lax.axis_index("c")
    base = wid * EPW
    pltpu.sync_copy(src_hbm.at[pl.ds(base, EPW)], src_v)
    pltpu.sync_copy(dst_hbm.at[pl.ds(base, EPW)], dst_v)

    lane = lax.iota(jnp.int32, 16)

    def fire(ci, b):
        rs, rd, ss, sd = bufs[b]
        cb = ci * C
        pltpu.async_copy(zw_hbm.at[src_v.at[pl.ds(cb, C)]], rs, ss)
        pltpu.async_copy(zw_hbm.at[dst_v.at[pl.ds(cb, C)]], rd, sd)

    def drain(ci, b):
        rs, rd, ss, sd = bufs[b]
        cb = ci * C
        pltpu.make_async_copy(
            zw_hbm.at[src_v.at[pl.ds(cb, C)]], rs, ss).wait()
        pltpu.make_async_copy(
            zw_hbm.at[dst_v.at[pl.ds(cb, C)]], rd, sd).wait()

    def compute(ci, b):
        rows_s, rows_d, _, _ = bufs[b]
        cb = ci * C

        def do_group(g):
            ridx = lane + g * 16
            zero = jnp.zeros((16,), jnp.float32)

            def jstep(jc, accs):
                a0, a1, a2, a3 = accs
                jb = jc * JW
                parts = []
                for k in range(0, JW, 2):
                    cw0 = (lane + (jb + k)) & (W - 1)
                    cw1 = (lane + (jb + k + 1)) & (W - 1)
                    p0 = (plsc.bitcast(plsc.load_gather(rows_s, [ridx, cw0]),
                                       jnp.bfloat16)
                          * plsc.bitcast(plsc.load_gather(rows_d, [ridx, cw0]),
                                         jnp.bfloat16))
                    p1 = (plsc.bitcast(plsc.load_gather(rows_s, [ridx, cw1]),
                                       jnp.bfloat16)
                          * plsc.bitcast(plsc.load_gather(rows_d, [ridx, cw1]),
                                         jnp.bfloat16))
                    parts.append(plsc.unpack(
                        p0 + p1, format=plsc.PackFormat.INTERLEAVED))
                for k in range(0, JW // 2, 2):
                    lo0, hi0 = parts[k]
                    lo1, hi1 = parts[k + 1]
                    a0 = a0 + lo0
                    a1 = a1 + hi0
                    a2 = a2 + lo1
                    a3 = a3 + hi1
                return (a0, a1, a2, a3)

            a0, a1, a2, a3 = plsc.parallel_loop(
                0, W // JW, carry=(zero, zero, zero, zero), unroll=2)(jstep)
            dot = (a0 + a1) + (a2 + a3)
            out_v[pl.ds(cb + g * 16, 16)] = 1.0 / (1.0 + jnp.exp(-dot))

        plsc.parallel_loop(0, NG)(do_group)

    for b in range(NBUF - 1):
        fire(b, b)

    def do_round(i, carry):
        c0 = i * NBUF
        for b in range(NBUF):
            ci = c0 + b
            drain(ci, b)
            fire(ci + NBUF - 1, (b + NBUF - 1) % NBUF)
            compute(ci, b)
        return carry

    lax.fori_loop(0, FULL_ROUNDS, do_round, 0)
    for ci in range(FULL_ROUNDS * NBUF, NCHUNK):
        b = ci % NBUF
        drain(ci, b)
        if ci + NBUF - 1 < NCHUNK:
            fire(ci + NBUF - 1, (ci + NBUF - 1) % NBUF)
        compute(ci, b)
    pltpu.sync_copy(out_v, out_hbm.at[pl.ds(base, EPW)])


def kernel(z, edge_index):
    ei = edge_index.astype(jnp.int32)
    zw = lax.bitcast_convert_type(
        z.astype(jnp.bfloat16).reshape(z.shape[0], W, 2), jnp.int32)
    return _decode(zw, ei[0], ei[1])

# --- scband reference (transcript-rebuilt; emitter-appended) ---
"""Pipeline reference for scband-inner-product-decoder-34866544509316 (READ-ONLY COPY).

The authoritative reference and input builder live on the scoring server;
editing this copy changes nothing except your own understanding.
"""

import jax, jax.numpy as jnp
import numpy as np


def setup_inputs(seed=0) -> dict:
    key = jax.random.key(seed)
    k1, k2 = jax.random.split(key)
    z = jax.random.normal(k1, (10000, 128), dtype=jnp.float32)
    edge_index = jax.random.randint(k2, (2, 320000), 0, 10000, dtype=jnp.int64)
    return {"z": z, "edge_index": edge_index}


def reference(z, edge_index):
    # InnerProductDecoder.forward with sigmoid=True, return_adj=False
    src = jnp.take(z, edge_index[0], axis=0)
    dst = jnp.take(z, edge_index[1], axis=0)
    value = jnp.sum(src * dst, axis=1)
    value = jax.nn.sigmoid(value)
    return value

if __name__ == "__main__":
    import jax
    _d = setup_inputs()
    print(jax.jit(kernel)(*tuple(_d.values())))

</pallas_src>

<mosaic_0001>
#map = affine_map<(d0, d1) -> (0, 0)>
#map1 = affine_map<(d0, d1) -> (0)>
module attributes {stable_mosaic.version = 14 : i64} {
  func.func @_decode(%arg0: i32, %arg1: i32, %arg2: memref<10000x64xi32, #tpu.memory_space<hbm>>, %arg3: memref<320000xi32, #tpu.memory_space<hbm>>, %arg4: memref<320000xi32, #tpu.memory_space<hbm>>, %arg5: memref<320000xf32, #tpu.memory_space<hbm>>, %arg6: memref<10000xi32, #tpu.memory_space<vmem>>, %arg7: memref<10000xi32, #tpu.memory_space<vmem>>, %arg8: memref<80x64xi32, #tpu.memory_space<vmem>>, %arg9: memref<80x64xi32, #tpu.memory_space<vmem>>, %arg10: memref<80x64xi32, #tpu.memory_space<vmem>>, %arg11: memref<80x64xi32, #tpu.memory_space<vmem>>, %arg12: memref<80x64xi32, #tpu.memory_space<vmem>>, %arg13: memref<80x64xi32, #tpu.memory_space<vmem>>, %arg14: memref<80x64xi32, #tpu.memory_space<vmem>>, %arg15: memref<80x64xi32, #tpu.memory_space<vmem>>, %arg16: memref<80x64xi32, #tpu.memory_space<vmem>>, %arg17: memref<80x64xi32, #tpu.memory_space<vmem>>, %arg18: memref<10000xf32, #tpu.memory_space<vmem>>, %arg19: memref<!tpu.dma_semaphore, #tpu.memory_space<semaphore_mem>>, %arg20: memref<!tpu.dma_semaphore, #tpu.memory_space<semaphore_mem>>, %arg21: memref<!tpu.dma_semaphore, #tpu.memory_space<semaphore_mem>>, %arg22: memref<!tpu.dma_semaphore, #tpu.memory_space<semaphore_mem>>, %arg23: memref<!tpu.dma_semaphore, #tpu.memory_space<semaphore_mem>>, %arg24: memref<!tpu.dma_semaphore, #tpu.memory_space<semaphore_mem>>, %arg25: memref<!tpu.dma_semaphore, #tpu.memory_space<semaphore_mem>>, %arg26: memref<!tpu.dma_semaphore, #tpu.memory_space<semaphore_mem>>, %arg27: memref<!tpu.dma_semaphore, #tpu.memory_space<semaphore_mem>>, %arg28: memref<!tpu.dma_semaphore, #tpu.memory_space<semaphore_mem>>) attributes {dimension_semantics = [#tpu.dimension_semantics<core_parallel>, #tpu.dimension_semantics<subcore_parallel>], iteration_bounds = array<i64: 2, 16>, scalar_prefetch = 0 : i64, scratch_operands = 23 : i64, tpu.core_type = #tpu.core_type<sc_vector_subcore>, window_params = [{transform_indices = #map}, {transform_indices = #map1}, {transform_indices = #map1}, {transform_indices = #map1}]} {
    %mul3A = arith.constant 2 : i32
    %mul3A_0 = arith.muli %arg1, %mul3A : i32
    %add3A = arith.addi %mul3A_0, %arg0 : i32
    %mul3A_1 = arith.constant 10000 : i32
    %mul3A_2 = arith.muli %add3A, %mul3A_1 : i32
    "tpu.region"() ({
      %run_scoped3A = tpu.sem_alloc : memref<!tpu.dma_semaphore, #tpu.memory_space<semaphore_mem>>
      %dma_start3A_120 = tpu.memref_slice %arg3[%mul3A_2] : memref<320000xi32, #tpu.memory_space<hbm>> -> memref<10000xi32, #tpu.memory_space<hbm>>
      %dma_start3A_121 = tpu.memref_slice %arg3[%mul3A_2] : memref<320000xi32, #tpu.memory_space<hbm>> -> memref<10000xi32, #tpu.memory_space<hbm>>
      tpu.enqueue_dma source(%dma_start3A_121 : memref<10000xi32, #tpu.memory_space<hbm>>) target(%arg6 : memref<10000xi32, #tpu.memory_space<vmem>>) target_semaphore(%run_scoped3A : memref<!tpu.dma_semaphore, #tpu.memory_space<semaphore_mem>>)
      %dma_wait3A_122 = tpu.memref_slice %arg3[%mul3A_2] : memref<320000xi32, #tpu.memory_space<hbm>> -> memref<10000xi32, #tpu.memory_space<hbm>>
      %dma_wait3A_123 = tpu.memref_slice %arg3[%mul3A_2] : memref<320000xi32, #tpu.memory_space<hbm>> -> memref<10000xi32, #tpu.memory_space<hbm>>
      tpu.wait_dma2 semaphore(%run_scoped3A : memref<!tpu.dma_semaphore, #tpu.memory_space<semaphore_mem>>) src(%dma_wait3A_123 : memref<10000xi32, #tpu.memory_space<hbm>>) dst(%arg6 : memref<10000xi32, #tpu.memory_space<vmem>>)
      tpu.yield
    }) : () -> ()
    "tpu.region"() ({
      %run_scoped3A = tpu.sem_alloc : memref<!tpu.dma_semaphore, #tpu.memory_space<semaphore_mem>>
      %dma_start3A_120 = tpu.memref_slice %arg4[%mul3A_2] : memref<320000xi32, #tpu.memory_space<hbm>> -> memref<10000xi32, #tpu.memory_space<hbm>>
      %dma_start3A_121 = tpu.memref_slice %arg4[%mul3A_2] : memref<320000xi32, #tpu.memory_space<hbm>> -> memref<10000xi32, #tpu.memory_space<hbm>>
      tpu.enqueue_dma source(%dma_start3A_121 : memref<10000xi32, #tpu.memory_space<hbm>>) target(%arg7 : memref<10000xi32, #tpu.memory_space<vmem>>) target_semaphore(%run_scoped3A : memref<!tpu.dma_semaphore, #tpu.memory_space<semaphore_mem>>)
      %dma_wait3A_122 = tpu.memref_slice %arg4[%mul3A_2] : memref<320000xi32, #tpu.memory_space<hbm>> -> memref<10000xi32, #tpu.memory_space<hbm>>
      %dma_wait3A_123 = tpu.memref_slice %arg4[%mul3A_2] : memref<320000xi32, #tpu.memory_space<hbm>> -> memref<10000xi32, #tpu.memory_space<hbm>>
      tpu.wait_dma2 semaphore(%run_scoped3A : memref<!tpu.dma_semaphore, #tpu.memory_space<semaphore_mem>>) src(%dma_wait3A_123 : memref<10000xi32, #tpu.memory_space<hbm>>) dst(%arg7 : memref<10000xi32, #tpu.memory_space<vmem>>)
      tpu.yield
    }) : () -> ()
    %iota3A = tpu.iota {dimensions = array<i32: 0>} : vector<16xi32>
    %dma_start3A = arith.constant 0 : i32
    %dma_start3A_3 = tpu.memref_slice %arg6[%dma_start3A] : memref<10000xi32, #tpu.memory_space<vmem>> -> memref<80xi32, #tpu.memory_space<vmem>>
    %dma_start3A_4 = arith.constant 0 : i32
    %dma_start3A_5 = arith.constant 0 : i32
    %dma_start3A_6 = tpu.memref_slice %arg2[%dma_start3A_4, %dma_start3A_5] : memref<10000x64xi32, #tpu.memory_space<hbm>> -> memref<10000x64xi32, #tpu.memory_space<hbm>>
    tpu.enqueue_indirect_dma source(%dma_start3A_6 : memref<10000x64xi32, #tpu.memory_space<hbm>>) target(%arg8 : memref<80x64xi32, #tpu.memory_space<vmem>>) offsets(%dma_start3A_3 : memref<80xi32, #tpu.memory_space<vmem>>) semaphore(%arg19 : memref<!tpu.dma_semaphore, #tpu.memory_space<semaphore_mem>>)
    %dma_start3A_7 = arith.constant 0 : i32
    %dma_start3A_8 = tpu.memref_slice %arg7[%dma_start3A_7] : memref<10000xi32, #tpu.memory_space<vmem>> -> memref<80xi32, #tpu.memory_space<vmem>>
    %dma_start3A_9 = arith.constant 0 : i32
    %dma_start3A_10 = arith.constant 0 : i32
    %dma_start3A_11 = tpu.memref_slice %arg2[%dma_start3A_9, %dma_start3A_10] : memref<10000x64xi32, #tpu.memory_space<hbm>> -> memref<10000x64xi32, #tpu.memory_space<hbm>>
    tpu.enqueue_indirect_dma source(%dma_start3A_11 : memref<10000x64xi32, #tpu.memory_space<hbm>>) target(%arg9 : memref<80x64xi32, #tpu.memory_space<vmem>>) offsets(%dma_start3A_8 : memref<80xi32, #tpu.memory_space<vmem>>) semaphore(%arg20 : memref<!tpu.dma_semaphore, #tpu.memory_space<semaphore_mem>>)
    %dma_start3A_12 = arith.constant 80 : i32
    %dma_start3A_13 = tpu.memref_slice %arg6[%dma_start3A_12] : memref<10000xi32, #tpu.memory_space<vmem>> -> memref<80xi32, #tpu.memory_space<vmem>>
    %dma_start3A_14 = arith.constant 0 : i32
    %dma_start3A_15 = arith.constant 0 : i32
    %dma_start3A_16 = tpu.memref_slice %arg2[%dma_start3A_14, %dma_start3A_15] : memref<10000x64xi32, #tpu.memory_space<hbm>> -> memref<10000x64xi32, #tpu.memory_space<hbm>>
    tpu.enqueue_indirect_dma source(%dma_start3A_16 : memref<10000x64xi32, #tpu.memory_space<hbm>>) target(%arg10 : memref<80x64xi32, #tpu.memory_space<vmem>>) offsets(%dma_start3A_13 : memref<80xi32, #tpu.memory_space<vmem>>) semaphore(%arg21 : memref<!tpu.dma_semaphore, #tpu.memory_space<semaphore_mem>>)
    %dma_start3A_17 = arith.constant 80 : i32
    %dma_start3A_18 = tpu.memref_slice %arg7[%dma_start3A_17] : memref<10000xi32, #tpu.memory_space<vmem>> -> memref<80xi32, #tpu.memory_space<vmem>>
    %dma_start3A_19 = arith.constant 0 : i32
    %dma_start3A_20 = arith.constant 0 : i32
    %dma_start3A_21 = tpu.memref_slice %arg2[%dma_start3A_19, %dma_start3A_20] : memref<10000x64xi32, #tpu.memory_space<hbm>> -> memref<10000x64xi32, #tpu.memory_space<hbm>>
    tpu.enqueue_indirect_dma source(%dma_start3A_21 : memref<10000x64xi32, #tpu.memory_space<hbm>>) target(%arg11 : memref<80x64xi32, #tpu.memory_space<vmem>>) offsets(%dma_start3A_18 : memref<80xi32, #tpu.memory_space<vmem>>) semaphore(%arg22 : memref<!tpu.dma_semaphore, #tpu.memory_space<semaphore_mem>>)
    %dma_start3A_22 = arith.constant 160 : i32
    %dma_start3A_23 = tpu.memref_slice %arg6[%dma_start3A_22] : memref<10000xi32, #tpu.memory_space<vmem>> -> memref<80xi32, #tpu.memory_space<vmem>>
    %dma_start3A_24 = arith.constant 0 : i32
    %dma_start3A_25 = arith.constant 0 : i32
    %dma_start3A_26 = tpu.memref_slice %arg2[%dma_start3A_24, %dma_start3A_25] : memref<10000x64xi32, #tpu.memory_space<hbm>> -> memref<10000x64xi32, #tpu.memory_space<hbm>>
    tpu.enqueue_indirect_dma source(%dma_start3A_26 : memref<10000x64xi32, #tpu.memory_space<hbm>>) target(%arg12 : memref<80x64xi32, #tpu.memory_space<vmem>>) offsets(%dma_start3A_23 : memref<80xi32, #tpu.memory_space<vmem>>) semaphore(%arg23 : memref<!tpu.dma_semaphore, #tpu.memory_space<semaphore_mem>>)
    %dma_start3A_27 = arith.constant 160 : i32
    %dma_start3A_28 = tpu.memref_slice %arg7[%dma_start3A_27] : memref<10000xi32, #tpu.memory_space<vmem>> -> memref<80xi32, #tpu.memory_space<vmem>>
    %dma_start3A_29 = arith.constant 0 : i32
    %dma_start3A_30 = arith.constant 0 : i32
    %dma_start3A_31 = tpu.memref_slice %arg2[%dma_start3A_29, %dma_start3A_30] : memref<10000x64xi32, #tpu.memory_space<hbm>> -> memref<10000x64xi32, #tpu.memory_space<hbm>>
    tpu.enqueue_indirect_dma source(%dma_start3A_31 : memref<10000x64xi32, #tpu.memory_space<hbm>>) target(%arg13 : memref<80x64xi32, #tpu.memory_space<vmem>>) offsets(%dma_start3A_28 : memref<80xi32, #tpu.memory_space<vmem>>) semaphore(%arg24 : memref<!tpu.dma_semaphore, #tpu.memory_space<semaphore_mem>>)
    %dma_start3A_32 = arith.constant 240 : i32
    %dma_start3A_33 = tpu.memref_slice %arg6[%dma_start3A_32] : memref<10000xi32, #tpu.memory_space<vmem>> -> memref<80xi32, #tpu.memory_space<vmem>>
    %dma_start3A_34 = arith.constant 0 : i32
    %dma_start3A_35 = arith.constant 0 : i32
    %dma_start3A_36 = tpu.memref_slice %arg2[%dma_start3A_34, %dma_start3A_35] : memref<10000x64xi32, #tpu.memory_space<hbm>> -> memref<10000x64xi32, #tpu.memory_space<hbm>>
    tpu.enqueue_indirect_dma source(%dma_start3A_36 : memref<10000x64xi32, #tpu.memory_space<hbm>>) target(%arg14 : memref<80x64xi32, #tpu.memory_space<vmem>>) offsets(%dma_start3A_33 : memref<80xi32, #tpu.memory_space<vmem>>) semaphore(%arg25 : memref<!tpu.dma_semaphore, #tpu.memory_space<semaphore_mem>>)
    %dma_start3A_37 = arith.constant 240 : i32
    %dma_start3A_38 = tpu.memref_slice %arg7[%dma_start3A_37] : memref<10000xi32, #tpu.memory_space<vmem>> -> memref<80xi32, #tpu.memory_space<vmem>>
    %dma_start3A_39 = arith.constant 0 : i32
    %dma_start3A_40 = arith.constant 0 : i32
    %dma_start3A_41 = tpu.memref_slice %arg2[%dma_start3A_39, %dma_start3A_40] : memref<10000x64xi32, #tpu.memory_space<hbm>> -> memref<10000x64xi32, #tpu.memory_space<hbm>>
    tpu.enqueue_indirect_dma source(%dma_start3A_41 : memref<10000x64xi32, #tpu.memory_space<hbm>>) target(%arg15 : memref<80x64xi32, #tpu.memory_space<vmem>>) offsets(%dma_start3A_38 : memref<80xi32, #tpu.memory_space<vmem>>) semaphore(%arg26 : memref<!tpu.dma_semaphore, #tpu.memory_space<semaphore_mem>>)
    %scan3A = arith.constant 0 : i32
    %scan3A_42 = arith.constant 0 : i32
    %scan3A_43 = arith.constant 24 : i32
    %scan3A_44 = arith.addi %scan3A_42, %scan3A_43 : i32
    %scan3A_45 = arith.constant 1 : i32
    scf.for %scan3A_120 = %scan3A_42 to %scan3A_44 step %scan3A_45  : i32 {
      %mul3A_121 = arith.constant 5 : i32
      %mul3A_122 = arith.muli %scan3A_120, %mul3A_121 : i32
      %add3A_123 = arith.constant 0 : i32
      %add3A_124 = arith.addi %mul3A_122, %add3A_123 : i32
      %mul3A_125 = arith.constant 80 : i32
      %mul3A_126 = arith.muli %add3A_124, %mul3A_125 : i32
      %dma_wait3A_127 = tpu.memref_slice %arg6[%mul3A_126] : memref<10000xi32, #tpu.memory_space<vmem>> -> memref<80xi32, #tpu.memory_space<vmem>>
      %dma_wait3A_128 = arith.constant 0 : i32
      %dma_wait3A_129 = arith.constant 0 : i32
      %dma_wait3A_130 = tpu.memref_slice %arg2[%dma_wait3A_128, %dma_wait3A_129] : memref<10000x64xi32, #tpu.memory_space<hbm>> -> memref<10000x64xi32, #tpu.memory_space<hbm>>
      tpu.wait_indirect_dma semaphore(%arg19 : memref<!tpu.dma_semaphore, #tpu.memory_space<semaphore_mem>>) src(%dma_wait3A_130 : memref<10000x64xi32, #tpu.memory_space<hbm>>) dst(%arg8 : memref<80x64xi32, #tpu.memory_space<vmem>>)
      %dma_wait3A_131 = tpu.memref_slice %arg7[%mul3A_126] : memref<10000xi32, #tpu.memory_space<vmem>> -> memref<80xi32, #tpu.memory_space<vmem>>
      %dma_wait3A_132 = arith.constant 0 : i32
      %dma_wait3A_133 = arith.constant 0 : i32
      %dma_wait3A_134 = tpu.memref_slice %arg2[%dma_wait3A_132, %dma_wait3A_133] : memref<10000x64xi32, #tpu.memory_space<hbm>> -> memref<10000x64xi32, #tpu.memory_space<hbm>>
      tpu.wait_indirect_dma semaphore(%arg20 : memref<!tpu.dma_semaphore, #tpu.memory_space<semaphore_mem>>) src(%dma_wait3A_134 : memref<10000x64xi32, #tpu.memory_space<hbm>>) dst(%arg9 : memref<80x64xi32, #tpu.memory_space<vmem>>)
      %add3A_135 = arith.constant 5 : i32
      %add3A_136 = arith.addi %add3A_124, %add3A_135 : i32
      %sub3A = arith.constant 1 : i32
      %sub3A_137 = arith.subi %add3A_136, %sub3A : i32
      %mul3A_138 = arith.constant 80 : i32
      %mul3A_139 = arith.muli %sub3A_137, %mul3A_138 : i32
      %dma_start3A_140 = tpu.memref_slice %arg6[%mul3A_139] : memref<10000xi32, #tpu.memory_space<vmem>> -> memref<80xi32, #tpu.memory_space<vmem>>
      %dma_start3A_141 = arith.constant 0 : i32
      %dma_start3A_142 = arith.constant 0 : i32
      %dma_start3A_143 = tpu.memref_slice %arg2[%dma_start3A_141, %dma_start3A_142] : memref<10000x64xi32, #tpu.memory_space<hbm>> -> memref<10000x64xi32, #tpu.memory_space<hbm>>
      tpu.enqueue_indirect_dma source(%dma_start3A_143 : memref<10000x64xi32, #tpu.memory_space<hbm>>) target(%arg16 : memref<80x64xi32, #tpu.memory_space<vmem>>) offsets(%dma_start3A_140 : memref<80xi32, #tpu.memory_space<vmem>>) semaphore(%arg27 : memref<!tpu.dma_semaphore, #tpu.memory_space<semaphore_mem>>)
      %dma_start3A_144 = tpu.memref_slice %arg7[%mul3A_139] : memref<10000xi32, #tpu.memory_space<vmem>> -> memref<80xi32, #tpu.memory_space<vmem>>
      %dma_start3A_145 = arith.constant 0 : i32
      %dma_start3A_146 = arith.constant 0 : i32
      %dma_start3A_147 = tpu.memref_slice %arg2[%dma_start3A_145, %dma_start3A_146] : memref<10000x64xi32, #tpu.memory_space<hbm>> -> memref<10000x64xi32, #tpu.memory_space<hbm>>
      tpu.enqueue_indirect_dma source(%dma_start3A_147 : memref<10000x64xi32, #tpu.memory_space<hbm>>) target(%arg17 : memref<80x64xi32, #tpu.memory_space<vmem>>) offsets(%dma_start3A_144 : memref<80xi32, #tpu.memory_space<vmem>>) semaphore(%arg28 : memref<!tpu.dma_semaphore, #tpu.memory_space<semaphore_mem>>)
      %mul3A_148 = arith.constant 80 : i32
      %mul3A_149 = arith.muli %add3A_124, %mul3A_148 : i32
      %parallel_loop3A_150 = arith.constant 0 : i32
      %parallel_loop3A_151 = arith.constant 5 : i32
      %parallel_loop3A_152 = arith.constant 1 : i32
      scf.for %parallel_loop3A_277 = %parallel_loop3A_150 to %parallel_loop3A_151 step %parallel_loop3A_152  : i32 {
        %parallel_loop3A_278 = arith.constant 16 : i32
        %parallel_loop3A_279 = arith.muli %parallel_loop3A_277, %parallel_loop3A_278 : i32
        %parallel_loop3A_280 = vector.broadcast %parallel_loop3A_279 : i32 to vector<16xi32>
        %parallel_loop3A_281 = arith.addi %iota3A, %parallel_loop3A_280 : vector<16xi32>
        %parallel_loop3A_282 = arith.constant 0.000000e+00 : f32
        %parallel_loop3A_283 = vector.broadcast %parallel_loop3A_282 : f32 to vector<16xf32>
        %parallel_loop3A_284 = arith.constant 0 : i32
        %parallel_loop3A_285 = arith.constant 8 : i32
        %parallel_loop3A_286 = arith.constant 1 : i32
        %parallel_loop3A_287:4 = scf.for %parallel_loop3A_306 = %parallel_loop3A_284 to %parallel_loop3A_285 step %parallel_loop3A_286 iter_args(%parallel_loop3A_307 = %parallel_loop3A_283, %parallel_loop3A_308 = %parallel_loop3A_283, %parallel_loop3A_309 = %parallel_loop3A_283, %parallel_loop3A_310 = %parallel_loop3A_283) -> (vector<16xf32>, vector<16xf32>, vector<16xf32>, vector<16xf32>)  : i32 {
          %parallel_loop3A_311 = arith.constant 8 : i32
          %parallel_loop3A_312 = arith.muli %parallel_loop3A_306, %parallel_loop3A_311 : i32
          %parallel_loop3A_313 = arith.constant 0 : i32
          %parallel_loop3A_314 = arith.addi %parallel_loop3A_312, %parallel_loop3A_313 : i32
          %parallel_loop3A_315 = vector.broadcast %parallel_loop3A_314 : i32 to vector<16xi32>
          %parallel_loop3A_316 = arith.addi %iota3A, %parallel_loop3A_315 : vector<16xi32>
          %parallel_loop3A_317 = arith.constant 63 : i32
          %parallel_loop3A_318 = vector.broadcast %parallel_loop3A_317 : i32 to vector<16xi32>
          %parallel_loop3A_319 = arith.andi %parallel_loop3A_316, %parallel_loop3A_318 : vector<16xi32>
          %parallel_loop3A_320 = arith.constant 0 : i32
          %parallel_loop3A_321 = arith.addi %parallel_loop3A_312, %parallel_loop3A_320 : i32
          %parallel_loop3A_322 = arith.constant 1 : i32
          %parallel_loop3A_323 = arith.addi %parallel_loop3A_321, %parallel_loop3A_322 : i32
          %parallel_loop3A_324 = vector.broadcast %parallel_loop3A_323 : i32 to vector<16xi32>
          %parallel_loop3A_325 = arith.addi %iota3A, %parallel_loop3A_324 : vector<16xi32>
          %parallel_loop3A_326 = arith.constant 63 : i32
          %parallel_loop3A_327 = vector.broadcast %parallel_loop3A_326 : i32 to vector<16xi32>
          %parallel_loop3A_328 = arith.andi %parallel_loop3A_325, %parallel_loop3A_327 : vector<16xi32>
          %parallel_loop3A_329 = tpu.vector_load_idx %arg8[%parallel_loop3A_281, %parallel_loop3A_319] : memref<80x64xi32, #tpu.memory_space<vmem>>[vector<16xi32>, vector<16xi32>], vector<16xi32>,
          %parallel_loop3A_330 = vector.bitcast %parallel_loop3A_329 : vector<16xi32> to vector<32xbf16>
          %parallel_loop3A_331 = tpu.vector_load_idx %arg9[%parallel_loop3A_281, %parallel_loop3A_319] : memref<80x64xi32, #tpu.memory_space<vmem>>[vector<16xi32>, vector<16xi32>], vector<16xi32>,
          %parallel_loop3A_332 = vector.bitcast %parallel_loop3A_331 : vector<16xi32> to vector<32xbf16>
          %parallel_loop3A_333 = arith.mulf %parallel_loop3A_330, %parallel_loop3A_332 : vector<32xbf16>
          %parallel_loop3A_334 = tpu.vector_load_idx %arg8[%parallel_loop3A_281, %parallel_loop3A_328] : memref<80x64xi32, #tpu.memory_space<vmem>>[vector<16xi32>, vector<16xi32>], vector<16xi32>,
          %parallel_loop3A_335 = vector.bitcast %parallel_loop3A_334 : vector<16xi32> to vector<32xbf16>
          %parallel_loop3A_336 = tpu.vector_load_idx %arg9[%parallel_loop3A_281, %parallel_loop3A_328] : memref<80x64xi32, #tpu.memory_space<vmem>>[vector<16xi32>, vector<16xi32>], vector<16xi32>,
          %parallel_loop3A_337 = vector.bitcast %parallel_loop3A_336 : vector<16xi32> to vector<32xbf16>
          %parallel_loop3A_338 = arith.mulf %parallel_loop3A_335, %parallel_loop3A_337 : vector<32xbf16>
          %parallel_loop3A_339 = arith.addf %parallel_loop3A_333, %parallel_loop3A_338 : vector<32xbf16>
          %parallel_loop3A_340 = tpu.unpack_subelements %parallel_loop3A_339, 0 {pack_format = #tpu.pack_format<interleaved>} : vector<32xbf16> -> vector<16xf32>
          %parallel_loop3A_341 = tpu.unpack_subelements %parallel_loop3A_339, 1 {pack_format = #tpu.pack_format<interleaved>} : vector<32xbf16> -> vector<16xf32>
          %parallel_loop3A_342 = arith.constant 2 : i32
          %parallel_loop3A_343 = arith.addi %parallel_loop3A_312, %parallel_loop3A_342 : i32
          %parallel_loop3A_344 = vector.broadcast %parallel_loop3A_343 : i32 to vector<16xi32>
          %parallel_loop3A_345 = arith.addi %iota3A, %parallel_loop3A_344 : vector<16xi32>
          %parallel_loop3A_346 = arith.constant 63 : i32
          %parallel_loop3A_347 = vector.broadcast %parallel_loop3A_346 : i32 to vector<16xi32>
          %parallel_loop3A_348 = arith.andi %parallel_loop3A_345, %parallel_loop3A_347 : vector<16xi32>
          %parallel_loop3A_349 = arith.constant 2 : i32
          %parallel_loop3A_350 = arith.addi %parallel_loop3A_312, %parallel_loop3A_349 : i32
          %parallel_loop3A_351 = arith.constant 1 : i32
          %parallel_loop3A_352 = arith.addi %parallel_loop3A_350, %parallel_loop3A_351 : i32
          %parallel_loop3A_353 = vector.broadcast %parallel_loop3A_352 : i32 to vector<16xi32>
          %parallel_loop3A_354 = arith.addi %iota3A, %parallel_loop3A_353 : vector<16xi32>
          %parallel_loop3A_355 = arith.constant 63 : i32
          %parallel_loop3A_356 = vector.broadcast %parallel_loop3A_355 : i32 to vector<16xi32>
          %parallel_loop3A_357 = arith.andi %parallel_loop3A_354, %parallel_loop3A_356 : vector<16xi32>
          %parallel_loop3A_358 = tpu.vector_load_idx %arg8[%parallel_loop3A_281, %parallel_loop3A_348] : memref<80x64xi32, #tpu.memory_space<vmem>>[vector<16xi32>, vector<16xi32>], vector<16xi32>,
          %parallel_loop3A_359 = vector.bitcast %parallel_loop3A_358 : vector<16xi32> to vector<32xbf16>
          %parallel_loop3A_360 = tpu.vector_load_idx %arg9[%parallel_loop3A_281, %parallel_loop3A_348] : memref<80x64xi32, #tpu.memory_space<vmem>>[vector<16xi32>, vector<16xi32>], vector<16xi32>,
          %parallel_loop3A_361 = vector.bitcast %parallel_loop3A_360 : vector<16xi32> to vector<32xbf16>
          %parallel_loop3A_362 = arith.mulf %parallel_loop3A_359, %parallel_loop3A_361 : vector<32xbf16>
          %parallel_loop3A_363 = tpu.vector_load_idx %arg8[%parallel_loop3A_281, %parallel_loop3A_357] : memref<80x64xi32, #tpu.memory_space<vmem>>[vector<16xi32>, vector<16xi32>], vector<16xi32>,
          %parallel_loop3A_364 = vector.bitcast %parallel_loop3A_363 : vector<16xi32> to vector<32xbf16>
          %parallel_loop3A_365 = tpu.vector_load_idx %arg9[%parallel_loop3A_281, %parallel_loop3A_357] : memref<80x64xi32, #tpu.memory_space<vmem>>[vector<16xi32>, vector<16xi32>], vector<16xi32>,
          %parallel_loop3A_366 = vector.bitcast %parallel_loop3A_365 : vector<16xi32> to vector<32xbf16>
          %parallel_loop3A_367 = arith.mulf %parallel_loop3A_364, %parallel_loop3A_366 : vector<32xbf16>
          %parallel_loop3A_368 = arith.addf %parallel_loop3A_362, %parallel_loop3A_367 : vector<32xbf16>
          %parallel_loop3A_369 = tpu.unpack_subelements %parallel_loop3A_368, 0 {pack_format = #tpu.pack_format<interleaved>} : vector<32xbf16> -> vector<16xf32>
          %parallel_loop3A_370 = tpu.unpack_subelements %parallel_loop3A_368, 1 {pack_format = #tpu.pack_format<interleaved>} : vector<32xbf16> -> vector<16xf32>
          %parallel_loop3A_371 = arith.constant 4 : i32
          %parallel_loop3A_372 = arith.addi %parallel_loop3A_312, %parallel_loop3A_371 : i32
          %parallel_loop3A_373 = vector.broadcast %parallel_loop3A_372 : i32 to vector<16xi32>
          %parallel_loop3A_374 = arith.addi %iota3A, %parallel_loop3A_373 : vector<16xi32>
          %parallel_loop3A_375 = arith.constant 63 : i32
          %parallel_loop3A_376 = vector.broadcast %parallel_loop3A_375 : i32 to vector<16xi32>
          %parallel_loop3A_377 = arith.andi %parallel_loop3A_374, %parallel_loop3A_376 : vector<16xi32>
          %parallel_loop3A_378 = arith.constant 4 : i32
          %parallel_loop3A_379 = arith.addi %parallel_loop3A_312, %parallel_loop3A_378 : i32
          %parallel_loop3A_380 = arith.constant 1 : i32
          %parallel_loop3A_381 = arith.addi %parallel_loop3A_379, %parallel_loop3A_380 : i32
          %parallel_loop3A_382 = vector.broadcast %parallel_loop3A_381 : i32 to vector<16xi32>
          %parallel_loop3A_383 = arith.addi %iota3A, %parallel_loop3A_382 : vector<16xi32>
          %parallel_loop3A_384 = arith.constant 63 : i32
          %parallel_loop3A_385 = vector.broadcast %parallel_loop3A_384 : i32 to vector<16xi32>
          %parallel_loop3A_386 = arith.andi %parallel_loop3A_383, %parallel_loop3A_385 : vector<16xi32>
          %parallel_loop3A_387 = tpu.vector_load_idx %arg8[%parallel_loop3A_281, %parallel_loop3A_377] : memref<80x64xi32, #tpu.memory_space<vmem>>[vector<16xi32>, vector<16xi32>], vector<16xi32>,
          %parallel_loop3A_388 = vector.bitcast %parallel_loop3A_387 : vector<16xi32> to vector<32xbf16>
          %parallel_loop3A_389 = tpu.vector_load_idx %arg9[%parallel_loop3A_281, %parallel_loop3A_377] : memref<80x64xi32, #tpu.memory_space<vmem>>[vector<16xi32>, vector<16xi32>], vector<16xi32>,
          %parallel_loop3A_390 = vector.bitcast %parallel_loop3A_389 : vector<16xi32> to vector<32xbf16>
          %parallel_loop3A_391 = arith.mulf %parallel_loop3A_388, %parallel_loop3A_390 : vector<32xbf16>
          %parallel_loop3A_392 = tpu.vector_load_idx %arg8[%parallel_loop3A_281, %parallel_loop3A_386] : memref<80x64xi32, #tpu.memory_space<vmem>>[vector<16xi32>, vector<16xi32>], vector<16xi32>,
          %parallel_loop3A_393 = vector.bitcast %parallel_loop3A_392 : vector<16xi32> to vector<32xbf16>
          %parallel_loop3A_394 = tpu.vector_load_idx %arg9[%parallel_loop3A_281, %parallel_loop3A_386] : memref<80x64xi32, #tpu.memory_space<vmem>>[vector<16xi32>, vector<16xi32>], vector<16xi32>,
          %parallel_loop3A_395 = vector.bitcast %parallel_loop3A_394 : vector<16xi32> to vector<32xbf16>
          %parallel_loop3A_396 = arith.mulf %parallel_loop3A_393, %parallel_loop3A_395 : vector<32xbf16>
          %parallel_loop3A_397 = arith.addf %parallel_loop3A_391, %parallel_loop3A_396 : vector<32xbf16>
          %parallel_loop3A_398 = tpu.unpack_subelements %parallel_loop3A_397, 0 {pack_format = #tpu.pack_format<interleaved>} : vector<32xbf16> -> vector<16xf32>
          %parallel_loop3A_399 = tpu.unpack_subelements %parallel_loop3A_397, 1 {pack_format = #tpu.pack_format<interleaved>} : vector<32xbf16> -> vector<16xf32>
          %parallel_loop3A_400 = arith.constant 6 : i32
          %parallel_loop3A_401 = arith.addi %parallel_loop3A_312, %parallel_loop3A_400 : i32
          %parallel_loop3A_402 = vector.broadcast %parallel_loop3A_401 : i32 to vector<16xi32>
          %parallel_loop3A_403 = arith.addi %iota3A, %parallel_loop3A_402 : vector<16xi32>
          %parallel_loop3A_404 = arith.constant 63 : i32
          %parallel_loop3A_405 = vector.broadcast %parallel_loop3A_404 : i32 to vector<16xi32>
          %parallel_loop3A_406 = arith.andi %parallel_loop3A_403, %parallel_loop3A_405 : vector<16xi32>
          %parallel_loop3A_407 = arith.constant 6 : i32
          %parallel_loop3A_408 = arith.addi %parallel_loop3A_312, %parallel_loop3A_407 : i32
          %parallel_loop3A_409 = arith.constant 1 : i32
          %parallel_loop3A_410 = arith.addi %parallel_loop3A_408, %parallel_loop3A_409 : i32
          %parallel_loop3A_411 = vector.broadcast %parallel_loop3A_410 : i32 to vector<16xi32>
          %parallel_loop3A_412 = arith.addi %iota3A, %parallel_loop3A_411 : vector<16xi32>
          %parallel_loop3A_413 = arith.constant 63 : i32
          %parallel_loop3A_414 = vector.broadcast %parallel_loop3A_413 : i32 to vector<16xi32>
          %parallel_loop3A_415 = arith.andi %parallel_loop3A_412, %parallel_loop3A_414 : vector<16xi32>
          %parallel_loop3A_416 = tpu.vector_load_idx %arg8[%parallel_loop3A_281, %parallel_loop3A_406] : memref<80x64xi32, #tpu.memory_space<vmem>>[vector<16xi32>, vector<16xi32>], vector<16xi32>,
          %parallel_loop3A_417 = vector.bitcast %parallel_loop3A_416 : vector<16xi32> to vector<32xbf16>
          %parallel_loop3A_418 = tpu.vector_load_idx %arg9[%parallel_loop3A_281, %parallel_loop3A_406] : memref<80x64xi32, #tpu.memory_space<vmem>>[vector<16xi32>, vector<16xi32>], vector<16xi32>,
          %parallel_loop3A_419 = vector.bitcast %parallel_loop3A_418 : vector<16xi32> to vector<32xbf16>
          %parallel_loop3A_420 = arith.mulf %parallel_loop3A_417, %parallel_loop3A_419 : vector<32xbf16>
          %parallel_loop3A_421 = tpu.vector_load_idx %arg8[%parallel_loop3A_281, %parallel_loop3A_415] : memref<80x64xi32, #tpu.memory_space<vmem>>[vector<16xi32>, vector<16xi32>], vector<16xi32>,
          %parallel_loop3A_422 = vector.bitcast %parallel_loop3A_421 : vector<16xi32> to vector<32xbf16>
          %parallel_loop3A_423 = tpu.vector_load_idx %arg9[%parallel_loop3A_281, %parallel_loop3A_415] : memref<80x64xi32, #tpu.memory_space<vmem>>[vector<16xi32>, vector<16xi32>], vector<16xi32>,
          %parallel_loop3A_424 = vector.bitcast %parallel_loop3A_423 : vector<16xi32> to vector<32xbf16>
          %parallel_loop3A_425 = arith.mulf %parallel_loop3A_422, %parallel_loop3A_424 : vector<32xbf16>
          %parallel_loop3A_426 = arith.addf %parallel_loop3A_420, %parallel_loop3A_425 : vector<32xbf16>
          %parallel_loop3A_427 = tpu.unpack_subelements %parallel_loop3A_426, 0 {pack_format = #tpu.pack_format<interleaved>} : vector<32xbf16> -> vector<16xf32>
          %parallel_loop3A_428 = tpu.unpack_subelements %parallel_loop3A_426, 1 {pack_format = #tpu.pack_format<interleaved>} : vector<32xbf16> -> vector<16xf32>
          %parallel_loop3A_429 = arith.addf %parallel_loop3A_307, %parallel_loop3A_340 : vector<16xf32>
          %parallel_loop3A_430 = arith.addf %parallel_loop3A_308, %parallel_loop3A_341 : vector<16xf32>
          %parallel_loop3A_431 = arith.addf %parallel_loop3A_309, %parallel_loop3A_369 : vector<16xf32>
          %parallel_loop3A_432 = arith.addf %parallel_loop3A_310, %parallel_loop3A_370 : vector<16xf32>
          %parallel_loop3A_433 = arith.addf %parallel_loop3A_429, %parallel_loop3A_398 : vector<16xf32>
          %parallel_loop3A_434 = arith.addf %parallel_loop3A_430, %parallel_loop3A_399 : vector<16xf32>
          %parallel_loop3A_435 = arith.addf %parallel_loop3A_431, %parallel_loop3A_427 : vector<16xf32>
          %parallel_loop3A_436 = arith.addf %parallel_loop3A_432, %parallel_loop3A_428 : vector<16xf32>
          scf.yield %parallel_loop3A_433, %parallel_loop3A_434, %parallel_loop3A_435, %parallel_loop3A_436 : vector<16xf32>, vector<16xf32>, vector<16xf32>, vector<16xf32>
        } {sc.loop_unroll_factor = 2 : i64, sc.parallel_access}
        %parallel_loop3A_288 = arith.addf %parallel_loop3A_287#0, %parallel_loop3A_287#1 : vector<16xf32>
        %parallel_loop3A_289 = arith.addf %parallel_loop3A_287#2, %parallel_loop3A_287#3 : vector<16xf32>
        %parallel_loop3A_290 = arith.addf %parallel_loop3A_288, %parallel_loop3A_289 : vector<16xf32>
        %parallel_loop3A_291 = arith.constant 0.000000e+00 : f32
        %parallel_loop3A_292 = vector.broadcast %parallel_loop3A_291 : f32 to vector<16xf32>
        %parallel_loop3A_293 = arith.subf %parallel_loop3A_292, %parallel_loop3A_290 : vector<16xf32>
        %parallel_loop3A_294 = math.exp %parallel_loop3A_293 : vector<16xf32>
        %parallel_loop3A_295 = arith.constant 1.000000e+00 : f32
        %parallel_loop3A_296 = vector.broadcast %parallel_loop3A_295 : f32 to vector<16xf32>
        %parallel_loop3A_297 = arith.addf %parallel_loop3A_296, %parallel_loop3A_294 : vector<16xf32>
        %parallel_loop3A_298 = arith.constant 1.000000e+00 : f32
        %parallel_loop3A_299 = vector.broadcast %parallel_loop3A_298 : f32 to vector<16xf32>
        %parallel_loop3A_300 = arith.divf %parallel_loop3A_299, %parallel_loop3A_297 : vector<16xf32>
        %parallel_loop3A_301 = arith.constant 16 : i32
        %parallel_loop3A_302 = arith.muli %parallel_loop3A_277, %parallel_loop3A_301 : i32
        %parallel_loop3A_303 = arith.addi %mul3A_149, %parallel_loop3A_302 : i32
        %parallel_loop3A_304 = arith.index_cast %parallel_loop3A_303 : i32 to index
        %parallel_loop3A_305 = tpu.vector_load %arg18[%parallel_loop3A_304] {strides = array<i32>} : memref<10000xf32, #tpu.memory_space<vmem>>, vector<16xf32>,
        tpu.vector_store %arg18[%parallel_loop3A_304], %parallel_loop3A_300 {strides = array<i32>} : memref<10000xf32, #tpu.memory_space<vmem>>, vector<16xf32>,
      } {sc.loop_unroll_factor = 1 : i64, sc.parallel_access}
      %add3A_153 = arith.constant 1 : i32
      %add3A_154 = arith.addi %mul3A_122, %add3A_153 : i32
      %mul3A_155 = arith.constant 80 : i32
      %mul3A_156 = arith.muli %add3A_154, %mul3A_155 : i32
      %dma_wait3A_157 = tpu.memref_slice %arg6[%mul3A_156] : memref<10000xi32, #tpu.memory_space<vmem>> -> memref<80xi32, #tpu.memory_space<vmem>>
      %dma_wait3A_158 = arith.constant 0 : i32
      %dma_wait3A_159 = arith.constant 0 : i32
      %dma_wait3A_160 = tpu.memref_slice %arg2[%dma_wait3A_158, %dma_wait3A_159] : memref<10000x64xi32, #tpu.memory_space<hbm>> -> memref<10000x64xi32, #tpu.memory_space<hbm>>
      tpu.wait_indirect_dma semaphore(%arg21 : memref<!tpu.dma_semaphore, #tpu.memory_space<semaphore_mem>>) src(%dma_wait3A_160 : memref<10000x64xi32, #tpu.memory_space<hbm>>) dst(%arg10 : memref<80x64xi32, #tpu.memory_space<vmem>>)
      %dma_wait3A_161 = tpu.memref_slice %arg7[%mul3A_156] : memref<10000xi32, #tpu.memory_space<vmem>> -> memref<80xi32, #tpu.memory_space<vmem>>
      %dma_wait3A_162 = arith.constant 0 : i32
      %dma_wait3A_163 = arith.constant 0 : i32
      %dma_wait3A_164 = tpu.memref_slice %arg2[%dma_wait3A_162, %dma_wait3A_163] : memref<10000x64xi32, #tpu.memory_space<hbm>> -> memref<10000x64xi32, #tpu.memory_space<hbm>>
      tpu.wait_indirect_dma semaphore(%arg22 : memref<!tpu.dma_semaphore, #tpu.memory_space<semaphore_mem>>) src(%dma_wait3A_164 : memref<10000x64xi32, #tpu.memory_space<hbm>>) dst(%arg11 : memref<80x64xi32, #tpu.memory_space<vmem>>)
      %add3A_165 = arith.constant 5 : i32
      %add3A_166 = arith.addi %add3A_154, %add3A_165 : i32
      %sub3A_167 = arith.constant 1 : i32
      %sub3A_168 = arith.subi %add3A_166, %sub3A_167 : i32
      %mul3A_169 = arith.constant 80 : i32
      %mul3A_170 = arith.muli %sub3A_168, %mul3A_169 : i32
      %dma_start3A_171 = tpu.memref_slice %arg6[%mul3A_170] : memref<10000xi32, #tpu.memory_space<vmem>> -> memref<80xi32, #tpu.memory_space<vmem>>
      %dma_start3A_172 = arith.constant 0 : i32
      %dma_start3A_173 = arith.constant 0 : i32
      %dma_start3A_174 = tpu.memref_slice %arg2[%dma_start3A_172, %dma_start3A_173] : memref<10000x64xi32, #tpu.memory_space<hbm>> -> memref<10000x64xi32, #tpu.memory_space<hbm>>
      tpu.enqueue_indirect_dma source(%dma_start3A_174 : memref<10000x64xi32, #tpu.memory_space<hbm>>) target(%arg8 : memref<80x64xi32, #tpu.memory_space<vmem>>) offsets(%dma_start3A_171 : memref<80xi32, #tpu.memory_space<vmem>>) semaphore(%arg19 : memref<!tpu.dma_semaphore, #tpu.memory_space<semaphore_mem>>)
      %dma_start3A_175 = tpu.memref_slice %arg7[%mul3A_170] : memref<10000xi32, #tpu.memory_space<vmem>> -> memref<80xi32, #tpu.memory_space<vmem>>
      %dma_start3A_176 = arith.constant 0 : i32
      %dma_start3A_177 = arith.constant 0 : i32
      %dma_start3A_178 = tpu.memref_slice %arg2[%dma_start3A_176, %dma_start3A_177] : memref<10000x64xi32, #tpu.memory_space<hbm>> -> memref<10000x64xi32, #tpu.memory_space<hbm>>
      tpu.enqueue_indirect_dma source(%dma_start3A_178 : memref<10000x64xi32, #tpu.memory_space<hbm>>) target(%arg9 : memref<80x64xi32, #tpu.memory_space<vmem>>) offsets(%dma_start3A_175 : memref<80xi32, #tpu.memory_space<vmem>>) semaphore(%arg20 : memref<!tpu.dma_semaphore, #tpu.memory_space<semaphore_mem>>)
      %mul3A_179 = arith.constant 80 : i32
      %mul3A_180 = arith.muli %add3A_154, %mul3A_179 : i32
      %parallel_loop3A_181 = arith.constant 0 : i32
      %parallel_loop3A_182 = arith.constant 5 : i32
      %parallel_loop3A_183 = arith.constant 1 : i32
      scf.for %parallel_loop3A_277 = %parallel_loop3A_181 to %parallel_loop3A_182 step %parallel_loop3A_183  : i32 {
        %parallel_loop3A_278 = arith.constant 16 : i32
        %parallel_loop3A_279 = arith.muli %parallel_loop3A_277, %parallel_loop3A_278 : i32
        %parallel_loop3A_280 = vector.broadcast %parallel_loop3A_279 : i32 to vector<16xi32>
        %parallel_loop3A_281 = arith.addi %iota3A, %parallel_loop3A_280 : vector<16xi32>
        %parallel_loop3A_282 = arith.constant 0.000000e+00 : f32
        %parallel_loop3A_283 = vector.broadcast %parallel_loop3A_282 : f32 to vector<16xf32>
        %parallel_loop3A_284 = arith.constant 0 : i32
        %parallel_loop3A_285 = arith.constant 8 : i32
        %parallel_loop3A_286 = arith.constant 1 : i32
        %parallel_loop3A_287:4 = scf.for %parallel_loop3A_306 = %parallel_loop3A_284 to %parallel_loop3A_285 step %parallel_loop3A_286 iter_args(%parallel_loop3A_307 = %parallel_loop3A_283, %parallel_loop3A_308 = %parallel_loop3A_283, %parallel_loop3A_309 = %parallel_loop3A_283, %parallel_loop3A_310 = %parallel_loop3A_283) -> (vector<16xf32>, vector<16xf32>, vector<16xf32>, vector<16xf32>)  : i32 {
          %parallel_loop3A_311 = arith.constant 8 : i32
          %parallel_loop3A_312 = arith.muli %parallel_loop3A_306, %parallel_loop3A_311 : i32
          %parallel_loop3A_313 = arith.constant 0 : i32
          %parallel_loop3A_314 = arith.addi %parallel_loop3A_312, %parallel_loop3A_313 : i32
          %parallel_loop3A_315 = vector.broadcast %parallel_loop3A_314 : i32 to vector<16xi32>
          %parallel_loop3A_316 = arith.addi %iota3A, %parallel_loop3A_315 : vector<16xi32>
          %parallel_loop3A_317 = arith.constant 63 : i32
          %parallel_loop3A_318 = vector.broadcast %parallel_loop3A_317 : i32 to vector<16xi32>
          %parallel_loop3A_319 = arith.andi %parallel_loop3A_316, %parallel_loop3A_318 : vector<16xi32>
          %parallel_loop3A_320 = arith.constant 0 : i32
          %parallel_loop3A_321 = arith.addi %parallel_loop3A_312, %parallel_loop3A_320 : i32
          %parallel_loop3A_322 = arith.constant 1 : i32
          %parallel_loop3A_323 = arith.addi %parallel_loop3A_321, %parallel_loop3A_322 : i32
          %parallel_loop3A_324 = vector.broadcast %parallel_loop3A_323 : i32 to vector<16xi32>
          %parallel_loop3A_325 = arith.addi %iota3A, %parallel_loop3A_324 : vector<16xi32>
          %parallel_loop3A_326 = arith.constant 63 : i32
          %parallel_loop3A_327 = vector.broadcast %parallel_loop3A_326 : i32 to vector<16xi32>
          %parallel_loop3A_328 = arith.andi %parallel_loop3A_325, %parallel_loop3A_327 : vector<16xi32>
          %parallel_loop3A_329 = tpu.vector_load_idx %arg10[%parallel_loop3A_281, %parallel_loop3A_319] : memref<80x64xi32, #tpu.memory_space<vmem>>[vector<16xi32>, vector<16xi32>], vector<16xi32>,
          %parallel_loop3A_330 = vector.bitcast %parallel_loop3A_329 : vector<16xi32> to vector<32xbf16>
          %parallel_loop3A_331 = tpu.vector_load_idx %arg11[%parallel_loop3A_281, %parallel_loop3A_319] : memref<80x64xi32, #tpu.memory_space<vmem>>[vector<16xi32>, vector<16xi32>], vector<16xi32>,
          %parallel_loop3A_332 = vector.bitcast %parallel_loop3A_331 : vector<16xi32> to vector<32xbf16>
          %parallel_loop3A_333 = arith.mulf %parallel_loop3A_330, %parallel_loop3A_332 : vector<32xbf16>
          %parallel_loop3A_334 = tpu.vector_load_idx %arg10[%parallel_loop3A_281, %parallel_loop3A_328] : memref<80x64xi32, #tpu.memory_space<vmem>>[vector<16xi32>, vector<16xi32>], vector<16xi32>,
          %parallel_loop3A_335 = vector.bitcast %parallel_loop3A_334 : vector<16xi32> to vector<32xbf16>
          %parallel_loop3A_336 = tpu.vector_load_idx %arg11[%parallel_loop3A_281, %parallel_loop3A_328] : memref<80x64xi32, #tpu.memory_space<vmem>>[vector<16xi32>, vector<16xi32>], vector<16xi32>,
          %parallel_loop3A_337 = vector.bitcast %parallel_loop3A_336 : vector<16xi32> to vector<32xbf16>
          %parallel_loop3A_338 = arith.mulf %parallel_loop3A_335, %parallel_loop3A_337 : vector<32xbf16>
          %parallel_loop3A_339 = arith.addf %parallel_loop3A_333, %parallel_loop3A_338 : vector<32xbf16>
          %parallel_loop3A_340 = tpu.unpack_subelements %parallel_loop3A_339, 0 {pack_format = #tpu.pack_format<interleaved>} : vector<32xbf16> -> vector<16xf32>
          %parallel_loop3A_341 = tpu.unpack_subelements %parallel_loop3A_339, 1 {pack_format = #tpu.pack_format<interleaved>} : vector<32xbf16> -> vector<16xf32>
          %parallel_loop3A_342 = arith.constant 2 : i32
          %parallel_loop3A_343 = arith.addi %parallel_loop3A_312, %parallel_loop3A_342 : i32
          %parallel_loop3A_344 = vector.broadcast %parallel_loop3A_343 : i32 to vector<16xi32>
          %parallel_loop3A_345 = arith.addi %iota3A, %parallel_loop3A_344 : vector<16xi32>
          %parallel_loop3A_346 = arith.constant 63 : i32
          %parallel_loop3A_347 = vector.broadcast %parallel_loop3A_346 : i32 to vector<16xi32>
          %parallel_loop3A_348 = arith.andi %parallel_loop3A_345, %parallel_loop3A_347 : vector<16xi32>
          %parallel_loop3A_349 = arith.constant 2 : i32
          %parallel_loop3A_350 = arith.addi %parallel_loop3A_312, %parallel_loop3A_349 : i32
          %parallel_loop3A_351 = arith.constant 1 : i32
          %parallel_loop3A_352 = arith.addi %parallel_loop3A_350, %parallel_loop3A_351 : i32
          %parallel_loop3A_353 = vector.broadcast %parallel_loop3A_352 : i32 to vector<16xi32>
          %parallel_loop3A_354 = arith.addi %iota3A, %parallel_loop3A_353 : vector<16xi32>
          %parallel_loop3A_355 = arith.constant 63 : i32
          %parallel_loop3A_356 = vector.broadcast %parallel_loop3A_355 : i32 to vector<16xi32>
          %parallel_loop3A_357 = arith.andi %parallel_loop3A_354, %parallel_loop3A_356 : vector<16xi32>
          %parallel_loop3A_358 = tpu.vector_load_idx %arg10[%parallel_loop3A_281, %parallel_loop3A_348] : memref<80x64xi32, #tpu.memory_space<vmem>>[vector<16xi32>, vector<16xi32>], vector<16xi32>,
          %parallel_loop3A_359 = vector.bitcast %parallel_loop3A_358 : vector<16xi32> to vector<32xbf16>
          %parallel_loop3A_360 = tpu.vector_load_idx %arg11[%parallel_loop3A_281, %parallel_loop3A_348] : memref<80x64xi32, #tpu.memory_space<vmem>>[vector<16xi32>, vector<16xi32>], vector<16xi32>,
          %parallel_loop3A_361 = vector.bitcast %parallel_loop3A_360 : vector<16xi32> to vector<32xbf16>
          %parallel_loop3A_362 = arith.mulf %parallel_loop3A_359, %parallel_loop3A_361 : vector<32xbf16>
          %parallel_loop3A_363 = tpu.vector_load_idx %arg10[%parallel_loop3A_281, %parallel_loop3A_357] : memref<80x64xi32, #tpu.memory_space<vmem>>[vector<16xi32>, vector<16xi32>], vector<16xi32>,
          %parallel_loop3A_364 = vector.bitcast %parallel_loop3A_363 : vector<16xi32> to vector<32xbf16>
          %parallel_loop3A_365 = tpu.vector_load_idx %arg11[%parallel_loop3A_281, %parallel_loop3A_357] : memref<80x64xi32, #tpu.memory_space<vmem>>[vector<16xi32>, vector<16xi32>], vector<16xi32>,
          %parallel_loop3A_366 = vector.bitcast %parallel_loop3A_365 : vector<16xi32> to vector<32xbf16>
          %parallel_loop3A_367 = arith.mulf %parallel_loop3A_364, %parallel_loop3A_366 : vector<32xbf16>
          %parallel_loop3A_368 = arith.addf %parallel_loop3A_362, %parallel_loop3A_367 : vector<32xbf16>
          %parallel_loop3A_369 = tpu.unpack_subelements %parallel_loop3A_368, 0 {pack_format = #tpu.pack_format<interleaved>} : vector<32xbf16> -> vector<16xf32>
          %parallel_loop3A_370 = tpu.unpack_subelements %parallel_loop3A_368, 1 {pack_format = #tpu.pack_format<interleaved>} : vector<32xbf16> -> vector<16xf32>
          %parallel_loop3A_371 = arith.constant 4 : i32
          %parallel_loop3A_372 = arith.addi %parallel_loop3A_312, %parallel_loop3A_371 : i32
          %parallel_loop3A_373 = vector.broadcast %parallel_loop3A_372 : i32 to vector<16xi32>
          %parallel_loop3A_374 = arith.addi %iota3A, %parallel_loop3A_373 : vector<16xi32>
          %parallel_loop3A_375 = arith.constant 63 : i32
          %parallel_loop3A_376 = vector.broadcast %parallel_loop3A_375 : i32 to vector<16xi32>
          %parallel_loop3A_377 = arith.andi %parallel_loop3A_374, %parallel_loop3A_376 : vector<16xi32>
          %parallel_loop3A_378 = arith.constant 4 : i32
          %parallel_loop3A_379 = arith.addi %parallel_loop3A_312, %parallel_loop3A_378 : i32
          %parallel_loop3A_380 = arith.constant 1 : i32
          %parallel_loop3A_381 = arith.addi %parallel_loop3A_379, %parallel_loop3A_380 : i32
          %parallel_loop3A_382 = vector.broadcast %parallel_loop3A_381 : i32 to vector<16xi32>
          %parallel_loop3A_383 = arith.addi %iota3A, %parallel_loop3A_382 : vector<16xi32>
          %parallel_loop3A_384 = arith.constant 63 : i32
          %parallel_loop3A_385 = vector.broadcast %parallel_loop3A_384 : i32 to vector<16xi32>
          %parallel_loop3A_386 = arith.andi %parallel_loop3A_383, %parallel_loop3A_385 : vector<16xi32>
          %parallel_loop3A_387 = tpu.vector_load_idx %arg10[%parallel_loop3A_281, %parallel_loop3A_377] : memref<80x64xi32, #tpu.memory_space<vmem>>[vector<16xi32>, vector<16xi32>], vector<16xi32>,
          %parallel_loop3A_388 = vector.bitcast %parallel_loop3A_387 : vector<16xi32> to vector<32xbf16>
          %parallel_loop3A_389 = tpu.vector_load_idx %arg11[%parallel_loop3A_281, %parallel_loop3A_377] : memref<80x64xi32, #tpu.memory_space<vmem>>[vector<16xi32>, vector<16xi32>], vector<16xi32>,
          %parallel_loop3A_390 = vector.bitcast %parallel_loop3A_389 : vector<16xi32> to vector<32xbf16>
          %parallel_loop3A_391 = arith.mulf %parallel_loop3A_388, %parallel_loop3A_390 : vector<32xbf16>
          %parallel_loop3A_392 = tpu.vector_load_idx %arg10[%parallel_loop3A_281, %parallel_loop3A_386] : memref<80x64xi32, #tpu.memory_space<vmem>>[vector<16xi32>, vector<16xi32>], vector<16xi32>,
          %parallel_loop3A_393 = vector.bitcast %parallel_loop3A_392 : vector<16xi32> to vector<32xbf16>
          %parallel_loop3A_394 = tpu.vector_load_idx %arg11[%parallel_loop3A_281, %parallel_loop3A_386] : memref<80x64xi32, #tpu.memory_space<vmem>>[vector<16xi32>, vector<16xi32>], vector<16xi32>,
          %parallel_loop3A_395 = vector.bitcast %parallel_loop3A_394 : vector<16xi32> to vector<32xbf16>
          %parallel_loop3A_396 = arith.mulf %parallel_loop3A_393, %parallel_loop3A_395 : vector<32xbf16>
          %parallel_loop3A_397 = arith.addf %parallel_loop3A_391, %parallel_loop3A_396 : vector<32xbf16>
          %parallel_loop3A_398 = tpu.unpack_subelements %parallel_loop3A_397, 0 {pack_format = #tpu.pack_format<interleaved>} : vector<32xbf16> -> vector<16xf32>
          %parallel_loop3A_399 = tpu.unpack_subelements %parallel_loop3A_397, 1 {pack_format = #tpu.pack_format<interleaved>} : vector<32xbf16> -> vector<16xf32>
          %parallel_loop3A_400 = arith.constant 6 : i32
          %parallel_loop3A_401 = arith.addi %parallel_loop3A_312, %parallel_loop3A_400 : i32
          %parallel_loop3A_402 = vector.broadcast %parallel_loop3A_401 : i32 to vector<16xi32>
          %parallel_loop3A_403 = arith.addi %iota3A, %parallel_loop3A_402 : vector<16xi32>
          %parallel_loop3A_404 = arith.constant 63 : i32
          %parallel_loop3A_405 = vector.broadcast %parallel_loop3A_404 : i32 to vector<16xi32>
          %parallel_loop3A_406 = arith.andi %parallel_loop3A_403, %parallel_loop3A_405 : vector<16xi32>
          %parallel_loop3A_407 = arith.constant 6 : i32
          %parallel_loop3A_408 = arith.addi %parallel_loop3A_312, %parallel_loop3A_407 : i32
          %parallel_loop3A_409 = arith.constant 1 : i32
          %parallel_loop3A_410 = arith.addi %parallel_loop3A_408, %parallel_loop3A_409 : i32
          %parallel_loop3A_411 = vector.broadcast %parallel_loop3A_410 : i32 to vector<16xi32>
          %parallel_loop3A_412 = arith.addi %iota3A, %parallel_loop3A_411 : vector<16xi32>
          %parallel_loop3A_413 = arith.constant 63 : i32
          %parallel_loop3A_414 = vector.broadcast %parallel_loop3A_413 : i32 to vector<16xi32>
          %parallel_loop3A_415 = arith.andi %parallel_loop3A_412, %parallel_loop3A_414 : vector<16xi32>
          %parallel_loop3A_416 = tpu.vector_load_idx %arg10[%parallel_loop3A_281, %parallel_loop3A_406] : memref<80x64xi32, #tpu.memory_space<vmem>>[vector<16xi32>, vector<16xi32>], vector<16xi32>,
          %parallel_loop3A_417 = vector.bitcast %parallel_loop3A_416 : vector<16xi32> to vector<32xbf16>
          %parallel_loop3A_418 = tpu.vector_load_idx %arg11[%parallel_loop3A_281, %parallel_loop3A_406] : memref<80x64xi32, #tpu.memory_space<vmem>>[vector<16xi32>, vector<16xi32>], vector<16xi32>,
          %parallel_loop3A_419 = vector.bitcast %parallel_loop3A_418 : vector<16xi32> to vector<32xbf16>
          %parallel_loop3A_420 = arith.mulf %parallel_loop3A_417, %parallel_loop3A_419 : vector<32xbf16>
          %parallel_loop3A_421 = tpu.vector_load_idx %arg10[%parallel_loop3A_281, %parallel_loop3A_415] : memref<80x64xi32, #tpu.memory_space<vmem>>[vector<16xi32>, vector<16xi32>], vector<16xi32>,
          %parallel_loop3A_422 = vector.bitcast %parallel_loop3A_421 : vector<16xi32> to vector<32xbf16>
          %parallel_loop3A_423 = tpu.vector_load_idx %arg11[%parallel_loop3A_281, %parallel_loop3A_415] : memref<80x64xi32, #tpu.memory_space<vmem>>[vector<16xi32>, vector<16xi32>], vector<16xi32>,
          %parallel_loop3A_424 = vector.bitcast %parallel_loop3A_423 : vector<16xi32> to vector<32xbf16>
          %parallel_loop3A_425 = arith.mulf %parallel_loop3A_422, %parallel_loop3A_424 : vector<32xbf16>
          %parallel_loop3A_426 = arith.addf %parallel_loop3A_420, %parallel_loop3A_425 : vector<32xbf16>
          %parallel_loop3A_427 = tpu.unpack_subelements %parallel_loop3A_426, 0 {pack_format = #tpu.pack_format<interleaved>} : vector<32xbf16> -> vector<16xf32>
          %parallel_loop3A_428 = tpu.unpack_subelements %parallel_loop3A_426, 1 {pack_format = #tpu.pack_format<interleaved>} : vector<32xbf16> -> vector<16xf32>
          %parallel_loop3A_429 = arith.addf %parallel_loop3A_307, %parallel_loop3A_340 : vector<16xf32>
          %parallel_loop3A_430 = arith.addf %parallel_loop3A_308, %parallel_loop3A_341 : vector<16xf32>
          %parallel_loop3A_431 = arith.addf %parallel_loop3A_309, %parallel_loop3A_369 : vector<16xf32>
          %parallel_loop3A_432 = arith.addf %parallel_loop3A_310, %parallel_loop3A_370 : vector<16xf32>
          %parallel_loop3A_433 = arith.addf %parallel_loop3A_429, %parallel_loop3A_398 : vector<16xf32>
          %parallel_loop3A_434 = arith.addf %parallel_loop3A_430, %parallel_loop3A_399 : vector<16xf32>
          %parallel_loop3A_435 = arith.addf %parallel_loop3A_431, %parallel_loop3A_427 : vector<16xf32>
          %parallel_loop3A_436 = arith.addf %parallel_loop3A_432, %parallel_loop3A_428 : vector<16xf32>
          scf.yield %parallel_loop3A_433, %parallel_loop3A_434, %parallel_loop3A_435, %parallel_loop3A_436 : vector<16xf32>, vector<16xf32>, vector<16xf32>, vector<16xf32>
        } {sc.loop_unroll_factor = 2 : i64, sc.parallel_access}
        %parallel_loop3A_288 = arith.addf %parallel_loop3A_287#0, %parallel_loop3A_287#1 : vector<16xf32>
        %parallel_loop3A_289 = arith.addf %parallel_loop3A_287#2, %parallel_loop3A_287#3 : vector<16xf32>
        %parallel_loop3A_290 = arith.addf %parallel_loop3A_288, %parallel_loop3A_289 : vector<16xf32>
        %parallel_loop3A_291 = arith.constant 0.000000e+00 : f32
        %parallel_loop3A_292 = vector.broadcast %parallel_loop3A_291 : f32 to vector<16xf32>
        %parallel_loop3A_293 = arith.subf %parallel_loop3A_292, %parallel_loop3A_290 : vector<16xf32>
        %parallel_loop3A_294 = math.exp %parallel_loop3A_293 : vector<16xf32>
        %parallel_loop3A_295 = arith.constant 1.000000e+00 : f32
        %parallel_loop3A_296 = vector.broadcast %parallel_loop3A_295 : f32 to vector<16xf32>
        %parallel_loop3A_297 = arith.addf %parallel_loop3A_296, %parallel_loop3A_294 : vector<16xf32>
        %parallel_loop3A_298 = arith.constant 1.000000e+00 : f32
        %parallel_loop3A_299 = vector.broadcast %parallel_loop3A_298 : f32 to vector<16xf32>
        %parallel_loop3A_300 = arith.divf %parallel_loop3A_299, %parallel_loop3A_297 : vector<16xf32>
        %parallel_loop3A_301 = arith.constant 16 : i32
        %parallel_loop3A_302 = arith.muli %parallel_loop3A_277, %parallel_loop3A_301 : i32
        %parallel_loop3A_303 = arith.addi %mul3A_180, %parallel_loop3A_302 : i32
        %parallel_loop3A_304 = arith.index_cast %parallel_loop3A_303 : i32 to index
        %parallel_loop3A_305 = tpu.vector_load %arg18[%parallel_loop3A_304] {strides = array<i32>} : memref<10000xf32, #tpu.memory_space<vmem>>, vector<16xf32>,
        tpu.vector_store %arg18[%parallel_loop3A_304], %parallel_loop3A_300 {strides = array<i32>} : memref<10000xf32, #tpu.memory_space<vmem>>, vector<16xf32>,
      } {sc.loop_unroll_factor = 1 : i64, sc.parallel_access}
      %add3A_184 = arith.constant 2 : i32
      %add3A_185 = arith.addi %mul3A_122, %add3A_184 : i32
      %mul3A_186 = arith.constant 80 : i32
      %mul3A_187 = arith.muli %add3A_185, %mul3A_186 : i32
      %dma_wait3A_188 = tpu.memref_slice %arg6[%mul3A_187] : memref<10000xi32, #tpu.memory_space<vmem>> -> memref<80xi32, #tpu.memory_space<vmem>>
      %dma_wait3A_189 = arith.constant 0 : i32
      %dma_wait3A_190 = arith.constant 0 : i32
      %dma_wait3A_191 = tpu.memref_slice %arg2[%dma_wait3A_189, %dma_wait3A_190] : memref<10000x64xi32, #tpu.memory_space<hbm>> -> memref<10000x64xi32, #tpu.memory_space<hbm>>
      tpu.wait_indirect_dma semaphore(%arg23 : memref<!tpu.dma_semaphore, #tpu.memory_space<semaphore_mem>>) src(%dma_wait3A_191 : memref<10000x64xi32, #tpu.memory_space<hbm>>) dst(%arg12 : memref<80x64xi32, #tpu.memory_space<vmem>>)
      %dma_wait3A_192 = tpu.memref_slice %arg7[%mul3A_187] : memref<10000xi32, #tpu.memory_space<vmem>> -> memref<80xi32, #tpu.memory_space<vmem>>
      %dma_wait3A_193 = arith.constant 0 : i32
      %dma_wait3A_194 = arith.constant 0 : i32
      %dma_wait3A_195 = tpu.memref_slice %arg2[%dma_wait3A_193, %dma_wait3A_194] : memref<10000x64xi32, #tpu.memory_space<hbm>> -> memref<10000x64xi32, #tpu.memory_space<hbm>>
      tpu.wait_indirect_dma semaphore(%arg24 : memref<!tpu.dma_semaphore, #tpu.memory_space<semaphore_mem>>) src(%dma_wait3A_195 : memref<10000x64xi32, #tpu.memory_space<hbm>>) dst(%arg13 : memref<80x64xi32, #tpu.memory_space<vmem>>)
      %add3A_196 = arith.constant 5 : i32
      %add3A_197 = arith.addi %add3A_185, %add3A_196 : i32
      %sub3A_198 = arith.constant 1 : i32
      %sub3A_199 = arith.subi %add3A_197, %sub3A_198 : i32
      %mul3A_200 = arith.constant 80 : i32
      %mul3A_201 = arith.muli %sub3A_199, %mul3A_200 : i32
      %dma_start3A_202 = tpu.memref_slice %arg6[%mul3A_201] : memref<10000xi32, #tpu.memory_space<vmem>> -> memref<80xi32, #tpu.memory_space<vmem>>
      %dma_start3A_203 = arith.constant 0 : i32
      %dma_start3A_204 = arith.constant 0 : i32
      %dma_start3A_205 = tpu.memref_slice %arg2[%dma_start3A_203, %dma_start3A_204] : memref<10000x64xi32, #tpu.memory_space<hbm>> -> memref<10000x64xi32, #tpu.memory_space<hbm>>
      tpu.enqueue_indirect_dma source(%dma_start3A_205 : memref<10000x64xi32, #tpu.memory_space<hbm>>) target(%arg10 : memref<80x64xi32, #tpu.memory_space<vmem>>) offsets(%dma_start3A_202 : memref<80xi32, #tpu.memory_space<vmem>>) semaphore(%arg21 : memref<!tpu.dma_semaphore, #tpu.memory_space<semaphore_mem>>)
      %dma_start3A_206 = tpu.memref_slice %arg7[%mul3A_201] : memref<10000xi32, #tpu.memory_space<vmem>> -> memref<80xi32, #tpu.memory_space<vmem>>
      %dma_start3A_207 = arith.constant 0 : i32
      %dma_start3A_208 = arith.constant 0 : i32
      %dma_start3A_209 = tpu.memref_slice %arg2[%dma_start3A_207, %dma_start3A_208] : memref<10000x64xi32, #tpu.memory_space<hbm>> -> memref<10000x64xi32, #tpu.memory_space<hbm>>
      tpu.enqueue_indirect_dma source(%dma_start3A_209 : memref<10000x64xi32, #tpu.memory_space<hbm>>) target(%arg11 : memref<80x64xi32, #tpu.memory_space<vmem>>) offsets(%dma_start3A_206 : memref<80xi32, #tpu.memory_space<vmem>>) semaphore(%arg22 : memref<!tpu.dma_semaphore, #tpu.memory_space<semaphore_mem>>)
      %mul3A_210 = arith.constant 80 : i32
      %mul3A_211 = arith.muli %add3A_185, %mul3A_210 : i32
      %parallel_loop3A_212 = arith.constant 0 : i32
      %parallel_loop3A_213 = arith.constant 5 : i32
      %parallel_loop3A_214 = arith.constant 1 : i32
      scf.for %parallel_loop3A_277 = %parallel_loop3A_212 to %parallel_loop3A_213 step %parallel_loop3A_214  : i32 {
        %parallel_loop3A_278 = arith.constant 16 : i32
        %parallel_loop3A_279 = arith.muli %parallel_loop3A_277, %parallel_loop3A_278 : i32
        %parallel_loop3A_280 = vector.broadcast %parallel_loop3A_279 : i32 to vector<16xi32>
        %parallel_loop3A_281 = arith.addi %iota3A, %parallel_loop3A_280 : vector<16xi32>
        %parallel_loop3A_282 = arith.constant 0.000000e+00 : f32
        %parallel_loop3A_283 = vector.broadcast %parallel_loop3A_282 : f32 to vector<16xf32>
        %parallel_loop3A_284 = arith.constant 0 : i32
        %parallel_loop3A_285 = arith.constant 8 : i32
        %parallel_loop3A_286 = arith.constant 1 : i32
        %parallel_loop3A_287:4 = scf.for %parallel_loop3A_306 = %parallel_loop3A_284 to %parallel_loop3A_285 step %parallel_loop3A_286 iter_args(%parallel_loop3A_307 = %parallel_loop3A_283, %parallel_loop3A_308 = %parallel_loop3A_283, %parallel_loop3A_309 = %parallel_loop3A_283, %parallel_loop3A_310 = %parallel_loop3A_283) -> (vector<16xf32>, vector<16xf32>, vector<16xf32>, vector<16xf32>)  : i32 {
          %parallel_loop3A_311 = arith.constant 8 : i32
          %parallel_loop3A_312 = arith.muli %parallel_loop3A_306, %parallel_loop3A_311 : i32
          %parallel_loop3A_313 = arith.constant 0 : i32
          %parallel_loop3A_314 = arith.addi %parallel_loop3A_312, %parallel_loop3A_313 : i32
          %parallel_loop3A_315 = vector.broadcast %parallel_loop3A_314 : i32 to vector<16xi32>
          %parallel_loop3A_316 = arith.addi %iota3A, %parallel_loop3A_315 : vector<16xi32>
          %parallel_loop3A_317 = arith.constant 63 : i32
          %parallel_loop3A_318 = vector.broadcast %parallel_loop3A_317 : i32 to vector<16xi32>
          %parallel_loop3A_319 = arith.andi %parallel_loop3A_316, %parallel_loop3A_318 : vector<16xi32>
          %parallel_loop3A_320 = arith.constant 0 : i32
          %parallel_loop3A_321 = arith.addi %parallel_loop3A_312, %parallel_loop3A_320 : i32
          %parallel_loop3A_322 = arith.constant 1 : i32
          %parallel_loop3A_323 = arith.addi %parallel_loop3A_321, %parallel_loop3A_322 : i32
          %parallel_loop3A_324 = vector.broadcast %parallel_loop3A_323 : i32 to vector<16xi32>
          %parallel_loop3A_325 = arith.addi %iota3A, %parallel_loop3A_324 : vector<16xi32>
          %parallel_loop3A_326 = arith.constant 63 : i32
          %parallel_loop3A_327 = vector.broadcast %parallel_loop3A_326 : i32 to vector<16xi32>
          %parallel_loop3A_328 = arith.andi %parallel_loop3A_325, %parallel_loop3A_327 : vector<16xi32>
          %parallel_loop3A_329 = tpu.vector_load_idx %arg12[%parallel_loop3A_281, %parallel_loop3A_319] : memref<80x64xi32, #tpu.memory_space<vmem>>[vector<16xi32>, vector<16xi32>], vector<16xi32>,
          %parallel_loop3A_330 = vector.bitcast %parallel_loop3A_329 : vector<16xi32> to vector<32xbf16>
          %parallel_loop3A_331 = tpu.vector_load_idx %arg13[%parallel_loop3A_281, %parallel_loop3A_319] : memref<80x64xi32, #tpu.memory_space<vmem>>[vector<16xi32>, vector<16xi32>], vector<16xi32>,
          %parallel_loop3A_332 = vector.bitcast %parallel_loop3A_331 : vector<16xi32> to vector<32xbf16>
          %parallel_loop3A_333 = arith.mulf %parallel_loop3A_330, %parallel_loop3A_332 : vector<32xbf16>
          %parallel_loop3A_334 = tpu.vector_load_idx %arg12[%parallel_loop3A_281, %parallel_loop3A_328] : memref<80x64xi32, #tpu.memory_space<vmem>>[vector<16xi32>, vector<16xi32>], vector<16xi32>,
          %parallel_loop3A_335 = vector.bitcast %parallel_loop3A_334 : vector<16xi32> to vector<32xbf16>
          %parallel_loop3A_336 = tpu.vector_load_idx %arg13[%parallel_loop3A_281, %parallel_loop3A_328] : memref<80x64xi32, #tpu.memory_space<vmem>>[vector<16xi32>, vector<16xi32>], vector<16xi32>,
          %parallel_loop3A_337 = vector.bitcast %parallel_loop3A_336 : vector<16xi32> to vector<32xbf16>
          %parallel_loop3A_338 = arith.mulf %parallel_loop3A_335, %parallel_loop3A_337 : vector<32xbf16>
          %parallel_loop3A_339 = arith.addf %parallel_loop3A_333, %parallel_loop3A_338 : vector<32xbf16>
          %parallel_loop3A_340 = tpu.unpack_subelements %parallel_loop3A_339, 0 {pack_format = #tpu.pack_format<interleaved>} : vector<32xbf16> -> vector<16xf32>
          %parallel_loop3A_341 = tpu.unpack_subelements %parallel_loop3A_339, 1 {pack_format = #tpu.pack_format<interleaved>} : vector<32xbf16> -> vector<16xf32>
          %parallel_loop3A_342 = arith.constant 2 : i32
          %parallel_loop3A_343 = arith.addi %parallel_loop3A_312, %parallel_loop3A_342 : i32
          %parallel_loop3A_344 = vector.broadcast %parallel_loop3A_343 : i32 to vector<16xi32>
          %parallel_loop3A_345 = arith.addi %iota3A, %parallel_loop3A_344 : vector<16xi32>
          %parallel_loop3A_346 = arith.constant 63 : i32
          %parallel_loop3A_347 = vector.broadcast %parallel_loop3A_346 : i32 to vector<16xi32>
          %parallel_loop3A_348 = arith.andi %parallel_loop3A_345, %parallel_loop3A_347 : vector<16xi32>
          %parallel_loop3A_349 = arith.constant 2 : i32
          %parallel_loop3A_350 = arith.addi %parallel_loop3A_312, %parallel_loop3A_349 : i32
          %parallel_loop3A_351 = arith.constant 1 : i32
          %parallel_loop3A_352 = arith.addi %parallel_loop3A_350, %parallel_loop3A_351 : i32
          %parallel_loop3A_353 = vector.broadcast %parallel_loop3A_352 : i32 to vector<16xi32>
          %parallel_loop3A_354 = arith.addi %iota3A, %parallel_loop3A_353 : vector<16xi32>
          %parallel_loop3A_355 = arith.constant 63 : i32
          %parallel_loop3A_356 = vector.broadcast %parallel_loop3A_355 : i32 to vector<16xi32>
          %parallel_loop3A_357 = arith.andi %parallel_loop3A_354, %parallel_loop3A_356 : vector<16xi32>
          %parallel_loop3A_358 = tpu.vector_load_idx %arg12[%parallel_loop3A_281, %parallel_loop3A_348] : memref<80x64xi32, #tpu.memory_space<vmem>>[vector<16xi32>, vector<16xi32>], vector<16xi32>,
          %parallel_loop3A_359 = vector.bitcast %parallel_loop3A_358 : vector<16xi32> to vector<32xbf16>
          %parallel_loop3A_360 = tpu.vector_load_idx %arg13[%parallel_loop3A_281, %parallel_loop3A_348] : memref<80x64xi32, #tpu.memory_space<vmem>>[vector<16xi32>, vector<16xi32>], vector<16xi32>,
          %parallel_loop3A_361 = vector.bitcast %parallel_loop3A_360 : vector<16xi32> to vector<32xbf16>
          %parallel_loop3A_362 = arith.mulf %parallel_loop3A_359, %parallel_loop3A_361 : vector<32xbf16>
          %parallel_loop3A_363 = tpu.vector_load_idx %arg12[%parallel_loop3A_281, %parallel_loop3A_357] : memref<80x64xi32, #tpu.memory_space<vmem>>[vector<16xi32>, vector<16xi32>], vector<16xi32>,
          %parallel_loop3A_364 = vector.bitcast %parallel_loop3A_363 : vector<16xi32> to vector<32xbf16>
          %parallel_loop3A_365 = tpu.vector_load_idx %arg13[%parallel_loop3A_281, %parallel_loop3A_357] : memref<80x64xi32, #tpu.memory_space<vmem>>[vector<16xi32>, vector<16xi32>], vector<16xi32>,
          %parallel_loop3A_366 = vector.bitcast %parallel_loop3A_365 : vector<16xi32> to vector<32xbf16>
          %parallel_loop3A_367 = arith.mulf %parallel_loop3A_364, %parallel_loop3A_366 : vector<32xbf16>
          %parallel_loop3A_368 = arith.addf %parallel_loop3A_362, %parallel_loop3A_367 : vector<32xbf16>
          %parallel_loop3A_369 = tpu.unpack_subelements %parallel_loop3A_368, 0 {pack_format = #tpu.pack_format<interleaved>} : vector<32xbf16> -> vector<16xf32>
          %parallel_loop3A_370 = tpu.unpack_subelements %parallel_loop3A_368, 1 {pack_format = #tpu.pack_format<interleaved>} : vector<32xbf16> -> vector<16xf32>
          %parallel_loop3A_371 = arith.constant 4 : i32
          %parallel_loop3A_372 = arith.addi %parallel_loop3A_312, %parallel_loop3A_371 : i32
          %parallel_loop3A_373 = vector.broadcast %parallel_loop3A_372 : i32 to vector<16xi32>
          %parallel_loop3A_374 = arith.addi %iota3A, %parallel_loop3A_373 : vector<16xi32>
          %parallel_loop3A_375 = arith.constant 63 : i32
          %parallel_loop3A_376 = vector.broadcast %parallel_loop3A_375 : i32 to vector<16xi32>
          %parallel_loop3A_377 = arith.andi %parallel_loop3A_374, %parallel_loop3A_376 : vector<16xi32>
          %parallel_loop3A_378 = arith.constant 4 : i32
          %parallel_loop3A_379 = arith.addi %parallel_loop3A_312, %parallel_loop3A_378 : i32
          %parallel_loop3A_380 = arith.constant 1 : i32
          %parallel_loop3A_381 = arith.addi %parallel_loop3A_379, %parallel_loop3A_380 : i32
          %parallel_loop3A_382 = vector.broadcast %parallel_loop3A_381 : i32 to vector<16xi32>
          %parallel_loop3A_383 = arith.addi %iota3A, %parallel_loop3A_382 : vector<16xi32>
          %parallel_loop3A_384 = arith.constant 63 : i32
          %parallel_loop3A_385 = vector.broadcast %parallel_loop3A_384 : i32 to vector<16xi32>
          %parallel_loop3A_386 = arith.andi %parallel_loop3A_383, %parallel_loop3A_385 : vector<16xi32>
          %parallel_loop3A_387 = tpu.vector_load_idx %arg12[%parallel_loop3A_281, %parallel_loop3A_377] : memref<80x64xi32, #tpu.memory_space<vmem>>[vector<16xi32>, vector<16xi32>], vector<16xi32>,
          %parallel_loop3A_388 = vector.bitcast %parallel_loop3A_387 : vector<16xi32> to vector<32xbf16>
          %parallel_loop3A_389 = tpu.vector_load_idx %arg13[%parallel_loop3A_281, %parallel_loop3A_377] : memref<80x64xi32, #tpu.memory_space<vmem>>[vector<16xi32>, vector<16xi32>], vector<16xi32>,
          %parallel_loop3A_390 = vector.bitcast %parallel_loop3A_389 : vector<16xi32> to vector<32xbf16>
          %parallel_loop3A_391 = arith.mulf %parallel_loop3A_388, %parallel_loop3A_390 : vector<32xbf16>
          %parallel_loop3A_392 = tpu.vector_load_idx %arg12[%parallel_loop3A_281, %parallel_loop3A_386] : memref<80x64xi32, #tpu.memory_space<vmem>>[vector<16xi32>, vector<16xi32>], vector<16xi32>,
          %parallel_loop3A_393 = vector.bitcast %parallel_loop3A_392 : vector<16xi32> to vector<32xbf16>
          %parallel_loop3A_394 = tpu.vector_load_idx %arg13[%parallel_loop3A_281, %parallel_loop3A_386] : memref<80x64xi32, #tpu.memory_space<vmem>>[vector<16xi32>, vector<16xi32>], vector<16xi32>,
          %parallel_loop3A_395 = vector.bitcast %parallel_loop3A_394 : vector<16xi32> to vector<32xbf16>
          %parallel_loop3A_396 = arith.mulf %parallel_loop3A_393, %parallel_loop3A_395 : vector<32xbf16>
          %parallel_loop3A_397 = arith.addf %parallel_loop3A_391, %parallel_loop3A_396 : vector<32xbf16>
          %parallel_loop3A_398 = tpu.unpack_subelements %parallel_loop3A_397, 0 {pack_format = #tpu.pack_format<interleaved>} : vector<32xbf16> -> vector<16xf32>
          %parallel_loop3A_399 = tpu.unpack_subelements %parallel_loop3A_397, 1 {pack_format = #tpu.pack_format<interleaved>} : vector<32xbf16> -> vector<16xf32>
          %parallel_loop3A_400 = arith.constant 6 : i32
          %parallel_loop3A_401 = arith.addi %parallel_loop3A_312, %parallel_loop3A_400 : i32
          %parallel_loop3A_402 = vector.broadcast %parallel_loop3A_401 : i32 to vector<16xi32>
          %parallel_loop3A_403 = arith.addi %iota3A, %parallel_loop3A_402 : vector<16xi32>
          %parallel_loop3A_404 = arith.constant 63 : i32
          %parallel_loop3A_405 = vector.broadcast %parallel_loop3A_404 : i32 to vector<16xi32>
          %parallel_loop3A_406 = arith.andi %parallel_loop3A_403, %parallel_loop3A_405 : vector<16xi32>
          %parallel_loop3A_407 = arith.constant 6 : i32
          %parallel_loop3A_408 = arith.addi %parallel_loop3A_312, %parallel_loop3A_407 : i32
          %parallel_loop3A_409 = arith.constant 1 : i32
          %parallel_loop3A_410 = arith.addi %parallel_loop3A_408, %parallel_loop3A_409 : i32
          %parallel_loop3A_411 = vector.broadcast %parallel_loop3A_410 : i32 to vector<16xi32>
          %parallel_loop3A_412 = arith.addi %iota3A, %parallel_loop3A_411 : vector<16xi32>
          %parallel_loop3A_413 = arith.constant 63 : i32
          %parallel_loop3A_414 = vector.broadcast %parallel_loop3A_413 : i32 to vector<16xi32>
          %parallel_loop3A_415 = arith.andi %parallel_loop3A_412, %parallel_loop3A_414 : vector<16xi32>
          %parallel_loop3A_416 = tpu.vector_load_idx %arg12[%parallel_loop3A_281, %parallel_loop3A_406] : memref<80x64xi32, #tpu.memory_space<vmem>>[vector<16xi32>, vector<16xi32>], vector<16xi32>,
          %parallel_loop3A_417 = vector.bitcast %parallel_loop3A_416 : vector<16xi32> to vector<32xbf16>
          %parallel_loop3A_418 = tpu.vector_load_idx %arg13[%parallel_loop3A_281, %parallel_loop3A_406] : memref<80x64xi32, #tpu.memory_space<vmem>>[vector<16xi32>, vector<16xi32>], vector<16xi32>,
          %parallel_loop3A_419 = vector.bitcast %parallel_loop3A_418 : vector<16xi32> to vector<32xbf16>
          %parallel_loop3A_420 = arith.mulf %parallel_loop3A_417, %parallel_loop3A_419 : vector<32xbf16>
          %parallel_loop3A_421 = tpu.vector_load_idx %arg12[%parallel_loop3A_281, %parallel_loop3A_415] : memref<80x64xi32, #tpu.memory_space<vmem>>[vector<16xi32>, vector<16xi32>], vector<16xi32>,
          %parallel_loop3A_422 = vector.bitcast %parallel_loop3A_421 : vector<16xi32> to vector<32xbf16>
          %parallel_loop3A_423 = tpu.vector_load_idx %arg13[%parallel_loop3A_281, %parallel_loop3A_415] : memref<80x64xi32, #tpu.memory_space<vmem>>[vector<16xi32>, vector<16xi32>], vector<16xi32>,
          %parallel_loop3A_424 = vector.bitcast %parallel_loop3A_423 : vector<16xi32> to vector<32xbf16>
          %parallel_loop3A_425 = arith.mulf %parallel_loop3A_422, %parallel_loop3A_424 : vector<32xbf16>
          %parallel_loop3A_426 = arith.addf %parallel_loop3A_420, %parallel_loop3A_425 : vector<32xbf16>
          %parallel_loop3A_427 = tpu.unpack_subelements %parallel_loop3A_426, 0 {pack_format = #tpu.pack_format<interleaved>} : vector<32xbf16> -> vector<16xf32>
          %parallel_loop3A_428 = tpu.unpack_subelements %parallel_loop3A_426, 1 {pack_format = #tpu.pack_format<interleaved>} : vector<32xbf16> -> vector<16xf32>
          %parallel_loop3A_429 = arith.addf %parallel_loop3A_307, %parallel_loop3A_340 : vector<16xf32>
          %parallel_loop3A_430 = arith.addf %parallel_loop3A_308, %parallel_loop3A_341 : vector<16xf32>
          %parallel_loop3A_431 = arith.addf %parallel_loop3A_309, %parallel_loop3A_369 : vector<16xf32>
          %parallel_loop3A_432 = arith.addf %parallel_loop3A_310, %parallel_loop3A_370 : vector<16xf32>
          %parallel_loop3A_433 = arith.addf %parallel_loop3A_429, %parallel_loop3A_398 : vector<16xf32>
          %parallel_loop3A_434 = arith.addf %parallel_loop3A_430, %parallel_loop3A_399 : vector<16xf32>
          %parallel_loop3A_435 = arith.addf %parallel_loop3A_431, %parallel_loop3A_427 : vector<16xf32>
          %parallel_loop3A_436 = arith.addf %parallel_loop3A_432, %parallel_loop3A_428 : vector<16xf32>
          scf.yield %parallel_loop3A_433, %parallel_loop3A_434, %parallel_loop3A_435, %parallel_loop3A_436 : vector<16xf32>, vector<16xf32>, vector<16xf32>, vector<16xf32>
        } {sc.loop_unroll_factor = 2 : i64, sc.parallel_access}
        %parallel_loop3A_288 = arith.addf %parallel_loop3A_287#0, %parallel_loop3A_287#1 : vector<16xf32>
        %parallel_loop3A_289 = arith.addf %parallel_loop3A_287#2, %parallel_loop3A_287#3 : vector<16xf32>
        %parallel_loop3A_290 = arith.addf %parallel_loop3A_288, %parallel_loop3A_289 : vector<16xf32>
        %parallel_loop3A_291 = arith.constant 0.000000e+00 : f32
        %parallel_loop3A_292 = vector.broadcast %parallel_loop3A_291 : f32 to vector<16xf32>
        %parallel_loop3A_293 = arith.subf %parallel_loop3A_292, %parallel_loop3A_290 : vector<16xf32>
        %parallel_loop3A_294 = math.exp %parallel_loop3A_293 : vector<16xf32>
        %parallel_loop3A_295 = arith.constant 1.000000e+00 : f32
        %parallel_loop3A_296 = vector.broadcast %parallel_loop3A_295 : f32 to vector<16xf32>
        %parallel_loop3A_297 = arith.addf %parallel_loop3A_296, %parallel_loop3A_294 : vector<16xf32>
        %parallel_loop3A_298 = arith.constant 1.000000e+00 : f32
        %parallel_loop3A_299 = vector.broadcast %parallel_loop3A_298 : f32 to vector<16xf32>
        %parallel_loop3A_300 = arith.divf %parallel_loop3A_299, %parallel_loop3A_297 : vector<16xf32>
        %parallel_loop3A_301 = arith.constant 16 : i32
        %parallel_loop3A_302 = arith.muli %parallel_loop3A_277, %parallel_loop3A_301 : i32
        %parallel_loop3A_303 = arith.addi %mul3A_211, %parallel_loop3A_302 : i32
        %parallel_loop3A_304 = arith.index_cast %parallel_loop3A_303 : i32 to index
        %parallel_loop3A_305 = tpu.vector_load %arg18[%parallel_loop3A_304] {strides = array<i32>} : memref<10000xf32, #tpu.memory_space<vmem>>, vector<16xf32>,
        tpu.vector_store %arg18[%parallel_loop3A_304], %parallel_loop3A_300 {strides = array<i32>} : memref<10000xf32, #tpu.memory_space<vmem>>, vector<16xf32>,
      } {sc.loop_unroll_factor = 1 : i64, sc.parallel_access}
      %add3A_215 = arith.constant 3 : i32
      %add3A_216 = arith.addi %mul3A_122, %add3A_215 : i32
      %mul3A_217 = arith.constant 80 : i32
      %mul3A_218 = arith.muli %add3A_216, %mul3A_217 : i32
      %dma_wait3A_219 = tpu.memref_slice %arg6[%mul3A_218] : memref<10000xi32, #tpu.memory_space<vmem>> -> memref<80xi32, #tpu.memory_space<vmem>>
      %dma_wait3A_220 = arith.constant 0 : i32
      %dma_wait3A_221 = arith.constant 0 : i32
      %dma_wait3A_222 = tpu.memref_slice %arg2[%dma_wait3A_220, %dma_wait3A_221] : memref<10000x64xi32, #tpu.memory_space<hbm>> -> memref<10000x64xi32, #tpu.memory_space<hbm>>
      tpu.wait_indirect_dma semaphore(%arg25 : memref<!tpu.dma_semaphore, #tpu.memory_space<semaphore_mem>>) src(%dma_wait3A_222 : memref<10000x64xi32, #tpu.memory_space<hbm>>) dst(%arg14 : memref<80x64xi32, #tpu.memory_space<vmem>>)
      %dma_wait3A_223 = tpu.memref_slice %arg7[%mul3A_218] : memref<10000xi32, #tpu.memory_space<vmem>> -> memref<80xi32, #tpu.memory_space<vmem>>
      %dma_wait3A_224 = arith.constant 0 : i32
      %dma_wait3A_225 = arith.constant 0 : i32
      %dma_wait3A_226 = tpu.memref_slice %arg2[%dma_wait3A_224, %dma_wait3A_225] : memref<10000x64xi32, #tpu.memory_space<hbm>> -> memref<10000x64xi32, #tpu.memory_space<hbm>>
      tpu.wait_indirect_dma semaphore(%arg26 : memref<!tpu.dma_semaphore, #tpu.memory_space<semaphore_mem>>) src(%dma_wait3A_226 : memref<10000x64xi32, #tpu.memory_space<hbm>>) dst(%arg15 : memref<80x64xi32, #tpu.memory_space<vmem>>)
      %add3A_227 = arith.constant 5 : i32
      %add3A_228 = arith.addi %add3A_216, %add3A_227 : i32
      %sub3A_229 = arith.constant 1 : i32
      %sub3A_230 = arith.subi %add3A_228, %sub3A_229 : i32
      %mul3A_231 = arith.constant 80 : i32
      %mul3A_232 = arith.muli %sub3A_230, %mul3A_231 : i32
      %dma_start3A_233 = tpu.memref_slice %arg6[%mul3A_232] : memref<10000xi32, #tpu.memory_space<vmem>> -> memref<80xi32, #tpu.memory_space<vmem>>
      %dma_start3A_234 = arith.constant 0 : i32
      %dma_start3A_235 = arith.constant 0 : i32
      %dma_start3A_236 = tpu.memref_slice %arg2[%dma_start3A_234, %dma_start3A_235] : memref<10000x64xi32, #tpu.memory_space<hbm>> -> memref<10000x64xi32, #tpu.memory_space<hbm>>
      tpu.enqueue_indirect_dma source(%dma_start3A_236 : memref<10000x64xi32, #tpu.memory_space<hbm>>) target(%arg12 : memref<80x64xi32, #tpu.memory_space<vmem>>) offsets(%dma_start3A_233 : memref<80xi32, #tpu.memory_space<vmem>>) semaphore(%arg23 : memref<!tpu.dma_semaphore, #tpu.memory_space<semaphore_mem>>)
      %dma_start3A_237 = tpu.memref_slice %arg7[%mul3A_232] : memref<10000xi32, #tpu.memory_space<vmem>> -> memref<80xi32, #tpu.memory_space<vmem>>
      %dma_start3A_238 = arith.constant 0 : i32
      %dma_start3A_239 = arith.constant 0 : i32
      %dma_start3A_240 = tpu.memref_slice %arg2[%dma_start3A_238, %dma_start3A_239] : memref<10000x64xi32, #tpu.memory_space<hbm>> -> memref<10000x64xi32, #tpu.memory_space<hbm>>
      tpu.enqueue_indirect_dma source(%dma_start3A_240 : memref<10000x64xi32, #tpu.memory_space<hbm>>) target(%arg13 : memref<80x64xi32, #tpu.memory_space<vmem>>) offsets(%dma_start3A_237 : memref<80xi32, #tpu.memory_space<vmem>>) semaphore(%arg24 : memref<!tpu.dma_semaphore, #tpu.memory_space<semaphore_mem>>)
      %mul3A_241 = arith.constant 80 : i32
      %mul3A_242 = arith.muli %add3A_216, %mul3A_241 : i32
      %parallel_loop3A_243 = arith.constant 0 : i32
      %parallel_loop3A_244 = arith.constant 5 : i32
      %parallel_loop3A_245 = arith.constant 1 : i32
      scf.for %parallel_loop3A_277 = %parallel_loop3A_243 to %parallel_loop3A_244 step %parallel_loop3A_245  : i32 {
        %parallel_loop3A_278 = arith.constant 16 : i32
        %parallel_loop3A_279 = arith.muli %parallel_loop3A_277, %parallel_loop3A_278 : i32
        %parallel_loop3A_280 = vector.broadcast %parallel_loop3A_279 : i32 to vector<16xi32>
        %parallel_loop3A_281 = arith.addi %iota3A, %parallel_loop3A_280 : vector<16xi32>
        %parallel_loop3A_282 = arith.constant 0.000000e+00 : f32
        %parallel_loop3A_283 = vector.broadcast %parallel_loop3A_282 : f32 to vector<16xf32>
        %parallel_loop3A_284 = arith.constant 0 : i32
        %parallel_loop3A_285 = arith.constant 8 : i32
        %parallel_loop3A_286 = arith.constant 1 : i32
        %parallel_loop3A_287:4 = scf.for %parallel_loop3A_306 = %parallel_loop3A_284 to %parallel_loop3A_285 step %parallel_loop3A_286 iter_args(%parallel_loop3A_307 = %parallel_loop3A_283, %parallel_loop3A_308 = %parallel_loop3A_283, %parallel_loop3A_309 = %parallel_loop3A_283, %parallel_loop3A_310 = %parallel_loop3A_283) -> (vector<16xf32>, vector<16xf32>, vector<16xf32>, vector<16xf32>)  : i32 {
          %parallel_loop3A_311 = arith.constant 8 : i32
          %parallel_loop3A_312 = arith.muli %parallel_loop3A_306, %parallel_loop3A_311 : i32
          %parallel_loop3A_313 = arith.constant 0 : i32
          %parallel_loop3A_314 = arith.addi %parallel_loop3A_312, %parallel_loop3A_313 : i32
          %parallel_loop3A_315 = vector.broadcast %parallel_loop3A_314 : i32 to vector<16xi32>
          %parallel_loop3A_316 = arith.addi %iota3A, %parallel_loop3A_315 : vector<16xi32>
          %parallel_loop3A_317 = arith.constant 63 : i32
          %parallel_loop3A_318 = vector.broadcast %parallel_loop3A_317 : i32 to vector<16xi32>
          %parallel_loop3A_319 = arith.andi %parallel_loop3A_316, %parallel_loop3A_318 : vector<16xi32>
          %parallel_loop3A_320 = arith.constant 0 : i32
          %parallel_loop3A_321 = arith.addi %parallel_loop3A_312, %parallel_loop3A_320 : i32
          %parallel_loop3A_322 = arith.constant 1 : i32
          %parallel_loop3A_323 = arith.addi %parallel_loop3A_321, %parallel_loop3A_322 : i32
          %parallel_loop3A_324 = vector.broadcast %parallel_loop3A_323 : i32 to vector<16xi32>
          %parallel_loop3A_325 = arith.addi %iota3A, %parallel_loop3A_324 : vector<16xi32>
          %parallel_loop3A_326 = arith.constant 63 : i32
          %parallel_loop3A_327 = vector.broadcast %parallel_loop3A_326 : i32 to vector<16xi32>
          %parallel_loop3A_328 = arith.andi %parallel_loop3A_325, %parallel_loop3A_327 : vector<16xi32>
          %parallel_loop3A_329 = tpu.vector_load_idx %arg14[%parallel_loop3A_281, %parallel_loop3A_319] : memref<80x64xi32, #tpu.memory_space<vmem>>[vector<16xi32>, vector<16xi32>], vector<16xi32>,
          %parallel_loop3A_330 = vector.bitcast %parallel_loop3A_329 : vector<16xi32> to vector<32xbf16>
          %parallel_loop3A_331 = tpu.vector_load_idx %arg15[%parallel_loop3A_281, %parallel_loop3A_319] : memref<80x64xi32, #tpu.memory_space<vmem>>[vector<16xi32>, vector<16xi32>], vector<16xi32>,
          %parallel_loop3A_332 = vector.bitcast %parallel_loop3A_331 : vector<16xi32> to vector<32xbf16>
          %parallel_loop3A_333 = arith.mulf %parallel_loop3A_330, %parallel_loop3A_332 : vector<32xbf16>
          %parallel_loop3A_334 = tpu.vector_load_idx %arg14[%parallel_loop3A_281, %parallel_loop3A_328] : memref<80x64xi32, #tpu.memory_space<vmem>>[vector<16xi32>, vector<16xi32>], vector<16xi32>,
          %parallel_loop3A_335 = vector.bitcast %parallel_loop3A_334 : vector<16xi32> to vector<32xbf16>
          %parallel_loop3A_336 = tpu.vector_load_idx %arg15[%parallel_loop3A_281, %parallel_loop3A_328] : memref<80x64xi32, #tpu.memory_space<vmem>>[vector<16xi32>, vector<16xi32>], vector<16xi32>,
          %parallel_loop3A_337 = vector.bitcast %parallel_loop3A_336 : vector<16xi32> to vector<32xbf16>
          %parallel_loop3A_338 = arith.mulf %parallel_loop3A_335, %parallel_loop3A_337 : vector<32xbf16>
          %parallel_loop3A_339 = arith.addf %parallel_loop3A_333, %parallel_loop3A_338 : vector<32xbf16>
          %parallel_loop3A_340 = tpu.unpack_subelements %parallel_loop3A_339, 0 {pack_format = #tpu.pack_format<interleaved>} : vector<32xbf16> -> vector<16xf32>
          %parallel_loop3A_341 = tpu.unpack_subelements %parallel_loop3A_339, 1 {pack_format = #tpu.pack_format<interleaved>} : vector<32xbf16> -> vector<16xf32>
          %parallel_loop3A_342 = arith.constant 2 : i32
          %parallel_loop3A_343 = arith.addi %parallel_loop3A_312, %parallel_loop3A_342 : i32
          %parallel_loop3A_344 = vector.broadcast %parallel_loop3A_343 : i32 to vector<16xi32>
          %parallel_loop3A_345 = arith.addi %iota3A, %parallel_loop3A_344 : vector<16xi32>
          %parallel_loop3A_346 = arith.constant 63 : i32
          %parallel_loop3A_347 = vector.broadcast %parallel_loop3A_346 : i32 to vector<16xi32>
          %parallel_loop3A_348 = arith.andi %parallel_loop3A_345, %parallel_loop3A_347 : vector<16xi32>
          %parallel_loop3A_349 = arith.constant 2 : i32
          %parallel_loop3A_350 = arith.addi %parallel_loop3A_312, %parallel_loop3A_349 : i32
          %parallel_loop3A_351 = arith.constant 1 : i32
          %parallel_loop3A_352 = arith.addi %parallel_loop3A_350, %parallel_loop3A_351 : i32
          %parallel_loop3A_353 = vector.broadcast %parallel_loop3A_352 : i32 to vector<16xi32>
          %parallel_loop3A_354 = arith.addi %iota3A, %parallel_loop3A_353 : vector<16xi32>
          %parallel_loop3A_355 = arith.constant 63 : i32
          %parallel_loop3A_356 = vector.broadcast %parallel_loop3A_355 : i32 to vector<16xi32>
          %parallel_loop3A_357 = arith.andi %parallel_loop3A_354, %parallel_loop3A_356 : vector<16xi32>
          %parallel_loop3A_358 = tpu.vector_load_idx %arg14[%parallel_loop3A_281, %parallel_loop3A_348] : memref<80x64xi32, #tpu.memory_space<vmem>>[vector<16xi32>, vector<16xi32>], vector<16xi32>,
          %parallel_loop3A_359 = vector.bitcast %parallel_loop3A_358 : vector<16xi32> to vector<32xbf16>
          %parallel_loop3A_360 = tpu.vector_load_idx %arg15[%parallel_loop3A_281, %parallel_loop3A_348] : memref<80x64xi32, #tpu.memory_space<vmem>>[vector<16xi32>, vector<16xi32>], vector<16xi32>,
          %parallel_loop3A_361 = vector.bitcast %parallel_loop3A_360 : vector<16xi32> to vector<32xbf16>
          %parallel_loop3A_362 = arith.mulf %parallel_loop3A_359, %parallel_loop3A_361 : vector<32xbf16>
          %parallel_loop3A_363 = tpu.vector_load_idx %arg14[%parallel_loop3A_281, %parallel_loop3A_357] : memref<80x64xi32, #tpu.memory_space<vmem>>[vector<16xi32>, vector<16xi32>], vector<16xi32>,
          %parallel_loop3A_364 = vector.bitcast %parallel_loop3A_363 : vector<16xi32> to vector<32xbf16>
          %parallel_loop3A_365 = tpu.vector_load_idx %arg15[%parallel_loop3A_281, %parallel_loop3A_357] : memref<80x64xi32, #tpu.memory_space<vmem>>[vector<16xi32>, vector<16xi32>], vector<16xi32>,
          %parallel_loop3A_366 = vector.bitcast %parallel_loop3A_365 : vector<16xi32> to vector<32xbf16>
          %parallel_loop3A_367 = arith.mulf %parallel_loop3A_364, %parallel_loop3A_366 : vector<32xbf16>
          %parallel_loop3A_368 = arith.addf %parallel_loop3A_362, %parallel_loop3A_367 : vector<32xbf16>
          %parallel_loop3A_369 = tpu.unpack_subelements %parallel_loop3A_368, 0 {pack_format = #tpu.pack_format<interleaved>} : vector<32xbf16> -> vector<16xf32>
          %parallel_loop3A_370 = tpu.unpack_subelements %parallel_loop3A_368, 1 {pack_format = #tpu.pack_format<interleaved>} : vector<32xbf16> -> vector<16xf32>
          %parallel_loop3A_371 = arith.constant 4 : i32
          %parallel_loop3A_372 = arith.addi %parallel_loop3A_312, %parallel_loop3A_371 : i32
          %parallel_loop3A_373 = vector.broadcast %parallel_loop3A_372 : i32 to vector<16xi32>
          %parallel_loop3A_374 = arith.addi %iota3A, %parallel_loop3A_373 : vector<16xi32>
          %parallel_loop3A_375 = arith.constant 63 : i32
          %parallel_loop3A_376 = vector.broadcast %parallel_loop3A_375 : i32 to vector<16xi32>
          %parallel_loop3A_377 = arith.andi %parallel_loop3A_374, %parallel_loop3A_376 : vector<16xi32>
          %parallel_loop3A_378 = arith.constant 4 : i32
          %parallel_loop3A_379 = arith.addi %parallel_loop3A_312, %parallel_loop3A_378 : i32
          %parallel_loop3A_380 = arith.constant 1 : i32
          %parallel_loop3A_381 = arith.addi %parallel_loop3A_379, %parallel_loop3A_380 : i32
          %parallel_loop3A_382 = vector.broadcast %parallel_loop3A_381 : i32 to vector<16xi32>
          %parallel_loop3A_383 = arith.addi %iota3A, %parallel_loop3A_382 : vector<16xi32>
          %parallel_loop3A_384 = arith.constant 63 : i32
          %parallel_loop3A_385 = vector.broadcast %parallel_loop3A_384 : i32 to vector<16xi32>
          %parallel_loop3A_386 = arith.andi %parallel_loop3A_383, %parallel_loop3A_385 : vector<16xi32>
          %parallel_loop3A_387 = tpu.vector_load_idx %arg14[%parallel_loop3A_281, %parallel_loop3A_377] : memref<80x64xi32, #tpu.memory_space<vmem>>[vector<16xi32>, vector<16xi32>], vector<16xi32>,
          %parallel_loop3A_388 = vector.bitcast %parallel_loop3A_387 : vector<16xi32> to vector<32xbf16>
          %parallel_loop3A_389 = tpu.vector_load_idx %arg15[%parallel_loop3A_281, %parallel_loop3A_377] : memref<80x64xi32, #tpu.memory_space<vmem>>[vector<16xi32>, vector<16xi32>], vector<16xi32>,
          %parallel_loop3A_390 = vector.bitcast %parallel_loop3A_389 : vector<16xi32> to vector<32xbf16>
          %parallel_loop3A_391 = arith.mulf %parallel_loop3A_388, %parallel_loop3A_390 : vector<32xbf16>
          %parallel_loop3A_392 = tpu.vector_load_idx %arg14[%parallel_loop3A_281, %parallel_loop3A_386] : memref<80x64xi32, #tpu.memory_space<vmem>>[vector<16xi32>, vector<16xi32>], vector<16xi32>,
          %parallel_loop3A_393 = vector.bitcast %parallel_loop3A_392 : vector<16xi32> to vector<32xbf16>
          %parallel_loop3A_394 = tpu.vector_load_idx %arg15[%parallel_loop3A_281, %parallel_loop3A_386] : memref<80x64xi32, #tpu.memory_space<vmem>>[vector<16xi32>, vector<16xi32>], vector<16xi32>,
          %parallel_loop3A_395 = vector.bitcast %parallel_loop3A_394 : vector<16xi32> to vector<32xbf16>
          %parallel_loop3A_396 = arith.mulf %parallel_loop3A_393, %parallel_loop3A_395 : vector<32xbf16>
          %parallel_loop3A_397 = arith.addf %parallel_loop3A_391, %parallel_loop3A_396 : vector<32xbf16>
          %parallel_loop3A_398 = tpu.unpack_subelements %parallel_loop3A_397, 0 {pack_format = #tpu.pack_format<interleaved>} : vector<32xbf16> -> vector<16xf32>
          %parallel_loop3A_399 = tpu.unpack_subelements %parallel_loop3A_397, 1 {pack_format = #tpu.pack_format<interleaved>} : vector<32xbf16> -> vector<16xf32>
          %parallel_loop3A_400 = arith.constant 6 : i32
          %parallel_loop3A_401 = arith.addi %parallel_loop3A_312, %parallel_loop3A_400 : i32
          %parallel_loop3A_402 = vector.broadcast %parallel_loop3A_401 : i32 to vector<16xi32>
          %parallel_loop3A_403 = arith.addi %iota3A, %parallel_loop3A_402 : vector<16xi32>
          %parallel_loop3A_404 = arith.constant 63 : i32
          %parallel_loop3A_405 = vector.broadcast %parallel_loop3A_404 : i32 to vector<16xi32>
          %parallel_loop3A_406 = arith.andi %parallel_loop3A_403, %parallel_loop3A_405 : vector<16xi32>
          %parallel_loop3A_407 = arith.constant 6 : i32
          %parallel_loop3A_408 = arith.addi %parallel_loop3A_312, %parallel_loop3A_407 : i32
          %parallel_loop3A_409 = arith.constant 1 : i32
          %parallel_loop3A_410 = arith.addi %parallel_loop3A_408, %parallel_loop3A_409 : i32
          %parallel_loop3A_411 = vector.broadcast %parallel_loop3A_410 : i32 to vector<16xi32>
          %parallel_loop3A_412 = arith.addi %iota3A, %parallel_loop3A_411 : vector<16xi32>
          %parallel_loop3A_413 = arith.constant 63 : i32
          %parallel_loop3A_414 = vector.broadcast %parallel_loop3A_413 : i32 to vector<16xi32>
          %parallel_loop3A_415 = arith.andi %parallel_loop3A_412, %parallel_loop3A_414 : vector<16xi32>
          %parallel_loop3A_416 = tpu.vector_load_idx %arg14[%parallel_loop3A_281, %parallel_loop3A_406] : memref<80x64xi32, #tpu.memory_space<vmem>>[vector<16xi32>, vector<16xi32>], vector<16xi32>,
          %parallel_loop3A_417 = vector.bitcast %parallel_loop3A_416 : vector<16xi32> to vector<32xbf16>
          %parallel_loop3A_418 = tpu.vector_load_idx %arg15[%parallel_loop3A_281, %parallel_loop3A_406] : memref<80x64xi32, #tpu.memory_space<vmem>>[vector<16xi32>, vector<16xi32>], vector<16xi32>,
          %parallel_loop3A_419 = vector.bitcast %parallel_loop3A_418 : vector<16xi32> to vector<32xbf16>
          %parallel_loop3A_420 = arith.mulf %parallel_loop3A_417, %parallel_loop3A_419 : vector<32xbf16>
          %parallel_loop3A_421 = tpu.vector_load_idx %arg14[%parallel_loop3A_281, %parallel_loop3A_415] : memref<80x64xi32, #tpu.memory_space<vmem>>[vector<16xi32>, vector<16xi32>], vector<16xi32>,
          %parallel_loop3A_422 = vector.bitcast %parallel_loop3A_421 : vector<16xi32> to vector<32xbf16>
          %parallel_loop3A_423 = tpu.vector_load_idx %arg15[%parallel_loop3A_281, %parallel_loop3A_415] : memref<80x64xi32, #tpu.memory_space<vmem>>[vector<16xi32>, vector<16xi32>], vector<16xi32>,
          %parallel_loop3A_424 = vector.bitcast %parallel_loop3A_423 : vector<16xi32> to vector<32xbf16>
          %parallel_loop3A_425 = arith.mulf %parallel_loop3A_422, %parallel_loop3A_424 : vector<32xbf16>
          %parallel_loop3A_426 = arith.addf %parallel_loop3A_420, %parallel_loop3A_425 : vector<32xbf16>
          %parallel_loop3A_427 = tpu.unpack_subelements %parallel_loop3A_426, 0 {pack_format = #tpu.pack_format<interleaved>} : vector<32xbf16> -> vector<16xf32>
          %parallel_loop3A_428 = tpu.unpack_subelements %parallel_loop3A_426, 1 {pack_format = #tpu.pack_format<interleaved>} : vector<32xbf16> -> vector<16xf32>
          %parallel_loop3A_429 = arith.addf %parallel_loop3A_307, %parallel_loop3A_340 : vector<16xf32>
          %parallel_loop3A_430 = arith.addf %parallel_loop3A_308, %parallel_loop3A_341 : vector<16xf32>
          %parallel_loop3A_431 = arith.addf %parallel_loop3A_309, %parallel_loop3A_369 : vector<16xf32>
          %parallel_loop3A_432 = arith.addf %parallel_loop3A_310, %parallel_loop3A_370 : vector<16xf32>
          %parallel_loop3A_433 = arith.addf %parallel_loop3A_429, %parallel_loop3A_398 : vector<16xf32>
          %parallel_loop3A_434 = arith.addf %parallel_loop3A_430, %parallel_loop3A_399 : vector<16xf32>
          %parallel_loop3A_435 = arith.addf %parallel_loop3A_431, %parallel_loop3A_427 : vector<16xf32>
          %parallel_loop3A_436 = arith.addf %parallel_loop3A_432, %parallel_loop3A_428 : vector<16xf32>
          scf.yield %parallel_loop3A_433, %parallel_loop3A_434, %parallel_loop3A_435, %parallel_loop3A_436 : vector<16xf32>, vector<16xf32>, vector<16xf32>, vector<16xf32>
        } {sc.loop_unroll_factor = 2 : i64, sc.parallel_access}
        %parallel_loop3A_288 = arith.addf %parallel_loop3A_287#0, %parallel_loop3A_287#1 : vector<16xf32>
        %parallel_loop3A_289 = arith.addf %parallel_loop3A_287#2, %parallel_loop3A_287#3 : vector<16xf32>
        %parallel_loop3A_290 = arith.addf %parallel_loop3A_288, %parallel_loop3A_289 : vector<16xf32>
        %parallel_loop3A_291 = arith.constant 0.000000e+00 : f32
        %parallel_loop3A_292 = vector.broadcast %parallel_loop3A_291 : f32 to vector<16xf32>
        %parallel_loop3A_293 = arith.subf %parallel_loop3A_292, %parallel_loop3A_290 : vector<16xf32>
        %parallel_loop3A_294 = math.exp %parallel_loop3A_293 : vector<16xf32>
        %parallel_loop3A_295 = arith.constant 1.000000e+00 : f32
        %parallel_loop3A_296 = vector.broadcast %parallel_loop3A_295 : f32 to vector<16xf32>
        %parallel_loop3A_297 = arith.addf %parallel_loop3A_296, %parallel_loop3A_294 : vector<16xf32>
        %parallel_loop3A_298 = arith.constant 1.000000e+00 : f32
        %parallel_loop3A_299 = vector.broadcast %parallel_loop3A_298 : f32 to vector<16xf32>
        %parallel_loop3A_300 = arith.divf %parallel_loop3A_299, %parallel_loop3A_297 : vector<16xf32>
        %parallel_loop3A_301 = arith.constant 16 : i32
        %parallel_loop3A_302 = arith.muli %parallel_loop3A_277, %parallel_loop3A_301 : i32
        %parallel_loop3A_303 = arith.addi %mul3A_242, %parallel_loop3A_302 : i32
        %parallel_loop3A_304 = arith.index_cast %parallel_loop3A_303 : i32 to index
        %parallel_loop3A_305 = tpu.vector_load %arg18[%parallel_loop3A_304] {strides = array<i32>} : memref<10000xf32, #tpu.memory_space<vmem>>, vector<16xf32>,
        tpu.vector_store %arg18[%parallel_loop3A_304], %parallel_loop3A_300 {strides = array<i32>} : memref<10000xf32, #tpu.memory_space<vmem>>, vector<16xf32>,
      } {sc.loop_unroll_factor = 1 : i64, sc.parallel_access}
      %add3A_246 = arith.constant 4 : i32
      %add3A_247 = arith.addi %mul3A_122, %add3A_246 : i32
      %mul3A_248 = arith.constant 80 : i32
      %mul3A_249 = arith.muli %add3A_247, %mul3A_248 : i32
      %dma_wait3A_250 = tpu.memref_slice %arg6[%mul3A_249] : memref<10000xi32, #tpu.memory_space<vmem>> -> memref<80xi32, #tpu.memory_space<vmem>>
      %dma_wait3A_251 = arith.constant 0 : i32
      %dma_wait3A_252 = arith.constant 0 : i32
      %dma_wait3A_253 = tpu.memref_slice %arg2[%dma_wait3A_251, %dma_wait3A_252] : memref<10000x64xi32, #tpu.memory_space<hbm>> -> memref<10000x64xi32, #tpu.memory_space<hbm>>
      tpu.wait_indirect_dma semaphore(%arg27 : memref<!tpu.dma_semaphore, #tpu.memory_space<semaphore_mem>>) src(%dma_wait3A_253 : memref<10000x64xi32, #tpu.memory_space<hbm>>) dst(%arg16 : memref<80x64xi32, #tpu.memory_space<vmem>>)
      %dma_wait3A_254 = tpu.memref_slice %arg7[%mul3A_249] : memref<10000xi32, #tpu.memory_space<vmem>> -> memref<80xi32, #tpu.memory_space<vmem>>
      %dma_wait3A_255 = arith.constant 0 : i32
      %dma_wait3A_256 = arith.constant 0 : i32
      %dma_wait3A_257 = tpu.memref_slice %arg2[%dma_wait3A_255, %dma_wait3A_256] : memref<10000x64xi32, #tpu.memory_space<hbm>> -> memref<10000x64xi32, #tpu.memory_space<hbm>>
      tpu.wait_indirect_dma semaphore(%arg28 : memref<!tpu.dma_semaphore, #tpu.memory_space<semaphore_mem>>) src(%dma_wait3A_257 : memref<10000x64xi32, #tpu.memory_space<hbm>>) dst(%arg17 : memref<80x64xi32, #tpu.memory_space<vmem>>)
      %add3A_258 = arith.constant 5 : i32
      %add3A_259 = arith.addi %add3A_247, %add3A_258 : i32
      %sub3A_260 = arith.constant 1 : i32
      %sub3A_261 = arith.subi %add3A_259, %sub3A_260 : i32
      %mul3A_262 = arith.constant 80 : i32
      %mul3A_263 = arith.muli %sub3A_261, %mul3A_262 : i32
      %dma_start3A_264 = tpu.memref_slice %arg6[%mul3A_263] : memref<10000xi32, #tpu.memory_space<vmem>> -> memref<80xi32, #tpu.memory_space<vmem>>
      %dma_start3A_265 = arith.constant 0 : i32
      %dma_start3A_266 = arith.constant 0 : i32
      %dma_start3A_267 = tpu.memref_slice %arg2[%dma_start3A_265, %dma_start3A_266] : memref<10000x64xi32, #tpu.memory_space<hbm>> -> memref<10000x64xi32, #tpu.memory_space<hbm>>
      tpu.enqueue_indirect_dma source(%dma_start3A_267 : memref<10000x64xi32, #tpu.memory_space<hbm>>) target(%arg14 : memref<80x64xi32, #tpu.memory_space<vmem>>) offsets(%dma_start3A_264 : memref<80xi32, #tpu.memory_space<vmem>>) semaphore(%arg25 : memref<!tpu.dma_semaphore, #tpu.memory_space<semaphore_mem>>)
      %dma_start3A_268 = tpu.memref_slice %arg7[%mul3A_263] : memref<10000xi32, #tpu.memory_space<vmem>> -> memref<80xi32, #tpu.memory_space<vmem>>
      %dma_start3A_269 = arith.constant 0 : i32
      %dma_start3A_270 = arith.constant 0 : i32
      %dma_start3A_271 = tpu.memref_slice %arg2[%dma_start3A_269, %dma_start3A_270] : memref<10000x64xi32, #tpu.memory_space<hbm>> -> memref<10000x64xi32, #tpu.memory_space<hbm>>
      tpu.enqueue_indirect_dma source(%dma_start3A_271 : memref<10000x64xi32, #tpu.memory_space<hbm>>) target(%arg15 : memref<80x64xi32, #tpu.memory_space<vmem>>) offsets(%dma_start3A_268 : memref<80xi32, #tpu.memory_space<vmem>>) semaphore(%arg26 : memref<!tpu.dma_semaphore, #tpu.memory_space<semaphore_mem>>)
      %mul3A_272 = arith.constant 80 : i32
      %mul3A_273 = arith.muli %add3A_247, %mul3A_272 : i32
      %parallel_loop3A_274 = arith.constant 0 : i32
      %parallel_loop3A_275 = arith.constant 5 : i32
      %parallel_loop3A_276 = arith.constant 1 : i32
      scf.for %parallel_loop3A_277 = %parallel_loop3A_274 to %parallel_loop3A_275 step %parallel_loop3A_276  : i32 {
        %parallel_loop3A_278 = arith.constant 16 : i32
        %parallel_loop3A_279 = arith.muli %parallel_loop3A_277, %parallel_loop3A_278 : i32
        %parallel_loop3A_280 = vector.broadcast %parallel_loop3A_279 : i32 to vector<16xi32>
        %parallel_loop3A_281 = arith.addi %iota3A, %parallel_loop3A_280 : vector<16xi32>
        %parallel_loop3A_282 = arith.constant 0.000000e+00 : f32
        %parallel_loop3A_283 = vector.broadcast %parallel_loop3A_282 : f32 to vector<16xf32>
        %parallel_loop3A_284 = arith.constant 0 : i32
        %parallel_loop3A_285 = arith.constant 8 : i32
        %parallel_loop3A_286 = arith.constant 1 : i32
        %parallel_loop3A_287:4 = scf.for %parallel_loop3A_306 = %parallel_loop3A_284 to %parallel_loop3A_285 step %parallel_loop3A_286 iter_args(%parallel_loop3A_307 = %parallel_loop3A_283, %parallel_loop3A_308 = %parallel_loop3A_283, %parallel_loop3A_309 = %parallel_loop3A_283, %parallel_loop3A_310 = %parallel_loop3A_283) -> (vector<16xf32>, vector<16xf32>, vector<16xf32>, vector<16xf32>)  : i32 {
          %parallel_loop3A_311 = arith.constant 8 : i32
          %parallel_loop3A_312 = arith.muli %parallel_loop3A_306, %parallel_loop3A_311 : i32
          %parallel_loop3A_313 = arith.constant 0 : i32
          %parallel_loop3A_314 = arith.addi %parallel_loop3A_312, %parallel_loop3A_313 : i32
          %parallel_loop3A_315 = vector.broadcast %parallel_loop3A_314 : i32 to vector<16xi32>
          %parallel_loop3A_316 = arith.addi %iota3A, %parallel_loop3A_315 : vector<16xi32>
          %parallel_loop3A_317 = arith.constant 63 : i32
          %parallel_loop3A_318 = vector.broadcast %parallel_loop3A_317 : i32 to vector<16xi32>
          %parallel_loop3A_319 = arith.andi %parallel_loop3A_316, %parallel_loop3A_318 : vector<16xi32>
          %parallel_loop3A_320 = arith.constant 0 : i32
          %parallel_loop3A_321 = arith.addi %parallel_loop3A_312, %parallel_loop3A_320 : i32
          %parallel_loop3A_322 = arith.constant 1 : i32
          %parallel_loop3A_323 = arith.addi %parallel_loop3A_321, %parallel_loop3A_322 : i32
          %parallel_loop3A_324 = vector.broadcast %parallel_loop3A_323 : i32 to vector<16xi32>
          %parallel_loop3A_325 = arith.addi %iota3A, %parallel_loop3A_324 : vector<16xi32>
          %parallel_loop3A_326 = arith.constant 63 : i32
          %parallel_loop3A_327 = vector.broadcast %parallel_loop3A_326 : i32 to vector<16xi32>
          %parallel_loop3A_328 = arith.andi %parallel_loop3A_325, %parallel_loop3A_327 : vector<16xi32>
          %parallel_loop3A_329 = tpu.vector_load_idx %arg16[%parallel_loop3A_281, %parallel_loop3A_319] : memref<80x64xi32, #tpu.memory_space<vmem>>[vector<16xi32>, vector<16xi32>], vector<16xi32>,
          %parallel_loop3A_330 = vector.bitcast %parallel_loop3A_329 : vector<16xi32> to vector<32xbf16>
          %parallel_loop3A_331 = tpu.vector_load_idx %arg17[%parallel_loop3A_281, %parallel_loop3A_319] : memref<80x64xi32, #tpu.memory_space<vmem>>[vector<16xi32>, vector<16xi32>], vector<16xi32>,
          %parallel_loop3A_332 = vector.bitcast %parallel_loop3A_331 : vector<16xi32> to vector<32xbf16>
          %parallel_loop3A_333 = arith.mulf %parallel_loop3A_330, %parallel_loop3A_332 : vector<32xbf16>
          %parallel_loop3A_334 = tpu.vector_load_idx %arg16[%parallel_loop3A_281, %parallel_loop3A_328] : memref<80x64xi32, #tpu.memory_space<vmem>>[vector<16xi32>, vector<16xi32>], vector<16xi32>,
          %parallel_loop3A_335 = vector.bitcast %parallel_loop3A_334 : vector<16xi32> to vector<32xbf16>
          %parallel_loop3A_336 = tpu.vector_load_idx %arg17[%parallel_loop3A_281, %parallel_loop3A_328] : memref<80x64xi32, #tpu.memory_space<vmem>>[vector<16xi32>, vector<16xi32>], vector<16xi32>,
          %parallel_loop3A_337 = vector.bitcast %parallel_loop3A_336 : vector<16xi32> to vector<32xbf16>
          %parallel_loop3A_338 = arith.mulf %parallel_loop3A_335, %parallel_loop3A_337 : vector<32xbf16>
          %parallel_loop3A_339 = arith.addf %parallel_loop3A_333, %parallel_loop3A_338 : vector<32xbf16>
          %parallel_loop3A_340 = tpu.unpack_subelements %parallel_loop3A_339, 0 {pack_format = #tpu.pack_format<interleaved>} : vector<32xbf16> -> vector<16xf32>
          %parallel_loop3A_341 = tpu.unpack_subelements %parallel_loop3A_339, 1 {pack_format = #tpu.pack_format<interleaved>} : vector<32xbf16> -> vector<16xf32>
          %parallel_loop3A_342 = arith.constant 2 : i32
          %parallel_loop3A_343 = arith.addi %parallel_loop3A_312, %parallel_loop3A_342 : i32
          %parallel_loop3A_344 = vector.broadcast %parallel_loop3A_343 : i32 to vector<16xi32>
          %parallel_loop3A_345 = arith.addi %iota3A, %parallel_loop3A_344 : vector<16xi32>
          %parallel_loop3A_346 = arith.constant 63 : i32
          %parallel_loop3A_347 = vector.broadcast %parallel_loop3A_346 : i32 to vector<16xi32>
          %parallel_loop3A_348 = arith.andi %parallel_loop3A_345, %parallel_loop3A_347 : vector<16xi32>
          %parallel_loop3A_349 = arith.constant 2 : i32
          %parallel_loop3A_350 = arith.addi %parallel_loop3A_312, %parallel_loop3A_349 : i32
          %parallel_loop3A_351 = arith.constant 1 : i32
          %parallel_loop3A_352 = arith.addi %parallel_loop3A_350, %parallel_loop3A_351 : i32
          %parallel_loop3A_353 = vector.broadcast %parallel_loop3A_352 : i32 to vector<16xi32>
          %parallel_loop3A_354 = arith.addi %iota3A, %parallel_loop3A_353 : vector<16xi32>
          %parallel_loop3A_355 = arith.constant 63 : i32
          %parallel_loop3A_356 = vector.broadcast %parallel_loop3A_355 : i32 to vector<16xi32>
          %parallel_loop3A_357 = arith.andi %parallel_loop3A_354, %parallel_loop3A_356 : vector<16xi32>
          %parallel_loop3A_358 = tpu.vector_load_idx %arg16[%parallel_loop3A_281, %parallel_loop3A_348] : memref<80x64xi32, #tpu.memory_space<vmem>>[vector<16xi32>, vector<16xi32>], vector<16xi32>,
          %parallel_loop3A_359 = vector.bitcast %parallel_loop3A_358 : vector<16xi32> to vector<32xbf16>
          %parallel_loop3A_360 = tpu.vector_load_idx %arg17[%parallel_loop3A_281, %parallel_loop3A_348] : memref<80x64xi32, #tpu.memory_space<vmem>>[vector<16xi32>, vector<16xi32>], vector<16xi32>,
          %parallel_loop3A_361 = vector.bitcast %parallel_loop3A_360 : vector<16xi32> to vector<32xbf16>
          %parallel_loop3A_362 = arith.mulf %parallel_loop3A_359, %parallel_loop3A_361 : vector<32xbf16>
          %parallel_loop3A_363 = tpu.vector_load_idx %arg16[%parallel_loop3A_281, %parallel_loop3A_357] : memref<80x64xi32, #tpu.memory_space<vmem>>[vector<16xi32>, vector<16xi32>], vector<16xi32>,
          %parallel_loop3A_364 = vector.bitcast %parallel_loop3A_363 : vector<16xi32> to vector<32xbf16>
          %parallel_loop3A_365 = tpu.vector_load_idx %arg17[%parallel_loop3A_281, %parallel_loop3A_357] : memref<80x64xi32, #tpu.memory_space<vmem>>[vector<16xi32>, vector<16xi32>], vector<16xi32>,
          %parallel_loop3A_366 = vector.bitcast %parallel_loop3A_365 : vector<16xi32> to vector<32xbf16>
          %parallel_loop3A_367 = arith.mulf %parallel_loop3A_364, %parallel_loop3A_366 : vector<32xbf16>
          %parallel_loop3A_368 = arith.addf %parallel_loop3A_362, %parallel_loop3A_367 : vector<32xbf16>
          %parallel_loop3A_369 = tpu.unpack_subelements %parallel_loop3A_368, 0 {pack_format = #tpu.pack_format<interleaved>} : vector<32xbf16> -> vector<16xf32>
          %parallel_loop3A_370 = tpu.unpack_subelements %parallel_loop3A_368, 1 {pack_format = #tpu.pack_format<interleaved>} : vector<32xbf16> -> vector<16xf32>
          %parallel_loop3A_371 = arith.constant 4 : i32
          %parallel_loop3A_372 = arith.addi %parallel_loop3A_312, %parallel_loop3A_371 : i32
          %parallel_loop3A_373 = vector.broadcast %parallel_loop3A_372 : i32 to vector<16xi32>
          %parallel_loop3A_374 = arith.addi %iota3A, %parallel_loop3A_373 : vector<16xi32>
          %parallel_loop3A_375 = arith.constant 63 : i32
          %parallel_loop3A_376 = vector.broadcast %parallel_loop3A_375 : i32 to vector<16xi32>
          %parallel_loop3A_377 = arith.andi %parallel_loop3A_374, %parallel_loop3A_376 : vector<16xi32>
          %parallel_loop3A_378 = arith.constant 4 : i32
          %parallel_loop3A_379 = arith.addi %parallel_loop3A_312, %parallel_loop3A_378 : i32
          %parallel_loop3A_380 = arith.constant 1 : i32
          %parallel_loop3A_381 = arith.addi %parallel_loop3A_379, %parallel_loop3A_380 : i32
          %parallel_loop3A_382 = vector.broadcast %parallel_loop3A_381 : i32 to vector<16xi32>
          %parallel_loop3A_383 = arith.addi %iota3A, %parallel_loop3A_382 : vector<16xi32>
          %parallel_loop3A_384 = arith.constant 63 : i32
          %parallel_loop3A_385 = vector.broadcast %parallel_loop3A_384 : i32 to vector<16xi32>
          %parallel_loop3A_386 = arith.andi %parallel_loop3A_383, %parallel_loop3A_385 : vector<16xi32>
          %parallel_loop3A_387 = tpu.vector_load_idx %arg16[%parallel_loop3A_281, %parallel_loop3A_377] : memref<80x64xi32, #tpu.memory_space<vmem>>[vector<16xi32>, vector<16xi32>], vector<16xi32>,
          %parallel_loop3A_388 = vector.bitcast %parallel_loop3A_387 : vector<16xi32> to vector<32xbf16>
          %parallel_loop3A_389 = tpu.vector_load_idx %arg17[%parallel_loop3A_281, %parallel_loop3A_377] : memref<80x64xi32, #tpu.memory_space<vmem>>[vector<16xi32>, vector<16xi32>], vector<16xi32>,
          %parallel_loop3A_390 = vector.bitcast %parallel_loop3A_389 : vector<16xi32> to vector<32xbf16>
          %parallel_loop3A_391 = arith.mulf %parallel_loop3A_388, %parallel_loop3A_390 : vector<32xbf16>
          %parallel_loop3A_392 = tpu.vector_load_idx %arg16[%parallel_loop3A_281, %parallel_loop3A_386] : memref<80x64xi32, #tpu.memory_space<vmem>>[vector<16xi32>, vector<16xi32>], vector<16xi32>,
          %parallel_loop3A_393 = vector.bitcast %parallel_loop3A_392 : vector<16xi32> to vector<32xbf16>
          %parallel_loop3A_394 = tpu.vector_load_idx %arg17[%parallel_loop3A_281, %parallel_loop3A_386] : memref<80x64xi32, #tpu.memory_space<vmem>>[vector<16xi32>, vector<16xi32>], vector<16xi32>,
          %parallel_loop3A_395 = vector.bitcast %parallel_loop3A_394 : vector<16xi32> to vector<32xbf16>
          %parallel_loop3A_396 = arith.mulf %parallel_loop3A_393, %parallel_loop3A_395 : vector<32xbf16>
          %parallel_loop3A_397 = arith.addf %parallel_loop3A_391, %parallel_loop3A_396 : vector<32xbf16>
          %parallel_loop3A_398 = tpu.unpack_subelements %parallel_loop3A_397, 0 {pack_format = #tpu.pack_format<interleaved>} : vector<32xbf16> -> vector<16xf32>
          %parallel_loop3A_399 = tpu.unpack_subelements %parallel_loop3A_397, 1 {pack_format = #tpu.pack_format<interleaved>} : vector<32xbf16> -> vector<16xf32>
          %parallel_loop3A_400 = arith.constant 6 : i32
          %parallel_loop3A_401 = arith.addi %parallel_loop3A_312, %parallel_loop3A_400 : i32
          %parallel_loop3A_402 = vector.broadcast %parallel_loop3A_401 : i32 to vector<16xi32>
          %parallel_loop3A_403 = arith.addi %iota3A, %parallel_loop3A_402 : vector<16xi32>
          %parallel_loop3A_404 = arith.constant 63 : i32
          %parallel_loop3A_405 = vector.broadcast %parallel_loop3A_404 : i32 to vector<16xi32>
          %parallel_loop3A_406 = arith.andi %parallel_loop3A_403, %parallel_loop3A_405 : vector<16xi32>
          %parallel_loop3A_407 = arith.constant 6 : i32
          %parallel_loop3A_408 = arith.addi %parallel_loop3A_312, %parallel_loop3A_407 : i32
          %parallel_loop3A_409 = arith.constant 1 : i32
          %parallel_loop3A_410 = arith.addi %parallel_loop3A_408, %parallel_loop3A_409 : i32
          %parallel_loop3A_411 = vector.broadcast %parallel_loop3A_410 : i32 to vector<16xi32>
          %parallel_loop3A_412 = arith.addi %iota3A, %parallel_loop3A_411 : vector<16xi32>
          %parallel_loop3A_413 = arith.constant 63 : i32
          %parallel_loop3A_414 = vector.broadcast %parallel_loop3A_413 : i32 to vector<16xi32>
          %parallel_loop3A_415 = arith.andi %parallel_loop3A_412, %parallel_loop3A_414 : vector<16xi32>
          %parallel_loop3A_416 = tpu.vector_load_idx %arg16[%parallel_loop3A_281, %parallel_loop3A_406] : memref<80x64xi32, #tpu.memory_space<vmem>>[vector<16xi32>, vector<16xi32>], vector<16xi32>,
          %parallel_loop3A_417 = vector.bitcast %parallel_loop3A_416 : vector<16xi32> to vector<32xbf16>
          %parallel_loop3A_418 = tpu.vector_load_idx %arg17[%parallel_loop3A_281, %parallel_loop3A_406] : memref<80x64xi32, #tpu.memory_space<vmem>>[vector<16xi32>, vector<16xi32>], vector<16xi32>,
          %parallel_loop3A_419 = vector.bitcast %parallel_loop3A_418 : vector<16xi32> to vector<32xbf16>
          %parallel_loop3A_420 = arith.mulf %parallel_loop3A_417, %parallel_loop3A_419 : vector<32xbf16>
          %parallel_loop3A_421 = tpu.vector_load_idx %arg16[%parallel_loop3A_281, %parallel_loop3A_415] : memref<80x64xi32, #tpu.memory_space<vmem>>[vector<16xi32>, vector<16xi32>], vector<16xi32>,
          %parallel_loop3A_422 = vector.bitcast %parallel_loop3A_421 : vector<16xi32> to vector<32xbf16>
          %parallel_loop3A_423 = tpu.vector_load_idx %arg17[%parallel_loop3A_281, %parallel_loop3A_415] : memref<80x64xi32, #tpu.memory_space<vmem>>[vector<16xi32>, vector<16xi32>], vector<16xi32>,
          %parallel_loop3A_424 = vector.bitcast %parallel_loop3A_423 : vector<16xi32> to vector<32xbf16>
          %parallel_loop3A_425 = arith.mulf %parallel_loop3A_422, %parallel_loop3A_424 : vector<32xbf16>
          %parallel_loop3A_426 = arith.addf %parallel_loop3A_420, %parallel_loop3A_425 : vector<32xbf16>
          %parallel_loop3A_427 = tpu.unpack_subelements %parallel_loop3A_426, 0 {pack_format = #tpu.pack_format<interleaved>} : vector<32xbf16> -> vector<16xf32>
          %parallel_loop3A_428 = tpu.unpack_subelements %parallel_loop3A_426, 1 {pack_format = #tpu.pack_format<interleaved>} : vector<32xbf16> -> vector<16xf32>
          %parallel_loop3A_429 = arith.addf %parallel_loop3A_307, %parallel_loop3A_340 : vector<16xf32>
          %parallel_loop3A_430 = arith.addf %parallel_loop3A_308, %parallel_loop3A_341 : vector<16xf32>
          %parallel_loop3A_431 = arith.addf %parallel_loop3A_309, %parallel_loop3A_369 : vector<16xf32>
          %parallel_loop3A_432 = arith.addf %parallel_loop3A_310, %parallel_loop3A_370 : vector<16xf32>
          %parallel_loop3A_433 = arith.addf %parallel_loop3A_429, %parallel_loop3A_398 : vector<16xf32>
          %parallel_loop3A_434 = arith.addf %parallel_loop3A_430, %parallel_loop3A_399 : vector<16xf32>
          %parallel_loop3A_435 = arith.addf %parallel_loop3A_431, %parallel_loop3A_427 : vector<16xf32>
          %parallel_loop3A_436 = arith.addf %parallel_loop3A_432, %parallel_loop3A_428 : vector<16xf32>
          scf.yield %parallel_loop3A_433, %parallel_loop3A_434, %parallel_loop3A_435, %parallel_loop3A_436 : vector<16xf32>, vector<16xf32>, vector<16xf32>, vector<16xf32>
        } {sc.loop_unroll_factor = 2 : i64, sc.parallel_access}
        %parallel_loop3A_288 = arith.addf %parallel_loop3A_287#0, %parallel_loop3A_287#1 : vector<16xf32>
        %parallel_loop3A_289 = arith.addf %parallel_loop3A_287#2, %parallel_loop3A_287#3 : vector<16xf32>
        %parallel_loop3A_290 = arith.addf %parallel_loop3A_288, %parallel_loop3A_289 : vector<16xf32>
        %parallel_loop3A_291 = arith.constant 0.000000e+00 : f32
        %parallel_loop3A_292 = vector.broadcast %parallel_loop3A_291 : f32 to vector<16xf32>
        %parallel_loop3A_293 = arith.subf %parallel_loop3A_292, %parallel_loop3A_290 : vector<16xf32>
        %parallel_loop3A_294 = math.exp %parallel_loop3A_293 : vector<16xf32>
        %parallel_loop3A_295 = arith.constant 1.000000e+00 : f32
        %parallel_loop3A_296 = vector.broadcast %parallel_loop3A_295 : f32 to vector<16xf32>
        %parallel_loop3A_297 = arith.addf %parallel_loop3A_296, %parallel_loop3A_294 : vector<16xf32>
        %parallel_loop3A_298 = arith.constant 1.000000e+00 : f32
        %parallel_loop3A_299 = vector.broadcast %parallel_loop3A_298 : f32 to vector<16xf32>
        %parallel_loop3A_300 = arith.divf %parallel_loop3A_299, %parallel_loop3A_297 : vector<16xf32>
        %parallel_loop3A_301 = arith.constant 16 : i32
        %parallel_loop3A_302 = arith.muli %parallel_loop3A_277, %parallel_loop3A_301 : i32
        %parallel_loop3A_303 = arith.addi %mul3A_273, %parallel_loop3A_302 : i32
        %parallel_loop3A_304 = arith.index_cast %parallel_loop3A_303 : i32 to index
        %parallel_loop3A_305 = tpu.vector_load %arg18[%parallel_loop3A_304] {strides = array<i32>} : memref<10000xf32, #tpu.memory_space<vmem>>, vector<16xf32>,
        tpu.vector_store %arg18[%parallel_loop3A_304], %parallel_loop3A_300 {strides = array<i32>} : memref<10000xf32, #tpu.memory_space<vmem>>, vector<16xf32>,
      } {sc.loop_unroll_factor = 1 : i64, sc.parallel_access}
    }
    %scan3A_46 = arith.constant 24 : i32
    %dma_wait3A = arith.constant 9600 : i32
    %dma_wait3A_47 = tpu.memref_slice %arg6[%dma_wait3A] : memref<10000xi32, #tpu.memory_space<vmem>> -> memref<80xi32, #tpu.memory_space<vmem>>
    %dma_wait3A_48 = arith.constant 0 : i32
    %dma_wait3A_49 = arith.constant 0 : i32
    %dma_wait3A_50 = tpu.memref_slice %arg2[%dma_wait3A_48, %dma_wait3A_49] : memref<10000x64xi32, #tpu.memory_space<hbm>> -> memref<10000x64xi32, #tpu.memory_space<hbm>>
    tpu.wait_indirect_dma semaphore(%arg19 : memref<!tpu.dma_semaphore, #tpu.memory_space<semaphore_mem>>) src(%dma_wait3A_50 : memref<10000x64xi32, #tpu.memory_space<hbm>>) dst(%arg8 : memref<80x64xi32, #tpu.memory_space<vmem>>)
    %dma_wait3A_51 = arith.constant 9600 : i32
    %dma_wait3A_52 = tpu.memref_slice %arg7[%dma_wait3A_51] : memref<10000xi32, #tpu.memory_space<vmem>> -> memref<80xi32, #tpu.memory_space<vmem>>
    %dma_wait3A_53 = arith.constant 0 : i32
    %dma_wait3A_54 = arith.constant 0 : i32
    %dma_wait3A_55 = tpu.memref_slice %arg2[%dma_wait3A_53, %dma_wait3A_54] : memref<10000x64xi32, #tpu.memory_space<hbm>> -> memref<10000x64xi32, #tpu.memory_space<hbm>>
    tpu.wait_indirect_dma semaphore(%arg20 : memref<!tpu.dma_semaphore, #tpu.memory_space<semaphore_mem>>) src(%dma_wait3A_55 : memref<10000x64xi32, #tpu.memory_space<hbm>>) dst(%arg9 : memref<80x64xi32, #tpu.memory_space<vmem>>)
    %dma_start3A_56 = arith.constant 9920 : i32
    %dma_start3A_57 = tpu.memref_slice %arg6[%dma_start3A_56] : memref<10000xi32, #tpu.memory_space<vmem>> -> memref<80xi32, #tpu.memory_space<vmem>>
    %dma_start3A_58 = arith.constant 0 : i32
    %dma_start3A_59 = arith.constant 0 : i32
    %dma_start3A_60 = tpu.memref_slice %arg2[%dma_start3A_58, %dma_start3A_59] : memref<10000x64xi32, #tpu.memory_space<hbm>> -> memref<10000x64xi32, #tpu.memory_space<hbm>>
    tpu.enqueue_indirect_dma source(%dma_start3A_60 : memref<10000x64xi32, #tpu.memory_space<hbm>>) target(%arg16 : memref<80x64xi32, #tpu.memory_space<vmem>>) offsets(%dma_start3A_57 : memref<80xi32, #tpu.memory_space<vmem>>) semaphore(%arg27 : memref<!tpu.dma_semaphore, #tpu.memory_space<semaphore_mem>>)
    %dma_start3A_61 = arith.constant 9920 : i32
    %dma_start3A_62 = tpu.memref_slice %arg7[%dma_start3A_61] : memref<10000xi32, #tpu.memory_space<vmem>> -> memref<80xi32, #tpu.memory_space<vmem>>
    %dma_start3A_63 = arith.constant 0 : i32
    %dma_start3A_64 = arith.constant 0 : i32
    %dma_start3A_65 = tpu.memref_slice %arg2[%dma_start3A_63, %dma_start3A_64] : memref<10000x64xi32, #tpu.memory_space<hbm>> -> memref<10000x64xi32, #tpu.memory_space<hbm>>
    tpu.enqueue_indirect_dma source(%dma_start3A_65 : memref<10000x64xi32, #tpu.memory_space<hbm>>) target(%arg17 : memref<80x64xi32, #tpu.memory_space<vmem>>) offsets(%dma_start3A_62 : memref<80xi32, #tpu.memory_space<vmem>>) semaphore(%arg28 : memref<!tpu.dma_semaphore, #tpu.memory_space<semaphore_mem>>)
    %parallel_loop3A = arith.constant 0 : i32
    %parallel_loop3A_66 = arith.constant 5 : i32
    %parallel_loop3A_67 = arith.constant 1 : i32
    scf.for %parallel_loop3A_120 = %parallel_loop3A to %parallel_loop3A_66 step %parallel_loop3A_67  : i32 {
      %parallel_loop3A_121 = arith.constant 16 : i32
      %parallel_loop3A_122 = arith.muli %parallel_loop3A_120, %parallel_loop3A_121 : i32
      %parallel_loop3A_123 = vector.broadcast %parallel_loop3A_122 : i32 to vector<16xi32>
      %parallel_loop3A_124 = arith.addi %iota3A, %parallel_loop3A_123 : vector<16xi32>
      %parallel_loop3A_125 = arith.constant 0.000000e+00 : f32
      %parallel_loop3A_126 = vector.broadcast %parallel_loop3A_125 : f32 to vector<16xf32>
      %parallel_loop3A_127 = arith.constant 0 : i32
      %parallel_loop3A_128 = arith.constant 8 : i32
      %parallel_loop3A_129 = arith.constant 1 : i32
      %parallel_loop3A_130:4 = scf.for %parallel_loop3A_150 = %parallel_loop3A_127 to %parallel_loop3A_128 step %parallel_loop3A_129 iter_args(%parallel_loop3A_151 = %parallel_loop3A_126, %parallel_loop3A_152 = %parallel_loop3A_126, %parallel_loop3A_153 = %parallel_loop3A_126, %parallel_loop3A_154 = %parallel_loop3A_126) -> (vector<16xf32>, vector<16xf32>, vector<16xf32>, vector<16xf32>)  : i32 {
        %parallel_loop3A_155 = arith.constant 8 : i32
        %parallel_loop3A_156 = arith.muli %parallel_loop3A_150, %parallel_loop3A_155 : i32
        %parallel_loop3A_157 = arith.constant 0 : i32
        %parallel_loop3A_158 = arith.addi %parallel_loop3A_156, %parallel_loop3A_157 : i32
        %parallel_loop3A_159 = vector.broadcast %parallel_loop3A_158 : i32 to vector<16xi32>
        %parallel_loop3A_160 = arith.addi %iota3A, %parallel_loop3A_159 : vector<16xi32>
        %parallel_loop3A_161 = arith.constant 63 : i32
        %parallel_loop3A_162 = vector.broadcast %parallel_loop3A_161 : i32 to vector<16xi32>
        %parallel_loop3A_163 = arith.andi %parallel_loop3A_160, %parallel_loop3A_162 : vector<16xi32>
        %parallel_loop3A_164 = arith.constant 0 : i32
        %parallel_loop3A_165 = arith.addi %parallel_loop3A_156, %parallel_loop3A_164 : i32
        %parallel_loop3A_166 = arith.constant 1 : i32
        %parallel_loop3A_167 = arith.addi %parallel_loop3A_165, %parallel_loop3A_166 : i32
        %parallel_loop3A_168 = vector.broadcast %parallel_loop3A_167 : i32 to vector<16xi32>
        %parallel_loop3A_169 = arith.addi %iota3A, %parallel_loop3A_168 : vector<16xi32>
        %parallel_loop3A_170 = arith.constant 63 : i32
        %parallel_loop3A_171 = vector.broadcast %parallel_loop3A_170 : i32 to vector<16xi32>
        %parallel_loop3A_172 = arith.andi %parallel_loop3A_169, %parallel_loop3A_171 : vector<16xi32>
        %parallel_loop3A_173 = tpu.vector_load_idx %arg8[%parallel_loop3A_124, %parallel_loop3A_163] : memref<80x64xi32, #tpu.memory_space<vmem>>[vector<16xi32>, vector<16xi32>], vector<16xi32>,
        %parallel_loop3A_174 = vector.bitcast %parallel_loop3A_173 : vector<16xi32> to vector<32xbf16>
        %parallel_loop3A_175 = tpu.vector_load_idx %arg9[%parallel_loop3A_124, %parallel_loop3A_163] : memref<80x64xi32, #tpu.memory_space<vmem>>[vector<16xi32>, vector<16xi32>], vector<16xi32>,
        %parallel_loop3A_176 = vector.bitcast %parallel_loop3A_175 : vector<16xi32> to vector<32xbf16>
        %parallel_loop3A_177 = arith.mulf %parallel_loop3A_174, %parallel_loop3A_176 : vector<32xbf16>
        %parallel_loop3A_178 = tpu.vector_load_idx %arg8[%parallel_loop3A_124, %parallel_loop3A_172] : memref<80x64xi32, #tpu.memory_space<vmem>>[vector<16xi32>, vector<16xi32>], vector<16xi32>,
        %parallel_loop3A_179 = vector.bitcast %parallel_loop3A_178 : vector<16xi32> to vector<32xbf16>
        %parallel_loop3A_180 = tpu.vector_load_idx %arg9[%parallel_loop3A_124, %parallel_loop3A_172] : memref<80x64xi32, #tpu.memory_space<vmem>>[vector<16xi32>, vector<16xi32>], vector<16xi32>,
        %parallel_loop3A_181 = vector.bitcast %parallel_loop3A_180 : vector<16xi32> to vector<32xbf16>
        %parallel_loop3A_182 = arith.mulf %parallel_loop3A_179, %parallel_loop3A_181 : vector<32xbf16>
        %parallel_loop3A_183 = arith.addf %parallel_loop3A_177, %parallel_loop3A_182 : vector<32xbf16>
        %parallel_loop3A_184 = tpu.unpack_subelements %parallel_loop3A_183, 0 {pack_format = #tpu.pack_format<interleaved>} : vector<32xbf16> -> vector<16xf32>
        %parallel_loop3A_185 = tpu.unpack_subelements %parallel_loop3A_183, 1 {pack_format = #tpu.pack_format<interleaved>} : vector<32xbf16> -> vector<16xf32>
        %parallel_loop3A_186 = arith.constant 2 : i32
        %parallel_loop3A_187 = arith.addi %parallel_loop3A_156, %parallel_loop3A_186 : i32
        %parallel_loop3A_188 = vector.broadcast %parallel_loop3A_187 : i32 to vector<16xi32>
        %parallel_loop3A_189 = arith.addi %iota3A, %parallel_loop3A_188 : vector<16xi32>
        %parallel_loop3A_190 = arith.constant 63 : i32
        %parallel_loop3A_191 = vector.broadcast %parallel_loop3A_190 : i32 to vector<16xi32>
        %parallel_loop3A_192 = arith.andi %parallel_loop3A_189, %parallel_loop3A_191 : vector<16xi32>
        %parallel_loop3A_193 = arith.constant 2 : i32
        %parallel_loop3A_194 = arith.addi %parallel_loop3A_156, %parallel_loop3A_193 : i32
        %parallel_loop3A_195 = arith.constant 1 : i32
        %parallel_loop3A_196 = arith.addi %parallel_loop3A_194, %parallel_loop3A_195 : i32
        %parallel_loop3A_197 = vector.broadcast %parallel_loop3A_196 : i32 to vector<16xi32>
        %parallel_loop3A_198 = arith.addi %iota3A, %parallel_loop3A_197 : vector<16xi32>
        %parallel_loop3A_199 = arith.constant 63 : i32
        %parallel_loop3A_200 = vector.broadcast %parallel_loop3A_199 : i32 to vector<16xi32>
        %parallel_loop3A_201 = arith.andi %parallel_loop3A_198, %parallel_loop3A_200 : vector<16xi32>
        %parallel_loop3A_202 = tpu.vector_load_idx %arg8[%parallel_loop3A_124, %parallel_loop3A_192] : memref<80x64xi32, #tpu.memory_space<vmem>>[vector<16xi32>, vector<16xi32>], vector<16xi32>,
        %parallel_loop3A_203 = vector.bitcast %parallel_loop3A_202 : vector<16xi32> to vector<32xbf16>
        %parallel_loop3A_204 = tpu.vector_load_idx %arg9[%parallel_loop3A_124, %parallel_loop3A_192] : memref<80x64xi32, #tpu.memory_space<vmem>>[vector<16xi32>, vector<16xi32>], vector<16xi32>,
        %parallel_loop3A_205 = vector.bitcast %parallel_loop3A_204 : vector<16xi32> to vector<32xbf16>
        %parallel_loop3A_206 = arith.mulf %parallel_loop3A_203, %parallel_loop3A_205 : vector<32xbf16>
        %parallel_loop3A_207 = tpu.vector_load_idx %arg8[%parallel_loop3A_124, %parallel_loop3A_201] : memref<80x64xi32, #tpu.memory_space<vmem>>[vector<16xi32>, vector<16xi32>], vector<16xi32>,
        %parallel_loop3A_208 = vector.bitcast %parallel_loop3A_207 : vector<16xi32> to vector<32xbf16>
        %parallel_loop3A_209 = tpu.vector_load_idx %arg9[%parallel_loop3A_124, %parallel_loop3A_201] : memref<80x64xi32, #tpu.memory_space<vmem>>[vector<16xi32>, vector<16xi32>], vector<16xi32>,
        %parallel_loop3A_210 = vector.bitcast %parallel_loop3A_209 : vector<16xi32> to vector<32xbf16>
        %parallel_loop3A_211 = arith.mulf %parallel_loop3A_208, %parallel_loop3A_210 : vector<32xbf16>
        %parallel_loop3A_212 = arith.addf %parallel_loop3A_206, %parallel_loop3A_211 : vector<32xbf16>
        %parallel_loop3A_213 = tpu.unpack_subelements %parallel_loop3A_212, 0 {pack_format = #tpu.pack_format<interleaved>} : vector<32xbf16> -> vector<16xf32>
        %parallel_loop3A_214 = tpu.unpack_subelements %parallel_loop3A_212, 1 {pack_format = #tpu.pack_format<interleaved>} : vector<32xbf16> -> vector<16xf32>
        %parallel_loop3A_215 = arith.constant 4 : i32
        %parallel_loop3A_216 = arith.addi %parallel_loop3A_156, %parallel_loop3A_215 : i32
        %parallel_loop3A_217 = vector.broadcast %parallel_loop3A_216 : i32 to vector<16xi32>
        %parallel_loop3A_218 = arith.addi %iota3A, %parallel_loop3A_217 : vector<16xi32>
        %parallel_loop3A_219 = arith.constant 63 : i32
        %parallel_loop3A_220 = vector.broadcast %parallel_loop3A_219 : i32 to vector<16xi32>
        %parallel_loop3A_221 = arith.andi %parallel_loop3A_218, %parallel_loop3A_220 : vector<16xi32>
        %parallel_loop3A_222 = arith.constant 4 : i32
        %parallel_loop3A_223 = arith.addi %parallel_loop3A_156, %parallel_loop3A_222 : i32
        %parallel_loop3A_224 = arith.constant 1 : i32
        %parallel_loop3A_225 = arith.addi %parallel_loop3A_223, %parallel_loop3A_224 : i32
        %parallel_loop3A_226 = vector.broadcast %parallel_loop3A_225 : i32 to vector<16xi32>
        %parallel_loop3A_227 = arith.addi %iota3A, %parallel_loop3A_226 : vector<16xi32>
        %parallel_loop3A_228 = arith.constant 63 : i32
        %parallel_loop3A_229 = vector.broadcast %parallel_loop3A_228 : i32 to vector<16xi32>
        %parallel_loop3A_230 = arith.andi %parallel_loop3A_227, %parallel_loop3A_229 : vector<16xi32>
        %parallel_loop3A_231 = tpu.vector_load_idx %arg8[%parallel_loop3A_124, %parallel_loop3A_221] : memref<80x64xi32, #tpu.memory_space<vmem>>[vector<16xi32>, vector<16xi32>], vector<16xi32>,
        %parallel_loop3A_232 = vector.bitcast %parallel_loop3A_231 : vector<16xi32> to vector<32xbf16>
        %parallel_loop3A_233 = tpu.vector_load_idx %arg9[%parallel_loop3A_124, %parallel_loop3A_221] : memref<80x64xi32, #tpu.memory_space<vmem>>[vector<16xi32>, vector<16xi32>], vector<16xi32>,
        %parallel_loop3A_234 = vector.bitcast %parallel_loop3A_233 : vector<16xi32> to vector<32xbf16>
        %parallel_loop3A_235 = arith.mulf %parallel_loop3A_232, %parallel_loop3A_234 : vector<32xbf16>
        %parallel_loop3A_236 = tpu.vector_load_idx %arg8[%parallel_loop3A_124, %parallel_loop3A_230] : memref<80x64xi32, #tpu.memory_space<vmem>>[vector<16xi32>, vector<16xi32>], vector<16xi32>,
        %parallel_loop3A_237 = vector.bitcast %parallel_loop3A_236 : vector<16xi32> to vector<32xbf16>
        %parallel_loop3A_238 = tpu.vector_load_idx %arg9[%parallel_loop3A_124, %parallel_loop3A_230] : memref<80x64xi32, #tpu.memory_space<vmem>>[vector<16xi32>, vector<16xi32>], vector<16xi32>,
        %parallel_loop3A_239 = vector.bitcast %parallel_loop3A_238 : vector<16xi32> to vector<32xbf16>
        %parallel_loop3A_240 = arith.mulf %parallel_loop3A_237, %parallel_loop3A_239 : vector<32xbf16>
        %parallel_loop3A_241 = arith.addf %parallel_loop3A_235, %parallel_loop3A_240 : vector<32xbf16>
        %parallel_loop3A_242 = tpu.unpack_subelements %parallel_loop3A_241, 0 {pack_format = #tpu.pack_format<interleaved>} : vector<32xbf16> -> vector<16xf32>
        %parallel_loop3A_243 = tpu.unpack_subelements %parallel_loop3A_241, 1 {pack_format = #tpu.pack_format<interleaved>} : vector<32xbf16> -> vector<16xf32>
        %parallel_loop3A_244 = arith.constant 6 : i32
        %parallel_loop3A_245 = arith.addi %parallel_loop3A_156, %parallel_loop3A_244 : i32
        %parallel_loop3A_246 = vector.broadcast %parallel_loop3A_245 : i32 to vector<16xi32>
        %parallel_loop3A_247 = arith.addi %iota3A, %parallel_loop3A_246 : vector<16xi32>
        %parallel_loop3A_248 = arith.constant 63 : i32
        %parallel_loop3A_249 = vector.broadcast %parallel_loop3A_248 : i32 to vector<16xi32>
        %parallel_loop3A_250 = arith.andi %parallel_loop3A_247, %parallel_loop3A_249 : vector<16xi32>
        %parallel_loop3A_251 = arith.constant 6 : i32
        %parallel_loop3A_252 = arith.addi %parallel_loop3A_156, %parallel_loop3A_251 : i32
        %parallel_loop3A_253 = arith.constant 1 : i32
        %parallel_loop3A_254 = arith.addi %parallel_loop3A_252, %parallel_loop3A_253 : i32
        %parallel_loop3A_255 = vector.broadcast %parallel_loop3A_254 : i32 to vector<16xi32>
        %parallel_loop3A_256 = arith.addi %iota3A, %parallel_loop3A_255 : vector<16xi32>
        %parallel_loop3A_257 = arith.constant 63 : i32
        %parallel_loop3A_258 = vector.broadcast %parallel_loop3A_257 : i32 to vector<16xi32>
        %parallel_loop3A_259 = arith.andi %parallel_loop3A_256, %parallel_loop3A_258 : vector<16xi32>
        %parallel_loop3A_260 = tpu.vector_load_idx %arg8[%parallel_loop3A_124, %parallel_loop3A_250] : memref<80x64xi32, #tpu.memory_space<vmem>>[vector<16xi32>, vector<16xi32>], vector<16xi32>,
        %parallel_loop3A_261 = vector.bitcast %parallel_loop3A_260 : vector<16xi32> to vector<32xbf16>
        %parallel_loop3A_262 = tpu.vector_load_idx %arg9[%parallel_loop3A_124, %parallel_loop3A_250] : memref<80x64xi32, #tpu.memory_space<vmem>>[vector<16xi32>, vector<16xi32>], vector<16xi32>,
        %parallel_loop3A_263 = vector.bitcast %parallel_loop3A_262 : vector<16xi32> to vector<32xbf16>
        %parallel_loop3A_264 = arith.mulf %parallel_loop3A_261, %parallel_loop3A_263 : vector<32xbf16>
        %parallel_loop3A_265 = tpu.vector_load_idx %arg8[%parallel_loop3A_124, %parallel_loop3A_259] : memref<80x64xi32, #tpu.memory_space<vmem>>[vector<16xi32>, vector<16xi32>], vector<16xi32>,
        %parallel_loop3A_266 = vector.bitcast %parallel_loop3A_265 : vector<16xi32> to vector<32xbf16>
        %parallel_loop3A_267 = tpu.vector_load_idx %arg9[%parallel_loop3A_124, %parallel_loop3A_259] : memref<80x64xi32, #tpu.memory_space<vmem>>[vector<16xi32>, vector<16xi32>], vector<16xi32>,
        %parallel_loop3A_268 = vector.bitcast %parallel_loop3A_267 : vector<16xi32> to vector<32xbf16>
        %parallel_loop3A_269 = arith.mulf %parallel_loop3A_266, %parallel_loop3A_268 : vector<32xbf16>
        %parallel_loop3A_270 = arith.addf %parallel_loop3A_264, %parallel_loop3A_269 : vector<32xbf16>
        %parallel_loop3A_271 = tpu.unpack_subelements %parallel_loop3A_270, 0 {pack_format = #tpu.pack_format<interleaved>} : vector<32xbf16> -> vector<16xf32>
        %parallel_loop3A_272 = tpu.unpack_subelements %parallel_loop3A_270, 1 {pack_format = #tpu.pack_format<interleaved>} : vector<32xbf16> -> vector<16xf32>
        %parallel_loop3A_273 = arith.addf %parallel_loop3A_151, %parallel_loop3A_184 : vector<16xf32>
        %parallel_loop3A_274 = arith.addf %parallel_loop3A_152, %parallel_loop3A_185 : vector<16xf32>
        %parallel_loop3A_275 = arith.addf %parallel_loop3A_153, %parallel_loop3A_213 : vector<16xf32>
        %parallel_loop3A_276 = arith.addf %parallel_loop3A_154, %parallel_loop3A_214 : vector<16xf32>
        %parallel_loop3A_277 = arith.addf %parallel_loop3A_273, %parallel_loop3A_242 : vector<16xf32>
        %parallel_loop3A_278 = arith.addf %parallel_loop3A_274, %parallel_loop3A_243 : vector<16xf32>
        %parallel_loop3A_279 = arith.addf %parallel_loop3A_275, %parallel_loop3A_271 : vector<16xf32>
        %parallel_loop3A_280 = arith.addf %parallel_loop3A_276, %parallel_loop3A_272 : vector<16xf32>
        scf.yield %parallel_loop3A_277, %parallel_loop3A_278, %parallel_loop3A_279, %parallel_loop3A_280 : vector<16xf32>, vector<16xf32>, vector<16xf32>, vector<16xf32>
      } {sc.loop_unroll_factor = 2 : i64, sc.parallel_access}
      %parallel_loop3A_131 = arith.addf %parallel_loop3A_130#0, %parallel_loop3A_130#1 : vector<16xf32>
      %parallel_loop3A_132 = arith.addf %parallel_loop3A_130#2, %parallel_loop3A_130#3 : vector<16xf32>
      %parallel_loop3A_133 = arith.addf %parallel_loop3A_131, %parallel_loop3A_132 : vector<16xf32>
      %parallel_loop3A_134 = arith.constant 0.000000e+00 : f32
      %parallel_loop3A_135 = vector.broadcast %parallel_loop3A_134 : f32 to vector<16xf32>
      %parallel_loop3A_136 = arith.subf %parallel_loop3A_135, %parallel_loop3A_133 : vector<16xf32>
      %parallel_loop3A_137 = math.exp %parallel_loop3A_136 : vector<16xf32>
      %parallel_loop3A_138 = arith.constant 1.000000e+00 : f32
      %parallel_loop3A_139 = vector.broadcast %parallel_loop3A_138 : f32 to vector<16xf32>
      %parallel_loop3A_140 = arith.addf %parallel_loop3A_139, %parallel_loop3A_137 : vector<16xf32>
      %parallel_loop3A_141 = arith.constant 1.000000e+00 : f32
      %parallel_loop3A_142 = vector.broadcast %parallel_loop3A_141 : f32 to vector<16xf32>
      %parallel_loop3A_143 = arith.divf %parallel_loop3A_142, %parallel_loop3A_140 : vector<16xf32>
      %parallel_loop3A_144 = arith.constant 16 : i32
      %parallel_loop3A_145 = arith.muli %parallel_loop3A_120, %parallel_loop3A_144 : i32
      %parallel_loop3A_146 = arith.constant 9600 : i32
      %parallel_loop3A_147 = arith.addi %parallel_loop3A_146, %parallel_loop3A_145 : i32
      %parallel_loop3A_148 = arith.index_cast %parallel_loop3A_147 : i32 to index
      %parallel_loop3A_149 = tpu.vector_load %arg18[%parallel_loop3A_148] {strides = array<i32>} : memref<10000xf32, #tpu.memory_space<vmem>>, vector<16xf32>,
      tpu.vector_store %arg18[%parallel_loop3A_148], %parallel_loop3A_143 {strides = array<i32>} : memref<10000xf32, #tpu.memory_space<vmem>>, vector<16xf32>,
    } {sc.loop_unroll_factor = 1 : i64, sc.parallel_access}
    %dma_wait3A_68 = arith.constant 9680 : i32
    %dma_wait3A_69 = tpu.memref_slice %arg6[%dma_wait3A_68] : memref<10000xi32, #tpu.memory_space<vmem>> -> memref<80xi32, #tpu.memory_space<vmem>>
    %dma_wait3A_70 = arith.constant 0 : i32
    %dma_wait3A_71 = arith.constant 0 : i32
    %dma_wait3A_72 = tpu.memref_slice %arg2[%dma_wait3A_70, %dma_wait3A_71] : memref<10000x64xi32, #tpu.memory_space<hbm>> -> memref<10000x64xi32, #tpu.memory_space<hbm>>
    tpu.wait_indirect_dma semaphore(%arg21 : memref<!tpu.dma_semaphore, #tpu.memory_space<semaphore_mem>>) src(%dma_wait3A_72 : memref<10000x64xi32, #tpu.memory_space<hbm>>) dst(%arg10 : memref<80x64xi32, #tpu.memory_space<vmem>>)
    %dma_wait3A_73 = arith.constant 9680 : i32
    %dma_wait3A_74 = tpu.memref_slice %arg7[%dma_wait3A_73] : memref<10000xi32, #tpu.memory_space<vmem>> -> memref<80xi32, #tpu.memory_space<vmem>>
    %dma_wait3A_75 = arith.constant 0 : i32
    %dma_wait3A_76 = arith.constant 0 : i32
    %dma_wait3A_77 = tpu.memref_slice %arg2[%dma_wait3A_75, %dma_wait3A_76] : memref<10000x64xi32, #tpu.memory_space<hbm>> -> memref<10000x64xi32, #tpu.memory_space<hbm>>
    tpu.wait_indirect_dma semaphore(%arg22 : memref<!tpu.dma_semaphore, #tpu.memory_space<semaphore_mem>>) src(%dma_wait3A_77 : memref<10000x64xi32, #tpu.memory_space<hbm>>) dst(%arg11 : memref<80x64xi32, #tpu.memory_space<vmem>>)
    %parallel_loop3A_78 = arith.constant 0 : i32
    %parallel_loop3A_79 = arith.constant 5 : i32
    %parallel_loop3A_80 = arith.constant 1 : i32
    scf.for %parallel_loop3A_120 = %parallel_loop3A_78 to %parallel_loop3A_79 step %parallel_loop3A_80  : i32 {
      %parallel_loop3A_121 = arith.constant 16 : i32
      %parallel_loop3A_122 = arith.muli %parallel_loop3A_120, %parallel_loop3A_121 : i32
      %parallel_loop3A_123 = vector.broadcast %parallel_loop3A_122 : i32 to vector<16xi32>
      %parallel_loop3A_124 = arith.addi %iota3A, %parallel_loop3A_123 : vector<16xi32>
      %parallel_loop3A_125 = arith.constant 0.000000e+00 : f32
      %parallel_loop3A_126 = vector.broadcast %parallel_loop3A_125 : f32 to vector<16xf32>
      %parallel_loop3A_127 = arith.constant 0 : i32
      %parallel_loop3A_128 = arith.constant 8 : i32
      %parallel_loop3A_129 = arith.constant 1 : i32
      %parallel_loop3A_130:4 = scf.for %parallel_loop3A_150 = %parallel_loop3A_127 to %parallel_loop3A_128 step %parallel_loop3A_129 iter_args(%parallel_loop3A_151 = %parallel_loop3A_126, %parallel_loop3A_152 = %parallel_loop3A_126, %parallel_loop3A_153 = %parallel_loop3A_126, %parallel_loop3A_154 = %parallel_loop3A_126) -> (vector<16xf32>, vector<16xf32>, vector<16xf32>, vector<16xf32>)  : i32 {
        %parallel_loop3A_155 = arith.constant 8 : i32
        %parallel_loop3A_156 = arith.muli %parallel_loop3A_150, %parallel_loop3A_155 : i32
        %parallel_loop3A_157 = arith.constant 0 : i32
        %parallel_loop3A_158 = arith.addi %parallel_loop3A_156, %parallel_loop3A_157 : i32
        %parallel_loop3A_159 = vector.broadcast %parallel_loop3A_158 : i32 to vector<16xi32>
        %parallel_loop3A_160 = arith.addi %iota3A, %parallel_loop3A_159 : vector<16xi32>
        %parallel_loop3A_161 = arith.constant 63 : i32
        %parallel_loop3A_162 = vector.broadcast %parallel_loop3A_161 : i32 to vector<16xi32>
        %parallel_loop3A_163 = arith.andi %parallel_loop3A_160, %parallel_loop3A_162 : vector<16xi32>
        %parallel_loop3A_164 = arith.constant 0 : i32
        %parallel_loop3A_165 = arith.addi %parallel_loop3A_156, %parallel_loop3A_164 : i32
        %parallel_loop3A_166 = arith.constant 1 : i32
        %parallel_loop3A_167 = arith.addi %parallel_loop3A_165, %parallel_loop3A_166 : i32
        %parallel_loop3A_168 = vector.broadcast %parallel_loop3A_167 : i32 to vector<16xi32>
        %parallel_loop3A_169 = arith.addi %iota3A, %parallel_loop3A_168 : vector<16xi32>
        %parallel_loop3A_170 = arith.constant 63 : i32
        %parallel_loop3A_171 = vector.broadcast %parallel_loop3A_170 : i32 to vector<16xi32>
        %parallel_loop3A_172 = arith.andi %parallel_loop3A_169, %parallel_loop3A_171 : vector<16xi32>
        %parallel_loop3A_173 = tpu.vector_load_idx %arg10[%parallel_loop3A_124, %parallel_loop3A_163] : memref<80x64xi32, #tpu.memory_space<vmem>>[vector<16xi32>, vector<16xi32>], vector<16xi32>,
        %parallel_loop3A_174 = vector.bitcast %parallel_loop3A_173 : vector<16xi32> to vector<32xbf16>
        %parallel_loop3A_175 = tpu.vector_load_idx %arg11[%parallel_loop3A_124, %parallel_loop3A_163] : memref<80x64xi32, #tpu.memory_space<vmem>>[vector<16xi32>, vector<16xi32>], vector<16xi32>,
        %parallel_loop3A_176 = vector.bitcast %parallel_loop3A_175 : vector<16xi32> to vector<32xbf16>
        %parallel_loop3A_177 = arith.mulf %parallel_loop3A_174, %parallel_loop3A_176 : vector<32xbf16>
        %parallel_loop3A_178 = tpu.vector_load_idx %arg10[%parallel_loop3A_124, %parallel_loop3A_172] : memref<80x64xi32, #tpu.memory_space<vmem>>[vector<16xi32>, vector<16xi32>], vector<16xi32>,
        %parallel_loop3A_179 = vector.bitcast %parallel_loop3A_178 : vector<16xi32> to vector<32xbf16>
        %parallel_loop3A_180 = tpu.vector_load_idx %arg11[%parallel_loop3A_124, %parallel_loop3A_172] : memref<80x64xi32, #tpu.memory_space<vmem>>[vector<16xi32>, vector<16xi32>], vector<16xi32>,
        %parallel_loop3A_181 = vector.bitcast %parallel_loop3A_180 : vector<16xi32> to vector<32xbf16>
        %parallel_loop3A_182 = arith.mulf %parallel_loop3A_179, %parallel_loop3A_181 : vector<32xbf16>
        %parallel_loop3A_183 = arith.addf %parallel_loop3A_177, %parallel_loop3A_182 : vector<32xbf16>
        %parallel_loop3A_184 = tpu.unpack_subelements %parallel_loop3A_183, 0 {pack_format = #tpu.pack_format<interleaved>} : vector<32xbf16> -> vector<16xf32>
        %parallel_loop3A_185 = tpu.unpack_subelements %parallel_loop3A_183, 1 {pack_format = #tpu.pack_format<interleaved>} : vector<32xbf16> -> vector<16xf32>
        %parallel_loop3A_186 = arith.constant 2 : i32
        %parallel_loop3A_187 = arith.addi %parallel_loop3A_156, %parallel_loop3A_186 : i32
        %parallel_loop3A_188 = vector.broadcast %parallel_loop3A_187 : i32 to vector<16xi32>
        %parallel_loop3A_189 = arith.addi %iota3A, %parallel_loop3A_188 : vector<16xi32>
        %parallel_loop3A_190 = arith.constant 63 : i32
        %parallel_loop3A_191 = vector.broadcast %parallel_loop3A_190 : i32 to vector<16xi32>
        %parallel_loop3A_192 = arith.andi %parallel_loop3A_189, %parallel_loop3A_191 : vector<16xi32>
        %parallel_loop3A_193 = arith.constant 2 : i32
        %parallel_loop3A_194 = arith.addi %parallel_loop3A_156, %parallel_loop3A_193 : i32
        %parallel_loop3A_195 = arith.constant 1 : i32
        %parallel_loop3A_196 = arith.addi %parallel_loop3A_194, %parallel_loop3A_195 : i32
        %parallel_loop3A_197 = vector.broadcast %parallel_loop3A_196 : i32 to vector<16xi32>
        %parallel_loop3A_198 = arith.addi %iota3A, %parallel_loop3A_197 : vector<16xi32>
        %parallel_loop3A_199 = arith.constant 63 : i32
        %parallel_loop3A_200 = vector.broadcast %parallel_loop3A_199 : i32 to vector<16xi32>
        %parallel_loop3A_201 = arith.andi %parallel_loop3A_198, %parallel_loop3A_200 : vector<16xi32>
        %parallel_loop3A_202 = tpu.vector_load_idx %arg10[%parallel_loop3A_124, %parallel_loop3A_192] : memref<80x64xi32, #tpu.memory_space<vmem>>[vector<16xi32>, vector<16xi32>], vector<16xi32>,
        %parallel_loop3A_203 = vector.bitcast %parallel_loop3A_202 : vector<16xi32> to vector<32xbf16>
        %parallel_loop3A_204 = tpu.vector_load_idx %arg11[%parallel_loop3A_124, %parallel_loop3A_192] : memref<80x64xi32, #tpu.memory_space<vmem>>[vector<16xi32>, vector<16xi32>], vector<16xi32>,
        %parallel_loop3A_205 = vector.bitcast %parallel_loop3A_204 : vector<16xi32> to vector<32xbf16>
        %parallel_loop3A_206 = arith.mulf %parallel_loop3A_203, %parallel_loop3A_205 : vector<32xbf16>
        %parallel_loop3A_207 = tpu.vector_load_idx %arg10[%parallel_loop3A_124, %parallel_loop3A_201] : memref<80x64xi32, #tpu.memory_space<vmem>>[vector<16xi32>, vector<16xi32>], vector<16xi32>,
        %parallel_loop3A_208 = vector.bitcast %parallel_loop3A_207 : vector<16xi32> to vector<32xbf16>
        %parallel_loop3A_209 = tpu.vector_load_idx %arg11[%parallel_loop3A_124, %parallel_loop3A_201] : memref<80x64xi32, #tpu.memory_space<vmem>>[vector<16xi32>, vector<16xi32>], vector<16xi32>,
        %parallel_loop3A_210 = vector.bitcast %parallel_loop3A_209 : vector<16xi32> to vector<32xbf16>
        %parallel_loop3A_211 = arith.mulf %parallel_loop3A_208, %parallel_loop3A_210 : vector<32xbf16>
        %parallel_loop3A_212 = arith.addf %parallel_loop3A_206, %parallel_loop3A_211 : vector<32xbf16>
        %parallel_loop3A_213 = tpu.unpack_subelements %parallel_loop3A_212, 0 {pack_format = #tpu.pack_format<interleaved>} : vector<32xbf16> -> vector<16xf32>
        %parallel_loop3A_214 = tpu.unpack_subelements %parallel_loop3A_212, 1 {pack_format = #tpu.pack_format<interleaved>} : vector<32xbf16> -> vector<16xf32>
        %parallel_loop3A_215 = arith.constant 4 : i32
        %parallel_loop3A_216 = arith.addi %parallel_loop3A_156, %parallel_loop3A_215 : i32
        %parallel_loop3A_217 = vector.broadcast %parallel_loop3A_216 : i32 to vector<16xi32>
        %parallel_loop3A_218 = arith.addi %iota3A, %parallel_loop3A_217 : vector<16xi32>
        %parallel_loop3A_219 = arith.constant 63 : i32
        %parallel_loop3A_220 = vector.broadcast %parallel_loop3A_219 : i32 to vector<16xi32>
        %parallel_loop3A_221 = arith.andi %parallel_loop3A_218, %parallel_loop3A_220 : vector<16xi32>
        %parallel_loop3A_222 = arith.constant 4 : i32
        %parallel_loop3A_223 = arith.addi %parallel_loop3A_156, %parallel_loop3A_222 : i32
        %parallel_loop3A_224 = arith.constant 1 : i32
        %parallel_loop3A_225 = arith.addi %parallel_loop3A_223, %parallel_loop3A_224 : i32
        %parallel_loop3A_226 = vector.broadcast %parallel_loop3A_225 : i32 to vector<16xi32>
        %parallel_loop3A_227 = arith.addi %iota3A, %parallel_loop3A_226 : vector<16xi32>
        %parallel_loop3A_228 = arith.constant 63 : i32
        %parallel_loop3A_229 = vector.broadcast %parallel_loop3A_228 : i32 to vector<16xi32>
        %parallel_loop3A_230 = arith.andi %parallel_loop3A_227, %parallel_loop3A_229 : vector<16xi32>
        %parallel_loop3A_231 = tpu.vector_load_idx %arg10[%parallel_loop3A_124, %parallel_loop3A_221] : memref<80x64xi32, #tpu.memory_space<vmem>>[vector<16xi32>, vector<16xi32>], vector<16xi32>,
        %parallel_loop3A_232 = vector.bitcast %parallel_loop3A_231 : vector<16xi32> to vector<32xbf16>
        %parallel_loop3A_233 = tpu.vector_load_idx %arg11[%parallel_loop3A_124, %parallel_loop3A_221] : memref<80x64xi32, #tpu.memory_space<vmem>>[vector<16xi32>, vector<16xi32>], vector<16xi32>,
        %parallel_loop3A_234 = vector.bitcast %parallel_loop3A_233 : vector<16xi32> to vector<32xbf16>
        %parallel_loop3A_235 = arith.mulf %parallel_loop3A_232, %parallel_loop3A_234 : vector<32xbf16>
        %parallel_loop3A_236 = tpu.vector_load_idx %arg10[%parallel_loop3A_124, %parallel_loop3A_230] : memref<80x64xi32, #tpu.memory_space<vmem>>[vector<16xi32>, vector<16xi32>], vector<16xi32>,
        %parallel_loop3A_237 = vector.bitcast %parallel_loop3A_236 : vector<16xi32> to vector<32xbf16>
        %parallel_loop3A_238 = tpu.vector_load_idx %arg11[%parallel_loop3A_124, %parallel_loop3A_230] : memref<80x64xi32, #tpu.memory_space<vmem>>[vector<16xi32>, vector<16xi32>], vector<16xi32>,
        %parallel_loop3A_239 = vector.bitcast %parallel_loop3A_238 : vector<16xi32> to vector<32xbf16>
        %parallel_loop3A_240 = arith.mulf %parallel_loop3A_237, %parallel_loop3A_239 : vector<32xbf16>
        %parallel_loop3A_241 = arith.addf %parallel_loop3A_235, %parallel_loop3A_240 : vector<32xbf16>
        %parallel_loop3A_242 = tpu.unpack_subelements %parallel_loop3A_241, 0 {pack_format = #tpu.pack_format<interleaved>} : vector<32xbf16> -> vector<16xf32>
        %parallel_loop3A_243 = tpu.unpack_subelements %parallel_loop3A_241, 1 {pack_format = #tpu.pack_format<interleaved>} : vector<32xbf16> -> vector<16xf32>
        %parallel_loop3A_244 = arith.constant 6 : i32
        %parallel_loop3A_245 = arith.addi %parallel_loop3A_156, %parallel_loop3A_244 : i32
        %parallel_loop3A_246 = vector.broadcast %parallel_loop3A_245 : i32 to vector<16xi32>
        %parallel_loop3A_247 = arith.addi %iota3A, %parallel_loop3A_246 : vector<16xi32>
        %parallel_loop3A_248 = arith.constant 63 : i32
        %parallel_loop3A_249 = vector.broadcast %parallel_loop3A_248 : i32 to vector<16xi32>
        %parallel_loop3A_250 = arith.andi %parallel_loop3A_247, %parallel_loop3A_249 : vector<16xi32>
        %parallel_loop3A_251 = arith.constant 6 : i32
        %parallel_loop3A_252 = arith.addi %parallel_loop3A_156, %parallel_loop3A_251 : i32
        %parallel_loop3A_253 = arith.constant 1 : i32
        %parallel_loop3A_254 = arith.addi %parallel_loop3A_252, %parallel_loop3A_253 : i32
        %parallel_loop3A_255 = vector.broadcast %parallel_loop3A_254 : i32 to vector<16xi32>
        %parallel_loop3A_256 = arith.addi %iota3A, %parallel_loop3A_255 : vector<16xi32>
        %parallel_loop3A_257 = arith.constant 63 : i32
        %parallel_loop3A_258 = vector.broadcast %parallel_loop3A_257 : i32 to vector<16xi32>
        %parallel_loop3A_259 = arith.andi %parallel_loop3A_256, %parallel_loop3A_258 : vector<16xi32>
        %parallel_loop3A_260 = tpu.vector_load_idx %arg10[%parallel_loop3A_124, %parallel_loop3A_250] : memref<80x64xi32, #tpu.memory_space<vmem>>[vector<16xi32>, vector<16xi32>], vector<16xi32>,
        %parallel_loop3A_261 = vector.bitcast %parallel_loop3A_260 : vector<16xi32> to vector<32xbf16>
        %parallel_loop3A_262 = tpu.vector_load_idx %arg11[%parallel_loop3A_124, %parallel_loop3A_250] : memref<80x64xi32, #tpu.memory_space<vmem>>[vector<16xi32>, vector<16xi32>], vector<16xi32>,
        %parallel_loop3A_263 = vector.bitcast %parallel_loop3A_262 : vector<16xi32> to vector<32xbf16>
        %parallel_loop3A_264 = arith.mulf %parallel_loop3A_261, %parallel_loop3A_263 : vector<32xbf16>
        %parallel_loop3A_265 = tpu.vector_load_idx %arg10[%parallel_loop3A_124, %parallel_loop3A_259] : memref<80x64xi32, #tpu.memory_space<vmem>>[vector<16xi32>, vector<16xi32>], vector<16xi32>,
        %parallel_loop3A_266 = vector.bitcast %parallel_loop3A_265 : vector<16xi32> to vector<32xbf16>
        %parallel_loop3A_267 = tpu.vector_load_idx %arg11[%parallel_loop3A_124, %parallel_loop3A_259] : memref<80x64xi32, #tpu.memory_space<vmem>>[vector<16xi32>, vector<16xi32>], vector<16xi32>,
        %parallel_loop3A_268 = vector.bitcast %parallel_loop3A_267 : vector<16xi32> to vector<32xbf16>
        %parallel_loop3A_269 = arith.mulf %parallel_loop3A_266, %parallel_loop3A_268 : vector<32xbf16>
        %parallel_loop3A_270 = arith.addf %parallel_loop3A_264, %parallel_loop3A_269 : vector<32xbf16>
        %parallel_loop3A_271 = tpu.unpack_subelements %parallel_loop3A_270, 0 {pack_format = #tpu.pack_format<interleaved>} : vector<32xbf16> -> vector<16xf32>
        %parallel_loop3A_272 = tpu.unpack_subelements %parallel_loop3A_270, 1 {pack_format = #tpu.pack_format<interleaved>} : vector<32xbf16> -> vector<16xf32>
        %parallel_loop3A_273 = arith.addf %parallel_loop3A_151, %parallel_loop3A_184 : vector<16xf32>
        %parallel_loop3A_274 = arith.addf %parallel_loop3A_152, %parallel_loop3A_185 : vector<16xf32>
        %parallel_loop3A_275 = arith.addf %parallel_loop3A_153, %parallel_loop3A_213 : vector<16xf32>
        %parallel_loop3A_276 = arith.addf %parallel_loop3A_154, %parallel_loop3A_214 : vector<16xf32>
        %parallel_loop3A_277 = arith.addf %parallel_loop3A_273, %parallel_loop3A_242 : vector<16xf32>
        %parallel_loop3A_278 = arith.addf %parallel_loop3A_274, %parallel_loop3A_243 : vector<16xf32>
        %parallel_loop3A_279 = arith.addf %parallel_loop3A_275, %parallel_loop3A_271 : vector<16xf32>
        %parallel_loop3A_280 = arith.addf %parallel_loop3A_276, %parallel_loop3A_272 : vector<16xf32>
        scf.yield %parallel_loop3A_277, %parallel_loop3A_278, %parallel_loop3A_279, %parallel_loop3A_280 : vector<16xf32>, vector<16xf32>, vector<16xf32>, vector<16xf32>
      } {sc.loop_unroll_factor = 2 : i64, sc.parallel_access}
      %parallel_loop3A_131 = arith.addf %parallel_loop3A_130#0, %parallel_loop3A_130#1 : vector<16xf32>
      %parallel_loop3A_132 = arith.addf %parallel_loop3A_130#2, %parallel_loop3A_130#3 : vector<16xf32>
      %parallel_loop3A_133 = arith.addf %parallel_loop3A_131, %parallel_loop3A_132 : vector<16xf32>
      %parallel_loop3A_134 = arith.constant 0.000000e+00 : f32
      %parallel_loop3A_135 = vector.broadcast %parallel_loop3A_134 : f32 to vector<16xf32>
      %parallel_loop3A_136 = arith.subf %parallel_loop3A_135, %parallel_loop3A_133 : vector<16xf32>
      %parallel_loop3A_137 = math.exp %parallel_loop3A_136 : vector<16xf32>
      %parallel_loop3A_138 = arith.constant 1.000000e+00 : f32
      %parallel_loop3A_139 = vector.broadcast %parallel_loop3A_138 : f32 to vector<16xf32>
      %parallel_loop3A_140 = arith.addf %parallel_loop3A_139, %parallel_loop3A_137 : vector<16xf32>
      %parallel_loop3A_141 = arith.constant 1.000000e+00 : f32
      %parallel_loop3A_142 = vector.broadcast %parallel_loop3A_141 : f32 to vector<16xf32>
      %parallel_loop3A_143 = arith.divf %parallel_loop3A_142, %parallel_loop3A_140 : vector<16xf32>
      %parallel_loop3A_144 = arith.constant 16 : i32
      %parallel_loop3A_145 = arith.muli %parallel_loop3A_120, %parallel_loop3A_144 : i32
      %parallel_loop3A_146 = arith.constant 9680 : i32
      %parallel_loop3A_147 = arith.addi %parallel_loop3A_146, %parallel_loop3A_145 : i32
      %parallel_loop3A_148 = arith.index_cast %parallel_loop3A_147 : i32 to index
      %parallel_loop3A_149 = tpu.vector_load %arg18[%parallel_loop3A_148] {strides = array<i32>} : memref<10000xf32, #tpu.memory_space<vmem>>, vector<16xf32>,
      tpu.vector_store %arg18[%parallel_loop3A_148], %parallel_loop3A_143 {strides = array<i32>} : memref<10000xf32, #tpu.memory_space<vmem>>, vector<16xf32>,
    } {sc.loop_unroll_factor = 1 : i64, sc.parallel_access}
    %dma_wait3A_81 = arith.constant 9760 : i32
    %dma_wait3A_82 = tpu.memref_slice %arg6[%dma_wait3A_81] : memref<10000xi32, #tpu.memory_space<vmem>> -> memref<80xi32, #tpu.memory_space<vmem>>
    %dma_wait3A_83 = arith.constant 0 : i32
    %dma_wait3A_84 = arith.constant 0 : i32
    %dma_wait3A_85 = tpu.memref_slice %arg2[%dma_wait3A_83, %dma_wait3A_84] : memref<10000x64xi32, #tpu.memory_space<hbm>> -> memref<10000x64xi32, #tpu.memory_space<hbm>>
    tpu.wait_indirect_dma semaphore(%arg23 : memref<!tpu.dma_semaphore, #tpu.memory_space<semaphore_mem>>) src(%dma_wait3A_85 : memref<10000x64xi32, #tpu.memory_space<hbm>>) dst(%arg12 : memref<80x64xi32, #tpu.memory_space<vmem>>)
    %dma_wait3A_86 = arith.constant 9760 : i32
    %dma_wait3A_87 = tpu.memref_slice %arg7[%dma_wait3A_86] : memref<10000xi32, #tpu.memory_space<vmem>> -> memref<80xi32, #tpu.memory_space<vmem>>
    %dma_wait3A_88 = arith.constant 0 : i32
    %dma_wait3A_89 = arith.constant 0 : i32
    %dma_wait3A_90 = tpu.memref_slice %arg2[%dma_wait3A_88, %dma_wait3A_89] : memref<10000x64xi32, #tpu.memory_space<hbm>> -> memref<10000x64xi32, #tpu.memory_space<hbm>>
    tpu.wait_indirect_dma semaphore(%arg24 : memref<!tpu.dma_semaphore, #tpu.memory_space<semaphore_mem>>) src(%dma_wait3A_90 : memref<10000x64xi32, #tpu.memory_space<hbm>>) dst(%arg13 : memref<80x64xi32, #tpu.memory_space<vmem>>)
    %parallel_loop3A_91 = arith.constant 0 : i32
    %parallel_loop3A_92 = arith.constant 5 : i32
    %parallel_loop3A_93 = arith.constant 1 : i32
    scf.for %parallel_loop3A_120 = %parallel_loop3A_91 to %parallel_loop3A_92 step %parallel_loop3A_93  : i32 {
      %parallel_loop3A_121 = arith.constant 16 : i32
      %parallel_loop3A_122 = arith.muli %parallel_loop3A_120, %parallel_loop3A_121 : i32
      %parallel_loop3A_123 = vector.broadcast %parallel_loop3A_122 : i32 to vector<16xi32>
      %parallel_loop3A_124 = arith.addi %iota3A, %parallel_loop3A_123 : vector<16xi32>
      %parallel_loop3A_125 = arith.constant 0.000000e+00 : f32
      %parallel_loop3A_126 = vector.broadcast %parallel_loop3A_125 : f32 to vector<16xf32>
      %parallel_loop3A_127 = arith.constant 0 : i32
      %parallel_loop3A_128 = arith.constant 8 : i32
      %parallel_loop3A_129 = arith.constant 1 : i32
      %parallel_loop3A_130:4 = scf.for %parallel_loop3A_150 = %parallel_loop3A_127 to %parallel_loop3A_128 step %parallel_loop3A_129 iter_args(%parallel_loop3A_151 = %parallel_loop3A_126, %parallel_loop3A_152 = %parallel_loop3A_126, %parallel_loop3A_153 = %parallel_loop3A_126, %parallel_loop3A_154 = %parallel_loop3A_126) -> (vector<16xf32>, vector<16xf32>, vector<16xf32>, vector<16xf32>)  : i32 {
        %parallel_loop3A_155 = arith.constant 8 : i32
        %parallel_loop3A_156 = arith.muli %parallel_loop3A_150, %parallel_loop3A_155 : i32
        %parallel_loop3A_157 = arith.constant 0 : i32
        %parallel_loop3A_158 = arith.addi %parallel_loop3A_156, %parallel_loop3A_157 : i32
        %parallel_loop3A_159 = vector.broadcast %parallel_loop3A_158 : i32 to vector<16xi32>
        %parallel_loop3A_160 = arith.addi %iota3A, %parallel_loop3A_159 : vector<16xi32>
        %parallel_loop3A_161 = arith.constant 63 : i32
        %parallel_loop3A_162 = vector.broadcast %parallel_loop3A_161 : i32 to vector<16xi32>
        %parallel_loop3A_163 = arith.andi %parallel_loop3A_160, %parallel_loop3A_162 : vector<16xi32>
        %parallel_loop3A_164 = arith.constant 0 : i32
        %parallel_loop3A_165 = arith.addi %parallel_loop3A_156, %parallel_loop3A_164 : i32
        %parallel_loop3A_166 = arith.constant 1 : i32
        %parallel_loop3A_167 = arith.addi %parallel_loop3A_165, %parallel_loop3A_166 : i32
        %parallel_loop3A_168 = vector.broadcast %parallel_loop3A_167 : i32 to vector<16xi32>
        %parallel_loop3A_169 = arith.addi %iota3A, %parallel_loop3A_168 : vector<16xi32>
        %parallel_loop3A_170 = arith.constant 63 : i32
        %parallel_loop3A_171 = vector.broadcast %parallel_loop3A_170 : i32 to vector<16xi32>
        %parallel_loop3A_172 = arith.andi %parallel_loop3A_169, %parallel_loop3A_171 : vector<16xi32>
        %parallel_loop3A_173 = tpu.vector_load_idx %arg12[%parallel_loop3A_124, %parallel_loop3A_163] : memref<80x64xi32, #tpu.memory_space<vmem>>[vector<16xi32>, vector<16xi32>], vector<16xi32>,
        %parallel_loop3A_174 = vector.bitcast %parallel_loop3A_173 : vector<16xi32> to vector<32xbf16>
        %parallel_loop3A_175 = tpu.vector_load_idx %arg13[%parallel_loop3A_124, %parallel_loop3A_163] : memref<80x64xi32, #tpu.memory_space<vmem>>[vector<16xi32>, vector<16xi32>], vector<16xi32>,
        %parallel_loop3A_176 = vector.bitcast %parallel_loop3A_175 : vector<16xi32> to vector<32xbf16>
        %parallel_loop3A_177 = arith.mulf %parallel_loop3A_174, %parallel_loop3A_176 : vector<32xbf16>
        %parallel_loop3A_178 = tpu.vector_load_idx %arg12[%parallel_loop3A_124, %parallel_loop3A_172] : memref<80x64xi32, #tpu.memory_space<vmem>>[vector<16xi32>, vector<16xi32>], vector<16xi32>,
        %parallel_loop3A_179 = vector.bitcast %parallel_loop3A_178 : vector<16xi32> to vector<32xbf16>
        %parallel_loop3A_180 = tpu.vector_load_idx %arg13[%parallel_loop3A_124, %parallel_loop3A_172] : memref<80x64xi32, #tpu.memory_space<vmem>>[vector<16xi32>, vector<16xi32>], vector<16xi32>,
        %parallel_loop3A_181 = vector.bitcast %parallel_loop3A_180 : vector<16xi32> to vector<32xbf16>
        %parallel_loop3A_182 = arith.mulf %parallel_loop3A_179, %parallel_loop3A_181 : vector<32xbf16>
        %parallel_loop3A_183 = arith.addf %parallel_loop3A_177, %parallel_loop3A_182 : vector<32xbf16>
        %parallel_loop3A_184 = tpu.unpack_subelements %parallel_loop3A_183, 0 {pack_format = #tpu.pack_format<interleaved>} : vector<32xbf16> -> vector<16xf32>
        %parallel_loop3A_185 = tpu.unpack_subelements %parallel_loop3A_183, 1 {pack_format = #tpu.pack_format<interleaved>} : vector<32xbf16> -> vector<16xf32>
        %parallel_loop3A_186 = arith.constant 2 : i32
        %parallel_loop3A_187 = arith.addi %parallel_loop3A_156, %parallel_loop3A_186 : i32
        %parallel_loop3A_188 = vector.broadcast %parallel_loop3A_187 : i32 to vector<16xi32>
        %parallel_loop3A_189 = arith.addi %iota3A, %parallel_loop3A_188 : vector<16xi32>
        %parallel_loop3A_190 = arith.constant 63 : i32
        %parallel_loop3A_191 = vector.broadcast %parallel_loop3A_190 : i32 to vector<16xi32>
        %parallel_loop3A_192 = arith.andi %parallel_loop3A_189, %parallel_loop3A_191 : vector<16xi32>
        %parallel_loop3A_193 = arith.constant 2 : i32
        %parallel_loop3A_194 = arith.addi %parallel_loop3A_156, %parallel_loop3A_193 : i32
        %parallel_loop3A_195 = arith.constant 1 : i32
        %parallel_loop3A_196 = arith.addi %parallel_loop3A_194, %parallel_loop3A_195 : i32
        %parallel_loop3A_197 = vector.broadcast %parallel_loop3A_196 : i32 to vector<16xi32>
        %parallel_loop3A_198 = arith.addi %iota3A, %parallel_loop3A_197 : vector<16xi32>
        %parallel_loop3A_199 = arith.constant 63 : i32
        %parallel_loop3A_200 = vector.broadcast %parallel_loop3A_199 : i32 to vector<16xi32>
        %parallel_loop3A_201 = arith.andi %parallel_loop3A_198, %parallel_loop3A_200 : vector<16xi32>
        %parallel_loop3A_202 = tpu.vector_load_idx %arg12[%parallel_loop3A_124, %parallel_loop3A_192] : memref<80x64xi32, #tpu.memory_space<vmem>>[vector<16xi32>, vector<16xi32>], vector<16xi32>,
        %parallel_loop3A_203 = vector.bitcast %parallel_loop3A_202 : vector<16xi32> to vector<32xbf16>
        %parallel_loop3A_204 = tpu.vector_load_idx %arg13[%parallel_loop3A_124, %parallel_loop3A_192] : memref<80x64xi32, #tpu.memory_space<vmem>>[vector<16xi32>, vector<16xi32>], vector<16xi32>,
        %parallel_loop3A_205 = vector.bitcast %parallel_loop3A_204 : vector<16xi32> to vector<32xbf16>
        %parallel_loop3A_206 = arith.mulf %parallel_loop3A_203, %parallel_loop3A_205 : vector<32xbf16>
        %parallel_loop3A_207 = tpu.vector_load_idx %arg12[%parallel_loop3A_124, %parallel_loop3A_201] : memref<80x64xi32, #tpu.memory_space<vmem>>[vector<16xi32>, vector<16xi32>], vector<16xi32>,
        %parallel_loop3A_208 = vector.bitcast %parallel_loop3A_207 : vector<16xi32> to vector<32xbf16>
        %parallel_loop3A_209 = tpu.vector_load_idx %arg13[%parallel_loop3A_124, %parallel_loop3A_201] : memref<80x64xi32, #tpu.memory_space<vmem>>[vector<16xi32>, vector<16xi32>], vector<16xi32>,
        %parallel_loop3A_210 = vector.bitcast %parallel_loop3A_209 : vector<16xi32> to vector<32xbf16>
        %parallel_loop3A_211 = arith.mulf %parallel_loop3A_208, %parallel_loop3A_210 : vector<32xbf16>
        %parallel_loop3A_212 = arith.addf %parallel_loop3A_206, %parallel_loop3A_211 : vector<32xbf16>
        %parallel_loop3A_213 = tpu.unpack_subelements %parallel_loop3A_212, 0 {pack_format = #tpu.pack_format<interleaved>} : vector<32xbf16> -> vector<16xf32>
        %parallel_loop3A_214 = tpu.unpack_subelements %parallel_loop3A_212, 1 {pack_format = #tpu.pack_format<interleaved>} : vector<32xbf16> -> vector<16xf32>
        %parallel_loop3A_215 = arith.constant 4 : i32
        %parallel_loop3A_216 = arith.addi %parallel_loop3A_156, %parallel_loop3A_215 : i32
        %parallel_loop3A_217 = vector.broadcast %parallel_loop3A_216 : i32 to vector<16xi32>
        %parallel_loop3A_218 = arith.addi %iota3A, %parallel_loop3A_217 : vector<16xi32>
        %parallel_loop3A_219 = arith.constant 63 : i32
        %parallel_loop3A_220 = vector.broadcast %parallel_loop3A_219 : i32 to vector<16xi32>
        %parallel_loop3A_221 = arith.andi %parallel_loop3A_218, %parallel_loop3A_220 : vector<16xi32>
        %parallel_loop3A_222 = arith.constant 4 : i32
        %parallel_loop3A_223 = arith.addi %parallel_loop3A_156, %parallel_loop3A_222 : i32
        %parallel_loop3A_224 = arith.constant 1 : i32
        %parallel_loop3A_225 = arith.addi %parallel_loop3A_223, %parallel_loop3A_224 : i32
        %parallel_loop3A_226 = vector.broadcast %parallel_loop3A_225 : i32 to vector<16xi32>
        %parallel_loop3A_227 = arith.addi %iota3A, %parallel_loop3A_226 : vector<16xi32>
        %parallel_loop3A_228 = arith.constant 63 : i32
        %parallel_loop3A_229 = vector.broadcast %parallel_loop3A_228 : i32 to vector<16xi32>
        %parallel_loop3A_230 = arith.andi %parallel_loop3A_227, %parallel_loop3A_229 : vector<16xi32>
        %parallel_loop3A_231 = tpu.vector_load_idx %arg12[%parallel_loop3A_124, %parallel_loop3A_221] : memref<80x64xi32, #tpu.memory_space<vmem>>[vector<16xi32>, vector<16xi32>], vector<16xi32>,
        %parallel_loop3A_232 = vector.bitcast %parallel_loop3A_231 : vector<16xi32> to vector<32xbf16>
        %parallel_loop3A_233 = tpu.vector_load_idx %arg13[%parallel_loop3A_124, %parallel_loop3A_221] : memref<80x64xi32, #tpu.memory_space<vmem>>[vector<16xi32>, vector<16xi32>], vector<16xi32>,
        %parallel_loop3A_234 = vector.bitcast %parallel_loop3A_233 : vector<16xi32> to vector<32xbf16>
        %parallel_loop3A_235 = arith.mulf %parallel_loop3A_232, %parallel_loop3A_234 : vector<32xbf16>
        %parallel_loop3A_236 = tpu.vector_load_idx %arg12[%parallel_loop3A_124, %parallel_loop3A_230] : memref<80x64xi32, #tpu.memory_space<vmem>>[vector<16xi32>, vector<16xi32>], vector<16xi32>,
        %parallel_loop3A_237 = vector.bitcast %parallel_loop3A_236 : vector<16xi32> to vector<32xbf16>
        %parallel_loop3A_238 = tpu.vector_load_idx %arg13[%parallel_loop3A_124, %parallel_loop3A_230] : memref<80x64xi32, #tpu.memory_space<vmem>>[vector<16xi32>, vector<16xi32>], vector<16xi32>,
        %parallel_loop3A_239 = vector.bitcast %parallel_loop3A_238 : vector<16xi32> to vector<32xbf16>
        %parallel_loop3A_240 = arith.mulf %parallel_loop3A_237, %parallel_loop3A_239 : vector<32xbf16>
        %parallel_loop3A_241 = arith.addf %parallel_loop3A_235, %parallel_loop3A_240 : vector<32xbf16>
        %parallel_loop3A_242 = tpu.unpack_subelements %parallel_loop3A_241, 0 {pack_format = #tpu.pack_format<interleaved>} : vector<32xbf16> -> vector<16xf32>
        %parallel_loop3A_243 = tpu.unpack_subelements %parallel_loop3A_241, 1 {pack_format = #tpu.pack_format<interleaved>} : vector<32xbf16> -> vector<16xf32>
        %parallel_loop3A_244 = arith.constant 6 : i32
        %parallel_loop3A_245 = arith.addi %parallel_loop3A_156, %parallel_loop3A_244 : i32
        %parallel_loop3A_246 = vector.broadcast %parallel_loop3A_245 : i32 to vector<16xi32>
        %parallel_loop3A_247 = arith.addi %iota3A, %parallel_loop3A_246 : vector<16xi32>
        %parallel_loop3A_248 = arith.constant 63 : i32
        %parallel_loop3A_249 = vector.broadcast %parallel_loop3A_248 : i32 to vector<16xi32>
        %parallel_loop3A_250 = arith.andi %parallel_loop3A_247, %parallel_loop3A_249 : vector<16xi32>
        %parallel_loop3A_251 = arith.constant 6 : i32
        %parallel_loop3A_252 = arith.addi %parallel_loop3A_156, %parallel_loop3A_251 : i32
        %parallel_loop3A_253 = arith.constant 1 : i32
        %parallel_loop3A_254 = arith.addi %parallel_loop3A_252, %parallel_loop3A_253 : i32
        %parallel_loop3A_255 = vector.broadcast %parallel_loop3A_254 : i32 to vector<16xi32>
        %parallel_loop3A_256 = arith.addi %iota3A, %parallel_loop3A_255 : vector<16xi32>
        %parallel_loop3A_257 = arith.constant 63 : i32
        %parallel_loop3A_258 = vector.broadcast %parallel_loop3A_257 : i32 to vector<16xi32>
        %parallel_loop3A_259 = arith.andi %parallel_loop3A_256, %parallel_loop3A_258 : vector<16xi32>
        %parallel_loop3A_260 = tpu.vector_load_idx %arg12[%parallel_loop3A_124, %parallel_loop3A_250] : memref<80x64xi32, #tpu.memory_space<vmem>>[vector<16xi32>, vector<16xi32>], vector<16xi32>,
        %parallel_loop3A_261 = vector.bitcast %parallel_loop3A_260 : vector<16xi32> to vector<32xbf16>
        %parallel_loop3A_262 = tpu.vector_load_idx %arg13[%parallel_loop3A_124, %parallel_loop3A_250] : memref<80x64xi32, #tpu.memory_space<vmem>>[vector<16xi32>, vector<16xi32>], vector<16xi32>,
        %parallel_loop3A_263 = vector.bitcast %parallel_loop3A_262 : vector<16xi32> to vector<32xbf16>
        %parallel_loop3A_264 = arith.mulf %parallel_loop3A_261, %parallel_loop3A_263 : vector<32xbf16>
        %parallel_loop3A_265 = tpu.vector_load_idx %arg12[%parallel_loop3A_124, %parallel_loop3A_259] : memref<80x64xi32, #tpu.memory_space<vmem>>[vector<16xi32>, vector<16xi32>], vector<16xi32>,
        %parallel_loop3A_266 = vector.bitcast %parallel_loop3A_265 : vector<16xi32> to vector<32xbf16>
        %parallel_loop3A_267 = tpu.vector_load_idx %arg13[%parallel_loop3A_124, %parallel_loop3A_259] : memref<80x64xi32, #tpu.memory_space<vmem>>[vector<16xi32>, vector<16xi32>], vector<16xi32>,
        %parallel_loop3A_268 = vector.bitcast %parallel_loop3A_267 : vector<16xi32> to vector<32xbf16>
        %parallel_loop3A_269 = arith.mulf %parallel_loop3A_266, %parallel_loop3A_268 : vector<32xbf16>
        %parallel_loop3A_270 = arith.addf %parallel_loop3A_264, %parallel_loop3A_269 : vector<32xbf16>
        %parallel_loop3A_271 = tpu.unpack_subelements %parallel_loop3A_270, 0 {pack_format = #tpu.pack_format<interleaved>} : vector<32xbf16> -> vector<16xf32>
        %parallel_loop3A_272 = tpu.unpack_subelements %parallel_loop3A_270, 1 {pack_format = #tpu.pack_format<interleaved>} : vector<32xbf16> -> vector<16xf32>
        %parallel_loop3A_273 = arith.addf %parallel_loop3A_151, %parallel_loop3A_184 : vector<16xf32>
        %parallel_loop3A_274 = arith.addf %parallel_loop3A_152, %parallel_loop3A_185 : vector<16xf32>
        %parallel_loop3A_275 = arith.addf %parallel_loop3A_153, %parallel_loop3A_213 : vector<16xf32>
        %parallel_loop3A_276 = arith.addf %parallel_loop3A_154, %parallel_loop3A_214 : vector<16xf32>
        %parallel_loop3A_277 = arith.addf %parallel_loop3A_273, %parallel_loop3A_242 : vector<16xf32>
        %parallel_loop3A_278 = arith.addf %parallel_loop3A_274, %parallel_loop3A_243 : vector<16xf32>
        %parallel_loop3A_279 = arith.addf %parallel_loop3A_275, %parallel_loop3A_271 : vector<16xf32>
        %parallel_loop3A_280 = arith.addf %parallel_loop3A_276, %parallel_loop3A_272 : vector<16xf32>
        scf.yield %parallel_loop3A_277, %parallel_loop3A_278, %parallel_loop3A_279, %parallel_loop3A_280 : vector<16xf32>, vector<16xf32>, vector<16xf32>, vector<16xf32>
      } {sc.loop_unroll_factor = 2 : i64, sc.parallel_access}
      %parallel_loop3A_131 = arith.addf %parallel_loop3A_130#0, %parallel_loop3A_130#1 : vector<16xf32>
      %parallel_loop3A_132 = arith.addf %parallel_loop3A_130#2, %parallel_loop3A_130#3 : vector<16xf32>
      %parallel_loop3A_133 = arith.addf %parallel_loop3A_131, %parallel_loop3A_132 : vector<16xf32>
      %parallel_loop3A_134 = arith.constant 0.000000e+00 : f32
      %parallel_loop3A_135 = vector.broadcast %parallel_loop3A_134 : f32 to vector<16xf32>
      %parallel_loop3A_136 = arith.subf %parallel_loop3A_135, %parallel_loop3A_133 : vector<16xf32>
      %parallel_loop3A_137 = math.exp %parallel_loop3A_136 : vector<16xf32>
      %parallel_loop3A_138 = arith.constant 1.000000e+00 : f32
      %parallel_loop3A_139 = vector.broadcast %parallel_loop3A_138 : f32 to vector<16xf32>
      %parallel_loop3A_140 = arith.addf %parallel_loop3A_139, %parallel_loop3A_137 : vector<16xf32>
      %parallel_loop3A_141 = arith.constant 1.000000e+00 : f32
      %parallel_loop3A_142 = vector.broadcast %parallel_loop3A_141 : f32 to vector<16xf32>
      %parallel_loop3A_143 = arith.divf %parallel_loop3A_142, %parallel_loop3A_140 : vector<16xf32>
      %parallel_loop3A_144 = arith.constant 16 : i32
      %parallel_loop3A_145 = arith.muli %parallel_loop3A_120, %parallel_loop3A_144 : i32
      %parallel_loop3A_146 = arith.constant 9760 : i32
      %parallel_loop3A_147 = arith.addi %parallel_loop3A_146, %parallel_loop3A_145 : i32
      %parallel_loop3A_148 = arith.index_cast %parallel_loop3A_147 : i32 to index
      %parallel_loop3A_149 = tpu.vector_load %arg18[%parallel_loop3A_148] {strides = array<i32>} : memref<10000xf32, #tpu.memory_space<vmem>>, vector<16xf32>,
      tpu.vector_store %arg18[%parallel_loop3A_148], %parallel_loop3A_143 {strides = array<i32>} : memref<10000xf32, #tpu.memory_space<vmem>>, vector<16xf32>,
    } {sc.loop_unroll_factor = 1 : i64, sc.parallel_access}
    %dma_wait3A_94 = arith.constant 9840 : i32
    %dma_wait3A_95 = tpu.memref_slice %arg6[%dma_wait3A_94] : memref<10000xi32, #tpu.memory_space<vmem>> -> memref<80xi32, #tpu.memory_space<vmem>>
    %dma_wait3A_96 = arith.constant 0 : i32
    %dma_wait3A_97 = arith.constant 0 : i32
    %dma_wait3A_98 = tpu.memref_slice %arg2[%dma_wait3A_96, %dma_wait3A_97] : memref<10000x64xi32, #tpu.memory_space<hbm>> -> memref<10000x64xi32, #tpu.memory_space<hbm>>
    tpu.wait_indirect_dma semaphore(%arg25 : memref<!tpu.dma_semaphore, #tpu.memory_space<semaphore_mem>>) src(%dma_wait3A_98 : memref<10000x64xi32, #tpu.memory_space<hbm>>) dst(%arg14 : memref<80x64xi32, #tpu.memory_space<vmem>>)
    %dma_wait3A_99 = arith.constant 9840 : i32
    %dma_wait3A_100 = tpu.memref_slice %arg7[%dma_wait3A_99] : memref<10000xi32, #tpu.memory_space<vmem>> -> memref<80xi32, #tpu.memory_space<vmem>>
    %dma_wait3A_101 = arith.constant 0 : i32
    %dma_wait3A_102 = arith.constant 0 : i32
    %dma_wait3A_103 = tpu.memref_slice %arg2[%dma_wait3A_101, %dma_wait3A_102] : memref<10000x64xi32, #tpu.memory_space<hbm>> -> memref<10000x64xi32, #tpu.memory_space<hbm>>
    tpu.wait_indirect_dma semaphore(%arg26 : memref<!tpu.dma_semaphore, #tpu.memory_space<semaphore_mem>>) src(%dma_wait3A_103 : memref<10000x64xi32, #tpu.memory_space<hbm>>) dst(%arg15 : memref<80x64xi32, #tpu.memory_space<vmem>>)
    %parallel_loop3A_104 = arith.constant 0 : i32
    %parallel_loop3A_105 = arith.constant 5 : i32
    %parallel_loop3A_106 = arith.constant 1 : i32
    scf.for %parallel_loop3A_120 = %parallel_loop3A_104 to %parallel_loop3A_105 step %parallel_loop3A_106  : i32 {
      %parallel_loop3A_121 = arith.constant 16 : i32
      %parallel_loop3A_122 = arith.muli %parallel_loop3A_120, %parallel_loop3A_121 : i32
      %parallel_loop3A_123 = vector.broadcast %parallel_loop3A_122 : i32 to vector<16xi32>
      %parallel_loop3A_124 = arith.addi %iota3A, %parallel_loop3A_123 : vector<16xi32>
      %parallel_loop3A_125 = arith.constant 0.000000e+00 : f32
      %parallel_loop3A_126 = vector.broadcast %parallel_loop3A_125 : f32 to vector<16xf32>
      %parallel_loop3A_127 = arith.constant 0 : i32
      %parallel_loop3A_128 = arith.constant 8 : i32
      %parallel_loop3A_129 = arith.constant 1 : i32
      %parallel_loop3A_130:4 = scf.for %parallel_loop3A_150 = %parallel_loop3A_127 to %parallel_loop3A_128 step %parallel_loop3A_129 iter_args(%parallel_loop3A_151 = %parallel_loop3A_126, %parallel_loop3A_152 = %parallel_loop3A_126, %parallel_loop3A_153 = %parallel_loop3A_126, %parallel_loop3A_154 = %parallel_loop3A_126) -> (vector<16xf32>, vector<16xf32>, vector<16xf32>, vector<16xf32>)  : i32 {
        %parallel_loop3A_155 = arith.constant 8 : i32
        %parallel_loop3A_156 = arith.muli %parallel_loop3A_150, %parallel_loop3A_155 : i32
        %parallel_loop3A_157 = arith.constant 0 : i32
        %parallel_loop3A_158 = arith.addi %parallel_loop3A_156, %parallel_loop3A_157 : i32
        %parallel_loop3A_159 = vector.broadcast %parallel_loop3A_158 : i32 to vector<16xi32>
        %parallel_loop3A_160 = arith.addi %iota3A, %parallel_loop3A_159 : vector<16xi32>
        %parallel_loop3A_161 = arith.constant 63 : i32
        %parallel_loop3A_162 = vector.broadcast %parallel_loop3A_161 : i32 to vector<16xi32>
        %parallel_loop3A_163 = arith.andi %parallel_loop3A_160, %parallel_loop3A_162 : vector<16xi32>
        %parallel_loop3A_164 = arith.constant 0 : i32
        %parallel_loop3A_165 = arith.addi %parallel_loop3A_156, %parallel_loop3A_164 : i32
        %parallel_loop3A_166 = arith.constant 1 : i32
        %parallel_loop3A_167 = arith.addi %parallel_loop3A_165, %parallel_loop3A_166 : i32
        %parallel_loop3A_168 = vector.broadcast %parallel_loop3A_167 : i32 to vector<16xi32>
        %parallel_loop3A_169 = arith.addi %iota3A, %parallel_loop3A_168 : vector<16xi32>
        %parallel_loop3A_170 = arith.constant 63 : i32
        %parallel_loop3A_171 = vector.broadcast %parallel_loop3A_170 : i32 to vector<16xi32>
        %parallel_loop3A_172 = arith.andi %parallel_loop3A_169, %parallel_loop3A_171 : vector<16xi32>
        %parallel_loop3A_173 = tpu.vector_load_idx %arg14[%parallel_loop3A_124, %parallel_loop3A_163] : memref<80x64xi32, #tpu.memory_space<vmem>>[vector<16xi32>, vector<16xi32>], vector<16xi32>,
        %parallel_loop3A_174 = vector.bitcast %parallel_loop3A_173 : vector<16xi32> to vector<32xbf16>
        %parallel_loop3A_175 = tpu.vector_load_idx %arg15[%parallel_loop3A_124, %parallel_loop3A_163] : memref<80x64xi32, #tpu.memory_space<vmem>>[vector<16xi32>, vector<16xi32>], vector<16xi32>,
        %parallel_loop3A_176 = vector.bitcast %parallel_loop3A_175 : vector<16xi32> to vector<32xbf16>
        %parallel_loop3A_177 = arith.mulf %parallel_loop3A_174, %parallel_loop3A_176 : vector<32xbf16>
        %parallel_loop3A_178 = tpu.vector_load_idx %arg14[%parallel_loop3A_124, %parallel_loop3A_172] : memref<80x64xi32, #tpu.memory_space<vmem>>[vector<16xi32>, vector<16xi32>], vector<16xi32>,
        %parallel_loop3A_179 = vector.bitcast %parallel_loop3A_178 : vector<16xi32> to vector<32xbf16>
        %parallel_loop3A_180 = tpu.vector_load_idx %arg15[%parallel_loop3A_124, %parallel_loop3A_172] : memref<80x64xi32, #tpu.memory_space<vmem>>[vector<16xi32>, vector<16xi32>], vector<16xi32>,
        %parallel_loop3A_181 = vector.bitcast %parallel_loop3A_180 : vector<16xi32> to vector<32xbf16>
        %parallel_loop3A_182 = arith.mulf %parallel_loop3A_179, %parallel_loop3A_181 : vector<32xbf16>
        %parallel_loop3A_183 = arith.addf %parallel_loop3A_177, %parallel_loop3A_182 : vector<32xbf16>
        %parallel_loop3A_184 = tpu.unpack_subelements %parallel_loop3A_183, 0 {pack_format = #tpu.pack_format<interleaved>} : vector<32xbf16> -> vector<16xf32>
        %parallel_loop3A_185 = tpu.unpack_subelements %parallel_loop3A_183, 1 {pack_format = #tpu.pack_format<interleaved>} : vector<32xbf16> -> vector<16xf32>
        %parallel_loop3A_186 = arith.constant 2 : i32
        %parallel_loop3A_187 = arith.addi %parallel_loop3A_156, %parallel_loop3A_186 : i32
        %parallel_loop3A_188 = vector.broadcast %parallel_loop3A_187 : i32 to vector<16xi32>
        %parallel_loop3A_189 = arith.addi %iota3A, %parallel_loop3A_188 : vector<16xi32>
        %parallel_loop3A_190 = arith.constant 63 : i32
        %parallel_loop3A_191 = vector.broadcast %parallel_loop3A_190 : i32 to vector<16xi32>
        %parallel_loop3A_192 = arith.andi %parallel_loop3A_189, %parallel_loop3A_191 : vector<16xi32>
        %parallel_loop3A_193 = arith.constant 2 : i32
        %parallel_loop3A_194 = arith.addi %parallel_loop3A_156, %parallel_loop3A_193 : i32
        %parallel_loop3A_195 = arith.constant 1 : i32
        %parallel_loop3A_196 = arith.addi %parallel_loop3A_194, %parallel_loop3A_195 : i32
        %parallel_loop3A_197 = vector.broadcast %parallel_loop3A_196 : i32 to vector<16xi32>
        %parallel_loop3A_198 = arith.addi %iota3A, %parallel_loop3A_197 : vector<16xi32>
        %parallel_loop3A_199 = arith.constant 63 : i32
        %parallel_loop3A_200 = vector.broadcast %parallel_loop3A_199 : i32 to vector<16xi32>
        %parallel_loop3A_201 = arith.andi %parallel_loop3A_198, %parallel_loop3A_200 : vector<16xi32>
        %parallel_loop3A_202 = tpu.vector_load_idx %arg14[%parallel_loop3A_124, %parallel_loop3A_192] : memref<80x64xi32, #tpu.memory_space<vmem>>[vector<16xi32>, vector<16xi32>], vector<16xi32>,
        %parallel_loop3A_203 = vector.bitcast %parallel_loop3A_202 : vector<16xi32> to vector<32xbf16>
        %parallel_loop3A_204 = tpu.vector_load_idx %arg15[%parallel_loop3A_124, %parallel_loop3A_192] : memref<80x64xi32, #tpu.memory_space<vmem>>[vector<16xi32>, vector<16xi32>], vector<16xi32>,
        %parallel_loop3A_205 = vector.bitcast %parallel_loop3A_204 : vector<16xi32> to vector<32xbf16>
        %parallel_loop3A_206 = arith.mulf %parallel_loop3A_203, %parallel_loop3A_205 : vector<32xbf16>
        %parallel_loop3A_207 = tpu.vector_load_idx %arg14[%parallel_loop3A_124, %parallel_loop3A_201] : memref<80x64xi32, #tpu.memory_space<vmem>>[vector<16xi32>, vector<16xi32>], vector<16xi32>,
        %parallel_loop3A_208 = vector.bitcast %parallel_loop3A_207 : vector<16xi32> to vector<32xbf16>
        %parallel_loop3A_209 = tpu.vector_load_idx %arg15[%parallel_loop3A_124, %parallel_loop3A_201] : memref<80x64xi32, #tpu.memory_space<vmem>>[vector<16xi32>, vector<16xi32>], vector<16xi32>,
        %parallel_loop3A_210 = vector.bitcast %parallel_loop3A_209 : vector<16xi32> to vector<32xbf16>
        %parallel_loop3A_211 = arith.mulf %parallel_loop3A_208, %parallel_loop3A_210 : vector<32xbf16>
        %parallel_loop3A_212 = arith.addf %parallel_loop3A_206, %parallel_loop3A_211 : vector<32xbf16>
        %parallel_loop3A_213 = tpu.unpack_subelements %parallel_loop3A_212, 0 {pack_format = #tpu.pack_format<interleaved>} : vector<32xbf16> -> vector<16xf32>
        %parallel_loop3A_214 = tpu.unpack_subelements %parallel_loop3A_212, 1 {pack_format = #tpu.pack_format<interleaved>} : vector<32xbf16> -> vector<16xf32>
        %parallel_loop3A_215 = arith.constant 4 : i32
        %parallel_loop3A_216 = arith.addi %parallel_loop3A_156, %parallel_loop3A_215 : i32
        %parallel_loop3A_217 = vector.broadcast %parallel_loop3A_216 : i32 to vector<16xi32>
        %parallel_loop3A_218 = arith.addi %iota3A, %parallel_loop3A_217 : vector<16xi32>
        %parallel_loop3A_219 = arith.constant 63 : i32
        %parallel_loop3A_220 = vector.broadcast %parallel_loop3A_219 : i32 to vector<16xi32>
        %parallel_loop3A_221 = arith.andi %parallel_loop3A_218, %parallel_loop3A_220 : vector<16xi32>
        %parallel_loop3A_222 = arith.constant 4 : i32
        %parallel_loop3A_223 = arith.addi %parallel_loop3A_156, %parallel_loop3A_222 : i32
        %parallel_loop3A_224 = arith.constant 1 : i32
        %parallel_loop3A_225 = arith.addi %parallel_loop3A_223, %parallel_loop3A_224 : i32
        %parallel_loop3A_226 = vector.broadcast %parallel_loop3A_225 : i32 to vector<16xi32>
        %parallel_loop3A_227 = arith.addi %iota3A, %parallel_loop3A_226 : vector<16xi32>
        %parallel_loop3A_228 = arith.constant 63 : i32
        %parallel_loop3A_229 = vector.broadcast %parallel_loop3A_228 : i32 to vector<16xi32>
        %parallel_loop3A_230 = arith.andi %parallel_loop3A_227, %parallel_loop3A_229 : vector<16xi32>
        %parallel_loop3A_231 = tpu.vector_load_idx %arg14[%parallel_loop3A_124, %parallel_loop3A_221] : memref<80x64xi32, #tpu.memory_space<vmem>>[vector<16xi32>, vector<16xi32>], vector<16xi32>,
        %parallel_loop3A_232 = vector.bitcast %parallel_loop3A_231 : vector<16xi32> to vector<32xbf16>
        %parallel_loop3A_233 = tpu.vector_load_idx %arg15[%parallel_loop3A_124, %parallel_loop3A_221] : memref<80x64xi32, #tpu.memory_space<vmem>>[vector<16xi32>, vector<16xi32>], vector<16xi32>,
        %parallel_loop3A_234 = vector.bitcast %parallel_loop3A_233 : vector<16xi32> to vector<32xbf16>
        %parallel_loop3A_235 = arith.mulf %parallel_loop3A_232, %parallel_loop3A_234 : vector<32xbf16>
        %parallel_loop3A_236 = tpu.vector_load_idx %arg14[%parallel_loop3A_124, %parallel_loop3A_230] : memref<80x64xi32, #tpu.memory_space<vmem>>[vector<16xi32>, vector<16xi32>], vector<16xi32>,
        %parallel_loop3A_237 = vector.bitcast %parallel_loop3A_236 : vector<16xi32> to vector<32xbf16>
        %parallel_loop3A_238 = tpu.vector_load_idx %arg15[%parallel_loop3A_124, %parallel_loop3A_230] : memref<80x64xi32, #tpu.memory_space<vmem>>[vector<16xi32>, vector<16xi32>], vector<16xi32>,
        %parallel_loop3A_239 = vector.bitcast %parallel_loop3A_238 : vector<16xi32> to vector<32xbf16>
        %parallel_loop3A_240 = arith.mulf %parallel_loop3A_237, %parallel_loop3A_239 : vector<32xbf16>
        %parallel_loop3A_241 = arith.addf %parallel_loop3A_235, %parallel_loop3A_240 : vector<32xbf16>
        %parallel_loop3A_242 = tpu.unpack_subelements %parallel_loop3A_241, 0 {pack_format = #tpu.pack_format<interleaved>} : vector<32xbf16> -> vector<16xf32>
        %parallel_loop3A_243 = tpu.unpack_subelements %parallel_loop3A_241, 1 {pack_format = #tpu.pack_format<interleaved>} : vector<32xbf16> -> vector<16xf32>
        %parallel_loop3A_244 = arith.constant 6 : i32
        %parallel_loop3A_245 = arith.addi %parallel_loop3A_156, %parallel_loop3A_244 : i32
        %parallel_loop3A_246 = vector.broadcast %parallel_loop3A_245 : i32 to vector<16xi32>
        %parallel_loop3A_247 = arith.addi %iota3A, %parallel_loop3A_246 : vector<16xi32>
        %parallel_loop3A_248 = arith.constant 63 : i32
        %parallel_loop3A_249 = vector.broadcast %parallel_loop3A_248 : i32 to vector<16xi32>
        %parallel_loop3A_250 = arith.andi %parallel_loop3A_247, %parallel_loop3A_249 : vector<16xi32>
        %parallel_loop3A_251 = arith.constant 6 : i32
        %parallel_loop3A_252 = arith.addi %parallel_loop3A_156, %parallel_loop3A_251 : i32
        %parallel_loop3A_253 = arith.constant 1 : i32
        %parallel_loop3A_254 = arith.addi %parallel_loop3A_252, %parallel_loop3A_253 : i32
        %parallel_loop3A_255 = vector.broadcast %parallel_loop3A_254 : i32 to vector<16xi32>
        %parallel_loop3A_256 = arith.addi %iota3A, %parallel_loop3A_255 : vector<16xi32>
        %parallel_loop3A_257 = arith.constant 63 : i32
        %parallel_loop3A_258 = vector.broadcast %parallel_loop3A_257 : i32 to vector<16xi32>
        %parallel_loop3A_259 = arith.andi %parallel_loop3A_256, %parallel_loop3A_258 : vector<16xi32>
        %parallel_loop3A_260 = tpu.vector_load_idx %arg14[%parallel_loop3A_124, %parallel_loop3A_250] : memref<80x64xi32, #tpu.memory_space<vmem>>[vector<16xi32>, vector<16xi32>], vector<16xi32>,
        %parallel_loop3A_261 = vector.bitcast %parallel_loop3A_260 : vector<16xi32> to vector<32xbf16>
        %parallel_loop3A_262 = tpu.vector_load_idx %arg15[%parallel_loop3A_124, %parallel_loop3A_250] : memref<80x64xi32, #tpu.memory_space<vmem>>[vector<16xi32>, vector<16xi32>], vector<16xi32>,
        %parallel_loop3A_263 = vector.bitcast %parallel_loop3A_262 : vector<16xi32> to vector<32xbf16>
        %parallel_loop3A_264 = arith.mulf %parallel_loop3A_261, %parallel_loop3A_263 : vector<32xbf16>
        %parallel_loop3A_265 = tpu.vector_load_idx %arg14[%parallel_loop3A_124, %parallel_loop3A_259] : memref<80x64xi32, #tpu.memory_space<vmem>>[vector<16xi32>, vector<16xi32>], vector<16xi32>,
        %parallel_loop3A_266 = vector.bitcast %parallel_loop3A_265 : vector<16xi32> to vector<32xbf16>
        %parallel_loop3A_267 = tpu.vector_load_idx %arg15[%parallel_loop3A_124, %parallel_loop3A_259] : memref<80x64xi32, #tpu.memory_space<vmem>>[vector<16xi32>, vector<16xi32>], vector<16xi32>,
        %parallel_loop3A_268 = vector.bitcast %parallel_loop3A_267 : vector<16xi32> to vector<32xbf16>
        %parallel_loop3A_269 = arith.mulf %parallel_loop3A_266, %parallel_loop3A_268 : vector<32xbf16>
        %parallel_loop3A_270 = arith.addf %parallel_loop3A_264, %parallel_loop3A_269 : vector<32xbf16>
        %parallel_loop3A_271 = tpu.unpack_subelements %parallel_loop3A_270, 0 {pack_format = #tpu.pack_format<interleaved>} : vector<32xbf16> -> vector<16xf32>
        %parallel_loop3A_272 = tpu.unpack_subelements %parallel_loop3A_270, 1 {pack_format = #tpu.pack_format<interleaved>} : vector<32xbf16> -> vector<16xf32>
        %parallel_loop3A_273 = arith.addf %parallel_loop3A_151, %parallel_loop3A_184 : vector<16xf32>
        %parallel_loop3A_274 = arith.addf %parallel_loop3A_152, %parallel_loop3A_185 : vector<16xf32>
        %parallel_loop3A_275 = arith.addf %parallel_loop3A_153, %parallel_loop3A_213 : vector<16xf32>
        %parallel_loop3A_276 = arith.addf %parallel_loop3A_154, %parallel_loop3A_214 : vector<16xf32>
        %parallel_loop3A_277 = arith.addf %parallel_loop3A_273, %parallel_loop3A_242 : vector<16xf32>
        %parallel_loop3A_278 = arith.addf %parallel_loop3A_274, %parallel_loop3A_243 : vector<16xf32>
        %parallel_loop3A_279 = arith.addf %parallel_loop3A_275, %parallel_loop3A_271 : vector<16xf32>
        %parallel_loop3A_280 = arith.addf %parallel_loop3A_276, %parallel_loop3A_272 : vector<16xf32>
        scf.yield %parallel_loop3A_277, %parallel_loop3A_278, %parallel_loop3A_279, %parallel_loop3A_280 : vector<16xf32>, vector<16xf32>, vector<16xf32>, vector<16xf32>
      } {sc.loop_unroll_factor = 2 : i64, sc.parallel_access}
      %parallel_loop3A_131 = arith.addf %parallel_loop3A_130#0, %parallel_loop3A_130#1 : vector<16xf32>
      %parallel_loop3A_132 = arith.addf %parallel_loop3A_130#2, %parallel_loop3A_130#3 : vector<16xf32>
      %parallel_loop3A_133 = arith.addf %parallel_loop3A_131, %parallel_loop3A_132 : vector<16xf32>
      %parallel_loop3A_134 = arith.constant 0.000000e+00 : f32
      %parallel_loop3A_135 = vector.broadcast %parallel_loop3A_134 : f32 to vector<16xf32>
      %parallel_loop3A_136 = arith.subf %parallel_loop3A_135, %parallel_loop3A_133 : vector<16xf32>
      %parallel_loop3A_137 = math.exp %parallel_loop3A_136 : vector<16xf32>
      %parallel_loop3A_138 = arith.constant 1.000000e+00 : f32
      %parallel_loop3A_139 = vector.broadcast %parallel_loop3A_138 : f32 to vector<16xf32>
      %parallel_loop3A_140 = arith.addf %parallel_loop3A_139, %parallel_loop3A_137 : vector<16xf32>
      %parallel_loop3A_141 = arith.constant 1.000000e+00 : f32
      %parallel_loop3A_142 = vector.broadcast %parallel_loop3A_141 : f32 to vector<16xf32>
      %parallel_loop3A_143 = arith.divf %parallel_loop3A_142, %parallel_loop3A_140 : vector<16xf32>
      %parallel_loop3A_144 = arith.constant 16 : i32
      %parallel_loop3A_145 = arith.muli %parallel_loop3A_120, %parallel_loop3A_144 : i32
      %parallel_loop3A_146 = arith.constant 9840 : i32
      %parallel_loop3A_147 = arith.addi %parallel_loop3A_146, %parallel_loop3A_145 : i32
      %parallel_loop3A_148 = arith.index_cast %parallel_loop3A_147 : i32 to index
      %parallel_loop3A_149 = tpu.vector_load %arg18[%parallel_loop3A_148] {strides = array<i32>} : memref<10000xf32, #tpu.memory_space<vmem>>, vector<16xf32>,
      tpu.vector_store %arg18[%parallel_loop3A_148], %parallel_loop3A_143 {strides = array<i32>} : memref<10000xf32, #tpu.memory_space<vmem>>, vector<16xf32>,
    } {sc.loop_unroll_factor = 1 : i64, sc.parallel_access}
    %dma_wait3A_107 = arith.constant 9920 : i32
    %dma_wait3A_108 = tpu.memref_slice %arg6[%dma_wait3A_107] : memref<10000xi32, #tpu.memory_space<vmem>> -> memref<80xi32, #tpu.memory_space<vmem>>
    %dma_wait3A_109 = arith.constant 0 : i32
    %dma_wait3A_110 = arith.constant 0 : i32
    %dma_wait3A_111 = tpu.memref_slice %arg2[%dma_wait3A_109, %dma_wait3A_110] : memref<10000x64xi32, #tpu.memory_space<hbm>> -> memref<10000x64xi32, #tpu.memory_space<hbm>>
    tpu.wait_indirect_dma semaphore(%arg27 : memref<!tpu.dma_semaphore, #tpu.memory_space<semaphore_mem>>) src(%dma_wait3A_111 : memref<10000x64xi32, #tpu.memory_space<hbm>>) dst(%arg16 : memref<80x64xi32, #tpu.memory_space<vmem>>)
    %dma_wait3A_112 = arith.constant 9920 : i32
    %dma_wait3A_113 = tpu.memref_slice %arg7[%dma_wait3A_112] : memref<10000xi32, #tpu.memory_space<vmem>> -> memref<80xi32, #tpu.memory_space<vmem>>
    %dma_wait3A_114 = arith.constant 0 : i32
    %dma_wait3A_115 = arith.constant 0 : i32
    %dma_wait3A_116 = tpu.memref_slice %arg2[%dma_wait3A_114, %dma_wait3A_115] : memref<10000x64xi32, #tpu.memory_space<hbm>> -> memref<10000x64xi32, #tpu.memory_space<hbm>>
    tpu.wait_indirect_dma semaphore(%arg28 : memref<!tpu.dma_semaphore, #tpu.memory_space<semaphore_mem>>) src(%dma_wait3A_116 : memref<10000x64xi32, #tpu.memory_space<hbm>>) dst(%arg17 : memref<80x64xi32, #tpu.memory_space<vmem>>)
    %parallel_loop3A_117 = arith.constant 0 : i32
    %parallel_loop3A_118 = arith.constant 5 : i32
    %parallel_loop3A_119 = arith.constant 1 : i32
    scf.for %parallel_loop3A_120 = %parallel_loop3A_117 to %parallel_loop3A_118 step %parallel_loop3A_119  : i32 {
      %parallel_loop3A_121 = arith.constant 16 : i32
      %parallel_loop3A_122 = arith.muli %parallel_loop3A_120, %parallel_loop3A_121 : i32
      %parallel_loop3A_123 = vector.broadcast %parallel_loop3A_122 : i32 to vector<16xi32>
      %parallel_loop3A_124 = arith.addi %iota3A, %parallel_loop3A_123 : vector<16xi32>
      %parallel_loop3A_125 = arith.constant 0.000000e+00 : f32
      %parallel_loop3A_126 = vector.broadcast %parallel_loop3A_125 : f32 to vector<16xf32>
      %parallel_loop3A_127 = arith.constant 0 : i32
      %parallel_loop3A_128 = arith.constant 8 : i32
      %parallel_loop3A_129 = arith.constant 1 : i32
      %parallel_loop3A_130:4 = scf.for %parallel_loop3A_150 = %parallel_loop3A_127 to %parallel_loop3A_128 step %parallel_loop3A_129 iter_args(%parallel_loop3A_151 = %parallel_loop3A_126, %parallel_loop3A_152 = %parallel_loop3A_126, %parallel_loop3A_153 = %parallel_loop3A_126, %parallel_loop3A_154 = %parallel_loop3A_126) -> (vector<16xf32>, vector<16xf32>, vector<16xf32>, vector<16xf32>)  : i32 {
        %parallel_loop3A_155 = arith.constant 8 : i32
        %parallel_loop3A_156 = arith.muli %parallel_loop3A_150, %parallel_loop3A_155 : i32
        %parallel_loop3A_157 = arith.constant 0 : i32
        %parallel_loop3A_158 = arith.addi %parallel_loop3A_156, %parallel_loop3A_157 : i32
        %parallel_loop3A_159 = vector.broadcast %parallel_loop3A_158 : i32 to vector<16xi32>
        %parallel_loop3A_160 = arith.addi %iota3A, %parallel_loop3A_159 : vector<16xi32>
        %parallel_loop3A_161 = arith.constant 63 : i32
        %parallel_loop3A_162 = vector.broadcast %parallel_loop3A_161 : i32 to vector<16xi32>
        %parallel_loop3A_163 = arith.andi %parallel_loop3A_160, %parallel_loop3A_162 : vector<16xi32>
        %parallel_loop3A_164 = arith.constant 0 : i32
        %parallel_loop3A_165 = arith.addi %parallel_loop3A_156, %parallel_loop3A_164 : i32
        %parallel_loop3A_166 = arith.constant 1 : i32
        %parallel_loop3A_167 = arith.addi %parallel_loop3A_165, %parallel_loop3A_166 : i32
        %parallel_loop3A_168 = vector.broadcast %parallel_loop3A_167 : i32 to vector<16xi32>
        %parallel_loop3A_169 = arith.addi %iota3A, %parallel_loop3A_168 : vector<16xi32>
        %parallel_loop3A_170 = arith.constant 63 : i32
        %parallel_loop3A_171 = vector.broadcast %parallel_loop3A_170 : i32 to vector<16xi32>
        %parallel_loop3A_172 = arith.andi %parallel_loop3A_169, %parallel_loop3A_171 : vector<16xi32>
        %parallel_loop3A_173 = tpu.vector_load_idx %arg16[%parallel_loop3A_124, %parallel_loop3A_163] : memref<80x64xi32, #tpu.memory_space<vmem>>[vector<16xi32>, vector<16xi32>], vector<16xi32>,
        %parallel_loop3A_174 = vector.bitcast %parallel_loop3A_173 : vector<16xi32> to vector<32xbf16>
        %parallel_loop3A_175 = tpu.vector_load_idx %arg17[%parallel_loop3A_124, %parallel_loop3A_163] : memref<80x64xi32, #tpu.memory_space<vmem>>[vector<16xi32>, vector<16xi32>], vector<16xi32>,
        %parallel_loop3A_176 = vector.bitcast %parallel_loop3A_175 : vector<16xi32> to vector<32xbf16>
        %parallel_loop3A_177 = arith.mulf %parallel_loop3A_174, %parallel_loop3A_176 : vector<32xbf16>
        %parallel_loop3A_178 = tpu.vector_load_idx %arg16[%parallel_loop3A_124, %parallel_loop3A_172] : memref<80x64xi32, #tpu.memory_space<vmem>>[vector<16xi32>, vector<16xi32>], vector<16xi32>,
        %parallel_loop3A_179 = vector.bitcast %parallel_loop3A_178 : vector<16xi32> to vector<32xbf16>
        %parallel_loop3A_180 = tpu.vector_load_idx %arg17[%parallel_loop3A_124, %parallel_loop3A_172] : memref<80x64xi32, #tpu.memory_space<vmem>>[vector<16xi32>, vector<16xi32>], vector<16xi32>,
        %parallel_loop3A_181 = vector.bitcast %parallel_loop3A_180 : vector<16xi32> to vector<32xbf16>
        %parallel_loop3A_182 = arith.mulf %parallel_loop3A_179, %parallel_loop3A_181 : vector<32xbf16>
        %parallel_loop3A_183 = arith.addf %parallel_loop3A_177, %parallel_loop3A_182 : vector<32xbf16>
        %parallel_loop3A_184 = tpu.unpack_subelements %parallel_loop3A_183, 0 {pack_format = #tpu.pack_format<interleaved>} : vector<32xbf16> -> vector<16xf32>
        %parallel_loop3A_185 = tpu.unpack_subelements %parallel_loop3A_183, 1 {pack_format = #tpu.pack_format<interleaved>} : vector<32xbf16> -> vector<16xf32>
        %parallel_loop3A_186 = arith.constant 2 : i32
        %parallel_loop3A_187 = arith.addi %parallel_loop3A_156, %parallel_loop3A_186 : i32
        %parallel_loop3A_188 = vector.broadcast %parallel_loop3A_187 : i32 to vector<16xi32>
        %parallel_loop3A_189 = arith.addi %iota3A, %parallel_loop3A_188 : vector<16xi32>
        %parallel_loop3A_190 = arith.constant 63 : i32
        %parallel_loop3A_191 = vector.broadcast %parallel_loop3A_190 : i32 to vector<16xi32>
        %parallel_loop3A_192 = arith.andi %parallel_loop3A_189, %parallel_loop3A_191 : vector<16xi32>
        %parallel_loop3A_193 = arith.constant 2 : i32
        %parallel_loop3A_194 = arith.addi %parallel_loop3A_156, %parallel_loop3A_193 : i32
        %parallel_loop3A_195 = arith.constant 1 : i32
        %parallel_loop3A_196 = arith.addi %parallel_loop3A_194, %parallel_loop3A_195 : i32
        %parallel_loop3A_197 = vector.broadcast %parallel_loop3A_196 : i32 to vector<16xi32>
        %parallel_loop3A_198 = arith.addi %iota3A, %parallel_loop3A_197 : vector<16xi32>
        %parallel_loop3A_199 = arith.constant 63 : i32
        %parallel_loop3A_200 = vector.broadcast %parallel_loop3A_199 : i32 to vector<16xi32>
        %parallel_loop3A_201 = arith.andi %parallel_loop3A_198, %parallel_loop3A_200 : vector<16xi32>
        %parallel_loop3A_202 = tpu.vector_load_idx %arg16[%parallel_loop3A_124, %parallel_loop3A_192] : memref<80x64xi32, #tpu.memory_space<vmem>>[vector<16xi32>, vector<16xi32>], vector<16xi32>,
        %parallel_loop3A_203 = vector.bitcast %parallel_loop3A_202 : vector<16xi32> to vector<32xbf16>
        %parallel_loop3A_204 = tpu.vector_load_idx %arg17[%parallel_loop3A_124, %parallel_loop3A_192] : memref<80x64xi32, #tpu.memory_space<vmem>>[vector<16xi32>, vector<16xi32>], vector<16xi32>,
        %parallel_loop3A_205 = vector.bitcast %parallel_loop3A_204 : vector<16xi32> to vector<32xbf16>
        %parallel_loop3A_206 = arith.mulf %parallel_loop3A_203, %parallel_loop3A_205 : vector<32xbf16>
        %parallel_loop3A_207 = tpu.vector_load_idx %arg16[%parallel_loop3A_124, %parallel_loop3A_201] : memref<80x64xi32, #tpu.memory_space<vmem>>[vector<16xi32>, vector<16xi32>], vector<16xi32>,
        %parallel_loop3A_208 = vector.bitcast %parallel_loop3A_207 : vector<16xi32> to vector<32xbf16>
        %parallel_loop3A_209 = tpu.vector_load_idx %arg17[%parallel_loop3A_124, %parallel_loop3A_201] : memref<80x64xi32, #tpu.memory_space<vmem>>[vector<16xi32>, vector<16xi32>], vector<16xi32>,
        %parallel_loop3A_210 = vector.bitcast %parallel_loop3A_209 : vector<16xi32> to vector<32xbf16>
        %parallel_loop3A_211 = arith.mulf %parallel_loop3A_208, %parallel_loop3A_210 : vector<32xbf16>
        %parallel_loop3A_212 = arith.addf %parallel_loop3A_206, %parallel_loop3A_211 : vector<32xbf16>
        %parallel_loop3A_213 = tpu.unpack_subelements %parallel_loop3A_212, 0 {pack_format = #tpu.pack_format<interleaved>} : vector<32xbf16> -> vector<16xf32>
        %parallel_loop3A_214 = tpu.unpack_subelements %parallel_loop3A_212, 1 {pack_format = #tpu.pack_format<interleaved>} : vector<32xbf16> -> vector<16xf32>
        %parallel_loop3A_215 = arith.constant 4 : i32
        %parallel_loop3A_216 = arith.addi %parallel_loop3A_156, %parallel_loop3A_215 : i32
        %parallel_loop3A_217 = vector.broadcast %parallel_loop3A_216 : i32 to vector<16xi32>
        %parallel_loop3A_218 = arith.addi %iota3A, %parallel_loop3A_217 : vector<16xi32>
        %parallel_loop3A_219 = arith.constant 63 : i32
        %parallel_loop3A_220 = vector.broadcast %parallel_loop3A_219 : i32 to vector<16xi32>
        %parallel_loop3A_221 = arith.andi %parallel_loop3A_218, %parallel_loop3A_220 : vector<16xi32>
        %parallel_loop3A_222 = arith.constant 4 : i32
        %parallel_loop3A_223 = arith.addi %parallel_loop3A_156, %parallel_loop3A_222 : i32
        %parallel_loop3A_224 = arith.constant 1 : i32
        %parallel_loop3A_225 = arith.addi %parallel_loop3A_223, %parallel_loop3A_224 : i32
        %parallel_loop3A_226 = vector.broadcast %parallel_loop3A_225 : i32 to vector<16xi32>
        %parallel_loop3A_227 = arith.addi %iota3A, %parallel_loop3A_226 : vector<16xi32>
        %parallel_loop3A_228 = arith.constant 63 : i32
        %parallel_loop3A_229 = vector.broadcast %parallel_loop3A_228 : i32 to vector<16xi32>
        %parallel_loop3A_230 = arith.andi %parallel_loop3A_227, %parallel_loop3A_229 : vector<16xi32>
        %parallel_loop3A_231 = tpu.vector_load_idx %arg16[%parallel_loop3A_124, %parallel_loop3A_221] : memref<80x64xi32, #tpu.memory_space<vmem>>[vector<16xi32>, vector<16xi32>], vector<16xi32>,
        %parallel_loop3A_232 = vector.bitcast %parallel_loop3A_231 : vector<16xi32> to vector<32xbf16>
        %parallel_loop3A_233 = tpu.vector_load_idx %arg17[%parallel_loop3A_124, %parallel_loop3A_221] : memref<80x64xi32, #tpu.memory_space<vmem>>[vector<16xi32>, vector<16xi32>], vector<16xi32>,
        %parallel_loop3A_234 = vector.bitcast %parallel_loop3A_233 : vector<16xi32> to vector<32xbf16>
        %parallel_loop3A_235 = arith.mulf %parallel_loop3A_232, %parallel_loop3A_234 : vector<32xbf16>
        %parallel_loop3A_236 = tpu.vector_load_idx %arg16[%parallel_loop3A_124, %parallel_loop3A_230] : memref<80x64xi32, #tpu.memory_space<vmem>>[vector<16xi32>, vector<16xi32>], vector<16xi32>,
        %parallel_loop3A_237 = vector.bitcast %parallel_loop3A_236 : vector<16xi32> to vector<32xbf16>
        %parallel_loop3A_238 = tpu.vector_load_idx %arg17[%parallel_loop3A_124, %parallel_loop3A_230] : memref<80x64xi32, #tpu.memory_space<vmem>>[vector<16xi32>, vector<16xi32>], vector<16xi32>,
        %parallel_loop3A_239 = vector.bitcast %parallel_loop3A_238 : vector<16xi32> to vector<32xbf16>
        %parallel_loop3A_240 = arith.mulf %parallel_loop3A_237, %parallel_loop3A_239 : vector<32xbf16>
        %parallel_loop3A_241 = arith.addf %parallel_loop3A_235, %parallel_loop3A_240 : vector<32xbf16>
        %parallel_loop3A_242 = tpu.unpack_subelements %parallel_loop3A_241, 0 {pack_format = #tpu.pack_format<interleaved>} : vector<32xbf16> -> vector<16xf32>
        %parallel_loop3A_243 = tpu.unpack_subelements %parallel_loop3A_241, 1 {pack_format = #tpu.pack_format<interleaved>} : vector<32xbf16> -> vector<16xf32>
        %parallel_loop3A_244 = arith.constant 6 : i32
        %parallel_loop3A_245 = arith.addi %parallel_loop3A_156, %parallel_loop3A_244 : i32
        %parallel_loop3A_246 = vector.broadcast %parallel_loop3A_245 : i32 to vector<16xi32>
        %parallel_loop3A_247 = arith.addi %iota3A, %parallel_loop3A_246 : vector<16xi32>
        %parallel_loop3A_248 = arith.constant 63 : i32
        %parallel_loop3A_249 = vector.broadcast %parallel_loop3A_248 : i32 to vector<16xi32>
        %parallel_loop3A_250 = arith.andi %parallel_loop3A_247, %parallel_loop3A_249 : vector<16xi32>
        %parallel_loop3A_251 = arith.constant 6 : i32
        %parallel_loop3A_252 = arith.addi %parallel_loop3A_156, %parallel_loop3A_251 : i32
        %parallel_loop3A_253 = arith.constant 1 : i32
        %parallel_loop3A_254 = arith.addi %parallel_loop3A_252, %parallel_loop3A_253 : i32
        %parallel_loop3A_255 = vector.broadcast %parallel_loop3A_254 : i32 to vector<16xi32>
        %parallel_loop3A_256 = arith.addi %iota3A, %parallel_loop3A_255 : vector<16xi32>
        %parallel_loop3A_257 = arith.constant 63 : i32
        %parallel_loop3A_258 = vector.broadcast %parallel_loop3A_257 : i32 to vector<16xi32>
        %parallel_loop3A_259 = arith.andi %parallel_loop3A_256, %parallel_loop3A_258 : vector<16xi32>
        %parallel_loop3A_260 = tpu.vector_load_idx %arg16[%parallel_loop3A_124, %parallel_loop3A_250] : memref<80x64xi32, #tpu.memory_space<vmem>>[vector<16xi32>, vector<16xi32>], vector<16xi32>,
        %parallel_loop3A_261 = vector.bitcast %parallel_loop3A_260 : vector<16xi32> to vector<32xbf16>
        %parallel_loop3A_262 = tpu.vector_load_idx %arg17[%parallel_loop3A_124, %parallel_loop3A_250] : memref<80x64xi32, #tpu.memory_space<vmem>>[vector<16xi32>, vector<16xi32>], vector<16xi32>,
        %parallel_loop3A_263 = vector.bitcast %parallel_loop3A_262 : vector<16xi32> to vector<32xbf16>
        %parallel_loop3A_264 = arith.mulf %parallel_loop3A_261, %parallel_loop3A_263 : vector<32xbf16>
        %parallel_loop3A_265 = tpu.vector_load_idx %arg16[%parallel_loop3A_124, %parallel_loop3A_259] : memref<80x64xi32, #tpu.memory_space<vmem>>[vector<16xi32>, vector<16xi32>], vector<16xi32>,
        %parallel_loop3A_266 = vector.bitcast %parallel_loop3A_265 : vector<16xi32> to vector<32xbf16>
        %parallel_loop3A_267 = tpu.vector_load_idx %arg17[%parallel_loop3A_124, %parallel_loop3A_259] : memref<80x64xi32, #tpu.memory_space<vmem>>[vector<16xi32>, vector<16xi32>], vector<16xi32>,
        %parallel_loop3A_268 = vector.bitcast %parallel_loop3A_267 : vector<16xi32> to vector<32xbf16>
        %parallel_loop3A_269 = arith.mulf %parallel_loop3A_266, %parallel_loop3A_268 : vector<32xbf16>
        %parallel_loop3A_270 = arith.addf %parallel_loop3A_264, %parallel_loop3A_269 : vector<32xbf16>
        %parallel_loop3A_271 = tpu.unpack_subelements %parallel_loop3A_270, 0 {pack_format = #tpu.pack_format<interleaved>} : vector<32xbf16> -> vector<16xf32>
        %parallel_loop3A_272 = tpu.unpack_subelements %parallel_loop3A_270, 1 {pack_format = #tpu.pack_format<interleaved>} : vector<32xbf16> -> vector<16xf32>
        %parallel_loop3A_273 = arith.addf %parallel_loop3A_151, %parallel_loop3A_184 : vector<16xf32>
        %parallel_loop3A_274 = arith.addf %parallel_loop3A_152, %parallel_loop3A_185 : vector<16xf32>
        %parallel_loop3A_275 = arith.addf %parallel_loop3A_153, %parallel_loop3A_213 : vector<16xf32>
        %parallel_loop3A_276 = arith.addf %parallel_loop3A_154, %parallel_loop3A_214 : vector<16xf32>
        %parallel_loop3A_277 = arith.addf %parallel_loop3A_273, %parallel_loop3A_242 : vector<16xf32>
        %parallel_loop3A_278 = arith.addf %parallel_loop3A_274, %parallel_loop3A_243 : vector<16xf32>
        %parallel_loop3A_279 = arith.addf %parallel_loop3A_275, %parallel_loop3A_271 : vector<16xf32>
        %parallel_loop3A_280 = arith.addf %parallel_loop3A_276, %parallel_loop3A_272 : vector<16xf32>
        scf.yield %parallel_loop3A_277, %parallel_loop3A_278, %parallel_loop3A_279, %parallel_loop3A_280 : vector<16xf32>, vector<16xf32>, vector<16xf32>, vector<16xf32>
      } {sc.loop_unroll_factor = 2 : i64, sc.parallel_access}
      %parallel_loop3A_131 = arith.addf %parallel_loop3A_130#0, %parallel_loop3A_130#1 : vector<16xf32>
      %parallel_loop3A_132 = arith.addf %parallel_loop3A_130#2, %parallel_loop3A_130#3 : vector<16xf32>
      %parallel_loop3A_133 = arith.addf %parallel_loop3A_131, %parallel_loop3A_132 : vector<16xf32>
      %parallel_loop3A_134 = arith.constant 0.000000e+00 : f32
      %parallel_loop3A_135 = vector.broadcast %parallel_loop3A_134 : f32 to vector<16xf32>
      %parallel_loop3A_136 = arith.subf %parallel_loop3A_135, %parallel_loop3A_133 : vector<16xf32>
      %parallel_loop3A_137 = math.exp %parallel_loop3A_136 : vector<16xf32>
      %parallel_loop3A_138 = arith.constant 1.000000e+00 : f32
      %parallel_loop3A_139 = vector.broadcast %parallel_loop3A_138 : f32 to vector<16xf32>
      %parallel_loop3A_140 = arith.addf %parallel_loop3A_139, %parallel_loop3A_137 : vector<16xf32>
      %parallel_loop3A_141 = arith.constant 1.000000e+00 : f32
      %parallel_loop3A_142 = vector.broadcast %parallel_loop3A_141 : f32 to vector<16xf32>
      %parallel_loop3A_143 = arith.divf %parallel_loop3A_142, %parallel_loop3A_140 : vector<16xf32>
      %parallel_loop3A_144 = arith.constant 16 : i32
      %parallel_loop3A_145 = arith.muli %parallel_loop3A_120, %parallel_loop3A_144 : i32
      %parallel_loop3A_146 = arith.constant 9920 : i32
      %parallel_loop3A_147 = arith.addi %parallel_loop3A_146, %parallel_loop3A_145 : i32
      %parallel_loop3A_148 = arith.index_cast %parallel_loop3A_147 : i32 to index
      %parallel_loop3A_149 = tpu.vector_load %arg18[%parallel_loop3A_148] {strides = array<i32>} : memref<10000xf32, #tpu.memory_space<vmem>>, vector<16xf32>,
      tpu.vector_store %arg18[%parallel_loop3A_148], %parallel_loop3A_143 {strides = array<i32>} : memref<10000xf32, #tpu.memory_space<vmem>>, vector<16xf32>,
    } {sc.loop_unroll_factor = 1 : i64, sc.parallel_access}
    "tpu.region"() ({
      %run_scoped3A = tpu.sem_alloc : memref<!tpu.dma_semaphore, #tpu.memory_space<semaphore_mem>>
      %dma_start3A_120 = tpu.memref_slice %arg5[%mul3A_2] : memref<320000xf32, #tpu.memory_space<hbm>> -> memref<10000xf32, #tpu.memory_space<hbm>>
      %dma_start3A_121 = tpu.memref_slice %arg5[%mul3A_2] : memref<320000xf32, #tpu.memory_space<hbm>> -> memref<10000xf32, #tpu.memory_space<hbm>>
      tpu.enqueue_dma source(%arg18 : memref<10000xf32, #tpu.memory_space<vmem>>) target(%dma_start3A_121 : memref<10000xf32, #tpu.memory_space<hbm>>) target_semaphore(%run_scoped3A : memref<!tpu.dma_semaphore, #tpu.memory_space<semaphore_mem>>)
      %dma_wait3A_122 = tpu.memref_slice %arg5[%mul3A_2] : memref<320000xf32, #tpu.memory_space<hbm>> -> memref<10000xf32, #tpu.memory_space<hbm>>
      %dma_wait3A_123 = tpu.memref_slice %arg5[%mul3A_2] : memref<320000xf32, #tpu.memory_space<hbm>> -> memref<10000xf32, #tpu.memory_space<hbm>>
      tpu.wait_dma2 semaphore(%run_scoped3A : memref<!tpu.dma_semaphore, #tpu.memory_space<semaphore_mem>>) src(%arg18 : memref<10000xf32, #tpu.memory_space<vmem>>) dst(%dma_wait3A_123 : memref<10000xf32, #tpu.memory_space<hbm>>)
      tpu.yield
    }) : () -> ()
    return
  }
}

</mosaic_0001>

<sc_bundles>
// kernel: kernel.3.cloned.1.call-start
scs
__scs_entry_jumppad:
0x0: {  	(pc) =	sbr.rel $0x88, $3  }
0x1: {  	(tag) =	ssettag $0x0;
	lr =	simm.s32 $0x1  }
0x2: {  	[smem:$0x3F9F] =	sst lr;
	_ =	strace $0xD0000000  }
0x3: {  	_ = 	snop  }
0x4: {  	_ = 	snop  }
0x5: {  	_ = 	snop  }
0x6: {  	_ = 	snop  }
0x7: {  	_ = 	snop  }
__scs_overlays_trampoline_lowered:
0x8: {  	[smem:$0x3FAE] =	sst s0  }
0x9: {  	[smem:$0x3FAF] =	sst s1  }
0xa: {  	[smem:$0x3FB0] =	sst s2  }
0xb: {  	[smem:$0x3FB1] =	sst s3  }
0xc: {  	[smem:$0x3FB2] =	sst s4  }
0xd: {  	[smem:$0x3FB3] =	sst s5  }
0xe: {  	[smem:$0x3FB4] =	sst s6  }
0xf: {  	[smem:$0x3FB5] =	sst s7  }
0x10: {  	[smem:$0x3FB6] =	sst s8  }
0x11: {  	[smem:$0x3FB7] =	sst s9;
	s0 =	simm.s32 @!p0 $0x0  }
0x12: {  	s1 =	sld [smem:$0x3F9D];
	s0 =	simm.s32 @p0 $0x1  }
0x13: {  	[smem:$0x3FB8] =	sst s0;
	s0 =	simm.s32 @!p1 $0x0  }
0x14: {  	s2 =	sld [smem:$0x3F9C];
	s0 =	simm.s32 @p1 $0x1  }
0x15: {  	[smem:$0x3FB9] =	sst s0;
	s0 =	simm.s32 @!p2 $0x0  }
0x16: {  	s3 =	sld [smem:$0x3FDB];
	s0 =	simm.s32 @p2 $0x1  }
0x17: {  	s4 =	simm.s32 $0x1BF5;
	[smem:$0x3FBB] =	sst s0  }
0x18: {  	s0 =	sld [smem:$0x3F9E];
	_ =	swait.ge [sflag:s4], $0x0  }
0x19: {  	s7 =	sld [smem:$0x3F9F]  }
0x1a: {  	s8 =	sadd.s32 $0xFFFFE003, lr  }
0x1b: {  	s9 =	sadd.s32 $0xFFFFFEF7, lr;
	s5 =	simm.s32 $0xFFFFFFFF;
	p2 =	slt.u32 s8, $0xFFFFF086  }
0x1c: {  	p1 =	slt.u32 s9, $0xF7A;
	s5 =	simm.s32 @!p2 $0x0  }
0x1d: {  	s5 =	simm.s32 @p1 $0x1;
	p0 =	seq.s32 s7, s2  }
0x1e: {  	s7 =	smul.u32 @!p0 $0xF7A, s2;
	p2 =	seq.s32 @!p0 s5, $0x0  }
0x1f: {  	s9 =	smul.u32 $0xF7A, s1;
	s8 =	simm.s32 @!p0 $0x1BF5;
	p2 =	por !p2, p0  }
0x20: {  	[sflag:s8] =	ssyncset.s32 @!p0 $0xFFFFF086;
	s6 =	sadd.s32 @!p0 s3, s7;
	s7 =	simm.s32 @!p0 $0x108  }
0x21: {  	s3 =	sadd.s32 s3, s9;
	s6 =	sadd.s32 @!p0 $0x88, s6;
	s7 =	simm.s32 @p2 $0x1082  }
0x22: {  	[simem:s7], [sflag:s8] =	dma.local @!p0 [hbm:s6], $0xF7A  }
0x23: {  	s9 =	sor.u32 $0xD0000000, s2;
	s6 =	simm.s32 $0x108;
	_ =	swait.ge @!p0 [sflag:s8], $0x0  }
0x24: {  	s3 =	sadd.s32 $0x88, s3;
	s6 =	simm.s32 @!p1 $0x1082;
	[sflag:s4] =	ssyncset.s32 $0xFFFFF086  }
0x25: {  	[simem:s6], [sflag:s4] =	dma.local [hbm:s3], $0xF7A  }
0x26: {  	[smem:$0x3F9F] =	sst s1;
	(tag) =	ssettag s2;
	_ =	strace s9  }
0x27: {  	s1 =	sld [smem:$0x3FAF]  }
0x28: {  	s2 =	sld [smem:$0x3FB0]  }
0x29: {  	s4 =	sld [smem:$0x3FB2]  }
0x2a: {  	p0 =	seq.s32 s5, $0x0;
	s5 =	sld [smem:$0x3FB3]  }
0x2b: {  	s6 =	sld [smem:$0x3FB4]  }
0x2c: {  	s7 =	sld [smem:$0x3FB5]  }
0x2d: {  	s3 =	simm.s32 $0x108;
	s8 =	sld [smem:$0x3FB6]  }
0x2e: {  	s3 =	simm.s32 @!p0 $0x1082;
	s9 =	sld [smem:$0x3FB7]  }
0x2f: {  	lr =	sadd.s32 s0, s3;
	s0 =	sld [smem:$0x3FAE]  }
0x30: {  	s3 =	sld [smem:$0x3FB1]  }
0x31: {  	[smem:$0x3FBA] =	sst s10  }
0x32: {  	s10 =	sld [smem:$0x3FB8];
	_ =	sdelay $0x3  }
0x33: {  	p0 =	seq.s32 s10, $0x1;
	s10 =	sld [smem:$0x3FBA];
	_ =	sdelay $0x3  }
0x34: {  	[smem:$0x3FBA] =	sst s10  }
0x35: {  	s10 =	sld [smem:$0x3FB9];
	_ =	sdelay $0x3  }
0x36: {  	p1 =	seq.s32 s10, $0x1;
	s10 =	sld [smem:$0x3FBA];
	_ =	sdelay $0x3  }
0x37: {  	[smem:$0x3FBA] =	sst s10  }
0x38: {  	s10 =	sld [smem:$0x3FBB]  }
0x39: {  	_ = 	snop;
	(pc) =	sbr.ind lr, $3  }
0x3a: {  	_ = 	snop  }
0x3b: {  	_ = 	snop  }
0x3c: {  	p2 =	seq.s32 s10, $0x1;
	s10 =	sld [smem:$0x3FBA]  }
0x3d: {  	_ =	shalt  }
0x3e: {  	_ =	shalt  }
0x3f: {  	_ =	shalt  }
0x40: {  	_ =	shalt  }
0x41: {  	_ =	shalt  }
0x42: {  	_ =	shalt  }
0x43: {  	_ =	shalt  }
0x44: {  	_ =	shalt  }
0x45: {  	_ =	shalt  }
0x46: {  	_ =	shalt  }
0x47: {  	_ =	shalt  }
0x48: {  	_ =	shalt  }
0x49: {  	_ =	shalt  }
0x4a: {  	_ =	shalt  }
0x4b: {  	_ =	shalt  }
0x4c: {  	_ =	shalt  }
0x4d: {  	_ =	shalt  }
0x4e: {  	_ =	shalt  }
0x4f: {  	_ =	shalt  }
0x50: {  	_ =	shalt  }
0x51: {  	_ =	shalt  }
0x52: {  	_ =	shalt  }
0x53: {  	_ =	shalt  }
0x54: {  	_ =	shalt  }
0x55: {  	_ =	shalt  }
0x56: {  	_ =	shalt  }
0x57: {  	_ =	shalt  }
0x58: {  	_ =	shalt  }
0x59: {  	_ =	shalt  }
0x5a: {  	_ =	shalt  }
0x5b: {  	_ =	shalt  }
0x5c: {  	_ =	shalt  }
0x5d: {  	_ =	shalt  }
0x5e: {  	_ =	shalt  }
0x5f: {  	_ =	shalt  }
0x60: {  	_ =	shalt  }
0x61: {  	_ =	shalt  }
0x62: {  	_ =	shalt  }
0x63: {  	_ =	shalt  }
0x64: {  	_ =	shalt  }
0x65: {  	_ =	shalt  }
0x66: {  	_ =	shalt  }
0x67: {  	_ =	shalt  }
0x68: {  	_ =	shalt  }
0x69: {  	_ =	shalt  }
0x6a: {  	_ =	shalt  }
0x6b: {  	_ =	shalt  }
0x6c: {  	_ =	shalt  }
0x6d: {  	_ =	shalt  }
0x6e: {  	_ =	shalt  }
0x6f: {  	_ =	shalt  }
0x70: {  	_ =	shalt  }
0x71: {  	_ =	shalt  }
0x72: {  	_ =	shalt  }
0x73: {  	_ =	shalt  }
0x74: {  	_ =	shalt  }
0x75: {  	_ =	shalt  }
0x76: {  	_ =	shalt  }
0x77: {  	_ =	shalt  }
0x78: {  	_ =	shalt  }
0x79: {  	_ =	shalt  }
0x7a: {  	_ =	shalt  }
0x7b: {  	_ =	shalt  }
0x7c: {  	_ =	shalt  }
0x7d: {  	_ =	shalt  }
0x7e: {  	_ =	shalt  }
0x7f: {  	_ =	shalt  }
0x80: {  	_ =	shalt  }
0x81: {  	_ =	shalt  }
0x82: {  	_ =	shalt  }
0x83: {  	_ =	shalt  }
0x84: {  	_ =	shalt  }
0x85: {  	_ =	shalt  }
0x86: {  	_ =	shalt  }
0x87: {  	_ =	shalt  }
.Lfunc_end0:
.L_simem_size_0:
called_computation_lowered:
.L_overlay_start_0:
0x88: {  	s2 =	sld [smem:$0x3FD9]  }
0x89: {  	s3 =	sld [smem:$0x3FFE];
	_ =	sdelay $0x1  }
0x8a: {  	s1 =	srdreg.scid  }
0x8b: {  	s0 =	sand.u32 $0x1, s1  }
0x8c: {  	s17 =	sshll.u32 s0, $0xA;
	s2 =	sadd.s32 s3, s2  }
0x8d: {  	s2 =	sadd.s32 s2, s17  }
0x8e: {  	[smem:$0x3FC6] =	sst s2  }
0x8f: {  	_ = 	snop  }
0x90: {  	s2 =	sld [smem:$0x3FD0];
	(tm) =	ssettm $0x1  }
0x91: {  	s18 =	sld [smem:$0x3FFB];
	_ =	sdelay $0x3  }
0x92: {  	_ =	strace s18  }
0x93: {  	s3 =	sld [smem:$0x3FFC];
	_ =	sdelay $0x3  }
0x94: {  	_ =	strace s3  }
0x95: {  	s3 =	sld [smem:$0x3FFD];
	_ =	sdelay $0x3  }
0x96: {  	_ =	strace s3  }
0x97: {  	_ =	strace $0x8FFFFFFF  }
0x98: {  	s19 =	sld [smem:$0x3FDB];
	_ =	sdelay $0x1  }
0x99: {  	s4 =	simm.s32 $_scs_section_size  }
0x9a: {  	s5 =	simm.s32 $_size__tile_overlayer_lowered;
	s6 =	simm.s32 $_tile_overlayer_lowered  }
0x9b: {  	s22 =	simm.s32 $0x1BFF;
	s21 =	sshll.u32 s6, $0x1;
	s3 =	sadd.s32 s4, s19  }
0x9c: {  	s7 =	simm.s32 $0x0;
	s20 =	sshll.u32 s5, $0x1;
	s5 =	sadd.s32 s21, s3  }
0x9d: {  	[timem:s7], [sflag:s22] =	dma.local [hbm:s5], s20  }
0x9e: {  	_ =	swait.ge [sflag:s22], s20  }
0x9f: {  	s4 =	ssub.s32 $0x0, s20;
	[sflag:s22] =	ssyncset.done $0x0  }
0xa0: {  	[sflag:s22] =	ssyncadd.s32 s4;
	_ =	sdelay $0x1  }
0xa1: {  	s23 =	simm.s32 $0x1B8B  }
0xa2: {  	_ =	swait.ge [sflag:s23], $0x1  }
0xa3: {  	[sflag:s23] =	ssyncset.done $0x0  }
0xa4: {  	s25 =	simm.s32 $0x1B8E;
	s24 =	sld [smem:$0x3FFE];
	[sflag:s23] =	ssyncadd.s32 $0xFFFFFFFF  }
0xa5: {  	s26 =	simm.s32 $execute0_lowered;
	[smem:$0x3FD2] =	sst s25  }
0xa6: {  	s5 =	sshll.u32 s26, $0x1;
	_ =	strace $0x80000046;
	[dreg:$0x1] =	wrdreg $0xFFFFFFFF  }
0xa7: {  	s28 =	simm.s32 $_size_execute0_lowered;
	s3 =	sadd.s32 s3, s5;
	[dreg:$0x0] =	wrdreg $0x0  }
0xa8: {  	s5 =	sshll.u32 s28, $0x1;
	[dreg:$0x2] =	wrdreg s3  }
0xa9: {  	[dreg:$0x3] =	wrdreg s5  }
0xaa: {  	[dreg:$0x4] =	wrdreg $0xC0  }
0xab: {  	_ =	task [dreg:s7], $0x5FFFF  }
0xac: {  	[dreg:$0x1] =	wrdreg $0xFFFFFFFF  }
0xad: {  	[dreg:$0x0] =	wrdreg $0x60  }
0xae: {  	[dreg:$0x2] =	wrdreg s24  }
0xaf: {  	[dreg:$0x3] =	wrdreg s2  }
0xb0: {  	[dreg:$0x4] =	wrdreg $0x9  }
0xb1: {  	_ =	task.clear_ibuf [dreg:s7], $0x5FFFF;
	_ =	strace $0x90000046  }
0xb2: {  	s29 =	simm.s32 $0x9;
	_ =	strace $0x80000048  }
0xb3: {  	_ =	swait.ge [sflag:s29], $0x1  }
0xb4: {  	[sflag:s29] =	ssyncadd.s32 $0xFFFFFFFF  }
0xb5: {  	_ =	strace $0x90000048  }
0xb6: {  	_ =	sfence  }
0xb7: {  	s30 =	sld [smem:$0x0];
	_ =	sdelay $0x2  }
0xb8: {  	s31 =	sshll.u32 s1, $0xD;
	s1 =	sshrl.u32 s1, $0x2  }
0xb9: {  	s3 =	sand.u32 $0x4000, s31;
	s1 =	sadd.s32 s1, s30  }
0xba: {  	s0 =	sor.u32 s3, s0;
	s1 =	sshll.u32 s1, $0x11  }
0xbb: {  	s0 =	sor.u32 s1, s0  }
0xbc: {  	s0 =	sadd.s32 $0x8F2B, s0  }
0xbd: {  	[sflag:s0] =	ssyncadd.remote.s32 $0x1  }
0xbe: {  	_ =	sfence.sel $0xFFFF  }
0xbf: {  	[dreg:$0x0] =	wrdreg $0xFFFFFFFF;
	(pc) =	sbr.abs _section_cstart, $3  }
0xc0: {  	[dreg:$0x1] =	wrdreg $0xFFFFFFFF  }
0xc1: {  	_ =	task.clear_ibuf [dreg:s7], $0x2FFFF;
	_ =	strace $0x9FFFFFFF  }
0xc2: {  	(tm) =	ssettm $0x7FFFFFFF  }
0xc3: {  	_ =	shalt  }
tec
execute0_lowered:
.L_overlay_start_1:
0x0: {  	(tag) =	ssettag $0x1  }
0x1: {  	s2 =	rddreg [dreg:$0x0];
	s0 =	srdreg.scid  }
0x2: {  	s3 =	stileid.u32;
	s1 =	rddreg [dreg:$0x1]  }
0x3: {  	s6 =	simm.s32 $0x0;
	s10 =	simm.s32 $0x50;
	s11 =	simm.s32 $0x4E20  }
0x4: {  	s12 =	simm.s32 $0x6220;
	s13 =	simm.s32 $0x7620;
	s15 =	simm.s32 $0x8A20  }
0x5: {  	s17 =	simm.s32 $0x9E20;
	s19 =	simm.s32 $0xB220;
	s21 =	simm.s32 $0xC620  }
0x6: {  	s23 =	simm.s32 $0xDA20;
	s0 =	sand.u32 $0x1, s0;
	s3 =	sshll.u32 s3, $0x1  }
0x7: {  	s26 =	simm.s32 $0xEE20;
	s28 =	simm.s32 $0x10220;
	s3 =	sor.u32 s0, s3  }
0x8: {  	s14 =	simm.s32 $0x8;
	s0 =	ssub.s32 $0x2, s0;
	s3 =	smul.u32 $0x4E2, s3  }
0x9: {  	s16 =	simm.s32 $0x9;
	[smem:$0x7FF] =	sst s6;
	s4 =	sshrl.u32 s0, $0x1  }
0xa: {  	_ =	strace $0x80000047;
	s0 =	ssub.s32 s0, s4;
	s1 =	sadd.s32 s1, s3  }
0xb: {  	s5 =	sadd.s32 s3, s2;
	s0 =	smax.u32 s0, $0x1;
	[dreg:$0x5] =	wrdreg s1  }
0xc: {  	s18 =	simm.s32 $0xA;
	s30 =	sadd.s32 $0x1D800, s5;
	[dreg:$0x6] =	wrdreg s0  }
0xd: {  	v0 =	vlaneseq.u32;
	s4 =	simm.s32 $0x0;
	s31 =	sadd.s32 $0x13A00, s5;
	[dreg:$0x3] =	wrdreg s30  }
0xe: {  	v1 =	vmul.u32 $0x40, v0;
	v2 =	vand.u32 $0x7, v0;
	s3 =	simm.s32 $0xB;
	s0 =	simm.s32 $0x7;
	[dreg:$0x4] =	wrdreg s31  }
.LBB2_1:
0xf: {  	[dreg:$0x7] =	wrdreg s4  }
0x10: {  	s1 =	rddreg [dreg:$0x3]  }
0x11: {  	[tilespmem:s6], [sflag:$0xB] =	stream.linear.gather [hbm4b:s1+s6], $0x2710, $0x38;
	[tilespmem:$0x13D30] =	vst v63  }
0x12: {  	_ =	swait.ge [sflag:s3], $0x2710  }
0x13: {  	[sflag:s3] =	ssyncset.done $0x0  }
0x14: {  	s22 =	simm.s32 $0x2710;
	s20 =	rddreg [dreg:$0x4];
	[sflag:s3] =	ssyncadd.s32 $0xFFFFD8F0  }
0x15: {  	[tilespmem:s22], [sflag:$0xB] =	stream.linear.gather [hbm4b:s20+s6], $0x2710, $0x38;
	[tilespmem:$0x13D30] =	vst v63  }
0x16: {  	_ =	swait.ge [sflag:s3], $0x2710  }
0x17: {  	[sflag:s3] =	ssyncset.done $0x0  }
0x18: {  	[sflag:s3] =	ssyncadd.s32 $0xFFFFD8F0  }
0x19: {  	[tilespmem:s11], [sflag:$0x1] =	stream.indirect.gather [hbm4b:s2+s10], $0x40, s6, s10, $0xb8;
	[tilespmem:$0x13D30] =	vst v63  }
0x1a: {  	_ = 	snop  }
0x1b: {  	[tilespmem:s12], [sflag:$0x2] =	stream.indirect.gather [hbm4b:s2+s10], $0x40, s22, s10, $0xb8;
	[tilespmem:$0x13D30] =	vst v63  }
0x1c: {  	_ = 	snop  }
0x1d: {  	[tilespmem:s13], [sflag:$0x3] =	stream.indirect.gather [hbm4b:s2+s10], $0x40, s10, s10, $0xb8;
	[tilespmem:$0x13D30] =	vst v63  }
0x1e: {  	s24 =	simm.s32 $0x2760  }
0x1f: {  	[tilespmem:s15], [sflag:$0x4] =	stream.indirect.gather [hbm4b:s2+s10], $0x40, s24, s10, $0xb8;
	[tilespmem:$0x13D30] =	vst v63  }
0x20: {  	s25 =	simm.s32 $0xA0  }
0x21: {  	[tilespmem:s17], [sflag:$0x5] =	stream.indirect.gather [hbm4b:s2+s10], $0x40, s25, s10, $0xb8;
	[tilespmem:$0x13D30] =	vst v63  }
0x22: {  	s29 =	simm.s32 $0x27B0  }
0x23: {  	[tilespmem:s19], [sflag:$0x6] =	stream.indirect.gather [hbm4b:s2+s10], $0x40, s29, s10, $0xb8;
	[tilespmem:$0x13D30] =	vst v63  }
0x24: {  	s30 =	simm.s32 $0xF0  }
0x25: {  	[tilespmem:s21], [sflag:$0x7] =	stream.indirect.gather [hbm4b:s2+s10], $0x40, s30, s10, $0xb8;
	[tilespmem:$0x13D30] =	vst v63  }
0x26: {  	s31 =	simm.s32 $0x2800;
	s20 =	simm.s32 $0x0  }
0x27: {  	[tilespmem:s23], [sflag:$0x8] =	stream.indirect.gather [hbm4b:s2+s10], $0x40, s31, s10, $0xb8;
	[tilespmem:$0x13D30] =	vst v63  }
.LBB2_2:
0x28: {  	s1 =	simm.s32 $0x1  }
0x29: {  	_ =	swait.ge [sflag:s1], $0x1400  }
0x2a: {  	[sflag:s1] =	ssyncset.done $0x0  }
0x2b: {  	s30 =	simm.s32 $0x2;
	s9 =	smul.u32 $0x190, s20;
	[sflag:s1] =	ssyncadd.s32 $0xFFFFEC00  }
0x2c: {  	s5 =	smul.u32 $0x640, s20;
	_ =	swait.ge [sflag:s30], $0x1400  }
0x2d: {  	[sflag:s30] =	ssyncset.done $0x0  }
0x2e: {  	s4 =	sadd.s32 $0x140, s9;
	s5 =	sshra.s32 s5, $0x2;
	[sflag:s30] =	ssyncadd.s32 $0xFFFFEC00  }
0x2f: {  	[tilespmem:s26], [sflag:$0x9] =	stream.indirect.gather [hbm4b:s2+s10], $0x40, s4, s10, $0xb8;
	[tilespmem:$0x13D30] =	vst v63  }
0x30: {  	s6 =	simm.s32 $0x0;
	s3 =	sadd.s32 $0x2850, s9;
	s31 =	sadd.s32 $0x11620, s5  }
0x31: {  	v3 =	vmov s31;
	[tilespmem:s28], [sflag:$0xA] =	stream.indirect.gather [hbm4b:s2+s10], $0x40, s3, s10, $0xb8;
	[tilespmem:$0x13D30] =	vst v63  }
.LBB2_3:
0x32: {  	s7 =	sshll.u32 s6, $0x4  }
0x33: {  	s3 =	simm.s32 $0x1;
	v4 =	vmov s7  }
0x34: {  	s8 =	simm.s32 $0x2;
	v5 =	vadd.s32 s3, v0;
	v4 =	vshll.u32 v4, $0x6  }
0x35: {  	v6 =	vadd.s32 s8, v0;
	v5 =	vand.u32 $0x3F, v5;
	v4 =	vor.u32 v1, v4  }
0x36: {  	s25 =	simm.s32 $0x7;
	v6 =	vand.u32 $0x3F, v6;
	v7 =	vor.u32 v4, v5  }
0x37: {  	v9 =	vadd.s32 s25, v0;
	v6 =	vor.u32 v4, v6  }
0x38: {  	v9 =	vand.u32 $0x3F, v9  }
0x39: {  	s29 =	simm.s32 $0x6;
	v9 =	vor.u32 v4, v9  }
0x3a: {  	v11 =	vadd.s32 s29, v0  }
0x3b: {  	s30 =	simm.s32 $0x5;
	v11 =	vand.u32 $0x3F, v11;
	v10 =	vld.idx.msk [tilespmem:v7+s11+$0x0], $0xffff  }
0x3c: {  	s31 =	simm.s32 $0x9;
	v14 =	vadd.s32 s30, v0;
	v11 =	vor.u32 v4, v11;
	v12 =	vld.idx.msk [tilespmem:v6+s12+$0x0], $0xffff  }
0x3d: {  	v15 =	vadd.s32 s31, v0;
	v14 =	vand.u32 $0x3F, v14;
	v16 =	vld.idx.msk [tilespmem:v7+s12+$0x0], $0xffff  }
0x3e: {  	s24 =	simm.s32 $0x0;
	v5 =	vor.u32 v0, v4;
	v17 =	vor.u32 v4, v14;
	v7 =	vand.u32 $0x3F, v15;
	v15 =	vld.idx.msk [tilespmem:v9+s12+$0x0], $0xffff  }
0x3f: {  	v8 =	vor.u32 s24, v5;
	v9 =	vld.idx.msk [tilespmem:v9+s11+$0x0], $0xffff  }
0x40: {  	s1 =	simm.s32 $0xA;
	v20 =	vld.idx.msk [tilespmem:v6+s11+$0x0], $0xffff  }
0x41: {  	v14 =	vadd.s32 s1, v0;
	v21 =	vld.idx.msk [tilespmem:v11+s12+$0x0], $0xffff  }
0x42: {  	v11 =	vld.idx.msk [tilespmem:v11+s11+$0x0], $0xffff;
	v18 =	vor.u32 v4, v7;
	v7 =	vand.u32 $0x3F, v14  }
0x43: {  	s8 =	simm.s32 $0x3;
	v29 =	vld.idx.msk [tilespmem:v17+s12+$0x0], $0xffff;
	v19 =	vor.u32 v4, v7  }
0x44: {  	v13 =	vld.idx.msk [tilespmem:v8+s12+$0x0], $0xffff;
	v14 =	vadd.s32 s8, v0  }
0x45: {  	s22 =	simm.s32 $0x8;
	v8 =	vld.idx.msk [tilespmem:v8+s11+$0x0], $0xffff;
	v6 =	vand.u32 $0x3F, v14  }
0x46: {  	v25 =	vimm.f32 $0.0e+00;
	s25 =	simm.s32 $0x4;
	v17 =	vld.idx.msk [tilespmem:v17+s11+$0x0], $0xffff;
	v7 =	vadd.s32 s22, v0;
	v27 =	vor.u32 v4, v6  }
0x47: {  	v22 =	vadd.s32 s25, v0;
	s24 =	simm.s32 $0xB;
	v6 =	vor.u32 v2, v4;
	v7 =	vand.u32 $0x38, v7;
	v28 =	vld.idx.msk [tilespmem:v18+s12+$0x0], $0xffff  }
0x48: {  	v22 =	vand.u32 $0x3F, v22;
	v14 =	vadd.s32 s24, v0;
	v30 =	vor.u32 v7, v6;
	v31 =	vld.idx.msk [tilespmem:v19+s12+$0x0], $0xffff  }
0x49: {  	v14 =	vand.u32 $0x3F, v14;
	v10 =	vmul.bf16 v16, v10;
	v32 =	vld.idx.msk [tilespmem:v19+s11+$0x0], $0xffff;
	v19 =	vor.u32 v4, v22  }
0x4a: {  	s30 =	simm.s32 $0xD;
	v7 =	vor.u32 v4, v14;
	v13 =	vmul.bf16 v13, v8;
	v8 =	vmul.bf16 v12, v20;
	v12 =	vld.idx.msk [tilespmem:v18+s11+$0x0], $0xffff  }
0x4b: {  	s29 =	simm.s32 $0xC;
	v11 =	vmul.bf16 v21, v11;
	v9 =	vmul.bf16 v15, v9;
	v15 =	vadd.s32 s30, v0;
	v14 =	vld.idx.msk [tilespmem:v27+s12+$0x0], $0xffff  }
0x4c: {  	v17 =	vmul.bf16 v29, v17;
	v18 =	vadd.s32 s29, v0;
	v15 =	vand.u32 $0x3F, v15;
	v21 =	vld.idx.msk [tilespmem:v27+s11+$0x0], $0xffff  }
0x4d: {  	s31 =	simm.s32 $0xE;
	v18 =	vand.u32 $0x3F, v18;
	v24 =	vadd.bf16 v9, v11;
	v10 =	vadd.bf16 v10, v13;
	v16 =	vld.idx.msk [tilespmem:v30+s12+$0x0], $0xffff  }
0x4e: {  	v9 =	vadd.s32 s31, v0;
	v23 =	vor.u32 v4, v18;
	v18 =	vor.u32 v4, v15;
	v22 =	vld.idx.msk [tilespmem:v19+s12+$0x0], $0xffff  }
0x4f: {  	v15 =	vimm.f32 $0.0e+00;
	v20 =	vunpack.i.u.bf16.f32 v10;
	v10 =	vunpack.i.l.bf16.f32 v10;
	v26 =	vld.idx.msk [tilespmem:v19+s11+$0x0], $0xffff  }
0x50: {  	v13 =	vld.idx.msk [tilespmem:v7+s11+$0x0], $0xffff;
	v19 =	vmul.bf16 v28, v12;
	v11 =	vmul.bf16 v31, v32;
	v28 =	vand.u32 $0x3F, v9  }
0x51: {  	s3 =	simm.s32 $0x0;
	s8 =	simm.s32 $0x1F;
	s22 =	simm.s32 $0xF;
	v27 =	vld.idx.msk [tilespmem:v30+s11+$0x0], $0xffff;
	v12 =	vunpack.i.l.bf16.f32 v24;
	v9 =	vadd.f32 v10, v25;
	v10 =	vimm.f32 $0.0e+00  }
.LBB2_4:
0x52: {  	s24 =	sadd.s32 $0xFFFFFFF2, s8;
	s25 =	sadd.s32 $0xFFFFFFF3, s8;
	s29 =	sadd.s32 $0xFFFFFFF4, s8;
	v24 =	vunpack.i.u.bf16.f32 v24;
	v20 =	vadd.f32 v20, v25;
	v25 =	vadd.s32 s22, v0  }
0x53: {  	s30 =	sadd.s32 $0xFFFFFFF7, s8;
	v28 =	vor.u32 v4, v28;
	v29 =	vadd.s32 s24, v0;
	v30 =	vadd.s32 s25, v0;
	s25 =	sadd.s32 $0xFFFFFFF5, s8;
	s24 =	sadd.s32 $0xFFFFFFFF, s8;
	v31 =	vld.idx.msk [tilespmem:v18+s12+$0x0], $0xffff  }
0x54: {  	s3 =	sadd.s32 $0x2, s3;
	s22 =	smov.u32 s8;
	v22 =	vmul.bf16 v22, v26;
	v29 =	vand.u32 $0x3F, v29;
	v30 =	vand.u32 $0x3F, v30;
	v26 =	vld.idx.msk [tilespmem:v23+s12+$0x0], $0xffff  }
0x55: {  	s31 =	sadd.s32 $0xFFFFFFF1, s8;
	s1 =	sadd.s32 $0xFFFFFFF8, s8;
	p0 =	slt.u32 s3, $0x6;
	v25 =	vand.u32 $0x3F, v25;
	v29 =	vor.u32 v4, v29;
	v30 =	vor.u32 v4, v30;
	v23 =	vld.idx.msk [tilespmem:v23+s11+$0x0], $0xffff  }
0x56: {  	v32 =	vor.u32 s31, v5;
	s31 =	sadd.s32 $0xFFFFFFF6, s8;
	v33 =	vadd.s32 s1, v0;
	v25 =	vor.u32 v4, v25;
	v18 =	vld.idx.msk [tilespmem:v18+s11+$0x0], $0xffff  }
0x57: {  	v34 =	vadd.s32 s25, v0;
	v35 =	vadd.s32 s31, v0;
	v16 =	vmul.bf16 v16, v27;
	v7 =	vld.idx.msk [tilespmem:v7+s12+$0x0], $0xffff  }
0x58: {  	v33 =	vand.u32 $0x3F, v33;
	v14 =	vmul.bf16 v14, v21;
	v27 =	vand.u32 $0x3F, v35;
	v21 =	vld.idx.msk [tilespmem:v28+s12+$0x0], $0xffff  }
0x59: {  	v35 =	vadd.s32 s29, v0;
	v27 =	vor.u32 v4, v27;
	v16 =	vadd.bf16 v19, v16;
	v19 =	vld.idx.msk [tilespmem:v28+s11+$0x0], $0xffff  }
0x5a: {  	v36 =	vadd.s32 s30, v0;
	v33 =	vor.u32 v4, v33;
	v8 =	vadd.bf16 v14, v8;
	v28 =	vld.idx.msk [tilespmem:v29+s11+$0x0], $0xffff  }
0x5b: {  	v17 =	vadd.bf16 v17, v22;
	v14 =	vand.u32 $0x3F, v34;
	v34 =	vand.u32 $0x3F, v36;
	v22 =	vld.idx.msk [tilespmem:v25+s12+$0x0], $0xffff  }
0x5c: {  	v37 =	vor.u32 v4, v14;
	v14 =	vor.u32 v4, v34;
	v34 =	vunpack.i.l.bf16.f32 v16;
	v36 =	vld.idx.msk [tilespmem:v30+s12+$0x0], $0xffff  }
0x5d: {  	s1 =	sadd.s32 $0xFFFFFFF9, s8;
	s25 =	sadd.s32 $0xFFFFFFFA, s8;
	v35 =	vand.u32 $0x3F, v35;
	v38 =	vunpack.i.u.bf16.f32 v16;
	v7 =	vmul.bf16 v7, v13;
	v13 =	vld.idx.msk [tilespmem:v25+s11+$0x0], $0xffff  }
0x5e: {  	v39 =	vadd.s32 s25, v0;
	v40 =	vunpack.i.u.bf16.f32 v8;
	v25 =	vadd.s32 s1, v0;
	s1 =	sadd.s32 $0xFFFFFFFB, s8;
	v16 =	vld.idx.msk [tilespmem:v32+s12+$0x0], $0xffff  }
0x5f: {  	v39 =	vand.u32 $0x3F, v39;
	v41 =	vadd.s32 s1, v0;
	v19 =	vmul.bf16 v21, v19;
	v32 =	vld.idx.msk [tilespmem:v32+s11+$0x0], $0xffff  }
0x60: {  	v23 =	vmul.bf16 v26, v23;
	v21 =	vld.idx.msk [tilespmem:v29+s12+$0x0], $0xffff;
	v29 =	vor.u32 v4, v39;
	v39 =	vand.u32 $0x3F, v41  }
0x61: {  	v8 =	vunpack.i.l.bf16.f32 v8;
	v15 =	vadd.f32 v40, v15;
	v26 =	vld.idx.msk [tilespmem:v33+s12+$0x0], $0xffff;
	v39 =	vor.u32 v4, v39  }
0x62: {  	v35 =	vor.u32 v4, v35;
	v8 =	vadd.f32 v8, v10;
	s1 =	sadd.s32 $0xFFFFFFFC, s8;
	v10 =	vadd.bf16 v7, v11;
	v33 =	vld.idx.msk [tilespmem:v33+s11+$0x0], $0xffff  }
0x63: {  	v7 =	vadd.s32 s1, v0;
	v13 =	vmul.bf16 v22, v13;
	v11 =	vld.idx.msk [tilespmem:v30+s11+$0x0], $0xffff;
	v30 =	vunpack.i.u.bf16.f32 v17  }
0x64: {  	v12 =	vadd.f32 v12, v8;
	v7 =	vand.u32 $0x3F, v7;
	v40 =	vunpack.i.u.bf16.f32 v10;
	v22 =	vld.idx.msk [tilespmem:v14+s12+$0x0], $0xffff  }
0x65: {  	v8 =	vunpack.i.l.bf16.f32 v17;
	v7 =	vor.u32 v4, v7;
	v13 =	vadd.bf16 v13, v19;
	v41 =	vld.idx.msk [tilespmem:v14+s11+$0x0], $0xffff  }
0x66: {  	v9 =	vadd.f32 v8, v9;
	v17 =	vmul.bf16 v21, v28;
	v14 =	vand.u32 $0x38, v25;
	v42 =	vld.idx.msk [tilespmem:v27+s12+$0x0], $0xffff  }
0x67: {  	v15 =	vadd.f32 v24, v15;
	v25 =	vor.u32 v14, v6;
	v43 =	vunpack.i.u.bf16.f32 v13;
	v19 =	vld.idx.msk [tilespmem:v29+s12+$0x0], $0xffff  }
0x68: {  	v18 =	vmul.bf16 v31, v18;
	v10 =	vunpack.i.l.bf16.f32 v10;
	v21 =	vadd.f32 v30, v20;
	v28 =	vld.idx.msk [tilespmem:v39+s12+$0x0], $0xffff  }
0x69: {  	v9 =	vadd.f32 v34, v9;
	s1 =	sadd.s32 $0xFFFFFFFD, s8;
	v16 =	vmul.bf16 v16, v32;
	v8 =	vmul.bf16 v36, v11;
	v11 =	vld.idx.msk [tilespmem:v39+s11+$0x0], $0xffff  }
0x6a: {  	v10 =	vadd.f32 v10, v12;
	v12 =	vadd.f32 v40, v15;
	v20 =	vadd.s32 s1, v0;
	v14 =	vld.idx.msk [tilespmem:v35+s12+$0x0], $0xffff  }
0x6b: {  	s1 =	sadd.s32 $0xFFFFFFFE, s8;
	v15 =	vadd.bf16 v17, v16;
	v17 =	vmul.bf16 v22, v41;
	v22 =	vunpack.i.l.bf16.f32 v13;
	v29 =	vld.idx.msk [tilespmem:v29+s11+$0x0], $0xffff  }
0x6c: {  	v30 =	vand.u32 $0x3F, v20;
	v13 =	vmul.bf16 v26, v33;
	v26 =	vadd.s32 s1, v0;
	v16 =	vld.idx.msk [tilespmem:v25+s12+$0x0], $0xffff  }
0x6d: {  	v20 =	vunpack.i.u.bf16.f32 v15;
	v31 =	vunpack.i.l.bf16.f32 v15;
	v15 =	vadd.bf16 v18, v23;
	v32 =	vld.idx.msk [tilespmem:v27+s11+$0x0], $0xffff  }
0x6e: {  	v10 =	vadd.f32 v22, v10;
	v24 =	vadd.bf16 v13, v17;
	v17 =	vand.u32 $0x3F, v26;
	v13 =	vld.idx.msk [tilespmem:v7+s11+$0x0], $0xffff  }
.Ltmp0:
0x6f: {  	v23 =	vor.u32 v4, v30;
	v18 =	vor.u32 v4, v17;
	v17 =	vunpack.i.l.bf16.f32 v15;
	v22 =	vld.idx.msk [tilespmem:v37+s12+$0x0], $0xffff;
	(pc) =	sbr.rel @p0 .LBB2_4-.Ltmp0, $4  }
0x70: {  	v30 =	vadd.s32 s24, v0;
	v33 =	vadd.f32 v38, v21;
	v9 =	vadd.f32 v17, v9;
	v26 =	vld.idx.msk [tilespmem:v37+s11+$0x0], $0xffff  }
0x71: {  	v15 =	vunpack.i.u.bf16.f32 v15;
	v11 =	vmul.bf16 v28, v11;
	v19 =	vmul.bf16 v19, v29;
	v21 =	vld.idx.msk [tilespmem:v35+s11+$0x0], $0xffff  }
0x72: {  	v28 =	vand.u32 $0x3F, v30;
	v27 =	vld.idx.msk [tilespmem:v25+s11+$0x0], $0xffff;
	v25 =	vadd.f32 v15, v33;
	v15 =	vadd.f32 v43, v12  }
0x73: {  	s8 =	sadd.s32 $0x10, s8;
	v9 =	vadd.f32 v31, v9;
	v17 =	vmul.bf16 v42, v32;
	v12 =	vunpack.i.l.bf16.f32 v24  }
0x74: {  	_ =	sdelay $0x3  }
0x75: {  	v5 =	vadd.s32 s22, v0;
	v6 =	vor.u32 v4, v28;
	v46 =	vld.idx.msk [tilespmem:v23+s12+$0x0], $0xffff  }
0x76: {  	v7 =	vld.idx.msk [tilespmem:v7+s12+$0x0], $0xffff;
	v5 =	vand.u32 $0x3F, v5  }
0x77: {  	v50 =	vld.idx.msk [tilespmem:v18+s12+$0x0], $0xffff;
	v4 =	vor.u32 v4, v5  }
0x78: {  	v51 =	vld.idx.msk [tilespmem:v18+s11+$0x0], $0xffff;
	v22 =	vmul.bf16 v22, v26  }
0x79: {  	v5 =	vld.idx.msk [tilespmem:v23+s11+$0x0], $0xffff;
	v14 =	vmul.bf16 v14, v21;
	v16 =	vmul.bf16 v16, v27  }
0x7a: {  	v20 =	vadd.f32 v20, v25;
	v17 =	vadd.bf16 v17, v22;
	v47 =	vld.idx.msk [tilespmem:v6+s12+$0x0], $0xffff  }
0x7b: {  	v49 =	vunpack.i.u.bf16.f32 v24;
	v8 =	vadd.bf16 v14, v8;
	v6 =	vld.idx.msk [tilespmem:v6+s11+$0x0], $0xffff;
	v16 =	vadd.bf16 v19, v16  }
0x7c: {  	v7 =	vmul.bf16 v7, v13;
	v55 =	vunpack.i.u.bf16.f32 v17;
	v56 =	vunpack.i.l.bf16.f32 v17;
	v48 =	vld.idx.msk [tilespmem:v4+s12+$0x0], $0xffff  }
0x7d: {  	v58 =	vmul.bf16 v50, v51;
	v53 =	vunpack.i.u.bf16.f32 v8;
	v8 =	vunpack.i.l.bf16.f32 v8;
	v4 =	vld.idx.msk [tilespmem:v4+s11+$0x0], $0xffff  }
0x7e: {  	v57 =	vadd.f32 v56, v9;
	v52 =	vunpack.i.l.bf16.f32 v16;
	v8 =	vadd.f32 v8, v10  }
0x7f: {  	v5 =	vmul.bf16 v46, v5;
	v54 =	vadd.f32 v53, v15;
	v7 =	vadd.bf16 v7, v11  }
0x80: {  	v16 =	vunpack.i.u.bf16.f32 v16;
	v11 =	vadd.f32 v55, v20;
	v8 =	vadd.f32 v12, v8  }
0x81: {  	v59 =	vunpack.i.u.bf16.f32 v7;
	v10 =	vadd.f32 v49, v54;
	v5 =	vadd.bf16 v58, v5  }
0x82: {  	v7 =	vunpack.i.l.bf16.f32 v7;
	v6 =	vmul.bf16 v47, v6;
	v4 =	vmul.bf16 v48, v4  }
0x83: {  	v11 =	vadd.f32 v16, v11;
	v7 =	vadd.f32 v7, v8;
	v62 =	vunpack.i.l.bf16.f32 v5  }
0x84: {  	v5 =	vunpack.i.u.bf16.f32 v5;
	v4 =	vadd.bf16 v4, v6;
	v6 =	vadd.f32 v52, v57  }
0x85: {  	v61 =	vadd.f32 v59, v10;
	v5 =	vadd.f32 v5, v11  }
0x86: {  	v60 =	vunpack.i.u.bf16.f32 v4;
	v4 =	vunpack.i.l.bf16.f32 v4;
	v6 =	vadd.f32 v62, v6  }
0x87: {  	v4 =	vadd.f32 v4, v7;
	v63 =	vadd.f32 v60, v61;
	_ =	sdelay $0x1  }
0x88: {  	v5 =	vadd.f32 v5, v6;
	v4 =	vadd.f32 v63, v4;
	_ =	sdelay $0x1  }
0x89: {  	v4 =	vadd.f32 v4, v5;
	_ =	sdelay $0x1  }
0x8a: {  	v4 =	vsub.f32 $0.0e+00, v4;
	_ =	sdelay $0x1  }
0x8b: {  	v4 =	vmul.f32 $1.442695020e+00, v4;
	_ =	sdelay $0x1  }
0x8c: {  	(erf) = vpow2.f32 v4;
	_ =	sdelay $0x8  }
0x8d: {  	v4 =	vpop (erf)  }
0x8e: {  	v4 =	vadd.f32 $1.000000000e+00, v4;
	_ =	sdelay $0x1  }
0x8f: {  	(erf) = vrcp.f32 v4;
	_ =	sdelay $0x3  }
0x90: {  	s6 =	sadd.s32 $0x1, s6  }
0x91: {  	p0 =	sne.s32 s6, $0x5  }
.Ltmp1:
0x92: {  	_ = 	snop;
	(pc) =	sbr.rel @p0 .LBB2_3-.Ltmp1, $3  }
0x93: {  	_ =	sdelay $0x1  }
0x94: {  	v4 =	vpop (erf)  }
0x95: {  	[tilespmem:v3+s7+$0x0 ss:$0x1] =	vst.idx.msk $0xffff, v4  }
0x96: {  	s1 =	simm.s32 $0x3  }
0x97: {  	_ =	swait.ge [sflag:s1], $0x1400  }
0x98: {  	[sflag:s1] =	ssyncset.done $0x0  }
0x99: {  	s25 =	simm.s32 $0x4;
	[sflag:s1] =	ssyncadd.s32 $0xFFFFEC00  }
0x9a: {  	_ =	swait.ge [sflag:s25], $0x1400  }
0x9b: {  	[sflag:s25] =	ssyncset.done $0x0  }
0x9c: {  	s29 =	sadd.s32 $0x190, s9;
	[sflag:s25] =	ssyncadd.s32 $0xFFFFEC00  }
0x9d: {  	[tilespmem:s11], [sflag:$0x1] =	stream.indirect.gather [hbm4b:s2+s10], $0x40, s29, s10, $0xb8;
	[tilespmem:$0x13D30] =	vst v63  }
0x9e: {  	s30 =	sadd.s32 $0x28A0, s9;
	s31 =	sadd.s32 $0x11670, s5;
	s6 =	simm.s32 $0x0  }
0x9f: {  	v3 =	vmov s31;
	[tilespmem:s12], [sflag:$0x2] =	stream.indirect.gather [hbm4b:s2+s10], $0x40, s30, s10, $0xb8;
	[tilespmem:$0x13D30] =	vst v63  }
.LBB2_7:
0xa0: {  	s7 =	sshll.u32 s6, $0x4  }
0xa1: {  	s1 =	simm.s32 $0x1;
	v4 =	vmov s7  }
0xa2: {  	s3 =	simm.s32 $0x2;
	v5 =	vadd.s32 s1, v0;
	v4 =	vshll.u32 v4, $0x6  }
0xa3: {  	v6 =	vadd.s32 s3, v0;
	v5 =	vand.u32 $0x3F, v5;
	v4 =	vor.u32 v1, v4  }
0xa4: {  	s25 =	simm.s32 $0x7;
	v6 =	vand.u32 $0x3F, v6;
	v7 =	vor.u32 v4, v5  }
0xa5: {  	v9 =	vadd.s32 s25, v0;
	v6 =	vor.u32 v4, v6  }
0xa6: {  	v9 =	vand.u32 $0x3F, v9  }
0xa7: {  	s29 =	simm.s32 $0x6;
	v9 =	vor.u32 v4, v9  }
0xa8: {  	v11 =	vadd.s32 s29, v0  }
0xa9: {  	s30 =	simm.s32 $0x5;
	v11 =	vand.u32 $0x3F, v11;
	v10 =	vld.idx.msk [tilespmem:v7+s13+$0x0], $0xffff  }
0xaa: {  	s31 =	simm.s32 $0x9;
	v14 =	vadd.s32 s30, v0;
	v11 =	vor.u32 v4, v11;
	v12 =	vld.idx.msk [tilespmem:v6+s15+$0x0], $0xffff  }
0xab: {  	v15 =	vadd.s32 s31, v0;
	v14 =	vand.u32 $0x3F, v14;
	v16 =	vld.idx.msk [tilespmem:v7+s15+$0x0], $0xffff  }
0xac: {  	s24 =	simm.s32 $0x0;
	v5 =	vor.u32 v0, v4;
	v17 =	vor.u32 v4, v14;
	v7 =	vand.u32 $0x3F, v15;
	v15 =	vld.idx.msk [tilespmem:v9+s15+$0x0], $0xffff  }
0xad: {  	v8 =	vor.u32 s24, v5;
	v9 =	vld.idx.msk [tilespmem:v9+s13+$0x0], $0xffff  }
0xae: {  	s3 =	simm.s32 $0xA;
	v20 =	vld.idx.msk [tilespmem:v6+s13+$0x0], $0xffff  }
0xaf: {  	v14 =	vadd.s32 s3, v0;
	v21 =	vld.idx.msk [tilespmem:v11+s15+$0x0], $0xffff  }
0xb0: {  	v11 =	vld.idx.msk [tilespmem:v11+s13+$0x0], $0xffff;
	v18 =	vor.u32 v4, v7;
	v7 =	vand.u32 $0x3F, v14  }
0xb1: {  	s8 =	simm.s32 $0x3;
	v29 =	vld.idx.msk [tilespmem:v17+s15+$0x0], $0xffff;
	v19 =	vor.u32 v4, v7  }
0xb2: {  	v13 =	vld.idx.msk [tilespmem:v8+s15+$0x0], $0xffff;
	v14 =	vadd.s32 s8, v0  }
0xb3: {  	s22 =	simm.s32 $0x8;
	v8 =	vld.idx.msk [tilespmem:v8+s13+$0x0], $0xffff;
	v6 =	vand.u32 $0x3F, v14  }
0xb4: {  	v25 =	vimm.f32 $0.0e+00;
	s25 =	simm.s32 $0x4;
	v17 =	vld.idx.msk [tilespmem:v17+s13+$0x0], $0xffff;
	v7 =	vadd.s32 s22, v0;
	v27 =	vor.u32 v4, v6  }
0xb5: {  	v22 =	vadd.s32 s25, v0;
	s24 =	simm.s32 $0xB;
	v6 =	vor.u32 v2, v4;
	v7 =	vand.u32 $0x38, v7;
	v28 =	vld.idx.msk [tilespmem:v18+s15+$0x0], $0xffff  }
0xb6: {  	v22 =	vand.u32 $0x3F, v22;
	v14 =	vadd.s32 s24, v0;
	v30 =	vor.u32 v7, v6;
	v31 =	vld.idx.msk [tilespmem:v19+s15+$0x0], $0xffff  }
0xb7: {  	v14 =	vand.u32 $0x3F, v14;
	v10 =	vmul.bf16 v16, v10;
	v32 =	vld.idx.msk [tilespmem:v19+s13+$0x0], $0xffff;
	v19 =	vor.u32 v4, v22  }
0xb8: {  	s30 =	simm.s32 $0xD;
	v7 =	vor.u32 v4, v14;
	v13 =	vmul.bf16 v13, v8;
	v8 =	vmul.bf16 v12, v20;
	v12 =	vld.idx.msk [tilespmem:v18+s13+$0x0], $0xffff  }
0xb9: {  	s29 =	simm.s32 $0xC;
	v11 =	vmul.bf16 v21, v11;
	v9 =	vmul.bf16 v15, v9;
	v15 =	vadd.s32 s30, v0;
	v14 =	vld.idx.msk [tilespmem:v27+s15+$0x0], $0xffff  }
0xba: {  	v17 =	vmul.bf16 v29, v17;
	v18 =	vadd.s32 s29, v0;
	v15 =	vand.u32 $0x3F, v15;
	v21 =	vld.idx.msk [tilespmem:v27+s13+$0x0], $0xffff  }
0xbb: {  	s31 =	simm.s32 $0xE;
	v18 =	vand.u32 $0x3F, v18;
	v24 =	vadd.bf16 v9, v11;
	v10 =	vadd.bf16 v10, v13;
	v16 =	vld.idx.msk [tilespmem:v30+s15+$0x0], $0xffff  }
0xbc: {  	v9 =	vadd.s32 s31, v0;
	v23 =	vor.u32 v4, v18;
	v18 =	vor.u32 v4, v15;
	v22 =	vld.idx.msk [tilespmem:v19+s15+$0x0], $0xffff  }
0xbd: {  	v15 =	vimm.f32 $0.0e+00;
	v20 =	vunpack.i.u.bf16.f32 v10;
	v10 =	vunpack.i.l.bf16.f32 v10;
	v26 =	vld.idx.msk [tilespmem:v19+s13+$0x0], $0xffff  }
0xbe: {  	v13 =	vld.idx.msk [tilespmem:v7+s13+$0x0], $0xffff;
	v19 =	vmul.bf16 v28, v12;
	v11 =	vmul.bf16 v31, v32;
	v28 =	vand.u32 $0x3F, v9  }
0xbf: {  	s3 =	simm.s32 $0x0;
	s8 =	simm.s32 $0x1F;
	s22 =	simm.s32 $0xF;
	v27 =	vld.idx.msk [tilespmem:v30+s13+$0x0], $0xffff;
	v12 =	vunpack.i.l.bf16.f32 v24;
	v9 =	vadd.f32 v10, v25;
	v10 =	vimm.f32 $0.0e+00  }
.LBB2_8:
0xc0: {  	s1 =	sadd.s32 $0xFFFFFFF2, s8;
	s24 =	sadd.s32 $0xFFFFFFF3, s8;
	s25 =	sadd.s32 $0xFFFFFFF4, s8;
	v24 =	vunpack.i.u.bf16.f32 v24;
	v20 =	vadd.f32 v20, v25;
	v25 =	vadd.s32 s22, v0  }
0xc1: {  	s29 =	sadd.s32 $0xFFFFFFF7, s8;
	v28 =	vor.u32 v4, v28;
	v29 =	vadd.s32 s1, v0;
	v30 =	vadd.s32 s24, v0;
	s1 =	sadd.s32 $0xFFFFFFF5, s8;
	s24 =	sadd.s32 $0xFFFFFFFF, s8;
	v31 =	vld.idx.msk [tilespmem:v18+s15+$0x0], $0xffff  }
0xc2: {  	s3 =	sadd.s32 $0x2, s3;
	s22 =	smov.u32 s8;
	v22 =	vmul.bf16 v22, v26;
	v29 =	vand.u32 $0x3F, v29;
	v30 =	vand.u32 $0x3F, v30;
	v26 =	vld.idx.msk [tilespmem:v23+s15+$0x0], $0xffff  }
0xc3: {  	s30 =	sadd.s32 $0xFFFFFFF1, s8;
	s31 =	sadd.s32 $0xFFFFFFF8, s8;
	p0 =	slt.u32 s3, $0x6;
	v25 =	vand.u32 $0x3F, v25;
	v29 =	vor.u32 v4, v29;
	v30 =	vor.u32 v4, v30;
	v23 =	vld.idx.msk [tilespmem:v23+s13+$0x0], $0xffff  }
0xc4: {  	v32 =	vor.u32 s30, v5;
	s30 =	sadd.s32 $0xFFFFFFF6, s8;
	v33 =	vadd.s32 s31, v0;
	v25 =	vor.u32 v4, v25;
	v18 =	vld.idx.msk [tilespmem:v18+s13+$0x0], $0xffff  }
0xc5: {  	v34 =	vadd.s32 s1, v0;
	v35 =	vadd.s32 s30, v0;
	v16 =	vmul.bf16 v16, v27;
	v7 =	vld.idx.msk [tilespmem:v7+s15+$0x0], $0xffff  }
0xc6: {  	v33 =	vand.u32 $0x3F, v33;
	v14 =	vmul.bf16 v14, v21;
	v27 =	vand.u32 $0x3F, v35;
	v21 =	vld.idx.msk [tilespmem:v28+s15+$0x0], $0xffff  }
0xc7: {  	v35 =	vadd.s32 s25, v0;
	v27 =	vor.u32 v4, v27;
	v16 =	vadd.bf16 v19, v16;
	v19 =	vld.idx.msk [tilespmem:v28+s13+$0x0], $0xffff  }
0xc8: {  	v36 =	vadd.s32 s29, v0;
	v33 =	vor.u32 v4, v33;
	v8 =	vadd.bf16 v14, v8;
	v28 =	vld.idx.msk [tilespmem:v29+s13+$0x0], $0xffff  }
0xc9: {  	v17 =	vadd.bf16 v17, v22;
	v14 =	vand.u32 $0x3F, v34;
	v34 =	vand.u32 $0x3F, v36;
	v22 =	vld.idx.msk [tilespmem:v25+s15+$0x0], $0xffff  }
0xca: {  	v37 =	vor.u32 v4, v14;
	v14 =	vor.u32 v4, v34;
	v34 =	vunpack.i.l.bf16.f32 v16;
	v36 =	vld.idx.msk [tilespmem:v30+s15+$0x0], $0xffff  }
0xcb: {  	s1 =	sadd.s32 $0xFFFFFFF9, s8;
	s25 =	sadd.s32 $0xFFFFFFFA, s8;
	v35 =	vand.u32 $0x3F, v35;
	v38 =	vunpack.i.u.bf16.f32 v16;
	v7 =	vmul.bf16 v7, v13;
	v13 =	vld.idx.msk [tilespmem:v25+s13+$0x0], $0xffff  }
0xcc: {  	v39 =	vadd.s32 s25, v0;
	v40 =	vunpack.i.u.bf16.f32 v8;
	v25 =	vadd.s32 s1, v0;
	s1 =	sadd.s32 $0xFFFFFFFB, s8;
	v16 =	vld.idx.msk [tilespmem:v32+s15+$0x0], $0xffff  }
0xcd: {  	v39 =	vand.u32 $0x3F, v39;
	v41 =	vadd.s32 s1, v0;
	v19 =	vmul.bf16 v21, v19;
	v32 =	vld.idx.msk [tilespmem:v32+s13+$0x0], $0xffff  }
0xce: {  	v23 =	vmul.bf16 v26, v23;
	v21 =	vld.idx.msk [tilespmem:v29+s15+$0x0], $0xffff;
	v29 =	vor.u32 v4, v39;
	v39 =	vand.u32 $0x3F, v41  }
0xcf: {  	v8 =	vunpack.i.l.bf16.f32 v8;
	v15 =	vadd.f32 v40, v15;
	v26 =	vld.idx.msk [tilespmem:v33+s15+$0x0], $0xffff;
	v39 =	vor.u32 v4, v39  }
0xd0: {  	v35 =	vor.u32 v4, v35;
	v8 =	vadd.f32 v8, v10;
	s1 =	sadd.s32 $0xFFFFFFFC, s8;
	v10 =	vadd.bf16 v7, v11;
	v33 =	vld.idx.msk [tilespmem:v33+s13+$0x0], $0xffff  }
0xd1: {  	v7 =	vadd.s32 s1, v0;
	v13 =	vmul.bf16 v22, v13;
	v11 =	vld.idx.msk [tilespmem:v30+s13+$0x0], $0xffff;
	v30 =	vunpack.i.u.bf16.f32 v17  }
0xd2: {  	v12 =	vadd.f32 v12, v8;
	v7 =	vand.u32 $0x3F, v7;
	v40 =	vunpack.i.u.bf16.f32 v10;
	v22 =	vld.idx.msk [tilespmem:v14+s15+$0x0], $0xffff  }
0xd3: {  	v8 =	vunpack.i.l.bf16.f32 v17;
	v7 =	vor.u32 v4, v7;
	v13 =	vadd.bf16 v13, v19;
	v41 =	vld.idx.msk [tilespmem:v14+s13+$0x0], $0xffff  }
0xd4: {  	v9 =	vadd.f32 v8, v9;
	v17 =	vmul.bf16 v21, v28;
	v14 =	vand.u32 $0x38, v25;
	v42 =	vld.idx.msk [tilespmem:v27+s15+$0x0], $0xffff  }
0xd5: {  	v15 =	vadd.f32 v24, v15;
	v25 =	vor.u32 v14, v6;
	v43 =	vunpack.i.u.bf16.f32 v13;
	v19 =	vld.idx.msk [tilespmem:v29+s15+$0x0], $0xffff  }
0xd6: {  	v18 =	vmul.bf16 v31, v18;
	v10 =	vunpack.i.l.bf16.f32 v10;
	v21 =	vadd.f32 v30, v20;
	v28 =	vld.idx.msk [tilespmem:v39+s15+$0x0], $0xffff  }
0xd7: {  	v9 =	vadd.f32 v34, v9;
	s1 =	sadd.s32 $0xFFFFFFFD, s8;
	v16 =	vmul.bf16 v16, v32;
	v8 =	vmul.bf16 v36, v11;
	v11 =	vld.idx.msk [tilespmem:v39+s13+$0x0], $0xffff  }
0xd8: {  	v10 =	vadd.f32 v10, v12;
	v12 =	vadd.f32 v40, v15;
	v20 =	vadd.s32 s1, v0;
	v14 =	vld.idx.msk [tilespmem:v35+s15+$0x0], $0xffff  }
0xd9: {  	s1 =	sadd.s32 $0xFFFFFFFE, s8;
	v15 =	vadd.bf16 v17, v16;
	v17 =	vmul.bf16 v22, v41;
	v22 =	vunpack.i.l.bf16.f32 v13;
	v29 =	vld.idx.msk [tilespmem:v29+s13+$0x0], $0xffff  }
0xda: {  	v30 =	vand.u32 $0x3F, v20;
	v13 =	vmul.bf16 v26, v33;
	v26 =	vadd.s32 s1, v0;
	v16 =	vld.idx.msk [tilespmem:v25+s15+$0x0], $0xffff  }
0xdb: {  	v20 =	vunpack.i.u.bf16.f32 v15;
	v31 =	vunpack.i.l.bf16.f32 v15;
	v15 =	vadd.bf16 v18, v23;
	v32 =	vld.idx.msk [tilespmem:v27+s13+$0x0], $0xffff  }
0xdc: {  	v10 =	vadd.f32 v22, v10;
	v24 =	vadd.bf16 v13, v17;
	v17 =	vand.u32 $0x3F, v26;
	v13 =	vld.idx.msk [tilespmem:v7+s13+$0x0], $0xffff  }
.Ltmp2:
0xdd: {  	v23 =	vor.u32 v4, v30;
	v18 =	vor.u32 v4, v17;
	v17 =	vunpack.i.l.bf16.f32 v15;
	v22 =	vld.idx.msk [tilespmem:v37+s15+$0x0], $0xffff;
	(pc) =	sbr.rel @p0 .LBB2_8-.Ltmp2, $4  }
0xde: {  	v30 =	vadd.s32 s24, v0;
	v33 =	vadd.f32 v38, v21;
	v9 =	vadd.f32 v17, v9;
	v26 =	vld.idx.msk [tilespmem:v37+s13+$0x0], $0xffff  }
0xdf: {  	v15 =	vunpack.i.u.bf16.f32 v15;
	v11 =	vmul.bf16 v28, v11;
	v19 =	vmul.bf16 v19, v29;
	v21 =	vld.idx.msk [tilespmem:v35+s13+$0x0], $0xffff  }
0xe0: {  	v28 =	vand.u32 $0x3F, v30;
	v27 =	vld.idx.msk [tilespmem:v25+s13+$0x0], $0xffff;
	v25 =	vadd.f32 v15, v33;
	v15 =	vadd.f32 v43, v12  }
0xe1: {  	s8 =	sadd.s32 $0x10, s8;
	v9 =	vadd.f32 v31, v9;
	v17 =	vmul.bf16 v42, v32;
	v12 =	vunpack.i.l.bf16.f32 v24  }
0xe2: {  	_ =	sdelay $0x3  }
0xe3: {  	v5 =	vadd.s32 s22, v0;
	v6 =	vor.u32 v4, v28;
	v46 =	vld.idx.msk [tilespmem:v23+s15+$0x0], $0xffff  }
0xe4: {  	v7 =	vld.idx.msk [tilespmem:v7+s15+$0x0], $0xffff;
	v5 =	vand.u32 $0x3F, v5  }
0xe5: {  	v50 =	vld.idx.msk [tilespmem:v18+s15+$0x0], $0xffff;
	v4 =	vor.u32 v4, v5  }
0xe6: {  	v51 =	vld.idx.msk [tilespmem:v18+s13+$0x0], $0xffff;
	v22 =	vmul.bf16 v22, v26  }
0xe7: {  	v5 =	vld.idx.msk [tilespmem:v23+s13+$0x0], $0xffff;
	v14 =	vmul.bf16 v14, v21;
	v16 =	vmul.bf16 v16, v27  }
0xe8: {  	v20 =	vadd.f32 v20, v25;
	v17 =	vadd.bf16 v17, v22;
	v47 =	vld.idx.msk [tilespmem:v6+s15+$0x0], $0xffff  }
0xe9: {  	v49 =	vunpack.i.u.bf16.f32 v24;
	v8 =	vadd.bf16 v14, v8;
	v6 =	vld.idx.msk [tilespmem:v6+s13+$0x0], $0xffff;
	v16 =	vadd.bf16 v19, v16  }
0xea: {  	v7 =	vmul.bf16 v7, v13;
	v55 =	vunpack.i.u.bf16.f32 v17;
	v56 =	vunpack.i.l.bf16.f32 v17;
	v48 =	vld.idx.msk [tilespmem:v4+s15+$0x0], $0xffff  }
0xeb: {  	v58 =	vmul.bf16 v50, v51;
	v53 =	vunpack.i.u.bf16.f32 v8;
	v8 =	vunpack.i.l.bf16.f32 v8;
	v4 =	vld.idx.msk [tilespmem:v4+s13+$0x0], $0xffff  }
0xec: {  	v57 =	vadd.f32 v56, v9;
	v52 =	vunpack.i.l.bf16.f32 v16;
	v8 =	vadd.f32 v8, v10  }
0xed: {  	v5 =	vmul.bf16 v46, v5;
	v54 =	vadd.f32 v53, v15;
	v7 =	vadd.bf16 v7, v11  }
0xee: {  	v16 =	vunpack.i.u.bf16.f32 v16;
	v11 =	vadd.f32 v55, v20;
	v8 =	vadd.f32 v12, v8  }
0xef: {  	v59 =	vunpack.i.u.bf16.f32 v7;
	v10 =	vadd.f32 v49, v54;
	v5 =	vadd.bf16 v58, v5  }
0xf0: {  	v7 =	vunpack.i.l.bf16.f32 v7;
	v6 =	vmul.bf16 v47, v6;
	v4 =	vmul.bf16 v48, v4  }
0xf1: {  	v11 =	vadd.f32 v16, v11;
	v7 =	vadd.f32 v7, v8;
	v62 =	vunpack.i.l.bf16.f32 v5  }
0xf2: {  	v5 =	vunpack.i.u.bf16.f32 v5;
	v4 =	vadd.bf16 v4, v6;
	v6 =	vadd.f32 v52, v57  }
0xf3: {  	v61 =	vadd.f32 v59, v10;
	v5 =	vadd.f32 v5, v11  }
0xf4: {  	v60 =	vunpack.i.u.bf16.f32 v4;
	v4 =	vunpack.i.l.bf16.f32 v4;
	v6 =	vadd.f32 v62, v6  }
0xf5: {  	v4 =	vadd.f32 v4, v7;
	v63 =	vadd.f32 v60, v61;
	_ =	sdelay $0x1  }
0xf6: {  	v5 =	vadd.f32 v5, v6;
	v4 =	vadd.f32 v63, v4;
	_ =	sdelay $0x1  }
0xf7: {  	v4 =	vadd.f32 v4, v5;
	_ =	sdelay $0x1  }
0xf8: {  	v4 =	vsub.f32 $0.0e+00, v4;
	_ =	sdelay $0x1  }
0xf9: {  	v4 =	vmul.f32 $1.442695020e+00, v4;
	_ =	sdelay $0x1  }
0xfa: {  	(erf) = vpow2.f32 v4;
	_ =	sdelay $0x8  }
0xfb: {  	v4 =	vpop (erf)  }
0xfc: {  	v4 =	vadd.f32 $1.000000000e+00, v4;
	_ =	sdelay $0x1  }
0xfd: {  	(erf) = vrcp.f32 v4;
	_ =	sdelay $0x3  }
0xfe: {  	s6 =	sadd.s32 $0x1, s6  }
0xff: {  	p0 =	sne.s32 s6, $0x5  }
.Ltmp3:
0x100: {  	_ = 	snop;
	(pc) =	sbr.rel @p0 .LBB2_7-.Ltmp3, $3  }
0x101: {  	_ =	sdelay $0x1  }
0x102: {  	v4 =	vpop (erf)  }
0x103: {  	[tilespmem:v3+s7+$0x0 ss:$0x1] =	vst.idx.msk $0xffff, v4  }
0x104: {  	s1 =	simm.s32 $0x5  }
0x105: {  	_ =	swait.ge [sflag:s1], $0x1400  }
0x106: {  	[sflag:s1] =	ssyncset.done $0x0  }
0x107: {  	s25 =	simm.s32 $0x6;
	[sflag:s1] =	ssyncadd.s32 $0xFFFFEC00  }
0x108: {  	_ =	swait.ge [sflag:s25], $0x1400  }
0x109: {  	[sflag:s25] =	ssyncset.done $0x0  }
0x10a: {  	s29 =	sadd.s32 $0x1E0, s9;
	[sflag:s25] =	ssyncadd.s32 $0xFFFFEC00  }
0x10b: {  	[tilespmem:s13], [sflag:$0x3] =	stream.indirect.gather [hbm4b:s2+s10], $0x40, s29, s10, $0xb8;
	[tilespmem:$0x13D30] =	vst v63  }
0x10c: {  	s30 =	sadd.s32 $0x28F0, s9;
	s31 =	sadd.s32 $0x116C0, s5;
	s6 =	simm.s32 $0x0  }
0x10d: {  	v3 =	vmov s31;
	[tilespmem:s15], [sflag:$0x4] =	stream.indirect.gather [hbm4b:s2+s10], $0x40, s30, s10, $0xb8;
	[tilespmem:$0x13D30] =	vst v63  }
.LBB2_11:
0x10e: {  	s7 =	sshll.u32 s6, $0x4  }
0x10f: {  	s1 =	simm.s32 $0x1;
	v4 =	vmov s7  }
0x110: {  	s3 =	simm.s32 $0x2;
	v5 =	vadd.s32 s1, v0;
	v4 =	vshll.u32 v4, $0x6  }
0x111: {  	v6 =	vadd.s32 s3, v0;
	v5 =	vand.u32 $0x3F, v5;
	v4 =	vor.u32 v1, v4  }
0x112: {  	s25 =	simm.s32 $0x7;
	v6 =	vand.u32 $0x3F, v6;
	v7 =	vor.u32 v4, v5  }
0x113: {  	v9 =	vadd.s32 s25, v0;
	v6 =	vor.u32 v4, v6  }
0x114: {  	v9 =	vand.u32 $0x3F, v9  }
0x115: {  	s29 =	simm.s32 $0x6;
	v9 =	vor.u32 v4, v9  }
0x116: {  	v11 =	vadd.s32 s29, v0  }
0x117: {  	s30 =	simm.s32 $0x5;
	v11 =	vand.u32 $0x3F, v11;
	v10 =	vld.idx.msk [tilespmem:v7+s17+$0x0], $0xffff  }
0x118: {  	s31 =	simm.s32 $0x9;
	v14 =	vadd.s32 s30, v0;
	v11 =	vor.u32 v4, v11;
	v12 =	vld.idx.msk [tilespmem:v6+s19+$0x0], $0xffff  }
0x119: {  	v15 =	vadd.s32 s31, v0;
	v14 =	vand.u32 $0x3F, v14;
	v16 =	vld.idx.msk [tilespmem:v7+s19+$0x0], $0xffff  }
0x11a: {  	s24 =	simm.s32 $0x0;
	v5 =	vor.u32 v0, v4;
	v17 =	vor.u32 v4, v14;
	v7 =	vand.u32 $0x3F, v15;
	v15 =	vld.idx.msk [tilespmem:v9+s19+$0x0], $0xffff  }
0x11b: {  	v8 =	vor.u32 s24, v5;
	v9 =	vld.idx.msk [tilespmem:v9+s17+$0x0], $0xffff  }
0x11c: {  	s3 =	simm.s32 $0xA;
	v20 =	vld.idx.msk [tilespmem:v6+s17+$0x0], $0xffff  }
0x11d: {  	v14 =	vadd.s32 s3, v0;
	v21 =	vld.idx.msk [tilespmem:v11+s19+$0x0], $0xffff  }
0x11e: {  	v11 =	vld.idx.msk [tilespmem:v11+s17+$0x0], $0xffff;
	v18 =	vor.u32 v4, v7;
	v7 =	vand.u32 $0x3F, v14  }
0x11f: {  	s8 =	simm.s32 $0x3;
	v29 =	vld.idx.msk [tilespmem:v17+s19+$0x0], $0xffff;
	v19 =	vor.u32 v4, v7  }
0x120: {  	v13 =	vld.idx.msk [tilespmem:v8+s19+$0x0], $0xffff;
	v14 =	vadd.s32 s8, v0  }
0x121: {  	s22 =	simm.s32 $0x8;
	v8 =	vld.idx.msk [tilespmem:v8+s17+$0x0], $0xffff;
	v6 =	vand.u32 $0x3F, v14  }
0x122: {  	v25 =	vimm.f32 $0.0e+00;
	s25 =	simm.s32 $0x4;
	v17 =	vld.idx.msk [tilespmem:v17+s17+$0x0], $0xffff;
	v7 =	vadd.s32 s22, v0;
	v27 =	vor.u32 v4, v6  }
0x123: {  	v22 =	vadd.s32 s25, v0;
	s24 =	simm.s32 $0xB;
	v6 =	vor.u32 v2, v4;
	v7 =	vand.u32 $0x38, v7;
	v28 =	vld.idx.msk [tilespmem:v18+s19+$0x0], $0xffff  }
0x124: {  	v22 =	vand.u32 $0x3F, v22;
	v14 =	vadd.s32 s24, v0;
	v30 =	vor.u32 v7, v6;
	v31 =	vld.idx.msk [tilespmem:v19+s19+$0x0], $0xffff  }
0x125: {  	v14 =	vand.u32 $0x3F, v14;
	v10 =	vmul.bf16 v16, v10;
	v32 =	vld.idx.msk [tilespmem:v19+s17+$0x0], $0xffff;
	v19 =	vor.u32 v4, v22  }
0x126: {  	s30 =	simm.s32 $0xD;
	v7 =	vor.u32 v4, v14;
	v13 =	vmul.bf16 v13, v8;
	v8 =	vmul.bf16 v12, v20;
	v12 =	vld.idx.msk [tilespmem:v18+s17+$0x0], $0xffff  }
0x127: {  	s29 =	simm.s32 $0xC;
	v11 =	vmul.bf16 v21, v11;
	v9 =	vmul.bf16 v15, v9;
	v15 =	vadd.s32 s30, v0;
	v14 =	vld.idx.msk [tilespmem:v27+s19+$0x0], $0xffff  }
0x128: {  	v17 =	vmul.bf16 v29, v17;
	v18 =	vadd.s32 s29, v0;
	v15 =	vand.u32 $0x3F, v15;
	v21 =	vld.idx.msk [tilespmem:v27+s17+$0x0], $0xffff  }
0x129: {  	s31 =	simm.s32 $0xE;
	v18 =	vand.u32 $0x3F, v18;
	v24 =	vadd.bf16 v9, v11;
	v10 =	vadd.bf16 v10, v13;
	v16 =	vld.idx.msk [tilespmem:v30+s19+$0x0], $0xffff  }
0x12a: {  	v9 =	vadd.s32 s31, v0;
	v23 =	vor.u32 v4, v18;
	v18 =	vor.u32 v4, v15;
	v22 =	vld.idx.msk [tilespmem:v19+s19+$0x0], $0xffff  }
0x12b: {  	v15 =	vimm.f32 $0.0e+00;
	v20 =	vunpack.i.u.bf16.f32 v10;
	v10 =	vunpack.i.l.bf16.f32 v10;
	v26 =	vld.idx.msk [tilespmem:v19+s17+$0x0], $0xffff  }
0x12c: {  	v13 =	vld.idx.msk [tilespmem:v7+s17+$0x0], $0xffff;
	v19 =	vmul.bf16 v28, v12;
	v11 =	vmul.bf16 v31, v32;
	v28 =	vand.u32 $0x3F, v9  }
0x12d: {  	s3 =	simm.s32 $0x0;
	s8 =	simm.s32 $0x1F;
	s22 =	simm.s32 $0xF;
	v27 =	vld.idx.msk [tilespmem:v30+s17+$0x0], $0xffff;
	v12 =	vunpack.i.l.bf16.f32 v24;
	v9 =	vadd.f32 v10, v25;
	v10 =	vimm.f32 $0.0e+00  }
.LBB2_12:
0x12e: {  	s1 =	sadd.s32 $0xFFFFFFF2, s8;
	s24 =	sadd.s32 $0xFFFFFFF3, s8;
	s25 =	sadd.s32 $0xFFFFFFF4, s8;
	v24 =	vunpack.i.u.bf16.f32 v24;
	v20 =	vadd.f32 v20, v25;
	v25 =	vadd.s32 s22, v0  }
0x12f: {  	s29 =	sadd.s32 $0xFFFFFFF7, s8;
	v28 =	vor.u32 v4, v28;
	v29 =	vadd.s32 s1, v0;
	v30 =	vadd.s32 s24, v0;
	s1 =	sadd.s32 $0xFFFFFFF5, s8;
	s24 =	sadd.s32 $0xFFFFFFFF, s8;
	v31 =	vld.idx.msk [tilespmem:v18+s19+$0x0], $0xffff  }
0x130: {  	s3 =	sadd.s32 $0x2, s3;
	s22 =	smov.u32 s8;
	v22 =	vmul.bf16 v22, v26;
	v29 =	vand.u32 $0x3F, v29;
	v30 =	vand.u32 $0x3F, v30;
	v26 =	vld.idx.msk [tilespmem:v23+s19+$0x0], $0xffff  }
0x131: {  	s30 =	sadd.s32 $0xFFFFFFF1, s8;
	s31 =	sadd.s32 $0xFFFFFFF8, s8;
	p0 =	slt.u32 s3, $0x6;
	v25 =	vand.u32 $0x3F, v25;
	v29 =	vor.u32 v4, v29;
	v30 =	vor.u32 v4, v30;
	v23 =	vld.idx.msk [tilespmem:v23+s17+$0x0], $0xffff  }
0x132: {  	v32 =	vor.u32 s30, v5;
	s30 =	sadd.s32 $0xFFFFFFF6, s8;
	v33 =	vadd.s32 s31, v0;
	v25 =	vor.u32 v4, v25;
	v18 =	vld.idx.msk [tilespmem:v18+s17+$0x0], $0xffff  }
0x133: {  	v34 =	vadd.s32 s1, v0;
	v35 =	vadd.s32 s30, v0;
	v16 =	vmul.bf16 v16, v27;
	v7 =	vld.idx.msk [tilespmem:v7+s19+$0x0], $0xffff  }
0x134: {  	v33 =	vand.u32 $0x3F, v33;
	v14 =	vmul.bf16 v14, v21;
	v27 =	vand.u32 $0x3F, v35;
	v21 =	vld.idx.msk [tilespmem:v28+s19+$0x0], $0xffff  }
0x135: {  	v35 =	vadd.s32 s25, v0;
	v27 =	vor.u32 v4, v27;
	v16 =	vadd.bf16 v19, v16;
	v19 =	vld.idx.msk [tilespmem:v28+s17+$0x0], $0xffff  }
0x136: {  	v36 =	vadd.s32 s29, v0;
	v33 =	vor.u32 v4, v33;
	v8 =	vadd.bf16 v14, v8;
	v28 =	vld.idx.msk [tilespmem:v29+s17+$0x0], $0xffff  }
0x137: {  	v17 =	vadd.bf16 v17, v22;
	v14 =	vand.u32 $0x3F, v34;
	v34 =	vand.u32 $0x3F, v36;
	v22 =	vld.idx.msk [tilespmem:v25+s19+$0x0], $0xffff  }
0x138: {  	v37 =	vor.u32 v4, v14;
	v14 =	vor.u32 v4, v34;
	v34 =	vunpack.i.l.bf16.f32 v16;
	v36 =	vld.idx.msk [tilespmem:v30+s19+$0x0], $0xffff  }
0x139: {  	s1 =	sadd.s32 $0xFFFFFFF9, s8;
	s25 =	sadd.s32 $0xFFFFFFFA, s8;
	v35 =	vand.u32 $0x3F, v35;
	v38 =	vunpack.i.u.bf16.f32 v16;
	v7 =	vmul.bf16 v7, v13;
	v13 =	vld.idx.msk [tilespmem:v25+s17+$0x0], $0xffff  }
0x13a: {  	v39 =	vadd.s32 s25, v0;
	v40 =	vunpack.i.u.bf16.f32 v8;
	v25 =	vadd.s32 s1, v0;
	s1 =	sadd.s32 $0xFFFFFFFB, s8;
	v16 =	vld.idx.msk [tilespmem:v32+s19+$0x0], $0xffff  }
0x13b: {  	v39 =	vand.u32 $0x3F, v39;
	v41 =	vadd.s32 s1, v0;
	v19 =	vmul.bf16 v21, v19;
	v32 =	vld.idx.msk [tilespmem:v32+s17+$0x0], $0xffff  }
0x13c: {  	v23 =	vmul.bf16 v26, v23;
	v21 =	vld.idx.msk [tilespmem:v29+s19+$0x0], $0xffff;
	v29 =	vor.u32 v4, v39;
	v39 =	vand.u32 $0x3F, v41  }
0x13d: {  	v8 =	vunpack.i.l.bf16.f32 v8;
	v15 =	vadd.f32 v40, v15;
	v26 =	vld.idx.msk [tilespmem:v33+s19+$0x0], $0xffff;
	v39 =	vor.u32 v4, v39  }
0x13e: {  	v35 =	vor.u32 v4, v35;
	v8 =	vadd.f32 v8, v10;
	s1 =	sadd.s32 $0xFFFFFFFC, s8;
	v10 =	vadd.bf16 v7, v11;
	v33 =	vld.idx.msk [tilespmem:v33+s17+$0x0], $0xffff  }
0x13f: {  	v7 =	vadd.s32 s1, v0;
	v13 =	vmul.bf16 v22, v13;
	v11 =	vld.idx.msk [tilespmem:v30+s17+$0x0], $0xffff;
	v30 =	vunpack.i.u.bf16.f32 v17  }
0x140: {  	v12 =	vadd.f32 v12, v8;
	v7 =	vand.u32 $0x3F, v7;
	v40 =	vunpack.i.u.bf16.f32 v10;
	v22 =	vld.idx.msk [tilespmem:v14+s19+$0x0], $0xffff  }
0x141: {  	v8 =	vunpack.i.l.bf16.f32 v17;
	v7 =	vor.u32 v4, v7;
	v13 =	vadd.bf16 v13, v19;
	v41 =	vld.idx.msk [tilespmem:v14+s17+$0x0], $0xffff  }
0x142: {  	v9 =	vadd.f32 v8, v9;
	v17 =	vmul.bf16 v21, v28;
	v14 =	vand.u32 $0x38, v25;
	v42 =	vld.idx.msk [tilespmem:v27+s19+$0x0], $0xffff  }
0x143: {  	v15 =	vadd.f32 v24, v15;
	v25 =	vor.u32 v14, v6;
	v43 =	vunpack.i.u.bf16.f32 v13;
	v19 =	vld.idx.msk [tilespmem:v29+s19+$0x0], $0xffff  }
0x144: {  	v18 =	vmul.bf16 v31, v18;
	v10 =	vunpack.i.l.bf16.f32 v10;
	v21 =	vadd.f32 v30, v20;
	v28 =	vld.idx.msk [tilespmem:v39+s19+$0x0], $0xffff  }
0x145: {  	v9 =	vadd.f32 v34, v9;
	s1 =	sadd.s32 $0xFFFFFFFD, s8;
	v16 =	vmul.bf16 v16, v32;
	v8 =	vmul.bf16 v36, v11;
	v11 =	vld.idx.msk [tilespmem:v39+s17+$0x0], $0xffff  }
0x146: {  	v10 =	vadd.f32 v10, v12;
	v12 =	vadd.f32 v40, v15;
	v20 =	vadd.s32 s1, v0;
	v14 =	vld.idx.msk [tilespmem:v35+s19+$0x0], $0xffff  }
0x147: {  	s1 =	sadd.s32 $0xFFFFFFFE, s8;
	v15 =	vadd.bf16 v17, v16;
	v17 =	vmul.bf16 v22, v41;
	v22 =	vunpack.i.l.bf16.f32 v13;
	v29 =	vld.idx.msk [tilespmem:v29+s17+$0x0], $0xffff  }
0x148: {  	v30 =	vand.u32 $0x3F, v20;
	v13 =	vmul.bf16 v26, v33;
	v26 =	vadd.s32 s1, v0;
	v16 =	vld.idx.msk [tilespmem:v25+s19+$0x0], $0xffff  }
0x149: {  	v20 =	vunpack.i.u.bf16.f32 v15;
	v31 =	vunpack.i.l.bf16.f32 v15;
	v15 =	vadd.bf16 v18, v23;
	v32 =	vld.idx.msk [tilespmem:v27+s17+$0x0], $0xffff  }
0x14a: {  	v10 =	vadd.f32 v22, v10;
	v24 =	vadd.bf16 v13, v17;
	v17 =	vand.u32 $0x3F, v26;
	v13 =	vld.idx.msk [tilespmem:v7+s17+$0x0], $0xffff  }
.Ltmp4:
0x14b: {  	v23 =	vor.u32 v4, v30;
	v18 =	vor.u32 v4, v17;
	v17 =	vunpack.i.l.bf16.f32 v15;
	v22 =	vld.idx.msk [tilespmem:v37+s19+$0x0], $0xffff;
	(pc) =	sbr.rel @p0 .LBB2_12-.Ltmp4, $4  }
0x14c: {  	v30 =	vadd.s32 s24, v0;
	v33 =	vadd.f32 v38, v21;
	v9 =	vadd.f32 v17, v9;
	v26 =	vld.idx.msk [tilespmem:v37+s17+$0x0], $0xffff  }
0x14d: {  	v15 =	vunpack.i.u.bf16.f32 v15;
	v11 =	vmul.bf16 v28, v11;
	v19 =	vmul.bf16 v19, v29;
	v21 =	vld.idx.msk [tilespmem:v35+s17+$0x0], $0xffff  }
0x14e: {  	v28 =	vand.u32 $0x3F, v30;
	v27 =	vld.idx.msk [tilespmem:v25+s17+$0x0], $0xffff;
	v25 =	vadd.f32 v15, v33;
	v15 =	vadd.f32 v43, v12  }
0x14f: {  	s8 =	sadd.s32 $0x10, s8;
	v9 =	vadd.f32 v31, v9;
	v17 =	vmul.bf16 v42, v32;
	v12 =	vunpack.i.l.bf16.f32 v24  }
0x150: {  	_ =	sdelay $0x3  }
0x151: {  	v5 =	vadd.s32 s22, v0;
	v6 =	vor.u32 v4, v28;
	v46 =	vld.idx.msk [tilespmem:v23+s19+$0x0], $0xffff  }
0x152: {  	v7 =	vld.idx.msk [tilespmem:v7+s19+$0x0], $0xffff;
	v5 =	vand.u32 $0x3F, v5  }
0x153: {  	v50 =	vld.idx.msk [tilespmem:v18+s19+$0x0], $0xffff;
	v4 =	vor.u32 v4, v5  }
0x154: {  	v51 =	vld.idx.msk [tilespmem:v18+s17+$0x0], $0xffff;
	v22 =	vmul.bf16 v22, v26  }
0x155: {  	v5 =	vld.idx.msk [tilespmem:v23+s17+$0x0], $0xffff;
	v14 =	vmul.bf16 v14, v21;
	v16 =	vmul.bf16 v16, v27  }
0x156: {  	v20 =	vadd.f32 v20, v25;
	v17 =	vadd.bf16 v17, v22;
	v47 =	vld.idx.msk [tilespmem:v6+s19+$0x0], $0xffff  }
0x157: {  	v49 =	vunpack.i.u.bf16.f32 v24;
	v8 =	vadd.bf16 v14, v8;
	v6 =	vld.idx.msk [tilespmem:v6+s17+$0x0], $0xffff;
	v16 =	vadd.bf16 v19, v16  }
0x158: {  	v7 =	vmul.bf16 v7, v13;
	v55 =	vunpack.i.u.bf16.f32 v17;
	v56 =	vunpack.i.l.bf16.f32 v17;
	v48 =	vld.idx.msk [tilespmem:v4+s19+$0x0], $0xffff  }
0x159: {  	v58 =	vmul.bf16 v50, v51;
	v53 =	vunpack.i.u.bf16.f32 v8;
	v8 =	vunpack.i.l.bf16.f32 v8;
	v4 =	vld.idx.msk [tilespmem:v4+s17+$0x0], $0xffff  }
0x15a: {  	v57 =	vadd.f32 v56, v9;
	v52 =	vunpack.i.l.bf16.f32 v16;
	v8 =	vadd.f32 v8, v10  }
0x15b: {  	v5 =	vmul.bf16 v46, v5;
	v54 =	vadd.f32 v53, v15;
	v7 =	vadd.bf16 v7, v11  }
0x15c: {  	v16 =	vunpack.i.u.bf16.f32 v16;
	v11 =	vadd.f32 v55, v20;
	v8 =	vadd.f32 v12, v8  }
0x15d: {  	v59 =	vunpack.i.u.bf16.f32 v7;
	v10 =	vadd.f32 v49, v54;
	v5 =	vadd.bf16 v58, v5  }
0x15e: {  	v7 =	vunpack.i.l.bf16.f32 v7;
	v6 =	vmul.bf16 v47, v6;
	v4 =	vmul.bf16 v48, v4  }
0x15f: {  	v11 =	vadd.f32 v16, v11;
	v7 =	vadd.f32 v7, v8;
	v62 =	vunpack.i.l.bf16.f32 v5  }
0x160: {  	v5 =	vunpack.i.u.bf16.f32 v5;
	v4 =	vadd.bf16 v4, v6;
	v6 =	vadd.f32 v52, v57  }
0x161: {  	v61 =	vadd.f32 v59, v10;
	v5 =	vadd.f32 v5, v11  }
0x162: {  	v60 =	vunpack.i.u.bf16.f32 v4;
	v4 =	vunpack.i.l.bf16.f32 v4;
	v6 =	vadd.f32 v62, v6  }
0x163: {  	v4 =	vadd.f32 v4, v7;
	v63 =	vadd.f32 v60, v61;
	_ =	sdelay $0x1  }
0x164: {  	v5 =	vadd.f32 v5, v6;
	v4 =	vadd.f32 v63, v4;
	_ =	sdelay $0x1  }
0x165: {  	v4 =	vadd.f32 v4, v5;
	_ =	sdelay $0x1  }
0x166: {  	v4 =	vsub.f32 $0.0e+00, v4;
	_ =	sdelay $0x1  }
0x167: {  	v4 =	vmul.f32 $1.442695020e+00, v4;
	_ =	sdelay $0x1  }
0x168: {  	(erf) = vpow2.f32 v4;
	_ =	sdelay $0x8  }
0x169: {  	v4 =	vpop (erf)  }
0x16a: {  	v4 =	vadd.f32 $1.000000000e+00, v4;
	_ =	sdelay $0x1  }
0x16b: {  	(erf) = vrcp.f32 v4;
	_ =	sdelay $0x3  }
0x16c: {  	s6 =	sadd.s32 $0x1, s6  }
0x16d: {  	p0 =	sne.s32 s6, $0x5  }
.Ltmp5:
0x16e: {  	_ = 	snop;
	(pc) =	sbr.rel @p0 .LBB2_11-.Ltmp5, $3  }
0x16f: {  	_ =	sdelay $0x1  }
0x170: {  	v4 =	vpop (erf)  }
0x171: {  	[tilespmem:v3+s7+$0x0 ss:$0x1] =	vst.idx.msk $0xffff, v4  }
0x172: {  	_ =	swait.ge [sflag:s0], $0x1400  }
0x173: {  	[sflag:s0] =	ssyncset.done $0x0  }
0x174: {  	[sflag:s0] =	ssyncadd.s32 $0xFFFFEC00  }
0x175: {  	_ =	swait.ge [sflag:s14], $0x1400  }
0x176: {  	[sflag:s14] =	ssyncset.done $0x0  }
0x177: {  	s1 =	sadd.s32 $0x230, s9;
	[sflag:s14] =	ssyncadd.s32 $0xFFFFEC00  }
0x178: {  	[tilespmem:s17], [sflag:$0x5] =	stream.indirect.gather [hbm4b:s2+s10], $0x40, s1, s10, $0xb8;
	[tilespmem:$0x13D30] =	vst v63  }
0x179: {  	s30 =	sadd.s32 $0x2940, s9;
	s31 =	sadd.s32 $0x11710, s5;
	s5 =	simm.s32 $0x0  }
0x17a: {  	v3 =	vmov s31;
	[tilespmem:s19], [sflag:$0x6] =	stream.indirect.gather [hbm4b:s2+s10], $0x40, s30, s10, $0xb8;
	[tilespmem:$0x13D30] =	vst v63  }
.LBB2_15:
0x17b: {  	s6 =	sshll.u32 s5, $0x4  }
0x17c: {  	s1 =	simm.s32 $0x1;
	v4 =	vmov s6  }
0x17d: {  	s3 =	simm.s32 $0x2;
	v5 =	vadd.s32 s1, v0;
	v4 =	vshll.u32 v4, $0x6  }
0x17e: {  	v6 =	vadd.s32 s3, v0;
	v5 =	vand.u32 $0x3F, v5;
	v4 =	vor.u32 v1, v4  }
0x17f: {  	s29 =	simm.s32 $0x7;
	v6 =	vand.u32 $0x3F, v6;
	v7 =	vor.u32 v4, v5  }
0x180: {  	v9 =	vadd.s32 s29, v0;
	v6 =	vor.u32 v4, v6  }
0x181: {  	v9 =	vand.u32 $0x3F, v9  }
0x182: {  	s30 =	simm.s32 $0x6;
	v9 =	vor.u32 v4, v9  }
0x183: {  	v11 =	vadd.s32 s30, v0  }
0x184: {  	s31 =	simm.s32 $0x5;
	v11 =	vand.u32 $0x3F, v11;
	v10 =	vld.idx.msk [tilespmem:v7+s21+$0x0], $0xffff  }
0x185: {  	v14 =	vadd.s32 s31, v0;
	s3 =	simm.s32 $0x9;
	v11 =	vor.u32 v4, v11;
	v12 =	vld.idx.msk [tilespmem:v6+s23+$0x0], $0xffff  }
0x186: {  	v14 =	vand.u32 $0x3F, v14;
	v15 =	vadd.s32 s3, v0;
	v16 =	vld.idx.msk [tilespmem:v7+s23+$0x0], $0xffff  }
0x187: {  	s25 =	simm.s32 $0x0;
	v5 =	vor.u32 v0, v4;
	v17 =	vor.u32 v4, v14;
	v7 =	vand.u32 $0x3F, v15;
	v15 =	vld.idx.msk [tilespmem:v9+s23+$0x0], $0xffff  }
0x188: {  	v8 =	vor.u32 s25, v5;
	v9 =	vld.idx.msk [tilespmem:v9+s21+$0x0], $0xffff  }
0x189: {  	s7 =	simm.s32 $0xA;
	v20 =	vld.idx.msk [tilespmem:v6+s21+$0x0], $0xffff  }
0x18a: {  	v14 =	vadd.s32 s7, v0;
	v21 =	vld.idx.msk [tilespmem:v11+s23+$0x0], $0xffff  }
0x18b: {  	v11 =	vld.idx.msk [tilespmem:v11+s21+$0x0], $0xffff;
	v18 =	vor.u32 v4, v7;
	v7 =	vand.u32 $0x3F, v14  }
0x18c: {  	s8 =	simm.s32 $0x3;
	v29 =	vld.idx.msk [tilespmem:v17+s23+$0x0], $0xffff;
	v19 =	vor.u32 v4, v7  }
0x18d: {  	v13 =	vld.idx.msk [tilespmem:v8+s23+$0x0], $0xffff;
	v14 =	vadd.s32 s8, v0  }
0x18e: {  	s22 =	simm.s32 $0x8;
	v8 =	vld.idx.msk [tilespmem:v8+s21+$0x0], $0xffff;
	v6 =	vand.u32 $0x3F, v14  }
0x18f: {  	v25 =	vimm.f32 $0.0e+00;
	s25 =	simm.s32 $0x4;
	v17 =	vld.idx.msk [tilespmem:v17+s21+$0x0], $0xffff;
	v7 =	vadd.s32 s22, v0;
	v27 =	vor.u32 v4, v6  }
0x190: {  	s24 =	simm.s32 $0xB;
	v22 =	vadd.s32 s25, v0;
	v6 =	vor.u32 v2, v4;
	v7 =	vand.u32 $0x38, v7;
	v28 =	vld.idx.msk [tilespmem:v18+s23+$0x0], $0xffff  }
0x191: {  	v22 =	vand.u32 $0x3F, v22;
	v14 =	vadd.s32 s24, v0;
	v30 =	vor.u32 v7, v6;
	v31 =	vld.idx.msk [tilespmem:v19+s23+$0x0], $0xffff  }
0x192: {  	v14 =	vand.u32 $0x3F, v14;
	v10 =	vmul.bf16 v16, v10;
	v32 =	vld.idx.msk [tilespmem:v19+s21+$0x0], $0xffff;
	v19 =	vor.u32 v4, v22  }
0x193: {  	s30 =	simm.s32 $0xD;
	v7 =	vor.u32 v4, v14;
	v13 =	vmul.bf16 v13, v8;
	v8 =	vmul.bf16 v12, v20;
	v12 =	vld.idx.msk [tilespmem:v18+s21+$0x0], $0xffff  }
0x194: {  	s29 =	simm.s32 $0xC;
	v11 =	vmul.bf16 v21, v11;
	v9 =	vmul.bf16 v15, v9;
	v15 =	vadd.s32 s30, v0;
	v14 =	vld.idx.msk [tilespmem:v27+s23+$0x0], $0xffff  }
0x195: {  	v17 =	vmul.bf16 v29, v17;
	v18 =	vadd.s32 s29, v0;
	v15 =	vand.u32 $0x3F, v15;
	v21 =	vld.idx.msk [tilespmem:v27+s21+$0x0], $0xffff  }
0x196: {  	s31 =	simm.s32 $0xE;
	v18 =	vand.u32 $0x3F, v18;
	v24 =	vadd.bf16 v9, v11;
	v10 =	vadd.bf16 v10, v13;
	v16 =	vld.idx.msk [tilespmem:v30+s23+$0x0], $0xffff  }
0x197: {  	v9 =	vadd.s32 s31, v0;
	v23 =	vor.u32 v4, v18;
	v18 =	vor.u32 v4, v15;
	v22 =	vld.idx.msk [tilespmem:v19+s23+$0x0], $0xffff  }
0x198: {  	v15 =	vimm.f32 $0.0e+00;
	v20 =	vunpack.i.u.bf16.f32 v10;
	v10 =	vunpack.i.l.bf16.f32 v10;
	v26 =	vld.idx.msk [tilespmem:v19+s21+$0x0], $0xffff  }
0x199: {  	v13 =	vld.idx.msk [tilespmem:v7+s21+$0x0], $0xffff;
	v19 =	vmul.bf16 v28, v12;
	v11 =	vmul.bf16 v31, v32;
	v28 =	vand.u32 $0x3F, v9  }
0x19a: {  	s3 =	simm.s32 $0x0;
	s7 =	simm.s32 $0x1F;
	s8 =	simm.s32 $0xF;
	v27 =	vld.idx.msk [tilespmem:v30+s21+$0x0], $0xffff;
	v12 =	vunpack.i.l.bf16.f32 v24;
	v9 =	vadd.f32 v10, v25;
	v10 =	vimm.f32 $0.0e+00  }
.LBB2_16:
0x19b: {  	s1 =	sadd.s32 $0xFFFFFFF2, s7;
	s22 =	sadd.s32 $0xFFFFFFF3, s7;
	s24 =	sadd.s32 $0xFFFFFFF4, s7;
	v24 =	vunpack.i.u.bf16.f32 v24;
	v20 =	vadd.f32 v20, v25;
	v25 =	vadd.s32 s8, v0  }
0x19c: {  	s25 =	sadd.s32 $0xFFFFFFF7, s7;
	v28 =	vor.u32 v4, v28;
	v29 =	vadd.s32 s1, v0;
	v30 =	vadd.s32 s22, v0;
	s1 =	sadd.s32 $0xFFFFFFF5, s7;
	s22 =	sadd.s32 $0xFFFFFFFF, s7;
	v31 =	vld.idx.msk [tilespmem:v18+s23+$0x0], $0xffff  }
0x19d: {  	s3 =	sadd.s32 $0x2, s3;
	s8 =	smov.u32 s7;
	v22 =	vmul.bf16 v22, v26;
	v29 =	vand.u32 $0x3F, v29;
	v30 =	vand.u32 $0x3F, v30;
	v26 =	vld.idx.msk [tilespmem:v23+s23+$0x0], $0xffff  }
0x19e: {  	s29 =	sadd.s32 $0xFFFFFFF1, s7;
	s30 =	sadd.s32 $0xFFFFFFF8, s7;
	p0 =	slt.u32 s3, $0x6;
	v25 =	vand.u32 $0x3F, v25;
	v29 =	vor.u32 v4, v29;
	v30 =	vor.u32 v4, v30;
	v23 =	vld.idx.msk [tilespmem:v23+s21+$0x0], $0xffff  }
0x19f: {  	v32 =	vor.u32 s29, v5;
	s29 =	sadd.s32 $0xFFFFFFF6, s7;
	v33 =	vadd.s32 s30, v0;
	v25 =	vor.u32 v4, v25;
	v18 =	vld.idx.msk [tilespmem:v18+s21+$0x0], $0xffff  }
0x1a0: {  	v34 =	vadd.s32 s1, v0;
	v35 =	vadd.s32 s29, v0;
	v16 =	vmul.bf16 v16, v27;
	v7 =	vld.idx.msk [tilespmem:v7+s23+$0x0], $0xffff  }
0x1a1: {  	v33 =	vand.u32 $0x3F, v33;
	v14 =	vmul.bf16 v14, v21;
	v27 =	vand.u32 $0x3F, v35;
	v21 =	vld.idx.msk [tilespmem:v28+s23+$0x0], $0xffff  }
0x1a2: {  	v35 =	vadd.s32 s24, v0;
	v27 =	vor.u32 v4, v27;
	v16 =	vadd.bf16 v19, v16;
	v19 =	vld.idx.msk [tilespmem:v28+s21+$0x0], $0xffff  }
0x1a3: {  	v36 =	vadd.s32 s25, v0;
	v33 =	vor.u32 v4, v33;
	v8 =	vadd.bf16 v14, v8;
	v28 =	vld.idx.msk [tilespmem:v29+s21+$0x0], $0xffff  }
0x1a4: {  	v17 =	vadd.bf16 v17, v22;
	v14 =	vand.u32 $0x3F, v34;
	v34 =	vand.u32 $0x3F, v36;
	v22 =	vld.idx.msk [tilespmem:v25+s23+$0x0], $0xffff  }
0x1a5: {  	v37 =	vor.u32 v4, v14;
	v14 =	vor.u32 v4, v34;
	v34 =	vunpack.i.l.bf16.f32 v16;
	v36 =	vld.idx.msk [tilespmem:v30+s23+$0x0], $0xffff  }
0x1a6: {  	s1 =	sadd.s32 $0xFFFFFFF9, s7;
	s24 =	sadd.s32 $0xFFFFFFFA, s7;
	v35 =	vand.u32 $0x3F, v35;
	v38 =	vunpack.i.u.bf16.f32 v16;
	v7 =	vmul.bf16 v7, v13;
	v13 =	vld.idx.msk [tilespmem:v25+s21+$0x0], $0xffff  }
0x1a7: {  	v39 =	vadd.s32 s24, v0;
	v40 =	vunpack.i.u.bf16.f32 v8;
	v25 =	vadd.s32 s1, v0;
	s1 =	sadd.s32 $0xFFFFFFFB, s7;
	v16 =	vld.idx.msk [tilespmem:v32+s23+$0x0], $0xffff  }
0x1a8: {  	v39 =	vand.u32 $0x3F, v39;
	v41 =	vadd.s32 s1, v0;
	v19 =	vmul.bf16 v21, v19;
	v32 =	vld.idx.msk [tilespmem:v32+s21+$0x0], $0xffff  }
0x1a9: {  	v23 =	vmul.bf16 v26, v23;
	v21 =	vld.idx.msk [tilespmem:v29+s23+$0x0], $0xffff;
	v29 =	vor.u32 v4, v39;
	v39 =	vand.u32 $0x3F, v41  }
0x1aa: {  	v8 =	vunpack.i.l.bf16.f32 v8;
	v15 =	vadd.f32 v40, v15;
	v26 =	vld.idx.msk [tilespmem:v33+s23+$0x0], $0xffff;
	v39 =	vor.u32 v4, v39  }
0x1ab: {  	v35 =	vor.u32 v4, v35;
	v8 =	vadd.f32 v8, v10;
	s1 =	sadd.s32 $0xFFFFFFFC, s7;
	v10 =	vadd.bf16 v7, v11;
	v33 =	vld.idx.msk [tilespmem:v33+s21+$0x0], $0xffff  }
0x1ac: {  	v7 =	vadd.s32 s1, v0;
	v13 =	vmul.bf16 v22, v13;
	v11 =	vld.idx.msk [tilespmem:v30+s21+$0x0], $0xffff;
	v30 =	vunpack.i.u.bf16.f32 v17  }
0x1ad: {  	v12 =	vadd.f32 v12, v8;
	v7 =	vand.u32 $0x3F, v7;
	v40 =	vunpack.i.u.bf16.f32 v10;
	v22 =	vld.idx.msk [tilespmem:v14+s23+$0x0], $0xffff  }
0x1ae: {  	v8 =	vunpack.i.l.bf16.f32 v17;
	v7 =	vor.u32 v4, v7;
	v13 =	vadd.bf16 v13, v19;
	v41 =	vld.idx.msk [tilespmem:v14+s21+$0x0], $0xffff  }
0x1af: {  	v9 =	vadd.f32 v8, v9;
	v17 =	vmul.bf16 v21, v28;
	v14 =	vand.u32 $0x38, v25;
	v42 =	vld.idx.msk [tilespmem:v27+s23+$0x0], $0xffff  }
0x1b0: {  	v15 =	vadd.f32 v24, v15;
	v25 =	vor.u32 v14, v6;
	v43 =	vunpack.i.u.bf16.f32 v13;
	v19 =	vld.idx.msk [tilespmem:v29+s23+$0x0], $0xffff  }
0x1b1: {  	v18 =	vmul.bf16 v31, v18;
	v10 =	vunpack.i.l.bf16.f32 v10;
	v21 =	vadd.f32 v30, v20;
	v28 =	vld.idx.msk [tilespmem:v39+s23+$0x0], $0xffff  }
0x1b2: {  	v9 =	vadd.f32 v34, v9;
	s1 =	sadd.s32 $0xFFFFFFFD, s7;
	v16 =	vmul.bf16 v16, v32;
	v8 =	vmul.bf16 v36, v11;
	v11 =	vld.idx.msk [tilespmem:v39+s21+$0x0], $0xffff  }
0x1b3: {  	v10 =	vadd.f32 v10, v12;
	v12 =	vadd.f32 v40, v15;
	v20 =	vadd.s32 s1, v0;
	v14 =	vld.idx.msk [tilespmem:v35+s23+$0x0], $0xffff  }
0x1b4: {  	s1 =	sadd.s32 $0xFFFFFFFE, s7;
	v15 =	vadd.bf16 v17, v16;
	v17 =	vmul.bf16 v22, v41;
	v22 =	vunpack.i.l.bf16.f32 v13;
	v29 =	vld.idx.msk [tilespmem:v29+s21+$0x0], $0xffff  }
0x1b5: {  	v30 =	vand.u32 $0x3F, v20;
	v13 =	vmul.bf16 v26, v33;
	v26 =	vadd.s32 s1, v0;
	v16 =	vld.idx.msk [tilespmem:v25+s23+$0x0], $0xffff  }
0x1b6: {  	v20 =	vunpack.i.u.bf16.f32 v15;
	v31 =	vunpack.i.l.bf16.f32 v15;
	v15 =	vadd.bf16 v18, v23;
	v32 =	vld.idx.msk [tilespmem:v27+s21+$0x0], $0xffff  }
0x1b7: {  	v10 =	vadd.f32 v22, v10;
	v24 =	vadd.bf16 v13, v17;
	v17 =	vand.u32 $0x3F, v26;
	v13 =	vld.idx.msk [tilespmem:v7+s21+$0x0], $0xffff  }
.Ltmp6:
0x1b8: {  	v23 =	vor.u32 v4, v30;
	v18 =	vor.u32 v4, v17;
	v17 =	vunpack.i.l.bf16.f32 v15;
	v22 =	vld.idx.msk [tilespmem:v37+s23+$0x0], $0xffff;
	(pc) =	sbr.rel @p0 .LBB2_16-.Ltmp6, $4  }
0x1b9: {  	v30 =	vadd.s32 s22, v0;
	v33 =	vadd.f32 v38, v21;
	v9 =	vadd.f32 v17, v9;
	v26 =	vld.idx.msk [tilespmem:v37+s21+$0x0], $0xffff  }
0x1ba: {  	v15 =	vunpack.i.u.bf16.f32 v15;
	v11 =	vmul.bf16 v28, v11;
	v19 =	vmul.bf16 v19, v29;
	v21 =	vld.idx.msk [tilespmem:v35+s21+$0x0], $0xffff  }
0x1bb: {  	v28 =	vand.u32 $0x3F, v30;
	v27 =	vld.idx.msk [tilespmem:v25+s21+$0x0], $0xffff;
	v25 =	vadd.f32 v15, v33;
	v15 =	vadd.f32 v43, v12  }
0x1bc: {  	s7 =	sadd.s32 $0x10, s7;
	v9 =	vadd.f32 v31, v9;
	v17 =	vmul.bf16 v42, v32;
	v12 =	vunpack.i.l.bf16.f32 v24  }
0x1bd: {  	_ =	sdelay $0x3  }
0x1be: {  	v5 =	vadd.s32 s8, v0;
	v6 =	vor.u32 v4, v28;
	v46 =	vld.idx.msk [tilespmem:v23+s23+$0x0], $0xffff  }
0x1bf: {  	v7 =	vld.idx.msk [tilespmem:v7+s23+$0x0], $0xffff;
	v5 =	vand.u32 $0x3F, v5  }
0x1c0: {  	v50 =	vld.idx.msk [tilespmem:v18+s23+$0x0], $0xffff;
	v4 =	vor.u32 v4, v5  }
0x1c1: {  	v51 =	vld.idx.msk [tilespmem:v18+s21+$0x0], $0xffff;
	v22 =	vmul.bf16 v22, v26  }
0x1c2: {  	v5 =	vld.idx.msk [tilespmem:v23+s21+$0x0], $0xffff;
	v14 =	vmul.bf16 v14, v21;
	v16 =	vmul.bf16 v16, v27  }
0x1c3: {  	v20 =	vadd.f32 v20, v25;
	v17 =	vadd.bf16 v17, v22;
	v47 =	vld.idx.msk [tilespmem:v6+s23+$0x0], $0xffff  }
0x1c4: {  	v49 =	vunpack.i.u.bf16.f32 v24;
	v8 =	vadd.bf16 v14, v8;
	v6 =	vld.idx.msk [tilespmem:v6+s21+$0x0], $0xffff;
	v16 =	vadd.bf16 v19, v16  }
0x1c5: {  	v7 =	vmul.bf16 v7, v13;
	v55 =	vunpack.i.u.bf16.f32 v17;
	v56 =	vunpack.i.l.bf16.f32 v17;
	v48 =	vld.idx.msk [tilespmem:v4+s23+$0x0], $0xffff  }
0x1c6: {  	v58 =	vmul.bf16 v50, v51;
	v53 =	vunpack.i.u.bf16.f32 v8;
	v8 =	vunpack.i.l.bf16.f32 v8;
	v4 =	vld.idx.msk [tilespmem:v4+s21+$0x0], $0xffff  }
0x1c7: {  	v57 =	vadd.f32 v56, v9;
	v52 =	vunpack.i.l.bf16.f32 v16;
	v8 =	vadd.f32 v8, v10  }
0x1c8: {  	v5 =	vmul.bf16 v46, v5;
	v54 =	vadd.f32 v53, v15;
	v7 =	vadd.bf16 v7, v11  }
0x1c9: {  	v16 =	vunpack.i.u.bf16.f32 v16;
	v11 =	vadd.f32 v55, v20;
	v8 =	vadd.f32 v12, v8  }
0x1ca: {  	v59 =	vunpack.i.u.bf16.f32 v7;
	v10 =	vadd.f32 v49, v54;
	v5 =	vadd.bf16 v58, v5  }
0x1cb: {  	v7 =	vunpack.i.l.bf16.f32 v7;
	v6 =	vmul.bf16 v47, v6;
	v4 =	vmul.bf16 v48, v4  }
0x1cc: {  	v11 =	vadd.f32 v16, v11;
	v7 =	vadd.f32 v7, v8;
	v62 =	vunpack.i.l.bf16.f32 v5  }
0x1cd: {  	v5 =	vunpack.i.u.bf16.f32 v5;
	v4 =	vadd.bf16 v4, v6;
	v6 =	vadd.f32 v52, v57  }
0x1ce: {  	v61 =	vadd.f32 v59, v10;
	v5 =	vadd.f32 v5, v11  }
0x1cf: {  	v60 =	vunpack.i.u.bf16.f32 v4;
	v4 =	vunpack.i.l.bf16.f32 v4;
	v6 =	vadd.f32 v62, v6  }
0x1d0: {  	v4 =	vadd.f32 v4, v7;
	v63 =	vadd.f32 v60, v61;
	_ =	sdelay $0x1  }
0x1d1: {  	v5 =	vadd.f32 v5, v6;
	v4 =	vadd.f32 v63, v4;
	_ =	sdelay $0x1  }
0x1d2: {  	v4 =	vadd.f32 v4, v5;
	_ =	sdelay $0x1  }
0x1d3: {  	v4 =	vsub.f32 $0.0e+00, v4;
	_ =	sdelay $0x1  }
0x1d4: {  	v4 =	vmul.f32 $1.442695020e+00, v4;
	_ =	sdelay $0x1  }
0x1d5: {  	(erf) = vpow2.f32 v4;
	_ =	sdelay $0x8  }
0x1d6: {  	v4 =	vpop (erf)  }
0x1d7: {  	v4 =	vadd.f32 $1.000000000e+00, v4;
	_ =	sdelay $0x1  }
0x1d8: {  	(erf) = vrcp.f32 v4;
	_ =	sdelay $0x3  }
0x1d9: {  	s5 =	sadd.s32 $0x1, s5  }
0x1da: {  	p0 =	sne.s32 s5, $0x5  }
.Ltmp7:
0x1db: {  	_ = 	snop;
	(pc) =	sbr.rel @p0 .LBB2_15-.Ltmp7, $3  }
0x1dc: {  	_ =	sdelay $0x1  }
0x1dd: {  	v4 =	vpop (erf)  }
0x1de: {  	[tilespmem:v3+s6+$0x0 ss:$0x1] =	vst.idx.msk $0xffff, v4  }
0x1df: {  	_ =	swait.ge [sflag:s16], $0x1400  }
0x1e0: {  	[sflag:s16] =	ssyncset.done $0x0  }
0x1e1: {  	[sflag:s16] =	ssyncadd.s32 $0xFFFFEC00  }
0x1e2: {  	_ =	swait.ge [sflag:s18], $0x1400  }
0x1e3: {  	[sflag:s18] =	ssyncset.done $0x0  }
0x1e4: {  	s1 =	sadd.s32 $0x280, s9;
	[sflag:s18] =	ssyncadd.s32 $0xFFFFEC00  }
0x1e5: {  	[tilespmem:s21], [sflag:$0x7] =	stream.indirect.gather [hbm4b:s2+s10], $0x40, s1, s10, $0xb8;
	[tilespmem:$0x13D30] =	vst v63  }
0x1e6: {  	s30 =	sadd.s32 $0x2990, s9;
	s31 =	sadd.s32 $0x11620, s4;
	s4 =	simm.s32 $0x0  }
0x1e7: {  	v3 =	vmov s31;
	[tilespmem:s23], [sflag:$0x8] =	stream.indirect.gather [hbm4b:s2+s10], $0x40, s30, s10, $0xb8;
	[tilespmem:$0x13D30] =	vst v63  }
.LBB2_19:
0x1e8: {  	s5 =	sshll.u32 s4, $0x4  }
0x1e9: {  	s1 =	simm.s32 $0x1;
	v4 =	vmov s5  }
0x1ea: {  	s3 =	simm.s32 $0x2;
	v5 =	vadd.s32 s1, v0;
	v4 =	vshll.u32 v4, $0x6  }
0x1eb: {  	v6 =	vadd.s32 s3, v0;
	v5 =	vand.u32 $0x3F, v5;
	v4 =	vor.u32 v1, v4  }
0x1ec: {  	s31 =	simm.s32 $0x7;
	v6 =	vand.u32 $0x3F, v6;
	v7 =	vor.u32 v4, v5  }
0x1ed: {  	v9 =	vadd.s32 s31, v0;
	v6 =	vor.u32 v4, v6  }
0x1ee: {  	v9 =	vand.u32 $0x3F, v9  }
0x1ef: {  	s3 =	simm.s32 $0x6;
	v9 =	vor.u32 v4, v9  }
0x1f0: {  	v11 =	vadd.s32 s3, v0  }
0x1f1: {  	s6 =	simm.s32 $0x5;
	v11 =	vand.u32 $0x3F, v11;
	v10 =	vld.idx.msk [tilespmem:v7+s26+$0x0], $0xffff  }
0x1f2: {  	s7 =	simm.s32 $0x9;
	v14 =	vadd.s32 s6, v0;
	v11 =	vor.u32 v4, v11;
	v12 =	vld.idx.msk [tilespmem:v6+s28+$0x0], $0xffff  }
0x1f3: {  	v15 =	vadd.s32 s7, v0;
	v14 =	vand.u32 $0x3F, v14;
	v16 =	vld.idx.msk [tilespmem:v7+s28+$0x0], $0xffff  }
0x1f4: {  	s30 =	simm.s32 $0x0;
	v5 =	vor.u32 v0, v4;
	v17 =	vor.u32 v4, v14;
	v7 =	vand.u32 $0x3F, v15;
	v15 =	vld.idx.msk [tilespmem:v9+s28+$0x0], $0xffff  }
0x1f5: {  	v8 =	vor.u32 s30, v5;
	v9 =	vld.idx.msk [tilespmem:v9+s26+$0x0], $0xffff  }
0x1f6: {  	s8 =	simm.s32 $0xA;
	v20 =	vld.idx.msk [tilespmem:v6+s26+$0x0], $0xffff  }
0x1f7: {  	v14 =	vadd.s32 s8, v0;
	v21 =	vld.idx.msk [tilespmem:v11+s28+$0x0], $0xffff  }
0x1f8: {  	v11 =	vld.idx.msk [tilespmem:v11+s26+$0x0], $0xffff;
	v18 =	vor.u32 v4, v7;
	v7 =	vand.u32 $0x3F, v14  }
0x1f9: {  	s9 =	simm.s32 $0x3;
	v29 =	vld.idx.msk [tilespmem:v17+s28+$0x0], $0xffff;
	v19 =	vor.u32 v4, v7  }
0x1fa: {  	v13 =	vld.idx.msk [tilespmem:v8+s28+$0x0], $0xffff;
	v14 =	vadd.s32 s9, v0  }
0x1fb: {  	s22 =	simm.s32 $0x8;
	v8 =	vld.idx.msk [tilespmem:v8+s26+$0x0], $0xffff;
	v6 =	vand.u32 $0x3F, v14  }
0x1fc: {  	s25 =	simm.s32 $0x4;
	v25 =	vimm.f32 $0.0e+00;
	v17 =	vld.idx.msk [tilespmem:v17+s26+$0x0], $0xffff;
	v7 =	vadd.s32 s22, v0;
	v27 =	vor.u32 v4, v6  }
0x1fd: {  	s24 =	simm.s32 $0xB;
	v22 =	vadd.s32 s25, v0;
	v6 =	vor.u32 v2, v4;
	v7 =	vand.u32 $0x38, v7;
	v28 =	vld.idx.msk [tilespmem:v18+s28+$0x0], $0xffff  }
0x1fe: {  	v22 =	vand.u32 $0x3F, v22;
	v14 =	vadd.s32 s24, v0;
	v30 =	vor.u32 v7, v6;
	v31 =	vld.idx.msk [tilespmem:v19+s28+$0x0], $0xffff  }
0x1ff: {  	v14 =	vand.u32 $0x3F, v14;
	v10 =	vmul.bf16 v16, v10;
	v32 =	vld.idx.msk [tilespmem:v19+s26+$0x0], $0xffff;
	v19 =	vor.u32 v4, v22  }
0x200: {  	s30 =	simm.s32 $0xD;
	v7 =	vor.u32 v4, v14;
	v13 =	vmul.bf16 v13, v8;
	v8 =	vmul.bf16 v12, v20;
	v12 =	vld.idx.msk [tilespmem:v18+s26+$0x0], $0xffff  }
0x201: {  	s29 =	simm.s32 $0xC;
	v11 =	vmul.bf16 v21, v11;
	v9 =	vmul.bf16 v15, v9;
	v15 =	vadd.s32 s30, v0;
	v14 =	vld.idx.msk [tilespmem:v27+s28+$0x0], $0xffff  }
0x202: {  	v17 =	vmul.bf16 v29, v17;
	v18 =	vadd.s32 s29, v0;
	v15 =	vand.u32 $0x3F, v15;
	v21 =	vld.idx.msk [tilespmem:v27+s26+$0x0], $0xffff  }
0x203: {  	s31 =	simm.s32 $0xE;
	v18 =	vand.u32 $0x3F, v18;
	v24 =	vadd.bf16 v9, v11;
	v10 =	vadd.bf16 v10, v13;
	v16 =	vld.idx.msk [tilespmem:v30+s28+$0x0], $0xffff  }
0x204: {  	v9 =	vadd.s32 s31, v0;
	v23 =	vor.u32 v4, v18;
	v18 =	vor.u32 v4, v15;
	v22 =	vld.idx.msk [tilespmem:v19+s28+$0x0], $0xffff  }
0x205: {  	v15 =	vimm.f32 $0.0e+00;
	v20 =	vunpack.i.u.bf16.f32 v10;
	v10 =	vunpack.i.l.bf16.f32 v10;
	v26 =	vld.idx.msk [tilespmem:v19+s26+$0x0], $0xffff  }
0x206: {  	v13 =	vld.idx.msk [tilespmem:v7+s26+$0x0], $0xffff;
	v19 =	vmul.bf16 v28, v12;
	v11 =	vmul.bf16 v31, v32;
	v28 =	vand.u32 $0x3F, v9  }
0x207: {  	s7 =	simm.s32 $0xF;
	s6 =	simm.s32 $0x1F;
	s3 =	simm.s32 $0x0;
	v27 =	vld.idx.msk [tilespmem:v30+s26+$0x0], $0xffff;
	v12 =	vunpack.i.l.bf16.f32 v24;
	v9 =	vadd.f32 v10, v25;
	v10 =	vimm.f32 $0.0e+00  }
.LBB2_20:
0x208: {  	s1 =	sadd.s32 $0xFFFFFFF2, s6;
	s8 =	sadd.s32 $0xFFFFFFF3, s6;
	s9 =	sadd.s32 $0xFFFFFFF4, s6;
	v24 =	vunpack.i.u.bf16.f32 v24;
	v20 =	vadd.f32 v20, v25;
	v25 =	vadd.s32 s7, v0  }
0x209: {  	s22 =	sadd.s32 $0xFFFFFFF7, s6;
	v28 =	vor.u32 v4, v28;
	v29 =	vadd.s32 s1, v0;
	v30 =	vadd.s32 s8, v0;
	s1 =	sadd.s32 $0xFFFFFFF5, s6;
	s8 =	sadd.s32 $0xFFFFFFFF, s6;
	v31 =	vld.idx.msk [tilespmem:v18+s28+$0x0], $0xffff  }
0x20a: {  	s3 =	sadd.s32 $0x2, s3;
	s7 =	smov.u32 s6;
	v22 =	vmul.bf16 v22, v26;
	v29 =	vand.u32 $0x3F, v29;
	v30 =	vand.u32 $0x3F, v30;
	v26 =	vld.idx.msk [tilespmem:v23+s28+$0x0], $0xffff  }
0x20b: {  	s24 =	sadd.s32 $0xFFFFFFF1, s6;
	s25 =	sadd.s32 $0xFFFFFFF8, s6;
	p0 =	slt.u32 s3, $0x6;
	v25 =	vand.u32 $0x3F, v25;
	v29 =	vor.u32 v4, v29;
	v30 =	vor.u32 v4, v30;
	v23 =	vld.idx.msk [tilespmem:v23+s26+$0x0], $0xffff  }
0x20c: {  	v32 =	vor.u32 s24, v5;
	s24 =	sadd.s32 $0xFFFFFFF6, s6;
	v33 =	vadd.s32 s25, v0;
	v25 =	vor.u32 v4, v25;
	v18 =	vld.idx.msk [tilespmem:v18+s26+$0x0], $0xffff  }
0x20d: {  	v34 =	vadd.s32 s1, v0;
	v35 =	vadd.s32 s24, v0;
	v16 =	vmul.bf16 v16, v27;
	v7 =	vld.idx.msk [tilespmem:v7+s28+$0x0], $0xffff  }
0x20e: {  	v33 =	vand.u32 $0x3F, v33;
	v14 =	vmul.bf16 v14, v21;
	v27 =	vand.u32 $0x3F, v35;
	v21 =	vld.idx.msk [tilespmem:v28+s28+$0x0], $0xffff  }
0x20f: {  	v35 =	vadd.s32 s9, v0;
	v27 =	vor.u32 v4, v27;
	v16 =	vadd.bf16 v19, v16;
	v19 =	vld.idx.msk [tilespmem:v28+s26+$0x0], $0xffff  }
0x210: {  	v36 =	vadd.s32 s22, v0;
	v33 =	vor.u32 v4, v33;
	v8 =	vadd.bf16 v14, v8;
	v28 =	vld.idx.msk [tilespmem:v29+s26+$0x0], $0xffff  }
0x211: {  	v17 =	vadd.bf16 v17, v22;
	v14 =	vand.u32 $0x3F, v34;
	v34 =	vand.u32 $0x3F, v36;
	v22 =	vld.idx.msk [tilespmem:v25+s28+$0x0], $0xffff  }
0x212: {  	v37 =	vor.u32 v4, v14;
	v14 =	vor.u32 v4, v34;
	v34 =	vunpack.i.l.bf16.f32 v16;
	v36 =	vld.idx.msk [tilespmem:v30+s28+$0x0], $0xffff  }
0x213: {  	s1 =	sadd.s32 $0xFFFFFFF9, s6;
	s9 =	sadd.s32 $0xFFFFFFFA, s6;
	v35 =	vand.u32 $0x3F, v35;
	v38 =	vunpack.i.u.bf16.f32 v16;
	v7 =	vmul.bf16 v7, v13;
	v13 =	vld.idx.msk [tilespmem:v25+s26+$0x0], $0xffff  }
0x214: {  	v39 =	vadd.s32 s9, v0;
	v40 =	vunpack.i.u.bf16.f32 v8;
	v25 =	vadd.s32 s1, v0;
	s1 =	sadd.s32 $0xFFFFFFFB, s6;
	v16 =	vld.idx.msk [tilespmem:v32+s28+$0x0], $0xffff  }
0x215: {  	v39 =	vand.u32 $0x3F, v39;
	v41 =	vadd.s32 s1, v0;
	v19 =	vmul.bf16 v21, v19;
	v32 =	vld.idx.msk [tilespmem:v32+s26+$0x0], $0xffff  }
0x216: {  	v23 =	vmul.bf16 v26, v23;
	v21 =	vld.idx.msk [tilespmem:v29+s28+$0x0], $0xffff;
	v29 =	vor.u32 v4, v39;
	v39 =	vand.u32 $0x3F, v41  }
0x217: {  	v8 =	vunpack.i.l.bf16.f32 v8;
	v15 =	vadd.f32 v40, v15;
	v26 =	vld.idx.msk [tilespmem:v33+s28+$0x0], $0xffff;
	v39 =	vor.u32 v4, v39  }
0x218: {  	v35 =	vor.u32 v4, v35;
	v8 =	vadd.f32 v8, v10;
	s1 =	sadd.s32 $0xFFFFFFFC, s6;
	v10 =	vadd.bf16 v7, v11;
	v33 =	vld.idx.msk [tilespmem:v33+s26+$0x0], $0xffff  }
0x219: {  	v7 =	vadd.s32 s1, v0;
	v13 =	vmul.bf16 v22, v13;
	v11 =	vld.idx.msk [tilespmem:v30+s26+$0x0], $0xffff;
	v30 =	vunpack.i.u.bf16.f32 v17  }
0x21a: {  	v12 =	vadd.f32 v12, v8;
	v7 =	vand.u32 $0x3F, v7;
	v40 =	vunpack.i.u.bf16.f32 v10;
	v22 =	vld.idx.msk [tilespmem:v14+s28+$0x0], $0xffff  }
0x21b: {  	v8 =	vunpack.i.l.bf16.f32 v17;
	v7 =	vor.u32 v4, v7;
	v13 =	vadd.bf16 v13, v19;
	v41 =	vld.idx.msk [tilespmem:v14+s26+$0x0], $0xffff  }
0x21c: {  	v9 =	vadd.f32 v8, v9;
	v17 =	vmul.bf16 v21, v28;
	v14 =	vand.u32 $0x38, v25;
	v42 =	vld.idx.msk [tilespmem:v27+s28+$0x0], $0xffff  }
0x21d: {  	v15 =	vadd.f32 v24, v15;
	v25 =	vor.u32 v14, v6;
	v43 =	vunpack.i.u.bf16.f32 v13;
	v19 =	vld.idx.msk [tilespmem:v29+s28+$0x0], $0xffff  }
0x21e: {  	v18 =	vmul.bf16 v31, v18;
	v10 =	vunpack.i.l.bf16.f32 v10;
	v21 =	vadd.f32 v30, v20;
	v28 =	vld.idx.msk [tilespmem:v39+s28+$0x0], $0xffff  }
0x21f: {  	v9 =	vadd.f32 v34, v9;
	s1 =	sadd.s32 $0xFFFFFFFD, s6;
	v16 =	vmul.bf16 v16, v32;
	v8 =	vmul.bf16 v36, v11;
	v11 =	vld.idx.msk [tilespmem:v39+s26+$0x0], $0xffff  }
0x220: {  	v10 =	vadd.f32 v10, v12;
	v12 =	vadd.f32 v40, v15;
	v20 =	vadd.s32 s1, v0;
	v14 =	vld.idx.msk [tilespmem:v35+s28+$0x0], $0xffff  }
0x221: {  	s1 =	sadd.s32 $0xFFFFFFFE, s6;
	v15 =	vadd.bf16 v17, v16;
	v17 =	vmul.bf16 v22, v41;
	v22 =	vunpack.i.l.bf16.f32 v13;
	v29 =	vld.idx.msk [tilespmem:v29+s26+$0x0], $0xffff  }
0x222: {  	v30 =	vand.u32 $0x3F, v20;
	v13 =	vmul.bf16 v26, v33;
	v26 =	vadd.s32 s1, v0;
	v16 =	vld.idx.msk [tilespmem:v25+s28+$0x0], $0xffff  }
0x223: {  	v20 =	vunpack.i.u.bf16.f32 v15;
	v31 =	vunpack.i.l.bf16.f32 v15;
	v15 =	vadd.bf16 v18, v23;
	v32 =	vld.idx.msk [tilespmem:v27+s26+$0x0], $0xffff  }
0x224: {  	v10 =	vadd.f32 v22, v10;
	v24 =	vadd.bf16 v13, v17;
	v17 =	vand.u32 $0x3F, v26;
	v13 =	vld.idx.msk [tilespmem:v7+s26+$0x0], $0xffff  }
.Ltmp8:
0x225: {  	v23 =	vor.u32 v4, v30;
	v18 =	vor.u32 v4, v17;
	v17 =	vunpack.i.l.bf16.f32 v15;
	v22 =	vld.idx.msk [tilespmem:v37+s28+$0x0], $0xffff;
	(pc) =	sbr.rel @p0 .LBB2_20-.Ltmp8, $4  }
0x226: {  	v30 =	vadd.s32 s8, v0;
	v33 =	vadd.f32 v38, v21;
	v9 =	vadd.f32 v17, v9;
	v26 =	vld.idx.msk [tilespmem:v37+s26+$0x0], $0xffff  }
0x227: {  	v15 =	vunpack.i.u.bf16.f32 v15;
	v11 =	vmul.bf16 v28, v11;
	v19 =	vmul.bf16 v19, v29;
	v21 =	vld.idx.msk [tilespmem:v35+s26+$0x0], $0xffff  }
0x228: {  	v28 =	vand.u32 $0x3F, v30;
	v27 =	vld.idx.msk [tilespmem:v25+s26+$0x0], $0xffff;
	v25 =	vadd.f32 v15, v33;
	v15 =	vadd.f32 v43, v12  }
0x229: {  	s6 =	sadd.s32 $0x10, s6;
	v9 =	vadd.f32 v31, v9;
	v17 =	vmul.bf16 v42, v32;
	v12 =	vunpack.i.l.bf16.f32 v24  }
0x22a: {  	_ =	sdelay $0x3  }
0x22b: {  	v5 =	vadd.s32 s7, v0;
	v6 =	vor.u32 v4, v28;
	v46 =	vld.idx.msk [tilespmem:v23+s28+$0x0], $0xffff  }
0x22c: {  	v7 =	vld.idx.msk [tilespmem:v7+s28+$0x0], $0xffff;
	v5 =	vand.u32 $0x3F, v5  }
0x22d: {  	v50 =	vld.idx.msk [tilespmem:v18+s28+$0x0], $0xffff;
	v4 =	vor.u32 v4, v5  }
0x22e: {  	v51 =	vld.idx.msk [tilespmem:v18+s26+$0x0], $0xffff;
	v22 =	vmul.bf16 v22, v26  }
0x22f: {  	v5 =	vld.idx.msk [tilespmem:v23+s26+$0x0], $0xffff;
	v14 =	vmul.bf16 v14, v21;
	v16 =	vmul.bf16 v16, v27  }
0x230: {  	v20 =	vadd.f32 v20, v25;
	v17 =	vadd.bf16 v17, v22;
	v47 =	vld.idx.msk [tilespmem:v6+s28+$0x0], $0xffff  }
0x231: {  	v49 =	vunpack.i.u.bf16.f32 v24;
	v8 =	vadd.bf16 v14, v8;
	v6 =	vld.idx.msk [tilespmem:v6+s26+$0x0], $0xffff;
	v16 =	vadd.bf16 v19, v16  }
0x232: {  	v7 =	vmul.bf16 v7, v13;
	v55 =	vunpack.i.u.bf16.f32 v17;
	v56 =	vunpack.i.l.bf16.f32 v17;
	v48 =	vld.idx.msk [tilespmem:v4+s28+$0x0], $0xffff  }
0x233: {  	v58 =	vmul.bf16 v50, v51;
	v53 =	vunpack.i.u.bf16.f32 v8;
	v8 =	vunpack.i.l.bf16.f32 v8;
	v4 =	vld.idx.msk [tilespmem:v4+s26+$0x0], $0xffff  }
0x234: {  	v57 =	vadd.f32 v56, v9;
	v52 =	vunpack.i.l.bf16.f32 v16;
	v8 =	vadd.f32 v8, v10  }
0x235: {  	v5 =	vmul.bf16 v46, v5;
	v54 =	vadd.f32 v53, v15;
	v7 =	vadd.bf16 v7, v11  }
0x236: {  	v16 =	vunpack.i.u.bf16.f32 v16;
	v11 =	vadd.f32 v55, v20;
	v8 =	vadd.f32 v12, v8  }
0x237: {  	v59 =	vunpack.i.u.bf16.f32 v7;
	v10 =	vadd.f32 v49, v54;
	v5 =	vadd.bf16 v58, v5  }
0x238: {  	v7 =	vunpack.i.l.bf16.f32 v7;
	v6 =	vmul.bf16 v47, v6;
	v4 =	vmul.bf16 v48, v4  }
0x239: {  	v11 =	vadd.f32 v16, v11;
	v7 =	vadd.f32 v7, v8;
	v62 =	vunpack.i.l.bf16.f32 v5  }
0x23a: {  	v5 =	vunpack.i.u.bf16.f32 v5;
	v4 =	vadd.bf16 v4, v6;
	v6 =	vadd.f32 v52, v57  }
0x23b: {  	v61 =	vadd.f32 v59, v10;
	v5 =	vadd.f32 v5, v11  }
0x23c: {  	v60 =	vunpack.i.u.bf16.f32 v4;
	v4 =	vunpack.i.l.bf16.f32 v4;
	v6 =	vadd.f32 v62, v6  }
0x23d: {  	v4 =	vadd.f32 v4, v7;
	v63 =	vadd.f32 v60, v61;
	_ =	sdelay $0x1  }
0x23e: {  	v5 =	vadd.f32 v5, v6;
	v4 =	vadd.f32 v63, v4;
	_ =	sdelay $0x1  }
0x23f: {  	v4 =	vadd.f32 v4, v5;
	_ =	sdelay $0x1  }
0x240: {  	v4 =	vsub.f32 $0.0e+00, v4;
	_ =	sdelay $0x1  }
0x241: {  	v4 =	vmul.f32 $1.442695020e+00, v4;
	_ =	sdelay $0x1  }
0x242: {  	(erf) = vpow2.f32 v4;
	_ =	sdelay $0x8  }
0x243: {  	v4 =	vpop (erf)  }
0x244: {  	v4 =	vadd.f32 $1.000000000e+00, v4;
	_ =	sdelay $0x1  }
0x245: {  	(erf) = vrcp.f32 v4;
	_ =	sdelay $0x3  }
0x246: {  	s4 =	sadd.s32 $0x1, s4  }
0x247: {  	p0 =	sne.s32 s4, $0x5  }
.Ltmp9:
0x248: {  	_ = 	snop;
	(pc) =	sbr.rel @p0 .LBB2_19-.Ltmp9, $3  }
0x249: {  	_ =	sdelay $0x1  }
0x24a: {  	v4 =	vpop (erf)  }
0x24b: {  	[tilespmem:v3+s5+$0x0 ss:$0x1] =	vst.idx.msk $0xffff, v4  }
0x24c: {  	s20 =	sadd.s32 $0x1, s20  }
0x24d: {  	p0 =	sne.s32 s20, $0x18  }
.Ltmp10:
0x24e: {  	_ = 	snop;
	(pc) =	sbr.rel @p0 .LBB2_2-.Ltmp10, $1  }
0x24f: {  	_ =	sdelay $0x3  }
0x250: {  	s1 =	simm.s32 $0x1  }
0x251: {  	_ =	swait.ge [sflag:s1], $0x1400  }
0x252: {  	[sflag:s1] =	ssyncset.done $0x0  }
0x253: {  	s29 =	simm.s32 $0x2;
	[sflag:s1] =	ssyncadd.s32 $0xFFFFEC00  }
0x254: {  	_ =	swait.ge [sflag:s29], $0x1400  }
0x255: {  	[sflag:s29] =	ssyncset.done $0x0  }
0x256: {  	s30 =	simm.s32 $0x26C0;
	[sflag:s29] =	ssyncadd.s32 $0xFFFFEC00  }
0x257: {  	[tilespmem:s26], [sflag:$0x9] =	stream.indirect.gather [hbm4b:s2+s10], $0x40, s30, s10, $0xb8;
	[tilespmem:$0x13D30] =	vst v63  }
0x258: {  	s31 =	simm.s32 $0x4DD0;
	s4 =	simm.s32 $0x0  }
0x259: {  	[tilespmem:s28], [sflag:$0xA] =	stream.indirect.gather [hbm4b:s2+s10], $0x40, s31, s10, $0xb8;
	[tilespmem:$0x13D30] =	vst v63  }
.LBB2_24:
0x25a: {  	s5 =	sshll.u32 s4, $0x4  }
0x25b: {  	s1 =	simm.s32 $0x1;
	v3 =	vmov s5  }
0x25c: {  	s3 =	simm.s32 $0x2;
	v4 =	vadd.s32 s1, v0;
	v3 =	vshll.u32 v3, $0x6  }
0x25d: {  	v5 =	vadd.s32 s3, v0;
	v4 =	vand.u32 $0x3F, v4;
	v3 =	vor.u32 v1, v3  }
0x25e: {  	s31 =	simm.s32 $0x7;
	v5 =	vand.u32 $0x3F, v5;
	v6 =	vor.u32 v3, v4  }
0x25f: {  	v8 =	vadd.s32 s31, v0;
	v5 =	vor.u32 v3, v5  }
0x260: {  	v8 =	vand.u32 $0x3F, v8  }
0x261: {  	s6 =	simm.s32 $0x6;
	v8 =	vor.u32 v3, v8  }
0x262: {  	v10 =	vadd.s32 s6, v0  }
0x263: {  	s7 =	simm.s32 $0x5;
	v10 =	vand.u32 $0x3F, v10;
	v9 =	vld.idx.msk [tilespmem:v6+s11+$0x0], $0xffff  }
0x264: {  	s8 =	simm.s32 $0x9;
	v13 =	vadd.s32 s7, v0;
	v10 =	vor.u32 v3, v10;
	v11 =	vld.idx.msk [tilespmem:v5+s12+$0x0], $0xffff  }
0x265: {  	v14 =	vadd.s32 s8, v0;
	v13 =	vand.u32 $0x3F, v13;
	v15 =	vld.idx.msk [tilespmem:v6+s12+$0x0], $0xffff  }
0x266: {  	s30 =	simm.s32 $0x0;
	v4 =	vor.u32 v0, v3;
	v16 =	vor.u32 v3, v13;
	v6 =	vand.u32 $0x3F, v14;
	v14 =	vld.idx.msk [tilespmem:v8+s12+$0x0], $0xffff  }
0x267: {  	v7 =	vor.u32 s30, v4;
	v8 =	vld.idx.msk [tilespmem:v8+s11+$0x0], $0xffff  }
0x268: {  	s9 =	simm.s32 $0xA;
	v19 =	vld.idx.msk [tilespmem:v5+s11+$0x0], $0xffff  }
0x269: {  	v13 =	vadd.s32 s9, v0;
	v20 =	vld.idx.msk [tilespmem:v10+s12+$0x0], $0xffff  }
0x26a: {  	v10 =	vld.idx.msk [tilespmem:v10+s11+$0x0], $0xffff;
	v17 =	vor.u32 v3, v6;
	v6 =	vand.u32 $0x3F, v13  }
0x26b: {  	s20 =	simm.s32 $0x3;
	v28 =	vld.idx.msk [tilespmem:v16+s12+$0x0], $0xffff;
	v18 =	vor.u32 v3, v6  }
0x26c: {  	v12 =	vld.idx.msk [tilespmem:v7+s12+$0x0], $0xffff;
	v13 =	vadd.s32 s20, v0  }
0x26d: {  	s22 =	simm.s32 $0x8;
	v7 =	vld.idx.msk [tilespmem:v7+s11+$0x0], $0xffff;
	v5 =	vand.u32 $0x3F, v13  }
0x26e: {  	s25 =	simm.s32 $0x4;
	v24 =	vimm.f32 $0.0e+00;
	v16 =	vld.idx.msk [tilespmem:v16+s11+$0x0], $0xffff;
	v6 =	vadd.s32 s22, v0;
	v26 =	vor.u32 v3, v5  }
0x26f: {  	s24 =	simm.s32 $0xB;
	v21 =	vadd.s32 s25, v0;
	v5 =	vor.u32 v2, v3;
	v6 =	vand.u32 $0x38, v6;
	v27 =	vld.idx.msk [tilespmem:v17+s12+$0x0], $0xffff  }
0x270: {  	v21 =	vand.u32 $0x3F, v21;
	v13 =	vadd.s32 s24, v0;
	v29 =	vor.u32 v6, v5;
	v30 =	vld.idx.msk [tilespmem:v18+s12+$0x0], $0xffff  }
0x271: {  	v13 =	vand.u32 $0x3F, v13;
	v9 =	vmul.bf16 v15, v9;
	v31 =	vld.idx.msk [tilespmem:v18+s11+$0x0], $0xffff;
	v18 =	vor.u32 v3, v21  }
0x272: {  	s30 =	simm.s32 $0xD;
	v6 =	vor.u32 v3, v13;
	v12 =	vmul.bf16 v12, v7;
	v7 =	vmul.bf16 v11, v19;
	v11 =	vld.idx.msk [tilespmem:v17+s11+$0x0], $0xffff  }
0x273: {  	s29 =	simm.s32 $0xC;
	v10 =	vmul.bf16 v20, v10;
	v8 =	vmul.bf16 v14, v8;
	v14 =	vadd.s32 s30, v0;
	v13 =	vld.idx.msk [tilespmem:v26+s12+$0x0], $0xffff  }
0x274: {  	v16 =	vmul.bf16 v28, v16;
	v17 =	vadd.s32 s29, v0;
	v14 =	vand.u32 $0x3F, v14;
	v20 =	vld.idx.msk [tilespmem:v26+s11+$0x0], $0xffff  }
0x275: {  	s31 =	simm.s32 $0xE;
	v17 =	vand.u32 $0x3F, v17;
	v23 =	vadd.bf16 v8, v10;
	v9 =	vadd.bf16 v9, v12;
	v15 =	vld.idx.msk [tilespmem:v29+s12+$0x0], $0xffff  }
0x276: {  	v8 =	vadd.s32 s31, v0;
	v22 =	vor.u32 v3, v17;
	v17 =	vor.u32 v3, v14;
	v21 =	vld.idx.msk [tilespmem:v18+s12+$0x0], $0xffff  }
0x277: {  	v14 =	vimm.f32 $0.0e+00;
	v19 =	vunpack.i.u.bf16.f32 v9;
	v9 =	vunpack.i.l.bf16.f32 v9;
	v25 =	vld.idx.msk [tilespmem:v18+s11+$0x0], $0xffff  }
0x278: {  	v12 =	vld.idx.msk [tilespmem:v6+s11+$0x0], $0xffff;
	v18 =	vmul.bf16 v27, v11;
	v10 =	vmul.bf16 v30, v31;
	v27 =	vand.u32 $0x3F, v8  }
0x279: {  	s7 =	simm.s32 $0xF;
	s3 =	simm.s32 $0x0;
	s6 =	simm.s32 $0x1F;
	v26 =	vld.idx.msk [tilespmem:v29+s11+$0x0], $0xffff;
	v11 =	vunpack.i.l.bf16.f32 v23;
	v8 =	vadd.f32 v9, v24;
	v9 =	vimm.f32 $0.0e+00  }
.LBB2_25:
0x27a: {  	s1 =	sadd.s32 $0xFFFFFFF2, s6;
	s8 =	sadd.s32 $0xFFFFFFF3, s6;
	s9 =	sadd.s32 $0xFFFFFFF4, s6;
	v23 =	vunpack.i.u.bf16.f32 v23;
	v19 =	vadd.f32 v19, v24;
	v24 =	vadd.s32 s7, v0  }
0x27b: {  	s20 =	sadd.s32 $0xFFFFFFF7, s6;
	v27 =	vor.u32 v3, v27;
	v28 =	vadd.s32 s1, v0;
	v29 =	vadd.s32 s8, v0;
	s1 =	sadd.s32 $0xFFFFFFF5, s6;
	s8 =	sadd.s32 $0xFFFFFFFF, s6;
	v30 =	vld.idx.msk [tilespmem:v17+s12+$0x0], $0xffff  }
0x27c: {  	s3 =	sadd.s32 $0x2, s3;
	s7 =	smov.u32 s6;
	v21 =	vmul.bf16 v21, v25;
	v28 =	vand.u32 $0x3F, v28;
	v29 =	vand.u32 $0x3F, v29;
	v25 =	vld.idx.msk [tilespmem:v22+s12+$0x0], $0xffff  }
0x27d: {  	s22 =	sadd.s32 $0xFFFFFFF1, s6;
	s24 =	sadd.s32 $0xFFFFFFF8, s6;
	p0 =	slt.u32 s3, $0x6;
	v24 =	vand.u32 $0x3F, v24;
	v28 =	vor.u32 v3, v28;
	v29 =	vor.u32 v3, v29;
	v22 =	vld.idx.msk [tilespmem:v22+s11+$0x0], $0xffff  }
0x27e: {  	v31 =	vor.u32 s22, v4;
	s22 =	sadd.s32 $0xFFFFFFF6, s6;
	v32 =	vadd.s32 s24, v0;
	v24 =	vor.u32 v3, v24;
	v17 =	vld.idx.msk [tilespmem:v17+s11+$0x0], $0xffff  }
0x27f: {  	v33 =	vadd.s32 s1, v0;
	v34 =	vadd.s32 s22, v0;
	v15 =	vmul.bf16 v15, v26;
	v6 =	vld.idx.msk [tilespmem:v6+s12+$0x0], $0xffff  }
0x280: {  	v32 =	vand.u32 $0x3F, v32;
	v13 =	vmul.bf16 v13, v20;
	v26 =	vand.u32 $0x3F, v34;
	v20 =	vld.idx.msk [tilespmem:v27+s12+$0x0], $0xffff  }
0x281: {  	v34 =	vadd.s32 s9, v0;
	v26 =	vor.u32 v3, v26;
	v15 =	vadd.bf16 v18, v15;
	v18 =	vld.idx.msk [tilespmem:v27+s11+$0x0], $0xffff  }
0x282: {  	v35 =	vadd.s32 s20, v0;
	v32 =	vor.u32 v3, v32;
	v7 =	vadd.bf16 v13, v7;
	v27 =	vld.idx.msk [tilespmem:v28+s11+$0x0], $0xffff  }
0x283: {  	v16 =	vadd.bf16 v16, v21;
	v13 =	vand.u32 $0x3F, v33;
	v33 =	vand.u32 $0x3F, v35;
	v21 =	vld.idx.msk [tilespmem:v24+s12+$0x0], $0xffff  }
0x284: {  	v36 =	vor.u32 v3, v13;
	v13 =	vor.u32 v3, v33;
	v33 =	vunpack.i.l.bf16.f32 v15;
	v35 =	vld.idx.msk [tilespmem:v29+s12+$0x0], $0xffff  }
0x285: {  	s1 =	sadd.s32 $0xFFFFFFF9, s6;
	s9 =	sadd.s32 $0xFFFFFFFA, s6;
	v34 =	vand.u32 $0x3F, v34;
	v37 =	vunpack.i.u.bf16.f32 v15;
	v6 =	vmul.bf16 v6, v12;
	v12 =	vld.idx.msk [tilespmem:v24+s11+$0x0], $0xffff  }
0x286: {  	v38 =	vadd.s32 s9, v0;
	v39 =	vunpack.i.u.bf16.f32 v7;
	v24 =	vadd.s32 s1, v0;
	s1 =	sadd.s32 $0xFFFFFFFB, s6;
	v15 =	vld.idx.msk [tilespmem:v31+s12+$0x0], $0xffff  }
0x287: {  	v38 =	vand.u32 $0x3F, v38;
	v40 =	vadd.s32 s1, v0;
	v18 =	vmul.bf16 v20, v18;
	v31 =	vld.idx.msk [tilespmem:v31+s11+$0x0], $0xffff  }
0x288: {  	v22 =	vmul.bf16 v25, v22;
	v20 =	vld.idx.msk [tilespmem:v28+s12+$0x0], $0xffff;
	v28 =	vor.u32 v3, v38;
	v38 =	vand.u32 $0x3F, v40  }
0x289: {  	v7 =	vunpack.i.l.bf16.f32 v7;
	v14 =	vadd.f32 v39, v14;
	v25 =	vld.idx.msk [tilespmem:v32+s12+$0x0], $0xffff;
	v38 =	vor.u32 v3, v38  }
0x28a: {  	v34 =	vor.u32 v3, v34;
	v7 =	vadd.f32 v7, v9;
	s1 =	sadd.s32 $0xFFFFFFFC, s6;
	v9 =	vadd.bf16 v6, v10;
	v32 =	vld.idx.msk [tilespmem:v32+s11+$0x0], $0xffff  }
0x28b: {  	v6 =	vadd.s32 s1, v0;
	v12 =	vmul.bf16 v21, v12;
	v10 =	vld.idx.msk [tilespmem:v29+s11+$0x0], $0xffff;
	v29 =	vunpack.i.u.bf16.f32 v16  }
0x28c: {  	v11 =	vadd.f32 v11, v7;
	v6 =	vand.u32 $0x3F, v6;
	v39 =	vunpack.i.u.bf16.f32 v9;
	v21 =	vld.idx.msk [tilespmem:v13+s12+$0x0], $0xffff  }
0x28d: {  	v7 =	vunpack.i.l.bf16.f32 v16;
	v6 =	vor.u32 v3, v6;
	v12 =	vadd.bf16 v12, v18;
	v40 =	vld.idx.msk [tilespmem:v13+s11+$0x0], $0xffff  }
0x28e: {  	v8 =	vadd.f32 v7, v8;
	v16 =	vmul.bf16 v20, v27;
	v13 =	vand.u32 $0x38, v24;
	v41 =	vld.idx.msk [tilespmem:v26+s12+$0x0], $0xffff  }
0x28f: {  	v14 =	vadd.f32 v23, v14;
	v24 =	vor.u32 v13, v5;
	v42 =	vunpack.i.u.bf16.f32 v12;
	v18 =	vld.idx.msk [tilespmem:v28+s12+$0x0], $0xffff  }
0x290: {  	v17 =	vmul.bf16 v30, v17;
	v9 =	vunpack.i.l.bf16.f32 v9;
	v20 =	vadd.f32 v29, v19;
	v27 =	vld.idx.msk [tilespmem:v38+s12+$0x0], $0xffff  }
0x291: {  	v8 =	vadd.f32 v33, v8;
	s1 =	sadd.s32 $0xFFFFFFFD, s6;
	v15 =	vmul.bf16 v15, v31;
	v7 =	vmul.bf16 v35, v10;
	v10 =	vld.idx.msk [tilespmem:v38+s11+$0x0], $0xffff  }
0x292: {  	v9 =	vadd.f32 v9, v11;
	v11 =	vadd.f32 v39, v14;
	v19 =	vadd.s32 s1, v0;
	v13 =	vld.idx.msk [tilespmem:v34+s12+$0x0], $0xffff  }
0x293: {  	s1 =	sadd.s32 $0xFFFFFFFE, s6;
	v14 =	vadd.bf16 v16, v15;
	v16 =	vmul.bf16 v21, v40;
	v21 =	vunpack.i.l.bf16.f32 v12;
	v28 =	vld.idx.msk [tilespmem:v28+s11+$0x0], $0xffff  }
0x294: {  	v29 =	vand.u32 $0x3F, v19;
	v12 =	vmul.bf16 v25, v32;
	v25 =	vadd.s32 s1, v0;
	v15 =	vld.idx.msk [tilespmem:v24+s12+$0x0], $0xffff  }
0x295: {  	v19 =	vunpack.i.u.bf16.f32 v14;
	v30 =	vunpack.i.l.bf16.f32 v14;
	v14 =	vadd.bf16 v17, v22;
	v31 =	vld.idx.msk [tilespmem:v26+s11+$0x0], $0xffff  }
0x296: {  	v9 =	vadd.f32 v21, v9;
	v23 =	vadd.bf16 v12, v16;
	v16 =	vand.u32 $0x3F, v25;
	v12 =	vld.idx.msk [tilespmem:v6+s11+$0x0], $0xffff  }
.Ltmp11:
0x297: {  	v22 =	vor.u32 v3, v29;
	v17 =	vor.u32 v3, v16;
	v16 =	vunpack.i.l.bf16.f32 v14;
	v21 =	vld.idx.msk [tilespmem:v36+s12+$0x0], $0xffff;
	(pc) =	sbr.rel @p0 .LBB2_25-.Ltmp11, $4  }
0x298: {  	v29 =	vadd.s32 s8, v0;
	v32 =	vadd.f32 v37, v20;
	v8 =	vadd.f32 v16, v8;
	v25 =	vld.idx.msk [tilespmem:v36+s11+$0x0], $0xffff  }
0x299: {  	v14 =	vunpack.i.u.bf16.f32 v14;
	v10 =	vmul.bf16 v27, v10;
	v18 =	vmul.bf16 v18, v28;
	v20 =	vld.idx.msk [tilespmem:v34+s11+$0x0], $0xffff  }
0x29a: {  	v27 =	vand.u32 $0x3F, v29;
	v26 =	vld.idx.msk [tilespmem:v24+s11+$0x0], $0xffff;
	v24 =	vadd.f32 v14, v32;
	v14 =	vadd.f32 v42, v11  }
0x29b: {  	s6 =	sadd.s32 $0x10, s6;
	v8 =	vadd.f32 v30, v8;
	v16 =	vmul.bf16 v41, v31;
	v11 =	vunpack.i.l.bf16.f32 v23  }
0x29c: {  	_ =	sdelay $0x3  }
0x29d: {  	v4 =	vadd.s32 s7, v0;
	v5 =	vor.u32 v3, v27;
	v45 =	vld.idx.msk [tilespmem:v22+s12+$0x0], $0xffff  }
0x29e: {  	v46 =	vld.idx.msk [tilespmem:v22+s11+$0x0], $0xffff;
	v4 =	vand.u32 $0x3F, v4  }
0x29f: {  	v6 =	vld.idx.msk [tilespmem:v6+s12+$0x0], $0xffff;
	v3 =	vor.u32 v3, v4  }
0x2a0: {  	v50 =	vld.idx.msk [tilespmem:v17+s12+$0x0], $0xffff;
	v21 =	vmul.bf16 v21, v25  }
0x2a1: {  	v51 =	vld.idx.msk [tilespmem:v17+s11+$0x0], $0xffff;
	v13 =	vmul.bf16 v13, v20;
	v15 =	vmul.bf16 v15, v26  }
0x2a2: {  	v19 =	vadd.f32 v19, v24;
	v16 =	vadd.bf16 v16, v21;
	v47 =	vld.idx.msk [tilespmem:v5+s12+$0x0], $0xffff  }
0x2a3: {  	v49 =	vunpack.i.u.bf16.f32 v23;
	v7 =	vadd.bf16 v13, v7;
	v5 =	vld.idx.msk [tilespmem:v5+s11+$0x0], $0xffff;
	v15 =	vadd.bf16 v18, v15  }
0x2a4: {  	v6 =	vmul.bf16 v6, v12;
	v4 =	vmul.bf16 v45, v46;
	v55 =	vunpack.i.u.bf16.f32 v16;
	v48 =	vld.idx.msk [tilespmem:v3+s12+$0x0], $0xffff  }
0x2a5: {  	v56 =	vunpack.i.l.bf16.f32 v16;
	v53 =	vunpack.i.u.bf16.f32 v7;
	v7 =	vunpack.i.l.bf16.f32 v7;
	v3 =	vld.idx.msk [tilespmem:v3+s11+$0x0], $0xffff  }
0x2a6: {  	v58 =	vmul.bf16 v50, v51;
	v57 =	vadd.f32 v56, v8;
	v7 =	vadd.f32 v7, v9  }
0x2a7: {  	v52 =	vunpack.i.l.bf16.f32 v15;
	v54 =	vadd.f32 v53, v14;
	v6 =	vadd.bf16 v6, v10  }
0x2a8: {  	v15 =	vunpack.i.u.bf16.f32 v15;
	v10 =	vadd.f32 v55, v19;
	v4 =	vadd.bf16 v58, v4  }
0x2a9: {  	v7 =	vadd.f32 v11, v7;
	v59 =	vunpack.i.u.bf16.f32 v6;
	v9 =	vadd.f32 v49, v54  }
0x2aa: {  	v6 =	vunpack.i.l.bf16.f32 v6;
	v5 =	vmul.bf16 v47, v5;
	v3 =	vmul.bf16 v48, v3  }
0x2ab: {  	v62 =	vunpack.i.l.bf16.f32 v4;
	v10 =	vadd.f32 v15, v10;
	v6 =	vadd.f32 v6, v7  }
0x2ac: {  	v4 =	vunpack.i.u.bf16.f32 v4;
	v3 =	vadd.bf16 v3, v5;
	v5 =	vadd.f32 v52, v57  }
0x2ad: {  	v61 =	vadd.f32 v59, v9;
	v4 =	vadd.f32 v4, v10  }
0x2ae: {  	v60 =	vunpack.i.u.bf16.f32 v3;
	v3 =	vunpack.i.l.bf16.f32 v3;
	v5 =	vadd.f32 v62, v5  }
0x2af: {  	v3 =	vadd.f32 v3, v6;
	v63 =	vadd.f32 v60, v61;
	_ =	sdelay $0x1  }
0x2b0: {  	v4 =	vadd.f32 v4, v5;
	v3 =	vadd.f32 v63, v3;
	_ =	sdelay $0x1  }
0x2b1: {  	v3 =	vadd.f32 v3, v4;
	_ =	sdelay $0x1  }
0x2b2: {  	v3 =	vsub.f32 $0.0e+00, v3;
	_ =	sdelay $0x1  }
0x2b3: {  	v3 =	vmul.f32 $1.442695020e+00, v3;
	_ =	sdelay $0x1  }
0x2b4: {  	(erf) = vpow2.f32 v3;
	_ =	sdelay $0x8  }
0x2b5: {  	v3 =	vpop (erf)  }
0x2b6: {  	v3 =	vadd.f32 $1.000000000e+00, v3;
	_ =	sdelay $0x1  }
0x2b7: {  	(erf) = vrcp.f32 v3;
	_ =	sdelay $0x3  }
0x2b8: {  	s4 =	sadd.s32 $0x1, s4  }
0x2b9: {  	p0 =	sne.s32 s4, $0x5  }
.Ltmp12:
0x2ba: {  	_ = 	snop;
	(pc) =	sbr.rel @p0 .LBB2_24-.Ltmp12, $3  }
0x2bb: {  	_ =	sdelay $0x1  }
0x2bc: {  	v3 =	vpop (erf)  }
0x2bd: {  	[tilespmem:s5+$0x13BA0] =	vst v3  }
0x2be: {  	s1 =	simm.s32 $0x3  }
0x2bf: {  	_ =	swait.ge [sflag:s1], $0x1400  }
0x2c0: {  	[sflag:s1] =	ssyncset.done $0x0  }
0x2c1: {  	s31 =	simm.s32 $0x4;
	[sflag:s1] =	ssyncadd.s32 $0xFFFFEC00  }
0x2c2: {  	_ =	swait.ge [sflag:s31], $0x1400  }
0x2c3: {  	[sflag:s31] =	ssyncset.done $0x0  }
0x2c4: {  	s4 =	simm.s32 $0x0;
	[sflag:s31] =	ssyncadd.s32 $0xFFFFEC00  }
.LBB2_28:
0x2c5: {  	s5 =	sshll.u32 s4, $0x4  }
0x2c6: {  	s1 =	simm.s32 $0x1;
	v3 =	vmov s5  }
0x2c7: {  	s3 =	simm.s32 $0x2;
	v4 =	vadd.s32 s1, v0;
	v3 =	vshll.u32 v3, $0x6  }
0x2c8: {  	v5 =	vadd.s32 s3, v0;
	v4 =	vand.u32 $0x3F, v4;
	v3 =	vor.u32 v1, v3  }
0x2c9: {  	s31 =	simm.s32 $0x7;
	v5 =	vand.u32 $0x3F, v5;
	v6 =	vor.u32 v3, v4  }
0x2ca: {  	v8 =	vadd.s32 s31, v0;
	v5 =	vor.u32 v3, v5  }
0x2cb: {  	v8 =	vand.u32 $0x3F, v8  }
0x2cc: {  	s6 =	simm.s32 $0x6;
	v8 =	vor.u32 v3, v8  }
0x2cd: {  	v10 =	vadd.s32 s6, v0  }
0x2ce: {  	s7 =	simm.s32 $0x5;
	v10 =	vand.u32 $0x3F, v10;
	v9 =	vld.idx.msk [tilespmem:v6+s13+$0x0], $0xffff  }
0x2cf: {  	s8 =	simm.s32 $0x9;
	v13 =	vadd.s32 s7, v0;
	v10 =	vor.u32 v3, v10;
	v11 =	vld.idx.msk [tilespmem:v5+s15+$0x0], $0xffff  }
0x2d0: {  	v14 =	vadd.s32 s8, v0;
	v13 =	vand.u32 $0x3F, v13;
	v15 =	vld.idx.msk [tilespmem:v6+s15+$0x0], $0xffff  }
0x2d1: {  	s30 =	simm.s32 $0x0;
	v4 =	vor.u32 v0, v3;
	v16 =	vor.u32 v3, v13;
	v6 =	vand.u32 $0x3F, v14;
	v14 =	vld.idx.msk [tilespmem:v8+s15+$0x0], $0xffff  }
0x2d2: {  	v7 =	vor.u32 s30, v4;
	v8 =	vld.idx.msk [tilespmem:v8+s13+$0x0], $0xffff  }
0x2d3: {  	s9 =	simm.s32 $0xA;
	v19 =	vld.idx.msk [tilespmem:v5+s13+$0x0], $0xffff  }
0x2d4: {  	v13 =	vadd.s32 s9, v0;
	v20 =	vld.idx.msk [tilespmem:v10+s15+$0x0], $0xffff  }
0x2d5: {  	v10 =	vld.idx.msk [tilespmem:v10+s13+$0x0], $0xffff;
	v17 =	vor.u32 v3, v6;
	v6 =	vand.u32 $0x3F, v13  }
0x2d6: {  	s20 =	simm.s32 $0x3;
	v28 =	vld.idx.msk [tilespmem:v16+s15+$0x0], $0xffff;
	v18 =	vor.u32 v3, v6  }
0x2d7: {  	v12 =	vld.idx.msk [tilespmem:v7+s15+$0x0], $0xffff;
	v13 =	vadd.s32 s20, v0  }
0x2d8: {  	s22 =	simm.s32 $0x8;
	v7 =	vld.idx.msk [tilespmem:v7+s13+$0x0], $0xffff;
	v5 =	vand.u32 $0x3F, v13  }
0x2d9: {  	s25 =	simm.s32 $0x4;
	v24 =	vimm.f32 $0.0e+00;
	v16 =	vld.idx.msk [tilespmem:v16+s13+$0x0], $0xffff;
	v6 =	vadd.s32 s22, v0;
	v26 =	vor.u32 v3, v5  }
0x2da: {  	s24 =	simm.s32 $0xB;
	v21 =	vadd.s32 s25, v0;
	v5 =	vor.u32 v2, v3;
	v6 =	vand.u32 $0x38, v6;
	v27 =	vld.idx.msk [tilespmem:v17+s15+$0x0], $0xffff  }
0x2db: {  	v21 =	vand.u32 $0x3F, v21;
	v13 =	vadd.s32 s24, v0;
	v29 =	vor.u32 v6, v5;
	v30 =	vld.idx.msk [tilespmem:v18+s15+$0x0], $0xffff  }
0x2dc: {  	v13 =	vand.u32 $0x3F, v13;
	v9 =	vmul.bf16 v15, v9;
	v31 =	vld.idx.msk [tilespmem:v18+s13+$0x0], $0xffff;
	v18 =	vor.u32 v3, v21  }
0x2dd: {  	s30 =	simm.s32 $0xD;
	v6 =	vor.u32 v3, v13;
	v12 =	vmul.bf16 v12, v7;
	v7 =	vmul.bf16 v11, v19;
	v11 =	vld.idx.msk [tilespmem:v17+s13+$0x0], $0xffff  }
0x2de: {  	s29 =	simm.s32 $0xC;
	v10 =	vmul.bf16 v20, v10;
	v8 =	vmul.bf16 v14, v8;
	v14 =	vadd.s32 s30, v0;
	v13 =	vld.idx.msk [tilespmem:v26+s15+$0x0], $0xffff  }
0x2df: {  	v16 =	vmul.bf16 v28, v16;
	v17 =	vadd.s32 s29, v0;
	v14 =	vand.u32 $0x3F, v14;
	v20 =	vld.idx.msk [tilespmem:v26+s13+$0x0], $0xffff  }
0x2e0: {  	s31 =	simm.s32 $0xE;
	v17 =	vand.u32 $0x3F, v17;
	v23 =	vadd.bf16 v8, v10;
	v9 =	vadd.bf16 v9, v12;
	v15 =	vld.idx.msk [tilespmem:v29+s15+$0x0], $0xffff  }
0x2e1: {  	v8 =	vadd.s32 s31, v0;
	v22 =	vor.u32 v3, v17;
	v17 =	vor.u32 v3, v14;
	v21 =	vld.idx.msk [tilespmem:v18+s15+$0x0], $0xffff  }
0x2e2: {  	v14 =	vimm.f32 $0.0e+00;
	v19 =	vunpack.i.u.bf16.f32 v9;
	v9 =	vunpack.i.l.bf16.f32 v9;
	v25 =	vld.idx.msk [tilespmem:v18+s13+$0x0], $0xffff  }
0x2e3: {  	v12 =	vld.idx.msk [tilespmem:v6+s13+$0x0], $0xffff;
	v18 =	vmul.bf16 v27, v11;
	v10 =	vmul.bf16 v30, v31;
	v27 =	vand.u32 $0x3F, v8  }
0x2e4: {  	s7 =	simm.s32 $0xF;
	s3 =	simm.s32 $0x0;
	s6 =	simm.s32 $0x1F;
	v26 =	vld.idx.msk [tilespmem:v29+s13+$0x0], $0xffff;
	v11 =	vunpack.i.l.bf16.f32 v23;
	v8 =	vadd.f32 v9, v24;
	v9 =	vimm.f32 $0.0e+00  }
.LBB2_29:
0x2e5: {  	s1 =	sadd.s32 $0xFFFFFFF2, s6;
	s8 =	sadd.s32 $0xFFFFFFF3, s6;
	s9 =	sadd.s32 $0xFFFFFFF4, s6;
	v23 =	vunpack.i.u.bf16.f32 v23;
	v19 =	vadd.f32 v19, v24;
	v24 =	vadd.s32 s7, v0  }
0x2e6: {  	s20 =	sadd.s32 $0xFFFFFFF7, s6;
	v27 =	vor.u32 v3, v27;
	v28 =	vadd.s32 s1, v0;
	v29 =	vadd.s32 s8, v0;
	s1 =	sadd.s32 $0xFFFFFFF5, s6;
	s8 =	sadd.s32 $0xFFFFFFFF, s6;
	v30 =	vld.idx.msk [tilespmem:v17+s15+$0x0], $0xffff  }
0x2e7: {  	s3 =	sadd.s32 $0x2, s3;
	s7 =	smov.u32 s6;
	v21 =	vmul.bf16 v21, v25;
	v28 =	vand.u32 $0x3F, v28;
	v29 =	vand.u32 $0x3F, v29;
	v25 =	vld.idx.msk [tilespmem:v22+s15+$0x0], $0xffff  }
0x2e8: {  	s22 =	sadd.s32 $0xFFFFFFF1, s6;
	s24 =	sadd.s32 $0xFFFFFFF8, s6;
	p0 =	slt.u32 s3, $0x6;
	v24 =	vand.u32 $0x3F, v24;
	v28 =	vor.u32 v3, v28;
	v29 =	vor.u32 v3, v29;
	v22 =	vld.idx.msk [tilespmem:v22+s13+$0x0], $0xffff  }
0x2e9: {  	v31 =	vor.u32 s22, v4;
	s22 =	sadd.s32 $0xFFFFFFF6, s6;
	v32 =	vadd.s32 s24, v0;
	v24 =	vor.u32 v3, v24;
	v17 =	vld.idx.msk [tilespmem:v17+s13+$0x0], $0xffff  }
0x2ea: {  	v33 =	vadd.s32 s1, v0;
	v34 =	vadd.s32 s22, v0;
	v15 =	vmul.bf16 v15, v26;
	v6 =	vld.idx.msk [tilespmem:v6+s15+$0x0], $0xffff  }
0x2eb: {  	v32 =	vand.u32 $0x3F, v32;
	v13 =	vmul.bf16 v13, v20;
	v26 =	vand.u32 $0x3F, v34;
	v20 =	vld.idx.msk [tilespmem:v27+s15+$0x0], $0xffff  }
0x2ec: {  	v34 =	vadd.s32 s9, v0;
	v26 =	vor.u32 v3, v26;
	v15 =	vadd.bf16 v18, v15;
	v18 =	vld.idx.msk [tilespmem:v27+s13+$0x0], $0xffff  }
0x2ed: {  	v35 =	vadd.s32 s20, v0;
	v32 =	vor.u32 v3, v32;
	v7 =	vadd.bf16 v13, v7;
	v27 =	vld.idx.msk [tilespmem:v28+s13+$0x0], $0xffff  }
0x2ee: {  	v16 =	vadd.bf16 v16, v21;
	v13 =	vand.u32 $0x3F, v33;
	v33 =	vand.u32 $0x3F, v35;
	v21 =	vld.idx.msk [tilespmem:v24+s15+$0x0], $0xffff  }
0x2ef: {  	v36 =	vor.u32 v3, v13;
	v13 =	vor.u32 v3, v33;
	v33 =	vunpack.i.l.bf16.f32 v15;
	v35 =	vld.idx.msk [tilespmem:v29+s15+$0x0], $0xffff  }
0x2f0: {  	s1 =	sadd.s32 $0xFFFFFFF9, s6;
	s9 =	sadd.s32 $0xFFFFFFFA, s6;
	v34 =	vand.u32 $0x3F, v34;
	v37 =	vunpack.i.u.bf16.f32 v15;
	v6 =	vmul.bf16 v6, v12;
	v12 =	vld.idx.msk [tilespmem:v24+s13+$0x0], $0xffff  }
0x2f1: {  	v38 =	vadd.s32 s9, v0;
	v39 =	vunpack.i.u.bf16.f32 v7;
	v24 =	vadd.s32 s1, v0;
	s1 =	sadd.s32 $0xFFFFFFFB, s6;
	v15 =	vld.idx.msk [tilespmem:v31+s15+$0x0], $0xffff  }
0x2f2: {  	v38 =	vand.u32 $0x3F, v38;
	v40 =	vadd.s32 s1, v0;
	v18 =	vmul.bf16 v20, v18;
	v31 =	vld.idx.msk [tilespmem:v31+s13+$0x0], $0xffff  }
0x2f3: {  	v22 =	vmul.bf16 v25, v22;
	v20 =	vld.idx.msk [tilespmem:v28+s15+$0x0], $0xffff;
	v28 =	vor.u32 v3, v38;
	v38 =	vand.u32 $0x3F, v40  }
0x2f4: {  	v7 =	vunpack.i.l.bf16.f32 v7;
	v14 =	vadd.f32 v39, v14;
	v25 =	vld.idx.msk [tilespmem:v32+s15+$0x0], $0xffff;
	v38 =	vor.u32 v3, v38  }
0x2f5: {  	v34 =	vor.u32 v3, v34;
	v7 =	vadd.f32 v7, v9;
	s1 =	sadd.s32 $0xFFFFFFFC, s6;
	v9 =	vadd.bf16 v6, v10;
	v32 =	vld.idx.msk [tilespmem:v32+s13+$0x0], $0xffff  }
0x2f6: {  	v6 =	vadd.s32 s1, v0;
	v12 =	vmul.bf16 v21, v12;
	v10 =	vld.idx.msk [tilespmem:v29+s13+$0x0], $0xffff;
	v29 =	vunpack.i.u.bf16.f32 v16  }
0x2f7: {  	v11 =	vadd.f32 v11, v7;
	v6 =	vand.u32 $0x3F, v6;
	v39 =	vunpack.i.u.bf16.f32 v9;
	v21 =	vld.idx.msk [tilespmem:v13+s15+$0x0], $0xffff  }
0x2f8: {  	v7 =	vunpack.i.l.bf16.f32 v16;
	v6 =	vor.u32 v3, v6;
	v12 =	vadd.bf16 v12, v18;
	v40 =	vld.idx.msk [tilespmem:v13+s13+$0x0], $0xffff  }
0x2f9: {  	v8 =	vadd.f32 v7, v8;
	v16 =	vmul.bf16 v20, v27;
	v13 =	vand.u32 $0x38, v24;
	v41 =	vld.idx.msk [tilespmem:v26+s15+$0x0], $0xffff  }
0x2fa: {  	v14 =	vadd.f32 v23, v14;
	v24 =	vor.u32 v13, v5;
	v42 =	vunpack.i.u.bf16.f32 v12;
	v18 =	vld.idx.msk [tilespmem:v28+s15+$0x0], $0xffff  }
0x2fb: {  	v17 =	vmul.bf16 v30, v17;
	v9 =	vunpack.i.l.bf16.f32 v9;
	v20 =	vadd.f32 v29, v19;
	v27 =	vld.idx.msk [tilespmem:v38+s15+$0x0], $0xffff  }
0x2fc: {  	v8 =	vadd.f32 v33, v8;
	s1 =	sadd.s32 $0xFFFFFFFD, s6;
	v15 =	vmul.bf16 v15, v31;
	v7 =	vmul.bf16 v35, v10;
	v10 =	vld.idx.msk [tilespmem:v38+s13+$0x0], $0xffff  }
0x2fd: {  	v9 =	vadd.f32 v9, v11;
	v11 =	vadd.f32 v39, v14;
	v19 =	vadd.s32 s1, v0;
	v13 =	vld.idx.msk [tilespmem:v34+s15+$0x0], $0xffff  }
0x2fe: {  	s1 =	sadd.s32 $0xFFFFFFFE, s6;
	v14 =	vadd.bf16 v16, v15;
	v16 =	vmul.bf16 v21, v40;
	v21 =	vunpack.i.l.bf16.f32 v12;
	v28 =	vld.idx.msk [tilespmem:v28+s13+$0x0], $0xffff  }
0x2ff: {  	v29 =	vand.u32 $0x3F, v19;
	v12 =	vmul.bf16 v25, v32;
	v25 =	vadd.s32 s1, v0;
	v15 =	vld.idx.msk [tilespmem:v24+s15+$0x0], $0xffff  }
0x300: {  	v19 =	vunpack.i.u.bf16.f32 v14;
	v30 =	vunpack.i.l.bf16.f32 v14;
	v14 =	vadd.bf16 v17, v22;
	v31 =	vld.idx.msk [tilespmem:v26+s13+$0x0], $0xffff  }
0x301: {  	v9 =	vadd.f32 v21, v9;
	v23 =	vadd.bf16 v12, v16;
	v16 =	vand.u32 $0x3F, v25;
	v12 =	vld.idx.msk [tilespmem:v6+s13+$0x0], $0xffff  }
.Ltmp13:
0x302: {  	v22 =	vor.u32 v3, v29;
	v17 =	vor.u32 v3, v16;
	v16 =	vunpack.i.l.bf16.f32 v14;
	v21 =	vld.idx.msk [tilespmem:v36+s15+$0x0], $0xffff;
	(pc) =	sbr.rel @p0 .LBB2_29-.Ltmp13, $4  }
0x303: {  	v29 =	vadd.s32 s8, v0;
	v32 =	vadd.f32 v37, v20;
	v8 =	vadd.f32 v16, v8;
	v25 =	vld.idx.msk [tilespmem:v36+s13+$0x0], $0xffff  }
0x304: {  	v14 =	vunpack.i.u.bf16.f32 v14;
	v10 =	vmul.bf16 v27, v10;
	v18 =	vmul.bf16 v18, v28;
	v20 =	vld.idx.msk [tilespmem:v34+s13+$0x0], $0xffff  }
0x305: {  	v27 =	vand.u32 $0x3F, v29;
	v26 =	vld.idx.msk [tilespmem:v24+s13+$0x0], $0xffff;
	v24 =	vadd.f32 v14, v32;
	v14 =	vadd.f32 v42, v11  }
0x306: {  	s6 =	sadd.s32 $0x10, s6;
	v8 =	vadd.f32 v30, v8;
	v16 =	vmul.bf16 v41, v31;
	v11 =	vunpack.i.l.bf16.f32 v23  }
0x307: {  	_ =	sdelay $0x3  }
0x308: {  	v4 =	vadd.s32 s7, v0;
	v5 =	vor.u32 v3, v27;
	v45 =	vld.idx.msk [tilespmem:v22+s15+$0x0], $0xffff  }
0x309: {  	v46 =	vld.idx.msk [tilespmem:v22+s13+$0x0], $0xffff;
	v4 =	vand.u32 $0x3F, v4  }
0x30a: {  	v6 =	vld.idx.msk [tilespmem:v6+s15+$0x0], $0xffff;
	v3 =	vor.u32 v3, v4  }
0x30b: {  	v50 =	vld.idx.msk [tilespmem:v17+s15+$0x0], $0xffff;
	v21 =	vmul.bf16 v21, v25  }
0x30c: {  	v51 =	vld.idx.msk [tilespmem:v17+s13+$0x0], $0xffff;
	v13 =	vmul.bf16 v13, v20;
	v15 =	vmul.bf16 v15, v26  }
0x30d: {  	v19 =	vadd.f32 v19, v24;
	v16 =	vadd.bf16 v16, v21;
	v47 =	vld.idx.msk [tilespmem:v5+s15+$0x0], $0xffff  }
0x30e: {  	v49 =	vunpack.i.u.bf16.f32 v23;
	v7 =	vadd.bf16 v13, v7;
	v5 =	vld.idx.msk [tilespmem:v5+s13+$0x0], $0xffff;
	v15 =	vadd.bf16 v18, v15  }
0x30f: {  	v6 =	vmul.bf16 v6, v12;
	v4 =	vmul.bf16 v45, v46;
	v55 =	vunpack.i.u.bf16.f32 v16;
	v48 =	vld.idx.msk [tilespmem:v3+s15+$0x0], $0xffff  }
0x310: {  	v56 =	vunpack.i.l.bf16.f32 v16;
	v53 =	vunpack.i.u.bf16.f32 v7;
	v7 =	vunpack.i.l.bf16.f32 v7;
	v3 =	vld.idx.msk [tilespmem:v3+s13+$0x0], $0xffff  }
0x311: {  	v58 =	vmul.bf16 v50, v51;
	v57 =	vadd.f32 v56, v8;
	v7 =	vadd.f32 v7, v9  }
0x312: {  	v52 =	vunpack.i.l.bf16.f32 v15;
	v54 =	vadd.f32 v53, v14;
	v6 =	vadd.bf16 v6, v10  }
0x313: {  	v15 =	vunpack.i.u.bf16.f32 v15;
	v10 =	vadd.f32 v55, v19;
	v4 =	vadd.bf16 v58, v4  }
0x314: {  	v7 =	vadd.f32 v11, v7;
	v59 =	vunpack.i.u.bf16.f32 v6;
	v9 =	vadd.f32 v49, v54  }
0x315: {  	v6 =	vunpack.i.l.bf16.f32 v6;
	v5 =	vmul.bf16 v47, v5;
	v3 =	vmul.bf16 v48, v3  }
0x316: {  	v62 =	vunpack.i.l.bf16.f32 v4;
	v10 =	vadd.f32 v15, v10;
	v6 =	vadd.f32 v6, v7  }
0x317: {  	v4 =	vunpack.i.u.bf16.f32 v4;
	v3 =	vadd.bf16 v3, v5;
	v5 =	vadd.f32 v52, v57  }
0x318: {  	v61 =	vadd.f32 v59, v9;
	v4 =	vadd.f32 v4, v10  }
0x319: {  	v60 =	vunpack.i.u.bf16.f32 v3;
	v3 =	vunpack.i.l.bf16.f32 v3;
	v5 =	vadd.f32 v62, v5  }
0x31a: {  	v3 =	vadd.f32 v3, v6;
	v63 =	vadd.f32 v60, v61;
	_ =	sdelay $0x1  }
0x31b: {  	v4 =	vadd.f32 v4, v5;
	v3 =	vadd.f32 v63, v3;
	_ =	sdelay $0x1  }
0x31c: {  	v3 =	vadd.f32 v3, v4;
	_ =	sdelay $0x1  }
0x31d: {  	v3 =	vsub.f32 $0.0e+00, v3;
	_ =	sdelay $0x1  }
0x31e: {  	v3 =	vmul.f32 $1.442695020e+00, v3;
	_ =	sdelay $0x1  }
0x31f: {  	(erf) = vpow2.f32 v3;
	_ =	sdelay $0x8  }
0x320: {  	v3 =	vpop (erf)  }
0x321: {  	v3 =	vadd.f32 $1.000000000e+00, v3;
	_ =	sdelay $0x1  }
0x322: {  	(erf) = vrcp.f32 v3;
	_ =	sdelay $0x3  }
0x323: {  	s4 =	sadd.s32 $0x1, s4  }
0x324: {  	p0 =	sne.s32 s4, $0x5  }
.Ltmp14:
0x325: {  	_ = 	snop;
	(pc) =	sbr.rel @p0 .LBB2_28-.Ltmp14, $3  }
0x326: {  	_ =	sdelay $0x1  }
0x327: {  	v3 =	vpop (erf)  }
0x328: {  	[tilespmem:s5+$0x13BF0] =	vst v3  }
0x329: {  	s1 =	simm.s32 $0x5  }
0x32a: {  	_ =	swait.ge [sflag:s1], $0x1400  }
0x32b: {  	[sflag:s1] =	ssyncset.done $0x0  }
0x32c: {  	s31 =	simm.s32 $0x6;
	[sflag:s1] =	ssyncadd.s32 $0xFFFFEC00  }
0x32d: {  	_ =	swait.ge [sflag:s31], $0x1400  }
0x32e: {  	[sflag:s31] =	ssyncset.done $0x0  }
0x32f: {  	s4 =	simm.s32 $0x0;
	[sflag:s31] =	ssyncadd.s32 $0xFFFFEC00  }
.LBB2_32:
0x330: {  	s5 =	sshll.u32 s4, $0x4  }
0x331: {  	s1 =	simm.s32 $0x1;
	v3 =	vmov s5  }
0x332: {  	s3 =	simm.s32 $0x2;
	v4 =	vadd.s32 s1, v0;
	v3 =	vshll.u32 v3, $0x6  }
0x333: {  	v5 =	vadd.s32 s3, v0;
	v4 =	vand.u32 $0x3F, v4;
	v3 =	vor.u32 v1, v3  }
0x334: {  	s31 =	simm.s32 $0x7;
	v5 =	vand.u32 $0x3F, v5;
	v6 =	vor.u32 v3, v4  }
0x335: {  	v8 =	vadd.s32 s31, v0;
	v5 =	vor.u32 v3, v5  }
0x336: {  	v8 =	vand.u32 $0x3F, v8  }
0x337: {  	s6 =	simm.s32 $0x6;
	v8 =	vor.u32 v3, v8  }
0x338: {  	v10 =	vadd.s32 s6, v0  }
0x339: {  	s7 =	simm.s32 $0x5;
	v10 =	vand.u32 $0x3F, v10;
	v9 =	vld.idx.msk [tilespmem:v6+s17+$0x0], $0xffff  }
0x33a: {  	s8 =	simm.s32 $0x9;
	v13 =	vadd.s32 s7, v0;
	v10 =	vor.u32 v3, v10;
	v11 =	vld.idx.msk [tilespmem:v5+s19+$0x0], $0xffff  }
0x33b: {  	v14 =	vadd.s32 s8, v0;
	v13 =	vand.u32 $0x3F, v13;
	v15 =	vld.idx.msk [tilespmem:v6+s19+$0x0], $0xffff  }
0x33c: {  	s30 =	simm.s32 $0x0;
	v4 =	vor.u32 v0, v3;
	v16 =	vor.u32 v3, v13;
	v6 =	vand.u32 $0x3F, v14;
	v14 =	vld.idx.msk [tilespmem:v8+s19+$0x0], $0xffff  }
0x33d: {  	v7 =	vor.u32 s30, v4;
	v8 =	vld.idx.msk [tilespmem:v8+s17+$0x0], $0xffff  }
0x33e: {  	s9 =	simm.s32 $0xA;
	v19 =	vld.idx.msk [tilespmem:v5+s17+$0x0], $0xffff  }
0x33f: {  	v13 =	vadd.s32 s9, v0;
	v20 =	vld.idx.msk [tilespmem:v10+s19+$0x0], $0xffff  }
0x340: {  	v10 =	vld.idx.msk [tilespmem:v10+s17+$0x0], $0xffff;
	v17 =	vor.u32 v3, v6;
	v6 =	vand.u32 $0x3F, v13  }
0x341: {  	s20 =	simm.s32 $0x3;
	v28 =	vld.idx.msk [tilespmem:v16+s19+$0x0], $0xffff;
	v18 =	vor.u32 v3, v6  }
0x342: {  	v12 =	vld.idx.msk [tilespmem:v7+s19+$0x0], $0xffff;
	v13 =	vadd.s32 s20, v0  }
0x343: {  	s22 =	simm.s32 $0x8;
	v7 =	vld.idx.msk [tilespmem:v7+s17+$0x0], $0xffff;
	v5 =	vand.u32 $0x3F, v13  }
0x344: {  	s25 =	simm.s32 $0x4;
	v24 =	vimm.f32 $0.0e+00;
	v16 =	vld.idx.msk [tilespmem:v16+s17+$0x0], $0xffff;
	v6 =	vadd.s32 s22, v0;
	v26 =	vor.u32 v3, v5  }
0x345: {  	s24 =	simm.s32 $0xB;
	v21 =	vadd.s32 s25, v0;
	v5 =	vor.u32 v2, v3;
	v6 =	vand.u32 $0x38, v6;
	v27 =	vld.idx.msk [tilespmem:v17+s19+$0x0], $0xffff  }
0x346: {  	v21 =	vand.u32 $0x3F, v21;
	v13 =	vadd.s32 s24, v0;
	v29 =	vor.u32 v6, v5;
	v30 =	vld.idx.msk [tilespmem:v18+s19+$0x0], $0xffff  }
0x347: {  	v13 =	vand.u32 $0x3F, v13;
	v9 =	vmul.bf16 v15, v9;
	v31 =	vld.idx.msk [tilespmem:v18+s17+$0x0], $0xffff;
	v18 =	vor.u32 v3, v21  }
0x348: {  	s30 =	simm.s32 $0xD;
	v6 =	vor.u32 v3, v13;
	v12 =	vmul.bf16 v12, v7;
	v7 =	vmul.bf16 v11, v19;
	v11 =	vld.idx.msk [tilespmem:v17+s17+$0x0], $0xffff  }
0x349: {  	s29 =	simm.s32 $0xC;
	v10 =	vmul.bf16 v20, v10;
	v8 =	vmul.bf16 v14, v8;
	v14 =	vadd.s32 s30, v0;
	v13 =	vld.idx.msk [tilespmem:v26+s19+$0x0], $0xffff  }
0x34a: {  	v16 =	vmul.bf16 v28, v16;
	v17 =	vadd.s32 s29, v0;
	v14 =	vand.u32 $0x3F, v14;
	v20 =	vld.idx.msk [tilespmem:v26+s17+$0x0], $0xffff  }
0x34b: {  	s31 =	simm.s32 $0xE;
	v17 =	vand.u32 $0x3F, v17;
	v23 =	vadd.bf16 v8, v10;
	v9 =	vadd.bf16 v9, v12;
	v15 =	vld.idx.msk [tilespmem:v29+s19+$0x0], $0xffff  }
0x34c: {  	v8 =	vadd.s32 s31, v0;
	v22 =	vor.u32 v3, v17;
	v17 =	vor.u32 v3, v14;
	v21 =	vld.idx.msk [tilespmem:v18+s19+$0x0], $0xffff  }
0x34d: {  	v14 =	vimm.f32 $0.0e+00;
	v19 =	vunpack.i.u.bf16.f32 v9;
	v9 =	vunpack.i.l.bf16.f32 v9;
	v25 =	vld.idx.msk [tilespmem:v18+s17+$0x0], $0xffff  }
0x34e: {  	v12 =	vld.idx.msk [tilespmem:v6+s17+$0x0], $0xffff;
	v18 =	vmul.bf16 v27, v11;
	v10 =	vmul.bf16 v30, v31;
	v27 =	vand.u32 $0x3F, v8  }
0x34f: {  	s7 =	simm.s32 $0xF;
	s3 =	simm.s32 $0x0;
	s6 =	simm.s32 $0x1F;
	v26 =	vld.idx.msk [tilespmem:v29+s17+$0x0], $0xffff;
	v11 =	vunpack.i.l.bf16.f32 v23;
	v8 =	vadd.f32 v9, v24;
	v9 =	vimm.f32 $0.0e+00  }
.LBB2_33:
0x350: {  	s1 =	sadd.s32 $0xFFFFFFF2, s6;
	s8 =	sadd.s32 $0xFFFFFFF3, s6;
	s9 =	sadd.s32 $0xFFFFFFF4, s6;
	v23 =	vunpack.i.u.bf16.f32 v23;
	v19 =	vadd.f32 v19, v24;
	v24 =	vadd.s32 s7, v0  }
0x351: {  	s20 =	sadd.s32 $0xFFFFFFF7, s6;
	v27 =	vor.u32 v3, v27;
	v28 =	vadd.s32 s1, v0;
	v29 =	vadd.s32 s8, v0;
	s1 =	sadd.s32 $0xFFFFFFF5, s6;
	s8 =	sadd.s32 $0xFFFFFFFF, s6;
	v30 =	vld.idx.msk [tilespmem:v17+s19+$0x0], $0xffff  }
0x352: {  	s3 =	sadd.s32 $0x2, s3;
	s7 =	smov.u32 s6;
	v21 =	vmul.bf16 v21, v25;
	v28 =	vand.u32 $0x3F, v28;
	v29 =	vand.u32 $0x3F, v29;
	v25 =	vld.idx.msk [tilespmem:v22+s19+$0x0], $0xffff  }
0x353: {  	s22 =	sadd.s32 $0xFFFFFFF1, s6;
	s24 =	sadd.s32 $0xFFFFFFF8, s6;
	p0 =	slt.u32 s3, $0x6;
	v24 =	vand.u32 $0x3F, v24;
	v28 =	vor.u32 v3, v28;
	v29 =	vor.u32 v3, v29;
	v22 =	vld.idx.msk [tilespmem:v22+s17+$0x0], $0xffff  }
0x354: {  	v31 =	vor.u32 s22, v4;
	s22 =	sadd.s32 $0xFFFFFFF6, s6;
	v32 =	vadd.s32 s24, v0;
	v24 =	vor.u32 v3, v24;
	v17 =	vld.idx.msk [tilespmem:v17+s17+$0x0], $0xffff  }
0x355: {  	v33 =	vadd.s32 s1, v0;
	v34 =	vadd.s32 s22, v0;
	v15 =	vmul.bf16 v15, v26;
	v6 =	vld.idx.msk [tilespmem:v6+s19+$0x0], $0xffff  }
0x356: {  	v32 =	vand.u32 $0x3F, v32;
	v13 =	vmul.bf16 v13, v20;
	v26 =	vand.u32 $0x3F, v34;
	v20 =	vld.idx.msk [tilespmem:v27+s19+$0x0], $0xffff  }
0x357: {  	v34 =	vadd.s32 s9, v0;
	v26 =	vor.u32 v3, v26;
	v15 =	vadd.bf16 v18, v15;
	v18 =	vld.idx.msk [tilespmem:v27+s17+$0x0], $0xffff  }
0x358: {  	v35 =	vadd.s32 s20, v0;
	v32 =	vor.u32 v3, v32;
	v7 =	vadd.bf16 v13, v7;
	v27 =	vld.idx.msk [tilespmem:v28+s17+$0x0], $0xffff  }
0x359: {  	v16 =	vadd.bf16 v16, v21;
	v13 =	vand.u32 $0x3F, v33;
	v33 =	vand.u32 $0x3F, v35;
	v21 =	vld.idx.msk [tilespmem:v24+s19+$0x0], $0xffff  }
0x35a: {  	v36 =	vor.u32 v3, v13;
	v13 =	vor.u32 v3, v33;
	v33 =	vunpack.i.l.bf16.f32 v15;
	v35 =	vld.idx.msk [tilespmem:v29+s19+$0x0], $0xffff  }
0x35b: {  	s1 =	sadd.s32 $0xFFFFFFF9, s6;
	s9 =	sadd.s32 $0xFFFFFFFA, s6;
	v34 =	vand.u32 $0x3F, v34;
	v37 =	vunpack.i.u.bf16.f32 v15;
	v6 =	vmul.bf16 v6, v12;
	v12 =	vld.idx.msk [tilespmem:v24+s17+$0x0], $0xffff  }
0x35c: {  	v38 =	vadd.s32 s9, v0;
	v39 =	vunpack.i.u.bf16.f32 v7;
	v24 =	vadd.s32 s1, v0;
	s1 =	sadd.s32 $0xFFFFFFFB, s6;
	v15 =	vld.idx.msk [tilespmem:v31+s19+$0x0], $0xffff  }
0x35d: {  	v38 =	vand.u32 $0x3F, v38;
	v40 =	vadd.s32 s1, v0;
	v18 =	vmul.bf16 v20, v18;
	v31 =	vld.idx.msk [tilespmem:v31+s17+$0x0], $0xffff  }
0x35e: {  	v22 =	vmul.bf16 v25, v22;
	v20 =	vld.idx.msk [tilespmem:v28+s19+$0x0], $0xffff;
	v28 =	vor.u32 v3, v38;
	v38 =	vand.u32 $0x3F, v40  }
0x35f: {  	v7 =	vunpack.i.l.bf16.f32 v7;
	v14 =	vadd.f32 v39, v14;
	v25 =	vld.idx.msk [tilespmem:v32+s19+$0x0], $0xffff;
	v38 =	vor.u32 v3, v38  }
0x360: {  	v34 =	vor.u32 v3, v34;
	v7 =	vadd.f32 v7, v9;
	s1 =	sadd.s32 $0xFFFFFFFC, s6;
	v9 =	vadd.bf16 v6, v10;
	v32 =	vld.idx.msk [tilespmem:v32+s17+$0x0], $0xffff  }
0x361: {  	v6 =	vadd.s32 s1, v0;
	v12 =	vmul.bf16 v21, v12;
	v10 =	vld.idx.msk [tilespmem:v29+s17+$0x0], $0xffff;
	v29 =	vunpack.i.u.bf16.f32 v16  }
0x362: {  	v11 =	vadd.f32 v11, v7;
	v6 =	vand.u32 $0x3F, v6;
	v39 =	vunpack.i.u.bf16.f32 v9;
	v21 =	vld.idx.msk [tilespmem:v13+s19+$0x0], $0xffff  }
0x363: {  	v7 =	vunpack.i.l.bf16.f32 v16;
	v6 =	vor.u32 v3, v6;
	v12 =	vadd.bf16 v12, v18;
	v40 =	vld.idx.msk [tilespmem:v13+s17+$0x0], $0xffff  }
0x364: {  	v8 =	vadd.f32 v7, v8;
	v16 =	vmul.bf16 v20, v27;
	v13 =	vand.u32 $0x38, v24;
	v41 =	vld.idx.msk [tilespmem:v26+s19+$0x0], $0xffff  }
0x365: {  	v14 =	vadd.f32 v23, v14;
	v24 =	vor.u32 v13, v5;
	v42 =	vunpack.i.u.bf16.f32 v12;
	v18 =	vld.idx.msk [tilespmem:v28+s19+$0x0], $0xffff  }
0x366: {  	v17 =	vmul.bf16 v30, v17;
	v9 =	vunpack.i.l.bf16.f32 v9;
	v20 =	vadd.f32 v29, v19;
	v27 =	vld.idx.msk [tilespmem:v38+s19+$0x0], $0xffff  }
0x367: {  	v8 =	vadd.f32 v33, v8;
	s1 =	sadd.s32 $0xFFFFFFFD, s6;
	v15 =	vmul.bf16 v15, v31;
	v7 =	vmul.bf16 v35, v10;
	v10 =	vld.idx.msk [tilespmem:v38+s17+$0x0], $0xffff  }
0x368: {  	v9 =	vadd.f32 v9, v11;
	v11 =	vadd.f32 v39, v14;
	v19 =	vadd.s32 s1, v0;
	v13 =	vld.idx.msk [tilespmem:v34+s19+$0x0], $0xffff  }
0x369: {  	s1 =	sadd.s32 $0xFFFFFFFE, s6;
	v14 =	vadd.bf16 v16, v15;
	v16 =	vmul.bf16 v21, v40;
	v21 =	vunpack.i.l.bf16.f32 v12;
	v28 =	vld.idx.msk [tilespmem:v28+s17+$0x0], $0xffff  }
0x36a: {  	v29 =	vand.u32 $0x3F, v19;
	v12 =	vmul.bf16 v25, v32;
	v25 =	vadd.s32 s1, v0;
	v15 =	vld.idx.msk [tilespmem:v24+s19+$0x0], $0xffff  }
0x36b: {  	v19 =	vunpack.i.u.bf16.f32 v14;
	v30 =	vunpack.i.l.bf16.f32 v14;
	v14 =	vadd.bf16 v17, v22;
	v31 =	vld.idx.msk [tilespmem:v26+s17+$0x0], $0xffff  }
0x36c: {  	v9 =	vadd.f32 v21, v9;
	v23 =	vadd.bf16 v12, v16;
	v16 =	vand.u32 $0x3F, v25;
	v12 =	vld.idx.msk [tilespmem:v6+s17+$0x0], $0xffff  }
.Ltmp15:
0x36d: {  	v22 =	vor.u32 v3, v29;
	v17 =	vor.u32 v3, v16;
	v16 =	vunpack.i.l.bf16.f32 v14;
	v21 =	vld.idx.msk [tilespmem:v36+s19+$0x0], $0xffff;
	(pc) =	sbr.rel @p0 .LBB2_33-.Ltmp15, $4  }
0x36e: {  	v29 =	vadd.s32 s8, v0;
	v32 =	vadd.f32 v37, v20;
	v8 =	vadd.f32 v16, v8;
	v25 =	vld.idx.msk [tilespmem:v36+s17+$0x0], $0xffff  }
0x36f: {  	v14 =	vunpack.i.u.bf16.f32 v14;
	v10 =	vmul.bf16 v27, v10;
	v18 =	vmul.bf16 v18, v28;
	v20 =	vld.idx.msk [tilespmem:v34+s17+$0x0], $0xffff  }
0x370: {  	v27 =	vand.u32 $0x3F, v29;
	v26 =	vld.idx.msk [tilespmem:v24+s17+$0x0], $0xffff;
	v24 =	vadd.f32 v14, v32;
	v14 =	vadd.f32 v42, v11  }
0x371: {  	s6 =	sadd.s32 $0x10, s6;
	v8 =	vadd.f32 v30, v8;
	v16 =	vmul.bf16 v41, v31;
	v11 =	vunpack.i.l.bf16.f32 v23  }
0x372: {  	_ =	sdelay $0x3  }
0x373: {  	v4 =	vadd.s32 s7, v0;
	v5 =	vor.u32 v3, v27;
	v45 =	vld.idx.msk [tilespmem:v22+s19+$0x0], $0xffff  }
0x374: {  	v46 =	vld.idx.msk [tilespmem:v22+s17+$0x0], $0xffff;
	v4 =	vand.u32 $0x3F, v4  }
0x375: {  	v6 =	vld.idx.msk [tilespmem:v6+s19+$0x0], $0xffff;
	v3 =	vor.u32 v3, v4  }
0x376: {  	v50 =	vld.idx.msk [tilespmem:v17+s19+$0x0], $0xffff;
	v21 =	vmul.bf16 v21, v25  }
0x377: {  	v51 =	vld.idx.msk [tilespmem:v17+s17+$0x0], $0xffff;
	v13 =	vmul.bf16 v13, v20;
	v15 =	vmul.bf16 v15, v26  }
0x378: {  	v19 =	vadd.f32 v19, v24;
	v16 =	vadd.bf16 v16, v21;
	v47 =	vld.idx.msk [tilespmem:v5+s19+$0x0], $0xffff  }
0x379: {  	v49 =	vunpack.i.u.bf16.f32 v23;
	v7 =	vadd.bf16 v13, v7;
	v5 =	vld.idx.msk [tilespmem:v5+s17+$0x0], $0xffff;
	v15 =	vadd.bf16 v18, v15  }
0x37a: {  	v6 =	vmul.bf16 v6, v12;
	v4 =	vmul.bf16 v45, v46;
	v55 =	vunpack.i.u.bf16.f32 v16;
	v48 =	vld.idx.msk [tilespmem:v3+s19+$0x0], $0xffff  }
0x37b: {  	v56 =	vunpack.i.l.bf16.f32 v16;
	v53 =	vunpack.i.u.bf16.f32 v7;
	v7 =	vunpack.i.l.bf16.f32 v7;
	v3 =	vld.idx.msk [tilespmem:v3+s17+$0x0], $0xffff  }
0x37c: {  	v58 =	vmul.bf16 v50, v51;
	v57 =	vadd.f32 v56, v8;
	v7 =	vadd.f32 v7, v9  }
0x37d: {  	v52 =	vunpack.i.l.bf16.f32 v15;
	v54 =	vadd.f32 v53, v14;
	v6 =	vadd.bf16 v6, v10  }
0x37e: {  	v15 =	vunpack.i.u.bf16.f32 v15;
	v10 =	vadd.f32 v55, v19;
	v4 =	vadd.bf16 v58, v4  }
0x37f: {  	v7 =	vadd.f32 v11, v7;
	v59 =	vunpack.i.u.bf16.f32 v6;
	v9 =	vadd.f32 v49, v54  }
0x380: {  	v6 =	vunpack.i.l.bf16.f32 v6;
	v5 =	vmul.bf16 v47, v5;
	v3 =	vmul.bf16 v48, v3  }
0x381: {  	v62 =	vunpack.i.l.bf16.f32 v4;
	v10 =	vadd.f32 v15, v10;
	v6 =	vadd.f32 v6, v7  }
0x382: {  	v4 =	vunpack.i.u.bf16.f32 v4;
	v3 =	vadd.bf16 v3, v5;
	v5 =	vadd.f32 v52, v57  }
0x383: {  	v61 =	vadd.f32 v59, v9;
	v4 =	vadd.f32 v4, v10  }
0x384: {  	v60 =	vunpack.i.u.bf16.f32 v3;
	v3 =	vunpack.i.l.bf16.f32 v3;
	v5 =	vadd.f32 v62, v5  }
0x385: {  	v3 =	vadd.f32 v3, v6;
	v63 =	vadd.f32 v60, v61;
	_ =	sdelay $0x1  }
0x386: {  	v4 =	vadd.f32 v4, v5;
	v3 =	vadd.f32 v63, v3;
	_ =	sdelay $0x1  }
0x387: {  	v3 =	vadd.f32 v3, v4;
	_ =	sdelay $0x1  }
0x388: {  	v3 =	vsub.f32 $0.0e+00, v3;
	_ =	sdelay $0x1  }
0x389: {  	v3 =	vmul.f32 $1.442695020e+00, v3;
	_ =	sdelay $0x1  }
0x38a: {  	(erf) = vpow2.f32 v3;
	_ =	sdelay $0x8  }
0x38b: {  	v3 =	vpop (erf)  }
0x38c: {  	v3 =	vadd.f32 $1.000000000e+00, v3;
	_ =	sdelay $0x1  }
0x38d: {  	(erf) = vrcp.f32 v3;
	_ =	sdelay $0x3  }
0x38e: {  	s4 =	sadd.s32 $0x1, s4  }
0x38f: {  	p0 =	sne.s32 s4, $0x5  }
.Ltmp16:
0x390: {  	_ = 	snop;
	(pc) =	sbr.rel @p0 .LBB2_32-.Ltmp16, $3  }
0x391: {  	_ =	sdelay $0x1  }
0x392: {  	v3 =	vpop (erf)  }
0x393: {  	[tilespmem:s5+$0x13C40] =	vst v3  }
0x394: {  	_ =	swait.ge [sflag:s0], $0x1400  }
0x395: {  	[sflag:s0] =	ssyncset.done $0x0  }
0x396: {  	[sflag:s0] =	ssyncadd.s32 $0xFFFFEC00  }
0x397: {  	_ =	swait.ge [sflag:s14], $0x1400  }
0x398: {  	[sflag:s14] =	ssyncset.done $0x0  }
0x399: {  	s4 =	simm.s32 $0x0;
	[sflag:s14] =	ssyncadd.s32 $0xFFFFEC00  }
.LBB2_36:
0x39a: {  	s5 =	sshll.u32 s4, $0x4  }
0x39b: {  	s1 =	simm.s32 $0x1;
	v3 =	vmov s5  }
0x39c: {  	s3 =	simm.s32 $0x2;
	v4 =	vadd.s32 s1, v0;
	v3 =	vshll.u32 v3, $0x6  }
0x39d: {  	v5 =	vadd.s32 s3, v0;
	v4 =	vand.u32 $0x3F, v4;
	v3 =	vor.u32 v1, v3  }
0x39e: {  	s31 =	simm.s32 $0x7;
	v5 =	vand.u32 $0x3F, v5;
	v6 =	vor.u32 v3, v4  }
0x39f: {  	v8 =	vadd.s32 s31, v0;
	v5 =	vor.u32 v3, v5  }
0x3a0: {  	v8 =	vand.u32 $0x3F, v8  }
0x3a1: {  	s6 =	simm.s32 $0x6;
	v8 =	vor.u32 v3, v8  }
0x3a2: {  	v10 =	vadd.s32 s6, v0  }
0x3a3: {  	s7 =	simm.s32 $0x5;
	v10 =	vand.u32 $0x3F, v10;
	v9 =	vld.idx.msk [tilespmem:v6+s21+$0x0], $0xffff  }
0x3a4: {  	s8 =	simm.s32 $0x9;
	v13 =	vadd.s32 s7, v0;
	v10 =	vor.u32 v3, v10;
	v11 =	vld.idx.msk [tilespmem:v5+s23+$0x0], $0xffff  }
0x3a5: {  	v14 =	vadd.s32 s8, v0;
	v13 =	vand.u32 $0x3F, v13;
	v15 =	vld.idx.msk [tilespmem:v6+s23+$0x0], $0xffff  }
0x3a6: {  	s30 =	simm.s32 $0x0;
	v4 =	vor.u32 v0, v3;
	v16 =	vor.u32 v3, v13;
	v6 =	vand.u32 $0x3F, v14;
	v14 =	vld.idx.msk [tilespmem:v8+s23+$0x0], $0xffff  }
0x3a7: {  	v7 =	vor.u32 s30, v4;
	v8 =	vld.idx.msk [tilespmem:v8+s21+$0x0], $0xffff  }
0x3a8: {  	s9 =	simm.s32 $0xA;
	v19 =	vld.idx.msk [tilespmem:v5+s21+$0x0], $0xffff  }
0x3a9: {  	v13 =	vadd.s32 s9, v0;
	v20 =	vld.idx.msk [tilespmem:v10+s23+$0x0], $0xffff  }
0x3aa: {  	v10 =	vld.idx.msk [tilespmem:v10+s21+$0x0], $0xffff;
	v17 =	vor.u32 v3, v6;
	v6 =	vand.u32 $0x3F, v13  }
0x3ab: {  	s20 =	simm.s32 $0x3;
	v28 =	vld.idx.msk [tilespmem:v16+s23+$0x0], $0xffff;
	v18 =	vor.u32 v3, v6  }
0x3ac: {  	v12 =	vld.idx.msk [tilespmem:v7+s23+$0x0], $0xffff;
	v13 =	vadd.s32 s20, v0  }
0x3ad: {  	s22 =	simm.s32 $0x8;
	v7 =	vld.idx.msk [tilespmem:v7+s21+$0x0], $0xffff;
	v5 =	vand.u32 $0x3F, v13  }
0x3ae: {  	s25 =	simm.s32 $0x4;
	v24 =	vimm.f32 $0.0e+00;
	v16 =	vld.idx.msk [tilespmem:v16+s21+$0x0], $0xffff;
	v6 =	vadd.s32 s22, v0;
	v26 =	vor.u32 v3, v5  }
0x3af: {  	s24 =	simm.s32 $0xB;
	v21 =	vadd.s32 s25, v0;
	v5 =	vor.u32 v2, v3;
	v6 =	vand.u32 $0x38, v6;
	v27 =	vld.idx.msk [tilespmem:v17+s23+$0x0], $0xffff  }
0x3b0: {  	v21 =	vand.u32 $0x3F, v21;
	v13 =	vadd.s32 s24, v0;
	v29 =	vor.u32 v6, v5;
	v30 =	vld.idx.msk [tilespmem:v18+s23+$0x0], $0xffff  }
0x3b1: {  	v13 =	vand.u32 $0x3F, v13;
	v9 =	vmul.bf16 v15, v9;
	v31 =	vld.idx.msk [tilespmem:v18+s21+$0x0], $0xffff;
	v18 =	vor.u32 v3, v21  }
0x3b2: {  	s30 =	simm.s32 $0xD;
	v6 =	vor.u32 v3, v13;
	v12 =	vmul.bf16 v12, v7;
	v7 =	vmul.bf16 v11, v19;
	v11 =	vld.idx.msk [tilespmem:v17+s21+$0x0], $0xffff  }
0x3b3: {  	s29 =	simm.s32 $0xC;
	v10 =	vmul.bf16 v20, v10;
	v8 =	vmul.bf16 v14, v8;
	v14 =	vadd.s32 s30, v0;
	v13 =	vld.idx.msk [tilespmem:v26+s23+$0x0], $0xffff  }
0x3b4: {  	v16 =	vmul.bf16 v28, v16;
	v17 =	vadd.s32 s29, v0;
	v14 =	vand.u32 $0x3F, v14;
	v20 =	vld.idx.msk [tilespmem:v26+s21+$0x0], $0xffff  }
0x3b5: {  	s31 =	simm.s32 $0xE;
	v17 =	vand.u32 $0x3F, v17;
	v23 =	vadd.bf16 v8, v10;
	v9 =	vadd.bf16 v9, v12;
	v15 =	vld.idx.msk [tilespmem:v29+s23+$0x0], $0xffff  }
0x3b6: {  	v8 =	vadd.s32 s31, v0;
	v22 =	vor.u32 v3, v17;
	v17 =	vor.u32 v3, v14;
	v21 =	vld.idx.msk [tilespmem:v18+s23+$0x0], $0xffff  }
0x3b7: {  	v14 =	vimm.f32 $0.0e+00;
	v19 =	vunpack.i.u.bf16.f32 v9;
	v9 =	vunpack.i.l.bf16.f32 v9;
	v25 =	vld.idx.msk [tilespmem:v18+s21+$0x0], $0xffff  }
0x3b8: {  	v12 =	vld.idx.msk [tilespmem:v6+s21+$0x0], $0xffff;
	v18 =	vmul.bf16 v27, v11;
	v10 =	vmul.bf16 v30, v31;
	v27 =	vand.u32 $0x3F, v8  }
0x3b9: {  	s7 =	simm.s32 $0xF;
	s3 =	simm.s32 $0x0;
	s6 =	simm.s32 $0x1F;
	v26 =	vld.idx.msk [tilespmem:v29+s21+$0x0], $0xffff;
	v11 =	vunpack.i.l.bf16.f32 v23;
	v8 =	vadd.f32 v9, v24;
	v9 =	vimm.f32 $0.0e+00  }
.LBB2_37:
0x3ba: {  	s1 =	sadd.s32 $0xFFFFFFF2, s6;
	s8 =	sadd.s32 $0xFFFFFFF3, s6;
	s9 =	sadd.s32 $0xFFFFFFF4, s6;
	v23 =	vunpack.i.u.bf16.f32 v23;
	v19 =	vadd.f32 v19, v24;
	v24 =	vadd.s32 s7, v0  }
0x3bb: {  	s20 =	sadd.s32 $0xFFFFFFF7, s6;
	v27 =	vor.u32 v3, v27;
	v28 =	vadd.s32 s1, v0;
	v29 =	vadd.s32 s8, v0;
	s1 =	sadd.s32 $0xFFFFFFF5, s6;
	s8 =	sadd.s32 $0xFFFFFFFF, s6;
	v30 =	vld.idx.msk [tilespmem:v17+s23+$0x0], $0xffff  }
0x3bc: {  	s3 =	sadd.s32 $0x2, s3;
	s7 =	smov.u32 s6;
	v21 =	vmul.bf16 v21, v25;
	v28 =	vand.u32 $0x3F, v28;
	v29 =	vand.u32 $0x3F, v29;
	v25 =	vld.idx.msk [tilespmem:v22+s23+$0x0], $0xffff  }
0x3bd: {  	s22 =	sadd.s32 $0xFFFFFFF1, s6;
	s24 =	sadd.s32 $0xFFFFFFF8, s6;
	p0 =	slt.u32 s3, $0x6;
	v24 =	vand.u32 $0x3F, v24;
	v28 =	vor.u32 v3, v28;
	v29 =	vor.u32 v3, v29;
	v22 =	vld.idx.msk [tilespmem:v22+s21+$0x0], $0xffff  }
0x3be: {  	v31 =	vor.u32 s22, v4;
	s22 =	sadd.s32 $0xFFFFFFF6, s6;
	v32 =	vadd.s32 s24, v0;
	v24 =	vor.u32 v3, v24;
	v17 =	vld.idx.msk [tilespmem:v17+s21+$0x0], $0xffff  }
0x3bf: {  	v33 =	vadd.s32 s1, v0;
	v34 =	vadd.s32 s22, v0;
	v15 =	vmul.bf16 v15, v26;
	v6 =	vld.idx.msk [tilespmem:v6+s23+$0x0], $0xffff  }
0x3c0: {  	v32 =	vand.u32 $0x3F, v32;
	v13 =	vmul.bf16 v13, v20;
	v26 =	vand.u32 $0x3F, v34;
	v20 =	vld.idx.msk [tilespmem:v27+s23+$0x0], $0xffff  }
0x3c1: {  	v34 =	vadd.s32 s9, v0;
	v26 =	vor.u32 v3, v26;
	v15 =	vadd.bf16 v18, v15;
	v18 =	vld.idx.msk [tilespmem:v27+s21+$0x0], $0xffff  }
0x3c2: {  	v35 =	vadd.s32 s20, v0;
	v32 =	vor.u32 v3, v32;
	v7 =	vadd.bf16 v13, v7;
	v27 =	vld.idx.msk [tilespmem:v28+s21+$0x0], $0xffff  }
0x3c3: {  	v16 =	vadd.bf16 v16, v21;
	v13 =	vand.u32 $0x3F, v33;
	v33 =	vand.u32 $0x3F, v35;
	v21 =	vld.idx.msk [tilespmem:v24+s23+$0x0], $0xffff  }
0x3c4: {  	v36 =	vor.u32 v3, v13;
	v13 =	vor.u32 v3, v33;
	v33 =	vunpack.i.l.bf16.f32 v15;
	v35 =	vld.idx.msk [tilespmem:v29+s23+$0x0], $0xffff  }
0x3c5: {  	s1 =	sadd.s32 $0xFFFFFFF9, s6;
	s9 =	sadd.s32 $0xFFFFFFFA, s6;
	v34 =	vand.u32 $0x3F, v34;
	v37 =	vunpack.i.u.bf16.f32 v15;
	v6 =	vmul.bf16 v6, v12;
	v12 =	vld.idx.msk [tilespmem:v24+s21+$0x0], $0xffff  }
0x3c6: {  	v38 =	vadd.s32 s9, v0;
	v39 =	vunpack.i.u.bf16.f32 v7;
	v24 =	vadd.s32 s1, v0;
	s1 =	sadd.s32 $0xFFFFFFFB, s6;
	v15 =	vld.idx.msk [tilespmem:v31+s23+$0x0], $0xffff  }
0x3c7: {  	v38 =	vand.u32 $0x3F, v38;
	v40 =	vadd.s32 s1, v0;
	v18 =	vmul.bf16 v20, v18;
	v31 =	vld.idx.msk [tilespmem:v31+s21+$0x0], $0xffff  }
0x3c8: {  	v22 =	vmul.bf16 v25, v22;
	v20 =	vld.idx.msk [tilespmem:v28+s23+$0x0], $0xffff;
	v28 =	vor.u32 v3, v38;
	v38 =	vand.u32 $0x3F, v40  }
0x3c9: {  	v7 =	vunpack.i.l.bf16.f32 v7;
	v14 =	vadd.f32 v39, v14;
	v25 =	vld.idx.msk [tilespmem:v32+s23+$0x0], $0xffff;
	v38 =	vor.u32 v3, v38  }
0x3ca: {  	v34 =	vor.u32 v3, v34;
	v7 =	vadd.f32 v7, v9;
	s1 =	sadd.s32 $0xFFFFFFFC, s6;
	v9 =	vadd.bf16 v6, v10;
	v32 =	vld.idx.msk [tilespmem:v32+s21+$0x0], $0xffff  }
0x3cb: {  	v6 =	vadd.s32 s1, v0;
	v12 =	vmul.bf16 v21, v12;
	v10 =	vld.idx.msk [tilespmem:v29+s21+$0x0], $0xffff;
	v29 =	vunpack.i.u.bf16.f32 v16  }
0x3cc: {  	v11 =	vadd.f32 v11, v7;
	v6 =	vand.u32 $0x3F, v6;
	v39 =	vunpack.i.u.bf16.f32 v9;
	v21 =	vld.idx.msk [tilespmem:v13+s23+$0x0], $0xffff  }
0x3cd: {  	v7 =	vunpack.i.l.bf16.f32 v16;
	v6 =	vor.u32 v3, v6;
	v12 =	vadd.bf16 v12, v18;
	v40 =	vld.idx.msk [tilespmem:v13+s21+$0x0], $0xffff  }
0x3ce: {  	v8 =	vadd.f32 v7, v8;
	v16 =	vmul.bf16 v20, v27;
	v13 =	vand.u32 $0x38, v24;
	v41 =	vld.idx.msk [tilespmem:v26+s23+$0x0], $0xffff  }
0x3cf: {  	v14 =	vadd.f32 v23, v14;
	v24 =	vor.u32 v13, v5;
	v42 =	vunpack.i.u.bf16.f32 v12;
	v18 =	vld.idx.msk [tilespmem:v28+s23+$0x0], $0xffff  }
0x3d0: {  	v17 =	vmul.bf16 v30, v17;
	v9 =	vunpack.i.l.bf16.f32 v9;
	v20 =	vadd.f32 v29, v19;
	v27 =	vld.idx.msk [tilespmem:v38+s23+$0x0], $0xffff  }
0x3d1: {  	v8 =	vadd.f32 v33, v8;
	s1 =	sadd.s32 $0xFFFFFFFD, s6;
	v15 =	vmul.bf16 v15, v31;
	v7 =	vmul.bf16 v35, v10;
	v10 =	vld.idx.msk [tilespmem:v38+s21+$0x0], $0xffff  }
0x3d2: {  	v9 =	vadd.f32 v9, v11;
	v11 =	vadd.f32 v39, v14;
	v19 =	vadd.s32 s1, v0;
	v13 =	vld.idx.msk [tilespmem:v34+s23+$0x0], $0xffff  }
0x3d3: {  	s1 =	sadd.s32 $0xFFFFFFFE, s6;
	v14 =	vadd.bf16 v16, v15;
	v16 =	vmul.bf16 v21, v40;
	v21 =	vunpack.i.l.bf16.f32 v12;
	v28 =	vld.idx.msk [tilespmem:v28+s21+$0x0], $0xffff  }
0x3d4: {  	v29 =	vand.u32 $0x3F, v19;
	v12 =	vmul.bf16 v25, v32;
	v25 =	vadd.s32 s1, v0;
	v15 =	vld.idx.msk [tilespmem:v24+s23+$0x0], $0xffff  }
0x3d5: {  	v19 =	vunpack.i.u.bf16.f32 v14;
	v30 =	vunpack.i.l.bf16.f32 v14;
	v14 =	vadd.bf16 v17, v22;
	v31 =	vld.idx.msk [tilespmem:v26+s21+$0x0], $0xffff  }
0x3d6: {  	v9 =	vadd.f32 v21, v9;
	v23 =	vadd.bf16 v12, v16;
	v16 =	vand.u32 $0x3F, v25;
	v12 =	vld.idx.msk [tilespmem:v6+s21+$0x0], $0xffff  }
.Ltmp17:
0x3d7: {  	v22 =	vor.u32 v3, v29;
	v17 =	vor.u32 v3, v16;
	v16 =	vunpack.i.l.bf16.f32 v14;
	v21 =	vld.idx.msk [tilespmem:v36+s23+$0x0], $0xffff;
	(pc) =	sbr.rel @p0 .LBB2_37-.Ltmp17, $4  }
0x3d8: {  	v29 =	vadd.s32 s8, v0;
	v32 =	vadd.f32 v37, v20;
	v8 =	vadd.f32 v16, v8;
	v25 =	vld.idx.msk [tilespmem:v36+s21+$0x0], $0xffff  }
0x3d9: {  	v14 =	vunpack.i.u.bf16.f32 v14;
	v10 =	vmul.bf16 v27, v10;
	v18 =	vmul.bf16 v18, v28;
	v20 =	vld.idx.msk [tilespmem:v34+s21+$0x0], $0xffff  }
0x3da: {  	v27 =	vand.u32 $0x3F, v29;
	v26 =	vld.idx.msk [tilespmem:v24+s21+$0x0], $0xffff;
	v24 =	vadd.f32 v14, v32;
	v14 =	vadd.f32 v42, v11  }
0x3db: {  	s6 =	sadd.s32 $0x10, s6;
	v8 =	vadd.f32 v30, v8;
	v16 =	vmul.bf16 v41, v31;
	v11 =	vunpack.i.l.bf16.f32 v23  }
0x3dc: {  	_ =	sdelay $0x3  }
0x3dd: {  	v4 =	vadd.s32 s7, v0;
	v5 =	vor.u32 v3, v27;
	v45 =	vld.idx.msk [tilespmem:v22+s23+$0x0], $0xffff  }
0x3de: {  	v46 =	vld.idx.msk [tilespmem:v22+s21+$0x0], $0xffff;
	v4 =	vand.u32 $0x3F, v4  }
0x3df: {  	v6 =	vld.idx.msk [tilespmem:v6+s23+$0x0], $0xffff;
	v3 =	vor.u32 v3, v4  }
0x3e0: {  	v50 =	vld.idx.msk [tilespmem:v17+s23+$0x0], $0xffff;
	v21 =	vmul.bf16 v21, v25  }
0x3e1: {  	v51 =	vld.idx.msk [tilespmem:v17+s21+$0x0], $0xffff;
	v13 =	vmul.bf16 v13, v20;
	v15 =	vmul.bf16 v15, v26  }
0x3e2: {  	v19 =	vadd.f32 v19, v24;
	v16 =	vadd.bf16 v16, v21;
	v47 =	vld.idx.msk [tilespmem:v5+s23+$0x0], $0xffff  }
0x3e3: {  	v49 =	vunpack.i.u.bf16.f32 v23;
	v7 =	vadd.bf16 v13, v7;
	v5 =	vld.idx.msk [tilespmem:v5+s21+$0x0], $0xffff;
	v15 =	vadd.bf16 v18, v15  }
0x3e4: {  	v6 =	vmul.bf16 v6, v12;
	v4 =	vmul.bf16 v45, v46;
	v55 =	vunpack.i.u.bf16.f32 v16;
	v48 =	vld.idx.msk [tilespmem:v3+s23+$0x0], $0xffff  }
0x3e5: {  	v56 =	vunpack.i.l.bf16.f32 v16;
	v53 =	vunpack.i.u.bf16.f32 v7;
	v7 =	vunpack.i.l.bf16.f32 v7;
	v3 =	vld.idx.msk [tilespmem:v3+s21+$0x0], $0xffff  }
0x3e6: {  	v58 =	vmul.bf16 v50, v51;
	v57 =	vadd.f32 v56, v8;
	v7 =	vadd.f32 v7, v9  }
0x3e7: {  	v52 =	vunpack.i.l.bf16.f32 v15;
	v54 =	vadd.f32 v53, v14;
	v6 =	vadd.bf16 v6, v10  }
0x3e8: {  	v15 =	vunpack.i.u.bf16.f32 v15;
	v10 =	vadd.f32 v55, v19;
	v4 =	vadd.bf16 v58, v4  }
0x3e9: {  	v7 =	vadd.f32 v11, v7;
	v59 =	vunpack.i.u.bf16.f32 v6;
	v9 =	vadd.f32 v49, v54  }
0x3ea: {  	v6 =	vunpack.i.l.bf16.f32 v6;
	v5 =	vmul.bf16 v47, v5;
	v3 =	vmul.bf16 v48, v3  }
0x3eb: {  	v62 =	vunpack.i.l.bf16.f32 v4;
	v10 =	vadd.f32 v15, v10;
	v6 =	vadd.f32 v6, v7  }
0x3ec: {  	v4 =	vunpack.i.u.bf16.f32 v4;
	v3 =	vadd.bf16 v3, v5;
	v5 =	vadd.f32 v52, v57  }
0x3ed: {  	v61 =	vadd.f32 v59, v9;
	v4 =	vadd.f32 v4, v10  }
0x3ee: {  	v60 =	vunpack.i.u.bf16.f32 v3;
	v3 =	vunpack.i.l.bf16.f32 v3;
	v5 =	vadd.f32 v62, v5  }
0x3ef: {  	v3 =	vadd.f32 v3, v6;
	v63 =	vadd.f32 v60, v61;
	_ =	sdelay $0x1  }
0x3f0: {  	v4 =	vadd.f32 v4, v5;
	v3 =	vadd.f32 v63, v3;
	_ =	sdelay $0x1  }
0x3f1: {  	v3 =	vadd.f32 v3, v4;
	_ =	sdelay $0x1  }
0x3f2: {  	v3 =	vsub.f32 $0.0e+00, v3;
	_ =	sdelay $0x1  }
0x3f3: {  	v3 =	vmul.f32 $1.442695020e+00, v3;
	_ =	sdelay $0x1  }
0x3f4: {  	(erf) = vpow2.f32 v3;
	_ =	sdelay $0x8  }
0x3f5: {  	v3 =	vpop (erf)  }
0x3f6: {  	v3 =	vadd.f32 $1.000000000e+00, v3;
	_ =	sdelay $0x1  }
0x3f7: {  	(erf) = vrcp.f32 v3;
	_ =	sdelay $0x3  }
0x3f8: {  	s4 =	sadd.s32 $0x1, s4  }
0x3f9: {  	p0 =	sne.s32 s4, $0x5  }
.Ltmp18:
0x3fa: {  	_ = 	snop;
	(pc) =	sbr.rel @p0 .LBB2_36-.Ltmp18, $3  }
0x3fb: {  	_ =	sdelay $0x1  }
0x3fc: {  	v3 =	vpop (erf)  }
0x3fd: {  	[tilespmem:s5+$0x13C90] =	vst v3  }
0x3fe: {  	_ =	swait.ge [sflag:s16], $0x1400  }
0x3ff: {  	[sflag:s16] =	ssyncset.done $0x0  }
0x400: {  	[sflag:s16] =	ssyncadd.s32 $0xFFFFEC00  }
0x401: {  	_ =	swait.ge [sflag:s18], $0x1400  }
0x402: {  	[sflag:s18] =	ssyncset.done $0x0  }
0x403: {  	s4 =	simm.s32 $0x0;
	[sflag:s18] =	ssyncadd.s32 $0xFFFFEC00  }
.LBB2_40:
0x404: {  	s5 =	sshll.u32 s4, $0x4  }
0x405: {  	s1 =	simm.s32 $0x1;
	v3 =	vmov s5  }
0x406: {  	s3 =	simm.s32 $0x2;
	v4 =	vadd.s32 s1, v0;
	v3 =	vshll.u32 v3, $0x6  }
0x407: {  	v5 =	vadd.s32 s3, v0;
	v4 =	vand.u32 $0x3F, v4;
	v3 =	vor.u32 v1, v3  }
0x408: {  	s31 =	simm.s32 $0x7;
	v5 =	vand.u32 $0x3F, v5;
	v6 =	vor.u32 v3, v4  }
0x409: {  	v8 =	vadd.s32 s31, v0;
	v5 =	vor.u32 v3, v5  }
0x40a: {  	v8 =	vand.u32 $0x3F, v8  }
0x40b: {  	s6 =	simm.s32 $0x6;
	v8 =	vor.u32 v3, v8  }
0x40c: {  	v10 =	vadd.s32 s6, v0  }
0x40d: {  	s7 =	simm.s32 $0x5;
	v10 =	vand.u32 $0x3F, v10;
	v9 =	vld.idx.msk [tilespmem:v6+s26+$0x0], $0xffff  }
0x40e: {  	s8 =	simm.s32 $0x9;
	v13 =	vadd.s32 s7, v0;
	v10 =	vor.u32 v3, v10;
	v11 =	vld.idx.msk [tilespmem:v5+s28+$0x0], $0xffff  }
0x40f: {  	v14 =	vadd.s32 s8, v0;
	v13 =	vand.u32 $0x3F, v13;
	v15 =	vld.idx.msk [tilespmem:v6+s28+$0x0], $0xffff  }
0x410: {  	s30 =	simm.s32 $0x0;
	v4 =	vor.u32 v0, v3;
	v16 =	vor.u32 v3, v13;
	v6 =	vand.u32 $0x3F, v14;
	v14 =	vld.idx.msk [tilespmem:v8+s28+$0x0], $0xffff  }
0x411: {  	v7 =	vor.u32 s30, v4;
	v8 =	vld.idx.msk [tilespmem:v8+s26+$0x0], $0xffff  }
0x412: {  	s9 =	simm.s32 $0xA;
	v19 =	vld.idx.msk [tilespmem:v5+s26+$0x0], $0xffff  }
0x413: {  	v13 =	vadd.s32 s9, v0;
	v20 =	vld.idx.msk [tilespmem:v10+s28+$0x0], $0xffff  }
0x414: {  	v10 =	vld.idx.msk [tilespmem:v10+s26+$0x0], $0xffff;
	v17 =	vor.u32 v3, v6;
	v6 =	vand.u32 $0x3F, v13  }
0x415: {  	s20 =	simm.s32 $0x3;
	v28 =	vld.idx.msk [tilespmem:v16+s28+$0x0], $0xffff;
	v18 =	vor.u32 v3, v6  }
0x416: {  	v12 =	vld.idx.msk [tilespmem:v7+s28+$0x0], $0xffff;
	v13 =	vadd.s32 s20, v0  }
0x417: {  	s22 =	simm.s32 $0x8;
	v7 =	vld.idx.msk [tilespmem:v7+s26+$0x0], $0xffff;
	v5 =	vand.u32 $0x3F, v13  }
0x418: {  	s25 =	simm.s32 $0x4;
	v24 =	vimm.f32 $0.0e+00;
	v16 =	vld.idx.msk [tilespmem:v16+s26+$0x0], $0xffff;
	v6 =	vadd.s32 s22, v0;
	v26 =	vor.u32 v3, v5  }
0x419: {  	s24 =	simm.s32 $0xB;
	v21 =	vadd.s32 s25, v0;
	v5 =	vor.u32 v2, v3;
	v6 =	vand.u32 $0x38, v6;
	v27 =	vld.idx.msk [tilespmem:v17+s28+$0x0], $0xffff  }
0x41a: {  	v21 =	vand.u32 $0x3F, v21;
	v13 =	vadd.s32 s24, v0;
	v29 =	vor.u32 v6, v5;
	v30 =	vld.idx.msk [tilespmem:v18+s28+$0x0], $0xffff  }
0x41b: {  	v13 =	vand.u32 $0x3F, v13;
	v9 =	vmul.bf16 v15, v9;
	v31 =	vld.idx.msk [tilespmem:v18+s26+$0x0], $0xffff;
	v18 =	vor.u32 v3, v21  }
0x41c: {  	s30 =	simm.s32 $0xD;
	v6 =	vor.u32 v3, v13;
	v12 =	vmul.bf16 v12, v7;
	v7 =	vmul.bf16 v11, v19;
	v11 =	vld.idx.msk [tilespmem:v17+s26+$0x0], $0xffff  }
0x41d: {  	s29 =	simm.s32 $0xC;
	v10 =	vmul.bf16 v20, v10;
	v8 =	vmul.bf16 v14, v8;
	v14 =	vadd.s32 s30, v0;
	v13 =	vld.idx.msk [tilespmem:v26+s28+$0x0], $0xffff  }
0x41e: {  	v16 =	vmul.bf16 v28, v16;
	v17 =	vadd.s32 s29, v0;
	v14 =	vand.u32 $0x3F, v14;
	v20 =	vld.idx.msk [tilespmem:v26+s26+$0x0], $0xffff  }
0x41f: {  	s31 =	simm.s32 $0xE;
	v17 =	vand.u32 $0x3F, v17;
	v23 =	vadd.bf16 v8, v10;
	v9 =	vadd.bf16 v9, v12;
	v15 =	vld.idx.msk [tilespmem:v29+s28+$0x0], $0xffff  }
0x420: {  	v8 =	vadd.s32 s31, v0;
	v22 =	vor.u32 v3, v17;
	v17 =	vor.u32 v3, v14;
	v21 =	vld.idx.msk [tilespmem:v18+s28+$0x0], $0xffff  }
0x421: {  	v14 =	vimm.f32 $0.0e+00;
	v19 =	vunpack.i.u.bf16.f32 v9;
	v9 =	vunpack.i.l.bf16.f32 v9;
	v25 =	vld.idx.msk [tilespmem:v18+s26+$0x0], $0xffff  }
0x422: {  	v12 =	vld.idx.msk [tilespmem:v6+s26+$0x0], $0xffff;
	v18 =	vmul.bf16 v27, v11;
	v10 =	vmul.bf16 v30, v31;
	v27 =	vand.u32 $0x3F, v8  }
0x423: {  	s7 =	simm.s32 $0xF;
	s3 =	simm.s32 $0x0;
	s6 =	simm.s32 $0x1F;
	v26 =	vld.idx.msk [tilespmem:v29+s26+$0x0], $0xffff;
	v11 =	vunpack.i.l.bf16.f32 v23;
	v8 =	vadd.f32 v9, v24;
	v9 =	vimm.f32 $0.0e+00  }
.LBB2_41:
0x424: {  	s1 =	sadd.s32 $0xFFFFFFF2, s6;
	s8 =	sadd.s32 $0xFFFFFFF3, s6;
	s9 =	sadd.s32 $0xFFFFFFF4, s6;
	v23 =	vunpack.i.u.bf16.f32 v23;
	v19 =	vadd.f32 v19, v24;
	v24 =	vadd.s32 s7, v0  }
0x425: {  	s20 =	sadd.s32 $0xFFFFFFF7, s6;
	v27 =	vor.u32 v3, v27;
	v28 =	vadd.s32 s1, v0;
	v29 =	vadd.s32 s8, v0;
	s1 =	sadd.s32 $0xFFFFFFF5, s6;
	s8 =	sadd.s32 $0xFFFFFFFF, s6;
	v30 =	vld.idx.msk [tilespmem:v17+s28+$0x0], $0xffff  }
0x426: {  	s3 =	sadd.s32 $0x2, s3;
	s7 =	smov.u32 s6;
	v21 =	vmul.bf16 v21, v25;
	v28 =	vand.u32 $0x3F, v28;
	v29 =	vand.u32 $0x3F, v29;
	v25 =	vld.idx.msk [tilespmem:v22+s28+$0x0], $0xffff  }
0x427: {  	s22 =	sadd.s32 $0xFFFFFFF1, s6;
	s24 =	sadd.s32 $0xFFFFFFF8, s6;
	p0 =	slt.u32 s3, $0x6;
	v24 =	vand.u32 $0x3F, v24;
	v28 =	vor.u32 v3, v28;
	v29 =	vor.u32 v3, v29;
	v22 =	vld.idx.msk [tilespmem:v22+s26+$0x0], $0xffff  }
0x428: {  	v31 =	vor.u32 s22, v4;
	s22 =	sadd.s32 $0xFFFFFFF6, s6;
	v32 =	vadd.s32 s24, v0;
	v24 =	vor.u32 v3, v24;
	v17 =	vld.idx.msk [tilespmem:v17+s26+$0x0], $0xffff  }
0x429: {  	v33 =	vadd.s32 s1, v0;
	v34 =	vadd.s32 s22, v0;
	v15 =	vmul.bf16 v15, v26;
	v6 =	vld.idx.msk [tilespmem:v6+s28+$0x0], $0xffff  }
0x42a: {  	v32 =	vand.u32 $0x3F, v32;
	v13 =	vmul.bf16 v13, v20;
	v26 =	vand.u32 $0x3F, v34;
	v20 =	vld.idx.msk [tilespmem:v27+s28+$0x0], $0xffff  }
0x42b: {  	v34 =	vadd.s32 s9, v0;
	v26 =	vor.u32 v3, v26;
	v15 =	vadd.bf16 v18, v15;
	v18 =	vld.idx.msk [tilespmem:v27+s26+$0x0], $0xffff  }
0x42c: {  	v35 =	vadd.s32 s20, v0;
	v32 =	vor.u32 v3, v32;
	v7 =	vadd.bf16 v13, v7;
	v27 =	vld.idx.msk [tilespmem:v28+s26+$0x0], $0xffff  }
0x42d: {  	v16 =	vadd.bf16 v16, v21;
	v13 =	vand.u32 $0x3F, v33;
	v33 =	vand.u32 $0x3F, v35;
	v21 =	vld.idx.msk [tilespmem:v24+s28+$0x0], $0xffff  }
0x42e: {  	v36 =	vor.u32 v3, v13;
	v13 =	vor.u32 v3, v33;
	v33 =	vunpack.i.l.bf16.f32 v15;
	v35 =	vld.idx.msk [tilespmem:v29+s28+$0x0], $0xffff  }
0x42f: {  	s1 =	sadd.s32 $0xFFFFFFF9, s6;
	s9 =	sadd.s32 $0xFFFFFFFA, s6;
	v34 =	vand.u32 $0x3F, v34;
	v37 =	vunpack.i.u.bf16.f32 v15;
	v6 =	vmul.bf16 v6, v12;
	v12 =	vld.idx.msk [tilespmem:v24+s26+$0x0], $0xffff  }
0x430: {  	v38 =	vadd.s32 s9, v0;
	v39 =	vunpack.i.u.bf16.f32 v7;
	v24 =	vadd.s32 s1, v0;
	s1 =	sadd.s32 $0xFFFFFFFB, s6;
	v15 =	vld.idx.msk [tilespmem:v31+s28+$0x0], $0xffff  }
0x431: {  	v38 =	vand.u32 $0x3F, v38;
	v40 =	vadd.s32 s1, v0;
	v18 =	vmul.bf16 v20, v18;
	v31 =	vld.idx.msk [tilespmem:v31+s26+$0x0], $0xffff  }
0x432: {  	v22 =	vmul.bf16 v25, v22;
	v20 =	vld.idx.msk [tilespmem:v28+s28+$0x0], $0xffff;
	v28 =	vor.u32 v3, v38;
	v38 =	vand.u32 $0x3F, v40  }
0x433: {  	v7 =	vunpack.i.l.bf16.f32 v7;
	v14 =	vadd.f32 v39, v14;
	v25 =	vld.idx.msk [tilespmem:v32+s28+$0x0], $0xffff;
	v38 =	vor.u32 v3, v38  }
0x434: {  	v34 =	vor.u32 v3, v34;
	v7 =	vadd.f32 v7, v9;
	s1 =	sadd.s32 $0xFFFFFFFC, s6;
	v9 =	vadd.bf16 v6, v10;
	v32 =	vld.idx.msk [tilespmem:v32+s26+$0x0], $0xffff  }
0x435: {  	v6 =	vadd.s32 s1, v0;
	v12 =	vmul.bf16 v21, v12;
	v10 =	vld.idx.msk [tilespmem:v29+s26+$0x0], $0xffff;
	v29 =	vunpack.i.u.bf16.f32 v16  }
0x436: {  	v11 =	vadd.f32 v11, v7;
	v6 =	vand.u32 $0x3F, v6;
	v39 =	vunpack.i.u.bf16.f32 v9;
	v21 =	vld.idx.msk [tilespmem:v13+s28+$0x0], $0xffff  }
0x437: {  	v7 =	vunpack.i.l.bf16.f32 v16;
	v6 =	vor.u32 v3, v6;
	v12 =	vadd.bf16 v12, v18;
	v40 =	vld.idx.msk [tilespmem:v13+s26+$0x0], $0xffff  }
0x438: {  	v8 =	vadd.f32 v7, v8;
	v16 =	vmul.bf16 v20, v27;
	v13 =	vand.u32 $0x38, v24;
	v41 =	vld.idx.msk [tilespmem:v26+s28+$0x0], $0xffff  }
0x439: {  	v14 =	vadd.f32 v23, v14;
	v24 =	vor.u32 v13, v5;
	v42 =	vunpack.i.u.bf16.f32 v12;
	v18 =	vld.idx.msk [tilespmem:v28+s28+$0x0], $0xffff  }
0x43a: {  	v17 =	vmul.bf16 v30, v17;
	v9 =	vunpack.i.l.bf16.f32 v9;
	v20 =	vadd.f32 v29, v19;
	v27 =	vld.idx.msk [tilespmem:v38+s28+$0x0], $0xffff  }
0x43b: {  	v8 =	vadd.f32 v33, v8;
	s1 =	sadd.s32 $0xFFFFFFFD, s6;
	v15 =	vmul.bf16 v15, v31;
	v7 =	vmul.bf16 v35, v10;
	v10 =	vld.idx.msk [tilespmem:v38+s26+$0x0], $0xffff  }
0x43c: {  	v9 =	vadd.f32 v9, v11;
	v11 =	vadd.f32 v39, v14;
	v19 =	vadd.s32 s1, v0;
	v13 =	vld.idx.msk [tilespmem:v34+s28+$0x0], $0xffff  }
0x43d: {  	s1 =	sadd.s32 $0xFFFFFFFE, s6;
	v14 =	vadd.bf16 v16, v15;
	v16 =	vmul.bf16 v21, v40;
	v21 =	vunpack.i.l.bf16.f32 v12;
	v28 =	vld.idx.msk [tilespmem:v28+s26+$0x0], $0xffff  }
0x43e: {  	v29 =	vand.u32 $0x3F, v19;
	v12 =	vmul.bf16 v25, v32;
	v25 =	vadd.s32 s1, v0;
	v15 =	vld.idx.msk [tilespmem:v24+s28+$0x0], $0xffff  }
0x43f: {  	v19 =	vunpack.i.u.bf16.f32 v14;
	v30 =	vunpack.i.l.bf16.f32 v14;
	v14 =	vadd.bf16 v17, v22;
	v31 =	vld.idx.msk [tilespmem:v26+s26+$0x0], $0xffff  }
0x440: {  	v9 =	vadd.f32 v21, v9;
	v23 =	vadd.bf16 v12, v16;
	v16 =	vand.u32 $0x3F, v25;
	v12 =	vld.idx.msk [tilespmem:v6+s26+$0x0], $0xffff  }
.Ltmp19:
0x441: {  	v22 =	vor.u32 v3, v29;
	v17 =	vor.u32 v3, v16;
	v16 =	vunpack.i.l.bf16.f32 v14;
	v21 =	vld.idx.msk [tilespmem:v36+s28+$0x0], $0xffff;
	(pc) =	sbr.rel @p0 .LBB2_41-.Ltmp19, $4  }
0x442: {  	v29 =	vadd.s32 s8, v0;
	v32 =	vadd.f32 v37, v20;
	v8 =	vadd.f32 v16, v8;
	v25 =	vld.idx.msk [tilespmem:v36+s26+$0x0], $0xffff  }
0x443: {  	v14 =	vunpack.i.u.bf16.f32 v14;
	v10 =	vmul.bf16 v27, v10;
	v18 =	vmul.bf16 v18, v28;
	v20 =	vld.idx.msk [tilespmem:v34+s26+$0x0], $0xffff  }
0x444: {  	v27 =	vand.u32 $0x3F, v29;
	v26 =	vld.idx.msk [tilespmem:v24+s26+$0x0], $0xffff;
	v24 =	vadd.f32 v14, v32;
	v14 =	vadd.f32 v42, v11  }
0x445: {  	s6 =	sadd.s32 $0x10, s6;
	v8 =	vadd.f32 v30, v8;
	v16 =	vmul.bf16 v41, v31;
	v11 =	vunpack.i.l.bf16.f32 v23  }
0x446: {  	_ =	sdelay $0x3  }
0x447: {  	v4 =	vadd.s32 s7, v0;
	v5 =	vor.u32 v3, v27;
	v45 =	vld.idx.msk [tilespmem:v22+s28+$0x0], $0xffff  }
0x448: {  	v46 =	vld.idx.msk [tilespmem:v22+s26+$0x0], $0xffff;
	v4 =	vand.u32 $0x3F, v4  }
0x449: {  	v6 =	vld.idx.msk [tilespmem:v6+s28+$0x0], $0xffff;
	v3 =	vor.u32 v3, v4  }
0x44a: {  	v50 =	vld.idx.msk [tilespmem:v17+s28+$0x0], $0xffff;
	v21 =	vmul.bf16 v21, v25  }
0x44b: {  	v51 =	vld.idx.msk [tilespmem:v17+s26+$0x0], $0xffff;
	v13 =	vmul.bf16 v13, v20;
	v15 =	vmul.bf16 v15, v26  }
0x44c: {  	v19 =	vadd.f32 v19, v24;
	v16 =	vadd.bf16 v16, v21;
	v47 =	vld.idx.msk [tilespmem:v5+s28+$0x0], $0xffff  }
0x44d: {  	v49 =	vunpack.i.u.bf16.f32 v23;
	v7 =	vadd.bf16 v13, v7;
	v5 =	vld.idx.msk [tilespmem:v5+s26+$0x0], $0xffff;
	v15 =	vadd.bf16 v18, v15  }
0x44e: {  	v6 =	vmul.bf16 v6, v12;
	v4 =	vmul.bf16 v45, v46;
	v55 =	vunpack.i.u.bf16.f32 v16;
	v48 =	vld.idx.msk [tilespmem:v3+s28+$0x0], $0xffff  }
0x44f: {  	v56 =	vunpack.i.l.bf16.f32 v16;
	v53 =	vunpack.i.u.bf16.f32 v7;
	v7 =	vunpack.i.l.bf16.f32 v7;
	v3 =	vld.idx.msk [tilespmem:v3+s26+$0x0], $0xffff  }
0x450: {  	v58 =	vmul.bf16 v50, v51;
	v57 =	vadd.f32 v56, v8;
	v7 =	vadd.f32 v7, v9  }
0x451: {  	v52 =	vunpack.i.l.bf16.f32 v15;
	v54 =	vadd.f32 v53, v14;
	v6 =	vadd.bf16 v6, v10  }
0x452: {  	v15 =	vunpack.i.u.bf16.f32 v15;
	v10 =	vadd.f32 v55, v19;
	v4 =	vadd.bf16 v58, v4  }
0x453: {  	v7 =	vadd.f32 v11, v7;
	v59 =	vunpack.i.u.bf16.f32 v6;
	v9 =	vadd.f32 v49, v54  }
0x454: {  	v6 =	vunpack.i.l.bf16.f32 v6;
	v5 =	vmul.bf16 v47, v5;
	v3 =	vmul.bf16 v48, v3  }
0x455: {  	v62 =	vunpack.i.l.bf16.f32 v4;
	v10 =	vadd.f32 v15, v10;
	v6 =	vadd.f32 v6, v7  }
0x456: {  	v4 =	vunpack.i.u.bf16.f32 v4;
	v3 =	vadd.bf16 v3, v5;
	v5 =	vadd.f32 v52, v57  }
0x457: {  	v61 =	vadd.f32 v59, v9;
	v4 =	vadd.f32 v4, v10  }
0x458: {  	v60 =	vunpack.i.u.bf16.f32 v3;
	v3 =	vunpack.i.l.bf16.f32 v3;
	v5 =	vadd.f32 v62, v5  }
0x459: {  	v3 =	vadd.f32 v3, v6;
	v63 =	vadd.f32 v60, v61;
	_ =	sdelay $0x1  }
0x45a: {  	v4 =	vadd.f32 v4, v5;
	v3 =	vadd.f32 v63, v3;
	_ =	sdelay $0x1  }
0x45b: {  	v3 =	vadd.f32 v3, v4;
	_ =	sdelay $0x1  }
0x45c: {  	v3 =	vsub.f32 $0.0e+00, v3;
	_ =	sdelay $0x1  }
0x45d: {  	v3 =	vmul.f32 $1.442695020e+00, v3;
	_ =	sdelay $0x1  }
0x45e: {  	(erf) = vpow2.f32 v3;
	_ =	sdelay $0x8  }
0x45f: {  	v3 =	vpop (erf)  }
0x460: {  	v3 =	vadd.f32 $1.000000000e+00, v3;
	_ =	sdelay $0x1  }
0x461: {  	(erf) = vrcp.f32 v3;
	_ =	sdelay $0x3  }
0x462: {  	s4 =	sadd.s32 $0x1, s4  }
0x463: {  	p0 =	sne.s32 s4, $0x5  }
.Ltmp20:
0x464: {  	_ = 	snop;
	(pc) =	sbr.rel @p0 .LBB2_40-.Ltmp20, $3  }
0x465: {  	_ =	sdelay $0x1  }
0x466: {  	v3 =	vpop (erf)  }
0x467: {  	[tilespmem:s5+$0x13CE0] =	vst v3  }
0x468: {  	s6 =	simm.s32 $0x0;
	s1 =	rddreg [dreg:$0x5];
	s3 =	simm.s32 $0x11620  }
0x469: {  	[hbm4b:s1+s6] =	stream.linear.scatter [tilespmem:s3], [sflag:$0xB], $0x2710, $0x38;
	[tilespmem:$0x13D30] =	vst v63  }
0x46a: {  	s3 =	simm.s32 $0xB  }
0x46b: {  	_ =	swait.ge [sflag:s3], $0x2710  }
0x46c: {  	s4 =	rddreg [dreg:$0x7]  }
0x46d: {  	s31 =	rddreg [dreg:$0x6];
	s4 =	sadd.s32 $0x1, s4  }
0x46e: {  	p0 =	sne.s32 s4, s31  }
.Ltmp21:
0x46f: {  	_ = 	snop;
	(pc) =	sbr.rel @p0 .LBB2_1-.Ltmp21, $3  }
0x470: {  	_ =	sdelay $0x1  }
0x471: {  	[sflag:s3] =	ssyncset.done $0x0  }
0x472: {  	[sflag:s3] =	ssyncadd.s32 $0xFFFFD8F0  }
0x473: {  	_ =	sfence.sel $0x180000  }
0x474: {  	[bflag:$0x0] =	sbarrier.arrive $0xFFFF  }
0x475: {  	_ =	strace $0x90000047  }
0x476: {  	s0 =	stileid.u32;
	[bflag:$0x2] =	sbarrier.arrive $0xFFFF  }
0x477: {  	p0 =	sne.s32 s0, $0x0;
	s0 =	rddreg [dreg:$0x2]  }
0x478: {  	s0 =	sadd.s32 @!p0 $0x100000, s0  }
0x479: {  	[sflag:s0] =	ssyncadd.tile.s32 @!p0 $0x1;
	_ =	shalt  }
.Lfunc_end2:
_tile_overlayer_lowered:
.L_overlay_start_2:
0x47a: {  	(tag) =	ssettag $0x2  }
0x47b: {  	s0 =	rddreg [dreg:$0x0];
	s2 =	stileid.u32  }
0x47c: {  	s1 =	rddreg [dreg:$0x1];
	p0 =	sne.s32 s2, $0x0  }
0x47d: {  	s3 =	rddreg [dreg:$0x2];
	[bflag:$0x3] =	sbarrier.arrive $0xFFFF;
	s2 =	simm.s32 @!p0 $0x1C0B  }
0x47e: {  	[timem:s3], [sflag:s2] =	dma.local @!p0 [hbm:s0], s1  }
0x47f: {  	s0 =	simm.s32 @!p0 $0xB  }
0x480: {  	_ =	swait.ge @!p0 [sflag:s0], s1  }
0x481: {  	s1 =	ssub.s32 @!p0 $0x0, s1;
	[sflag:s0] =	ssyncset.done @!p0 $0x0  }
0x482: {  	[sflag:s0] =	ssyncadd.s32 @!p0 s1  }
0x483: {  	[bflag:$0x3] =	sbarrier.arrive $0xFFFF  }
0x484: {  	_ =	shalt  }

</sc_bundles>
